<compile_context>
chip_gen: v7x
topology: tpu7x:2x2x1
jax: 0.10.2.dev20260603
libtpu: 0.0.44.dev20260713+nightly
codegen_flags: <defaults>
</compile_context>

<pallas_src>
import functools

import jax
import jax.numpy as jnp
from jax import lax
from jax.experimental import pallas as pl
from jax.experimental.pallas import tpu as pltpu
from jax.experimental.pallas import tpu_sc as plsc

N_VARS = 6000
N_CONS = 4000
E = 320000
D = 128
B = 64

NUM_SUBCORES = 16
CHUNK = 128
NCHUNKS = 160
EDGES_PER_TILE = NCHUNKS * CHUNK
E_PAD = NUM_SUBCORES * EDGES_PER_TILE

NVP = 6016
NCP = 4096
ROWS_V = NVP // NUM_SUBCORES
ROWS_C = NCP // NUM_SUBCORES

_MESH = plsc.VectorSubcoreMesh(core_axis_name="c", subcore_axis_name="s")


def _fill(ref, nrows, value):
    val = jnp.full((16,), value, jnp.float32)

    def st(r, carry):
        for k in range(D // 16):
            ref[r, pl.ds(k * 16, 16)] = val
        return carry

    lax.fori_loop(0, nrows, st, 0)


def _zero_stripe(sh_ref, s, nrows, zrows):
    base = s * nrows
    nfull, rem = divmod(nrows, CHUNK)
    for k in range(nfull):
        pltpu.sync_copy(zrows, sh_ref.at[pl.ds(base + k * CHUNK, CHUNK)])
    if rem:
        pltpu.sync_copy(zrows.at[pl.ds(0, rem)],
                        sh_ref.at[pl.ds(base + nfull * CHUNK, rem)])


def _emit_stripe(sh_ref, out_ref, s, nrows):
    sl = pl.ds(s * nrows, nrows)
    pltpu.sync_copy(sh_ref.at[sl], out_ref.at[sl])


@functools.partial(
    pl.kernel,
    out_type=(
        jax.ShapeDtypeStruct((NVP, D), jnp.float32),
        jax.ShapeDtypeStruct((NCP, D), jnp.float32),
    ),
    mesh=_MESH,
    scratch_types=[
        pltpu.VMEM((NCHUNKS, CHUNK), jnp.int32),
        pltpu.VMEM((NCHUNKS, CHUNK), jnp.int32),
        pltpu.VMEM((2, CHUNK, D), jnp.float32),
        pltpu.VMEM_SHARED((NVP, D), jnp.float32),
        pltpu.SemaphoreType.DMA((2,)),
        pltpu.SemaphoreType.DMA((2,)),
    ],
)
def _sc_agg(xv_hbm, xc_hbm, src_hbm, dst_hbm,
            aggv_out, aggc_out, gidx, sidx, rows, agg_sh, gsem, ssem):
    c = lax.axis_index("c")
    s = lax.axis_index("s")

    def setup(gidx_hbm, sidx_hbm, nrows):
        _fill(rows.at[0], CHUNK, 0.0)
        _zero_stripe(agg_sh, s, nrows, rows.at[0])
        pltpu.sync_copy(gidx_hbm.at[s], gidx)
        pltpu.sync_copy(sidx_hbm.at[s], sidx)

    @pl.when(c == 0)
    def _():
        setup(dst_hbm, src_hbm, ROWS_V)

    @pl.when(c == 1)
    def _():
        setup(src_hbm, dst_hbm, ROWS_C)

    plsc.subcore_barrier()

    def run(table_hbm):
        def g_start(b, j):
            pltpu.async_copy(table_hbm.at[gidx.at[j]], rows.at[b],
                             gsem.at[b])

        def g_wait(b, j):
            pltpu.make_async_copy(table_hbm.at[gidx.at[j]], rows.at[b],
                                  gsem.at[b]).wait()

        def scat(b, j):
            pltpu.sync_copy(rows.at[b], agg_sh.at[sidx.at[j]], add=True)

        g_start(0, 0)

        def step(h, carry):
            j = h * 2
            g_start(1, j + 1)
            g_wait(0, j)
            scat(0, j)

            @pl.when(h < NCHUNKS // 2 - 1)
            def _():
                g_start(0, j + 2)

            g_wait(1, j + 1)
            scat(1, j + 1)
            return carry

        lax.fori_loop(0, NCHUNKS // 2, step, 0)

    @pl.when(c == 0)
    def _():
        run(xc_hbm)

    @pl.when(c == 1)
    def _():
        run(xv_hbm)

    plsc.subcore_barrier()

    @pl.when(c == 0)
    def _():
        _emit_stripe(agg_sh, aggv_out, s, ROWS_V)

    @pl.when(c == 1)
    def _():
        _emit_stripe(agg_sh, aggc_out, s, ROWS_C)


@functools.partial(
    pl.kernel,
    out_type=(
        jax.ShapeDtypeStruct((NVP, D), jnp.float32),
        jax.ShapeDtypeStruct((NCP, D), jnp.float32),
    ),
    mesh=_MESH,
    scratch_types=[
        pltpu.VMEM((NCHUNKS, CHUNK), jnp.int32),
        pltpu.VMEM((CHUNK, D), jnp.float32),
        pltpu.VMEM((CHUNK, D), jnp.float32),
        pltpu.VMEM_SHARED((NVP, D), jnp.float32),
    ],
)
def _sc_counts(src_hbm, dst_hbm, cntv_out, cntc_out,
               sidx, ones_vm, zeros_vm, cnt_sh):
    c = lax.axis_index("c")
    s = lax.axis_index("s")

    def setup(sidx_hbm, nrows):
        _fill(zeros_vm, CHUNK, 0.0)
        _fill(ones_vm, CHUNK, 1.0)
        _zero_stripe(cnt_sh, s, nrows, zeros_vm)
        pltpu.sync_copy(sidx_hbm.at[s], sidx)

    @pl.when(c == 0)
    def _():
        setup(src_hbm, ROWS_V)

    @pl.when(c == 1)
    def _():
        setup(dst_hbm, ROWS_C)

    plsc.subcore_barrier()

    def step(j, carry):
        pltpu.sync_copy(ones_vm, cnt_sh.at[sidx.at[j]], add=True)
        return carry

    lax.fori_loop(0, NCHUNKS, step, 0)
    plsc.subcore_barrier()

    @pl.when(c == 0)
    def _():
        _emit_stripe(cnt_sh, cntv_out, s, ROWS_V)

    @pl.when(c == 1)
    def _():
        _emit_stripe(cnt_sh, cntc_out, s, ROWS_C)


def _layer_body(relu, aggv_ref, aggc_ref, cntv_ref, cntc_ref, xv_ref, xc_ref,
                wrv, wnv, bv, wrc, wnc, bc, hv_out, hc_out):
    def side(agg_ref, cnt_ref, n, npad, x_ref, wr, wn, b, out_ref):
        agg = agg_ref[0:n, :]
        cnt = cnt_ref[0:n, 0:1]
        mean = agg / jnp.maximum(cnt, 1.0)
        h = (jnp.dot(x_ref[0:n, :], wr[...],
                     preferred_element_type=jnp.float32)
             + jnp.dot(mean, wn[...], preferred_element_type=jnp.float32)
             + b[...])
        if relu:
            h = jnp.maximum(h, 0.0)
        out_ref[...] = jnp.concatenate(
            [h, jnp.zeros((npad - n, D), jnp.float32)], axis=0)

    side(aggv_ref, cntv_ref, N_VARS, NVP, xv_ref, wrv, wnv, bv, hv_out)
    side(aggc_ref, cntc_ref, N_CONS, NCP, xc_ref, wrc, wnc, bc, hc_out)


def _tc_layer(relu, aggv, aggc, cntv, cntc, xv, xc, wrv, wnv, bv, wrc, wnc,
              bc):
    return pl.pallas_call(
        functools.partial(_layer_body, relu),
        out_shape=(
            jax.ShapeDtypeStruct((NVP, D), jnp.float32),
            jax.ShapeDtypeStruct((NCP, D), jnp.float32),
        ),
    )(aggv, aggc, cntv, cntc, xv, xc, wrv, wnv, bv, wrc, wnc, bc)


def _pool_body(ov_ref, oc_ref, bv_ref, bc_ref,
               wp0, bp0, wp1, bp1, wh0, bh0, wh1, bh1, out_ref):
    def pool(batch_ref, x_ref, n):
        iota = lax.broadcasted_iota(jnp.int32, (B, n), 0)
        onehot = (batch_ref[...] == iota).astype(jnp.float32)
        ssum = jnp.dot(onehot, x_ref[0:n, :],
                       preferred_element_type=jnp.float32)
        cnt = jnp.sum(onehot, axis=1, keepdims=True)
        return ssum / jnp.maximum(cnt, 1.0)

    g_v = pool(bv_ref, ov_ref, N_VARS)
    g_c = pool(bc_ref, oc_ref, N_CONS)
    x = jnp.concatenate([g_v, g_c], axis=1)
    x = jnp.dot(x, wp0[...], preferred_element_type=jnp.float32) + bp0[...]
    x = jnp.maximum(x, 0.0)
    x = jnp.dot(x, wp1[...], preferred_element_type=jnp.float32) + bp1[...]
    h = jnp.dot(x, wh0[...], preferred_element_type=jnp.float32) + bh0[...]
    h = jnp.maximum(h, 0.0)
    out_ref[...] = (jnp.dot(h, wh1[...], preferred_element_type=jnp.float32)
                    + bh1[...])


def kernel(x_vars, x_cons, edge_index_vc, edge_index_cv, batch_vars,
           batch_cons, params):
    p = params
    pad = jnp.full((E_PAD - E,), N_VARS, jnp.int32)
    src = jnp.concatenate([edge_index_vc[0], pad]).reshape(
        NUM_SUBCORES, NCHUNKS, CHUNK)
    pad_c = jnp.full((E_PAD - E,), N_CONS, jnp.int32)
    dst = jnp.concatenate([edge_index_vc[1], pad_c]).reshape(
        NUM_SUBCORES, NCHUNKS, CHUNK)
    xv_pad = jnp.concatenate(
        [x_vars, jnp.zeros((NVP - N_VARS, D), jnp.float32)], axis=0)
    xc_pad = jnp.concatenate(
        [x_cons, jnp.zeros((NCP - N_CONS, D), jnp.float32)], axis=0)

    def b2(name):
        return p[name].reshape(1, -1)

    cntv, cntc = _sc_counts(src, dst)
    aggv, aggc = _sc_agg(xv_pad, xc_pad, src, dst)
    h_v, h_c = _tc_layer(True, aggv, aggc, cntv, cntc, xv_pad, xc_pad,
                         p['Wr_v0'], p['Wn_v0'], b2('b_v0'),
                         p['Wr_c0'], p['Wn_c0'], b2('b_c0'))
    aggv1, aggc1 = _sc_agg(h_v, h_c, src, dst)
    o_v, o_c = _tc_layer(False, aggv1, aggc1, cntv, cntc, h_v, h_c,
                         p['Wr_v1'], p['Wn_v1'], b2('b_v1'),
                         p['Wr_c1'], p['Wn_c1'], b2('b_c1'))

    wh0 = jnp.concatenate([p['Wh0_0'], p['Wh1_0'], p['Wh2_0']], axis=1)
    bh0 = jnp.concatenate([p['bh0_0'], p['bh1_0'], p['bh2_0']]).reshape(1, -1)
    wh1 = jax.scipy.linalg.block_diag(p['Wh0_1'], p['Wh1_1'], p['Wh2_1'])
    bh1 = jnp.concatenate([p['bh0_1'], p['bh1_1'], p['bh2_1']]).reshape(1, -1)

    out = pl.pallas_call(
        _pool_body,
        out_shape=jax.ShapeDtypeStruct((B, 3), jnp.float32),
    )(o_v, o_c, batch_vars.reshape(1, N_VARS), batch_cons.reshape(1, N_CONS),
      p['Wp0'], b2('bp0'), p['Wp1'], b2('bp1'), wh0, bh0, wh1, bh1)
    return out

# --- scband reference (transcript-rebuilt; emitter-appended) ---
"""Pipeline reference for scband-rank-list-net-pool-34600256537540 (READ-ONLY COPY).

The authoritative reference and input builder live on the scoring server;
editing this copy changes nothing except your own understanding.
"""

import jax, jax.numpy as jnp
import numpy as np

N_VARS = 6000
N_CONS = 4000
E = 320000
D = 128
H = 128
OUT = 128
B = 64
TASKS = 3
P_HID = 256
P_OUT = 128
M_HID = 64


def _kaiming(key, shape):
    fan_in = shape[0]
    return jax.random.normal(key, shape, jnp.float32) * np.sqrt(2.0 / fan_in)


def make_params(key):
    ks = jax.random.split(key, 40)
    i = iter(range(40))
    p = {}
    # hetero GraphSAGE, 2 layers, bipartite edge types (cons->vars feeds vars, vars->cons feeds cons)
    dims = [(D, H), (H, OUT)]
    for l, (din, dout) in enumerate(dims):
        for nt in ['v', 'c']:
            p['Wr_%s%d' % (nt, l)] = _kaiming(ks[next(i)], (din, dout))
            p['Wn_%s%d' % (nt, l)] = _kaiming(ks[next(i)], (din, dout))
            p['b_%s%d' % (nt, l)] = jnp.zeros((dout,), jnp.float32)
    # pooling_embedding MLP: 2*OUT -> P_HID -> P_OUT
    p['Wp0'] = _kaiming(ks[next(i)], (2 * OUT, P_HID))
    p['bp0'] = jnp.zeros((P_HID,), jnp.float32)
    p['Wp1'] = _kaiming(ks[next(i)], (P_HID, P_OUT))
    p['bp1'] = jnp.zeros((P_OUT,), jnp.float32)
    # per-task prediction heads: P_OUT -> M_HID -> 1
    for t in range(TASKS):
        p['Wh%d_0' % t] = _kaiming(ks[next(i)], (P_OUT, M_HID))
        p['bh%d_0' % t] = jnp.zeros((M_HID,), jnp.float32)
        p['Wh%d_1' % t] = _kaiming(ks[next(i)], (M_HID, 1))
        p['bh%d_1' % t] = jnp.zeros((1,), jnp.float32)
    return p


def setup_inputs(seed: int = 0):
    key = jax.random.key(seed)
    ks = jax.random.split(key, 8)
    x_vars = jax.random.normal(ks[0], (N_VARS, D), jnp.float32)
    x_cons = jax.random.normal(ks[1], (N_CONS, D), jnp.float32)
    src_v = jax.random.randint(ks[2], (E,), 0, N_VARS)
    dst_c = jax.random.randint(ks[3], (E,), 0, N_CONS)
    edge_index_vc = jnp.stack([src_v, dst_c], axis=0)
    edge_index_cv = jnp.stack([dst_c, src_v], axis=0)
    batch_vars = jnp.sort(jax.random.randint(ks[4], (N_VARS,), 0, B))
    batch_cons = jnp.sort(jax.random.randint(ks[5], (N_CONS,), 0, B))
    params = make_params(ks[6])
    return {'x_vars': x_vars, 'x_cons': x_cons,
            'edge_index_vc': edge_index_vc, 'edge_index_cv': edge_index_cv,
            'batch_vars': batch_vars, 'batch_cons': batch_cons,
            'params': params}


def _sage(x_dst, x_src, ei, Wr, Wn, b, n_dst):
    src = ei[0]
    dst = ei[1]
    msg = jnp.take(x_src, src, axis=0)
    agg = jax.ops.segment_sum(msg, dst, num_segments=n_dst)
    cnt = jax.ops.segment_sum(jnp.ones((ei.shape[1],), x_src.dtype), dst, num_segments=n_dst)
    mean = agg / jnp.maximum(cnt, 1.0)[:, None]
    return x_dst @ Wr + mean @ Wn + b


def _mean_pool(x, seg, num_segments):
    s = jax.ops.segment_sum(x, seg, num_segments=num_segments)
    c = jax.ops.segment_sum(jnp.ones((x.shape[0],), x.dtype), seg, num_segments=num_segments)
    return s / jnp.maximum(c, 1.0)[:, None]


def reference(x_vars, x_cons, edge_index_vc, edge_index_cv, batch_vars, batch_cons, params):
    p = params
    # layer 0 (ReLU between layers)
    h_v = jax.nn.relu(_sage(x_vars, x_cons, edge_index_cv, p['Wr_v0'], p['Wn_v0'], p['b_v0'], N_VARS))
    h_c = jax.nn.relu(_sage(x_cons, x_vars, edge_index_vc, p['Wr_c0'], p['Wn_c0'], p['b_c0'], N_CONS))
    # layer 1 (no activation, jk=None)
    o_v = _sage(h_v, h_c, edge_index_cv, p['Wr_v1'], p['Wn_v1'], p['b_v1'], N_VARS)
    o_c = _sage(h_c, h_v, edge_index_vc, p['Wr_c1'], p['Wn_c1'], p['b_c1'], N_CONS)
    # global mean pool per graph
    g_v = _mean_pool(o_v, batch_vars, B)
    g_c = _mean_pool(o_c, batch_cons, B)
    x = jnp.concatenate([g_v, g_c], axis=1)
    # pooling_embedding MLP
    x = jax.nn.relu(x @ p['Wp0'] + p['bp0']) @ p['Wp1'] + p['bp1']
    # per-task heads
    outs = []
    for t in range(TASKS):
        h = jax.nn.relu(x @ p['Wh%d_0' % t] + p['bh%d_0' % t])
        outs.append(h @ p['Wh%d_1' % t] + p['bh%d_1' % t])
    return jnp.concatenate(outs, axis=1)

if __name__ == "__main__":
    import jax
    _d = setup_inputs()
    print(jax.jit(kernel)(*tuple(_d.values())))

</pallas_src>

<mosaic_0001>
#map = affine_map<(d0, d1) -> (0, 0)>
#map1 = affine_map<(d0, d1) -> (0, 0, 0)>
module attributes {stable_mosaic.version = 14 : i64} {
  func.func @_sc_agg(%arg0: i32, %arg1: i32, %arg2: memref<6016x128xf32, #tpu.memory_space<hbm>>, %arg3: memref<4096x128xf32, #tpu.memory_space<hbm>>, %arg4: memref<16x160x128xi32, #tpu.memory_space<hbm>>, %arg5: memref<16x160x128xi32, #tpu.memory_space<hbm>>, %arg6: memref<6016x128xf32, #tpu.memory_space<hbm>>, %arg7: memref<4096x128xf32, #tpu.memory_space<hbm>>, %arg8: memref<160x128xi32, #tpu.memory_space<vmem>>, %arg9: memref<160x128xi32, #tpu.memory_space<vmem>>, %arg10: memref<2x128x128xf32, #tpu.memory_space<vmem>>, %arg11: memref<6016x128xf32, #tpu.memory_space<vmem_shared>>, %arg12: memref<2x!tpu.dma_semaphore, #tpu.memory_space<semaphore_mem>>, %arg13: memref<2x!tpu.dma_semaphore, #tpu.memory_space<semaphore_mem>>) attributes {dimension_semantics = [#tpu.dimension_semantics<core_parallel>, #tpu.dimension_semantics<subcore_parallel>], iteration_bounds = array<i64: 2, 16>, scalar_prefetch = 0 : i64, scratch_operands = 6 : i64, tpu.core_type = #tpu.core_type<sc_vector_subcore>, window_params = [{transform_indices = #map}, {transform_indices = #map}, {transform_indices = #map1}, {transform_indices = #map1}, {transform_indices = #map}, {transform_indices = #map}]} {
    %eq3A = arith.constant 0 : i32
    %eq3A_0 = arith.cmpi eq, %arg0, %eq3A : i32
    %convert_element_type3A = arith.extui %eq3A_0 : i1 to i32
    %cond3A = arith.constant 0 : i32
    %cond3A_1 = arith.cmpi ne, %convert_element_type3A, %cond3A : i32
    scf.if %cond3A_1 {
      %broadcast_in_dim3A = arith.constant 0.000000e+00 : f32
      %broadcast_in_dim3A_28 = vector.broadcast %broadcast_in_dim3A : f32 to vector<16xf32>
      %scan3A = arith.constant 0 : i32
      %scan3A_29 = arith.constant 0 : i32
      %scan3A_30 = arith.constant 0 : i32
      %scan3A_31 = arith.constant 128 : i32
      %scan3A_32 = arith.addi %scan3A_30, %scan3A_31 : i32
      %scan3A_33 = arith.constant 1 : i32
      scf.for %scan3A_43 = %scan3A_30 to %scan3A_32 step %scan3A_33  : i32 {
        %swap3A = arith.constant 0 : i32
        %swap3A_44 = arith.constant 0 : i32
        %swap3A_45 = tpu.memref_slice %arg10[%scan3A_29, %swap3A, %swap3A_44] : memref<2x128x128xf32, #tpu.memory_space<vmem>> -> memref<1x128x128xf32, #tpu.memory_space<vmem>>
        %swap3A_46 = tpu.memref_squeeze %swap3A_45 : memref<1x128x128xf32, #tpu.memory_space<vmem>> -> memref<128x128xf32, #tpu.memory_space<vmem>>
        %swap3A_47 = arith.index_cast %scan3A_43 : i32 to index
        %swap3A_48 = arith.constant 0 : index
        %swap3A_49 = tpu.vector_load %swap3A_46[%swap3A_47, %swap3A_48] {strides = array<i32>} : memref<128x128xf32, #tpu.memory_space<vmem>>, vector<1x16xf32>,
        %swap3A_50 = vector.shape_cast %swap3A_49 : vector<1x16xf32> to vector<16xf32>
        %swap3A_51 = vector.shape_cast %broadcast_in_dim3A_28 : vector<16xf32> to vector<1x16xf32>
        tpu.vector_store %swap3A_46[%swap3A_47, %swap3A_48], %swap3A_51 {strides = array<i32>} : memref<128x128xf32, #tpu.memory_space<vmem>>, vector<1x16xf32>,
        %swap3A_52 = arith.constant 0 : i32
        %swap3A_53 = arith.constant 0 : i32
        %swap3A_54 = tpu.memref_slice %arg10[%scan3A_29, %swap3A_52, %swap3A_53] : memref<2x128x128xf32, #tpu.memory_space<vmem>> -> memref<1x128x128xf32, #tpu.memory_space<vmem>>
        %swap3A_55 = tpu.memref_squeeze %swap3A_54 : memref<1x128x128xf32, #tpu.memory_space<vmem>> -> memref<128x128xf32, #tpu.memory_space<vmem>>
        %swap3A_56 = arith.index_cast %scan3A_43 : i32 to index
        %swap3A_57 = arith.constant 16 : index
        %swap3A_58 = tpu.vector_load %swap3A_55[%swap3A_56, %swap3A_57] {strides = array<i32>} : memref<128x128xf32, #tpu.memory_space<vmem>>, vector<1x16xf32>,
        %swap3A_59 = vector.shape_cast %swap3A_58 : vector<1x16xf32> to vector<16xf32>
        %swap3A_60 = vector.shape_cast %broadcast_in_dim3A_28 : vector<16xf32> to vector<1x16xf32>
        tpu.vector_store %swap3A_55[%swap3A_56, %swap3A_57], %swap3A_60 {strides = array<i32>} : memref<128x128xf32, #tpu.memory_space<vmem>>, vector<1x16xf32>,
        %swap3A_61 = arith.constant 0 : i32
        %swap3A_62 = arith.constant 0 : i32
        %swap3A_63 = tpu.memref_slice %arg10[%scan3A_29, %swap3A_61, %swap3A_62] : memref<2x128x128xf32, #tpu.memory_space<vmem>> -> memref<1x128x128xf32, #tpu.memory_space<vmem>>
        %swap3A_64 = tpu.memref_squeeze %swap3A_63 : memref<1x128x128xf32, #tpu.memory_space<vmem>> -> memref<128x128xf32, #tpu.memory_space<vmem>>
        %swap3A_65 = arith.index_cast %scan3A_43 : i32 to index
        %swap3A_66 = arith.constant 32 : index
        %swap3A_67 = tpu.vector_load %swap3A_64[%swap3A_65, %swap3A_66] {strides = array<i32>} : memref<128x128xf32, #tpu.memory_space<vmem>>, vector<1x16xf32>,
        %swap3A_68 = vector.shape_cast %swap3A_67 : vector<1x16xf32> to vector<16xf32>
        %swap3A_69 = vector.shape_cast %broadcast_in_dim3A_28 : vector<16xf32> to vector<1x16xf32>
        tpu.vector_store %swap3A_64[%swap3A_65, %swap3A_66], %swap3A_69 {strides = array<i32>} : memref<128x128xf32, #tpu.memory_space<vmem>>, vector<1x16xf32>,
        %swap3A_70 = arith.constant 0 : i32
        %swap3A_71 = arith.constant 0 : i32
        %swap3A_72 = tpu.memref_slice %arg10[%scan3A_29, %swap3A_70, %swap3A_71] : memref<2x128x128xf32, #tpu.memory_space<vmem>> -> memref<1x128x128xf32, #tpu.memory_space<vmem>>
        %swap3A_73 = tpu.memref_squeeze %swap3A_72 : memref<1x128x128xf32, #tpu.memory_space<vmem>> -> memref<128x128xf32, #tpu.memory_space<vmem>>
        %swap3A_74 = arith.index_cast %scan3A_43 : i32 to index
        %swap3A_75 = arith.constant 48 : index
        %swap3A_76 = tpu.vector_load %swap3A_73[%swap3A_74, %swap3A_75] {strides = array<i32>} : memref<128x128xf32, #tpu.memory_space<vmem>>, vector<1x16xf32>,
        %swap3A_77 = vector.shape_cast %swap3A_76 : vector<1x16xf32> to vector<16xf32>
        %swap3A_78 = vector.shape_cast %broadcast_in_dim3A_28 : vector<16xf32> to vector<1x16xf32>
        tpu.vector_store %swap3A_73[%swap3A_74, %swap3A_75], %swap3A_78 {strides = array<i32>} : memref<128x128xf32, #tpu.memory_space<vmem>>, vector<1x16xf32>,
        %swap3A_79 = arith.constant 0 : i32
        %swap3A_80 = arith.constant 0 : i32
        %swap3A_81 = tpu.memref_slice %arg10[%scan3A_29, %swap3A_79, %swap3A_80] : memref<2x128x128xf32, #tpu.memory_space<vmem>> -> memref<1x128x128xf32, #tpu.memory_space<vmem>>
        %swap3A_82 = tpu.memref_squeeze %swap3A_81 : memref<1x128x128xf32, #tpu.memory_space<vmem>> -> memref<128x128xf32, #tpu.memory_space<vmem>>
        %swap3A_83 = arith.index_cast %scan3A_43 : i32 to index
        %swap3A_84 = arith.constant 64 : index
        %swap3A_85 = tpu.vector_load %swap3A_82[%swap3A_83, %swap3A_84] {strides = array<i32>} : memref<128x128xf32, #tpu.memory_space<vmem>>, vector<1x16xf32>,
        %swap3A_86 = vector.shape_cast %swap3A_85 : vector<1x16xf32> to vector<16xf32>
        %swap3A_87 = vector.shape_cast %broadcast_in_dim3A_28 : vector<16xf32> to vector<1x16xf32>
        tpu.vector_store %swap3A_82[%swap3A_83, %swap3A_84], %swap3A_87 {strides = array<i32>} : memref<128x128xf32, #tpu.memory_space<vmem>>, vector<1x16xf32>,
        %swap3A_88 = arith.constant 0 : i32
        %swap3A_89 = arith.constant 0 : i32
        %swap3A_90 = tpu.memref_slice %arg10[%scan3A_29, %swap3A_88, %swap3A_89] : memref<2x128x128xf32, #tpu.memory_space<vmem>> -> memref<1x128x128xf32, #tpu.memory_space<vmem>>
        %swap3A_91 = tpu.memref_squeeze %swap3A_90 : memref<1x128x128xf32, #tpu.memory_space<vmem>> -> memref<128x128xf32, #tpu.memory_space<vmem>>
        %swap3A_92 = arith.index_cast %scan3A_43 : i32 to index
        %swap3A_93 = arith.constant 80 : index
        %swap3A_94 = tpu.vector_load %swap3A_91[%swap3A_92, %swap3A_93] {strides = array<i32>} : memref<128x128xf32, #tpu.memory_space<vmem>>, vector<1x16xf32>,
        %swap3A_95 = vector.shape_cast %swap3A_94 : vector<1x16xf32> to vector<16xf32>
        %swap3A_96 = vector.shape_cast %broadcast_in_dim3A_28 : vector<16xf32> to vector<1x16xf32>
        tpu.vector_store %swap3A_91[%swap3A_92, %swap3A_93], %swap3A_96 {strides = array<i32>} : memref<128x128xf32, #tpu.memory_space<vmem>>, vector<1x16xf32>,
        %swap3A_97 = arith.constant 0 : i32
        %swap3A_98 = arith.constant 0 : i32
        %swap3A_99 = tpu.memref_slice %arg10[%scan3A_29, %swap3A_97, %swap3A_98] : memref<2x128x128xf32, #tpu.memory_space<vmem>> -> memref<1x128x128xf32, #tpu.memory_space<vmem>>
        %swap3A_100 = tpu.memref_squeeze %swap3A_99 : memref<1x128x128xf32, #tpu.memory_space<vmem>> -> memref<128x128xf32, #tpu.memory_space<vmem>>
        %swap3A_101 = arith.index_cast %scan3A_43 : i32 to index
        %swap3A_102 = arith.constant 96 : index
        %swap3A_103 = tpu.vector_load %swap3A_100[%swap3A_101, %swap3A_102] {strides = array<i32>} : memref<128x128xf32, #tpu.memory_space<vmem>>, vector<1x16xf32>,
        %swap3A_104 = vector.shape_cast %swap3A_103 : vector<1x16xf32> to vector<16xf32>
        %swap3A_105 = vector.shape_cast %broadcast_in_dim3A_28 : vector<16xf32> to vector<1x16xf32>
        tpu.vector_store %swap3A_100[%swap3A_101, %swap3A_102], %swap3A_105 {strides = array<i32>} : memref<128x128xf32, #tpu.memory_space<vmem>>, vector<1x16xf32>,
        %swap3A_106 = arith.constant 0 : i32
        %swap3A_107 = arith.constant 0 : i32
        %swap3A_108 = tpu.memref_slice %arg10[%scan3A_29, %swap3A_106, %swap3A_107] : memref<2x128x128xf32, #tpu.memory_space<vmem>> -> memref<1x128x128xf32, #tpu.memory_space<vmem>>
        %swap3A_109 = tpu.memref_squeeze %swap3A_108 : memref<1x128x128xf32, #tpu.memory_space<vmem>> -> memref<128x128xf32, #tpu.memory_space<vmem>>
        %swap3A_110 = arith.index_cast %scan3A_43 : i32 to index
        %swap3A_111 = arith.constant 112 : index
        %swap3A_112 = tpu.vector_load %swap3A_109[%swap3A_110, %swap3A_111] {strides = array<i32>} : memref<128x128xf32, #tpu.memory_space<vmem>>, vector<1x16xf32>,
        %swap3A_113 = vector.shape_cast %swap3A_112 : vector<1x16xf32> to vector<16xf32>
        %swap3A_114 = vector.shape_cast %broadcast_in_dim3A_28 : vector<16xf32> to vector<1x16xf32>
        tpu.vector_store %swap3A_109[%swap3A_110, %swap3A_111], %swap3A_114 {strides = array<i32>} : memref<128x128xf32, #tpu.memory_space<vmem>>, vector<1x16xf32>,
      }
      %scan3A_34 = arith.constant 128 : i32
      %mul3A = arith.constant 376 : i32
      %mul3A_35 = arith.muli %arg1, %mul3A : i32
      %add3A = arith.constant 0 : i32
      %add3A_36 = arith.addi %mul3A_35, %add3A : i32
      %run_scoped3A = arith.constant 0 : i32
      "tpu.region"() ({
        %run_scoped3A_43 = tpu.sem_alloc : memref<!tpu.dma_semaphore, #tpu.memory_space<semaphore_mem>>
        %dma_start3A = arith.constant 0 : i32
        %dma_start3A_44 = arith.constant 0 : i32
        %dma_start3A_45 = tpu.memref_slice %arg10[%run_scoped3A, %dma_start3A, %dma_start3A_44] : memref<2x128x128xf32, #tpu.memory_space<vmem>> -> memref<1x128x128xf32, #tpu.memory_space<vmem>>
        %dma_start3A_46 = tpu.memref_squeeze %dma_start3A_45 : memref<1x128x128xf32, #tpu.memory_space<vmem>> -> memref<128x128xf32, #tpu.memory_space<vmem>>
        %dma_start3A_47 = arith.constant 0 : i32
        %dma_start3A_48 = tpu.memref_slice %arg11[%add3A_36, %dma_start3A_47] : memref<6016x128xf32, #tpu.memory_space<vmem_shared>> -> memref<128x128xf32, #tpu.memory_space<vmem_shared>>
        %dma_start3A_49 = arith.constant 0 : i32
        %dma_start3A_50 = tpu.memref_slice %arg11[%add3A_36, %dma_start3A_49] : memref<6016x128xf32, #tpu.memory_space<vmem_shared>> -> memref<128x128xf32, #tpu.memory_space<vmem_shared>>
        %dma_start3A_51 = arith.constant 0 : i32
        %dma_start3A_52 = arith.constant 0 : i32
        %dma_start3A_53 = tpu.memref_slice %arg10[%run_scoped3A, %dma_start3A_51, %dma_start3A_52] : memref<2x128x128xf32, #tpu.memory_space<vmem>> -> memref<1x128x128xf32, #tpu.memory_space<vmem>>
        %dma_start3A_54 = tpu.memref_squeeze %dma_start3A_53 : memref<1x128x128xf32, #tpu.memory_space<vmem>> -> memref<128x128xf32, #tpu.memory_space<vmem>>
        tpu.enqueue_dma source(%dma_start3A_54 : memref<128x128xf32, #tpu.memory_space<vmem>>) target(%dma_start3A_50 : memref<128x128xf32, #tpu.memory_space<vmem_shared>>) target_semaphore(%run_scoped3A_43 : memref<!tpu.dma_semaphore, #tpu.memory_space<semaphore_mem>>)
        %dma_wait3A = arith.constant 0 : i32
        %dma_wait3A_55 = arith.constant 0 : i32
        %dma_wait3A_56 = tpu.memref_slice %arg10[%run_scoped3A, %dma_wait3A, %dma_wait3A_55] : memref<2x128x128xf32, #tpu.memory_space<vmem>> -> memref<1x128x128xf32, #tpu.memory_space<vmem>>
        %dma_wait3A_57 = tpu.memref_squeeze %dma_wait3A_56 : memref<1x128x128xf32, #tpu.memory_space<vmem>> -> memref<128x128xf32, #tpu.memory_space<vmem>>
        %dma_wait3A_58 = arith.constant 0 : i32
        %dma_wait3A_59 = tpu.memref_slice %arg11[%add3A_36, %dma_wait3A_58] : memref<6016x128xf32, #tpu.memory_space<vmem_shared>> -> memref<128x128xf32, #tpu.memory_space<vmem_shared>>
        %dma_wait3A_60 = arith.constant 0 : i32
        %dma_wait3A_61 = tpu.memref_slice %arg11[%add3A_36, %dma_wait3A_60] : memref<6016x128xf32, #tpu.memory_space<vmem_shared>> -> memref<128x128xf32, #tpu.memory_space<vmem_shared>>
        %dma_wait3A_62 = arith.constant 0 : i32
        %dma_wait3A_63 = arith.constant 0 : i32
        %dma_wait3A_64 = tpu.memref_slice %arg10[%run_scoped3A, %dma_wait3A_62, %dma_wait3A_63] : memref<2x128x128xf32, #tpu.memory_space<vmem>> -> memref<1x128x128xf32, #tpu.memory_space<vmem>>
        %dma_wait3A_65 = tpu.memref_squeeze %dma_wait3A_64 : memref<1x128x128xf32, #tpu.memory_space<vmem>> -> memref<128x128xf32, #tpu.memory_space<vmem>>
        tpu.wait_dma2 semaphore(%run_scoped3A_43 : memref<!tpu.dma_semaphore, #tpu.memory_space<semaphore_mem>>) src(%dma_wait3A_65 : memref<128x128xf32, #tpu.memory_space<vmem>>) dst(%dma_wait3A_61 : memref<128x128xf32, #tpu.memory_space<vmem_shared>>)
        tpu.yield
      }) : () -> ()
      %add3A_37 = arith.constant 128 : i32
      %add3A_38 = arith.addi %mul3A_35, %add3A_37 : i32
      %run_scoped3A_39 = arith.constant 0 : i32
      "tpu.region"() ({
        %run_scoped3A_43 = tpu.sem_alloc : memref<!tpu.dma_semaphore, #tpu.memory_space<semaphore_mem>>
        %dma_start3A = arith.constant 0 : i32
        %dma_start3A_44 = arith.constant 0 : i32
        %dma_start3A_45 = tpu.memref_slice %arg10[%run_scoped3A_39, %dma_start3A, %dma_start3A_44] : memref<2x128x128xf32, #tpu.memory_space<vmem>> -> memref<1x128x128xf32, #tpu.memory_space<vmem>>
        %dma_start3A_46 = tpu.memref_squeeze %dma_start3A_45 : memref<1x128x128xf32, #tpu.memory_space<vmem>> -> memref<128x128xf32, #tpu.memory_space<vmem>>
        %dma_start3A_47 = arith.constant 0 : i32
        %dma_start3A_48 = tpu.memref_slice %arg11[%add3A_38, %dma_start3A_47] : memref<6016x128xf32, #tpu.memory_space<vmem_shared>> -> memref<128x128xf32, #tpu.memory_space<vmem_shared>>
        %dma_start3A_49 = arith.constant 0 : i32
        %dma_start3A_50 = tpu.memref_slice %arg11[%add3A_38, %dma_start3A_49] : memref<6016x128xf32, #tpu.memory_space<vmem_shared>> -> memref<128x128xf32, #tpu.memory_space<vmem_shared>>
        %dma_start3A_51 = arith.constant 0 : i32
        %dma_start3A_52 = arith.constant 0 : i32
        %dma_start3A_53 = tpu.memref_slice %arg10[%run_scoped3A_39, %dma_start3A_51, %dma_start3A_52] : memref<2x128x128xf32, #tpu.memory_space<vmem>> -> memref<1x128x128xf32, #tpu.memory_space<vmem>>
        %dma_start3A_54 = tpu.memref_squeeze %dma_start3A_53 : memref<1x128x128xf32, #tpu.memory_space<vmem>> -> memref<128x128xf32, #tpu.memory_space<vmem>>
        tpu.enqueue_dma source(%dma_start3A_54 : memref<128x128xf32, #tpu.memory_space<vmem>>) target(%dma_start3A_50 : memref<128x128xf32, #tpu.memory_space<vmem_shared>>) target_semaphore(%run_scoped3A_43 : memref<!tpu.dma_semaphore, #tpu.memory_space<semaphore_mem>>)
        %dma_wait3A = arith.constant 0 : i32
        %dma_wait3A_55 = arith.constant 0 : i32
        %dma_wait3A_56 = tpu.memref_slice %arg10[%run_scoped3A_39, %dma_wait3A, %dma_wait3A_55] : memref<2x128x128xf32, #tpu.memory_space<vmem>> -> memref<1x128x128xf32, #tpu.memory_space<vmem>>
        %dma_wait3A_57 = tpu.memref_squeeze %dma_wait3A_56 : memref<1x128x128xf32, #tpu.memory_space<vmem>> -> memref<128x128xf32, #tpu.memory_space<vmem>>
        %dma_wait3A_58 = arith.constant 0 : i32
        %dma_wait3A_59 = tpu.memref_slice %arg11[%add3A_38, %dma_wait3A_58] : memref<6016x128xf32, #tpu.memory_space<vmem_shared>> -> memref<128x128xf32, #tpu.memory_space<vmem_shared>>
        %dma_wait3A_60 = arith.constant 0 : i32
        %dma_wait3A_61 = tpu.memref_slice %arg11[%add3A_38, %dma_wait3A_60] : memref<6016x128xf32, #tpu.memory_space<vmem_shared>> -> memref<128x128xf32, #tpu.memory_space<vmem_shared>>
        %dma_wait3A_62 = arith.constant 0 : i32
        %dma_wait3A_63 = arith.constant 0 : i32
        %dma_wait3A_64 = tpu.memref_slice %arg10[%run_scoped3A_39, %dma_wait3A_62, %dma_wait3A_63] : memref<2x128x128xf32, #tpu.memory_space<vmem>> -> memref<1x128x128xf32, #tpu.memory_space<vmem>>
        %dma_wait3A_65 = tpu.memref_squeeze %dma_wait3A_64 : memref<1x128x128xf32, #tpu.memory_space<vmem>> -> memref<128x128xf32, #tpu.memory_space<vmem>>
        tpu.wait_dma2 semaphore(%run_scoped3A_43 : memref<!tpu.dma_semaphore, #tpu.memory_space<semaphore_mem>>) src(%dma_wait3A_65 : memref<128x128xf32, #tpu.memory_space<vmem>>) dst(%dma_wait3A_61 : memref<128x128xf32, #tpu.memory_space<vmem_shared>>)
        tpu.yield
      }) : () -> ()
      %add3A_40 = arith.constant 256 : i32
      %add3A_41 = arith.addi %mul3A_35, %add3A_40 : i32
      %run_scoped3A_42 = arith.constant 0 : i32
      "tpu.region"() ({
        %run_scoped3A_43 = tpu.sem_alloc : memref<!tpu.dma_semaphore, #tpu.memory_space<semaphore_mem>>
        %dma_start3A = arith.constant 0 : i32
        %dma_start3A_44 = arith.constant 0 : i32
        %dma_start3A_45 = tpu.memref_slice %arg10[%run_scoped3A_42, %dma_start3A, %dma_start3A_44] : memref<2x128x128xf32, #tpu.memory_space<vmem>> -> memref<1x128x128xf32, #tpu.memory_space<vmem>>
        %dma_start3A_46 = tpu.memref_squeeze %dma_start3A_45 : memref<1x128x128xf32, #tpu.memory_space<vmem>> -> memref<128x128xf32, #tpu.memory_space<vmem>>
        %dma_start3A_47 = arith.constant 0 : i32
        %dma_start3A_48 = arith.constant 0 : i32
        %dma_start3A_49 = tpu.memref_slice %dma_start3A_46[%dma_start3A_47, %dma_start3A_48] : memref<128x128xf32, #tpu.memory_space<vmem>> -> memref<120x128xf32, #tpu.memory_space<vmem>>
        %dma_start3A_50 = arith.constant 0 : i32
        %dma_start3A_51 = tpu.memref_slice %arg11[%add3A_41, %dma_start3A_50] : memref<6016x128xf32, #tpu.memory_space<vmem_shared>> -> memref<120x128xf32, #tpu.memory_space<vmem_shared>>
        %dma_start3A_52 = arith.constant 0 : i32
        %dma_start3A_53 = tpu.memref_slice %arg11[%add3A_41, %dma_start3A_52] : memref<6016x128xf32, #tpu.memory_space<vmem_shared>> -> memref<120x128xf32, #tpu.memory_space<vmem_shared>>
        %dma_start3A_54 = arith.constant 0 : i32
        %dma_start3A_55 = arith.constant 0 : i32
        %dma_start3A_56 = tpu.memref_slice %arg10[%run_scoped3A_42, %dma_start3A_54, %dma_start3A_55] : memref<2x128x128xf32, #tpu.memory_space<vmem>> -> memref<1x128x128xf32, #tpu.memory_space<vmem>>
        %dma_start3A_57 = tpu.memref_squeeze %dma_start3A_56 : memref<1x128x128xf32, #tpu.memory_space<vmem>> -> memref<128x128xf32, #tpu.memory_space<vmem>>
        %dma_start3A_58 = arith.constant 0 : i32
        %dma_start3A_59 = arith.constant 0 : i32
        %dma_start3A_60 = tpu.memref_slice %dma_start3A_57[%dma_start3A_58, %dma_start3A_59] : memref<128x128xf32, #tpu.memory_space<vmem>> -> memref<120x128xf32, #tpu.memory_space<vmem>>
        tpu.enqueue_dma source(%dma_start3A_60 : memref<120x128xf32, #tpu.memory_space<vmem>>) target(%dma_start3A_53 : memref<120x128xf32, #tpu.memory_space<vmem_shared>>) target_semaphore(%run_scoped3A_43 : memref<!tpu.dma_semaphore, #tpu.memory_space<semaphore_mem>>)
        %dma_wait3A = arith.constant 0 : i32
        %dma_wait3A_61 = arith.constant 0 : i32
        %dma_wait3A_62 = tpu.memref_slice %arg10[%run_scoped3A_42, %dma_wait3A, %dma_wait3A_61] : memref<2x128x128xf32, #tpu.memory_space<vmem>> -> memref<1x128x128xf32, #tpu.memory_space<vmem>>
        %dma_wait3A_63 = tpu.memref_squeeze %dma_wait3A_62 : memref<1x128x128xf32, #tpu.memory_space<vmem>> -> memref<128x128xf32, #tpu.memory_space<vmem>>
        %dma_wait3A_64 = arith.constant 0 : i32
        %dma_wait3A_65 = arith.constant 0 : i32
        %dma_wait3A_66 = tpu.memref_slice %dma_wait3A_63[%dma_wait3A_64, %dma_wait3A_65] : memref<128x128xf32, #tpu.memory_space<vmem>> -> memref<120x128xf32, #tpu.memory_space<vmem>>
        %dma_wait3A_67 = arith.constant 0 : i32
        %dma_wait3A_68 = tpu.memref_slice %arg11[%add3A_41, %dma_wait3A_67] : memref<6016x128xf32, #tpu.memory_space<vmem_shared>> -> memref<120x128xf32, #tpu.memory_space<vmem_shared>>
        %dma_wait3A_69 = arith.constant 0 : i32
        %dma_wait3A_70 = tpu.memref_slice %arg11[%add3A_41, %dma_wait3A_69] : memref<6016x128xf32, #tpu.memory_space<vmem_shared>> -> memref<120x128xf32, #tpu.memory_space<vmem_shared>>
        %dma_wait3A_71 = arith.constant 0 : i32
        %dma_wait3A_72 = arith.constant 0 : i32
        %dma_wait3A_73 = tpu.memref_slice %arg10[%run_scoped3A_42, %dma_wait3A_71, %dma_wait3A_72] : memref<2x128x128xf32, #tpu.memory_space<vmem>> -> memref<1x128x128xf32, #tpu.memory_space<vmem>>
        %dma_wait3A_74 = tpu.memref_squeeze %dma_wait3A_73 : memref<1x128x128xf32, #tpu.memory_space<vmem>> -> memref<128x128xf32, #tpu.memory_space<vmem>>
        %dma_wait3A_75 = arith.constant 0 : i32
        %dma_wait3A_76 = arith.constant 0 : i32
        %dma_wait3A_77 = tpu.memref_slice %dma_wait3A_74[%dma_wait3A_75, %dma_wait3A_76] : memref<128x128xf32, #tpu.memory_space<vmem>> -> memref<120x128xf32, #tpu.memory_space<vmem>>
        tpu.wait_dma2 semaphore(%run_scoped3A_43 : memref<!tpu.dma_semaphore, #tpu.memory_space<semaphore_mem>>) src(%dma_wait3A_77 : memref<120x128xf32, #tpu.memory_space<vmem>>) dst(%dma_wait3A_70 : memref<120x128xf32, #tpu.memory_space<vmem_shared>>)
        tpu.yield
      }) : () -> ()
      "tpu.region"() ({
        %run_scoped3A_43 = tpu.sem_alloc : memref<!tpu.dma_semaphore, #tpu.memory_space<semaphore_mem>>
        %dma_start3A = arith.constant 0 : i32
        %dma_start3A_44 = arith.constant 0 : i32
        %dma_start3A_45 = tpu.memref_slice %arg5[%arg1, %dma_start3A, %dma_start3A_44] : memref<16x160x128xi32, #tpu.memory_space<hbm>> -> memref<1x160x128xi32, #tpu.memory_space<hbm>>
        %dma_start3A_46 = tpu.memref_squeeze %dma_start3A_45 : memref<1x160x128xi32, #tpu.memory_space<hbm>> -> memref<160x128xi32, #tpu.memory_space<hbm>>
        %dma_start3A_47 = arith.constant 0 : i32
        %dma_start3A_48 = arith.constant 0 : i32
        %dma_start3A_49 = tpu.memref_slice %arg5[%arg1, %dma_start3A_47, %dma_start3A_48] : memref<16x160x128xi32, #tpu.memory_space<hbm>> -> memref<1x160x128xi32, #tpu.memory_space<hbm>>
        %dma_start3A_50 = tpu.memref_squeeze %dma_start3A_49 : memref<1x160x128xi32, #tpu.memory_space<hbm>> -> memref<160x128xi32, #tpu.memory_space<hbm>>
        tpu.enqueue_dma source(%dma_start3A_50 : memref<160x128xi32, #tpu.memory_space<hbm>>) target(%arg8 : memref<160x128xi32, #tpu.memory_space<vmem>>) target_semaphore(%run_scoped3A_43 : memref<!tpu.dma_semaphore, #tpu.memory_space<semaphore_mem>>)
        %dma_wait3A = arith.constant 0 : i32
        %dma_wait3A_51 = arith.constant 0 : i32
        %dma_wait3A_52 = tpu.memref_slice %arg5[%arg1, %dma_wait3A, %dma_wait3A_51] : memref<16x160x128xi32, #tpu.memory_space<hbm>> -> memref<1x160x128xi32, #tpu.memory_space<hbm>>
        %dma_wait3A_53 = tpu.memref_squeeze %dma_wait3A_52 : memref<1x160x128xi32, #tpu.memory_space<hbm>> -> memref<160x128xi32, #tpu.memory_space<hbm>>
        %dma_wait3A_54 = arith.constant 0 : i32
        %dma_wait3A_55 = arith.constant 0 : i32
        %dma_wait3A_56 = tpu.memref_slice %arg5[%arg1, %dma_wait3A_54, %dma_wait3A_55] : memref<16x160x128xi32, #tpu.memory_space<hbm>> -> memref<1x160x128xi32, #tpu.memory_space<hbm>>
        %dma_wait3A_57 = tpu.memref_squeeze %dma_wait3A_56 : memref<1x160x128xi32, #tpu.memory_space<hbm>> -> memref<160x128xi32, #tpu.memory_space<hbm>>
        tpu.wait_dma2 semaphore(%run_scoped3A_43 : memref<!tpu.dma_semaphore, #tpu.memory_space<semaphore_mem>>) src(%dma_wait3A_57 : memref<160x128xi32, #tpu.memory_space<hbm>>) dst(%arg8 : memref<160x128xi32, #tpu.memory_space<vmem>>)
        tpu.yield
      }) : () -> ()
      "tpu.region"() ({
        %run_scoped3A_43 = tpu.sem_alloc : memref<!tpu.dma_semaphore, #tpu.memory_space<semaphore_mem>>
        %dma_start3A = arith.constant 0 : i32
        %dma_start3A_44 = arith.constant 0 : i32
        %dma_start3A_45 = tpu.memref_slice %arg4[%arg1, %dma_start3A, %dma_start3A_44] : memref<16x160x128xi32, #tpu.memory_space<hbm>> -> memref<1x160x128xi32, #tpu.memory_space<hbm>>
        %dma_start3A_46 = tpu.memref_squeeze %dma_start3A_45 : memref<1x160x128xi32, #tpu.memory_space<hbm>> -> memref<160x128xi32, #tpu.memory_space<hbm>>
        %dma_start3A_47 = arith.constant 0 : i32
        %dma_start3A_48 = arith.constant 0 : i32
        %dma_start3A_49 = tpu.memref_slice %arg4[%arg1, %dma_start3A_47, %dma_start3A_48] : memref<16x160x128xi32, #tpu.memory_space<hbm>> -> memref<1x160x128xi32, #tpu.memory_space<hbm>>
        %dma_start3A_50 = tpu.memref_squeeze %dma_start3A_49 : memref<1x160x128xi32, #tpu.memory_space<hbm>> -> memref<160x128xi32, #tpu.memory_space<hbm>>
        tpu.enqueue_dma source(%dma_start3A_50 : memref<160x128xi32, #tpu.memory_space<hbm>>) target(%arg9 : memref<160x128xi32, #tpu.memory_space<vmem>>) target_semaphore(%run_scoped3A_43 : memref<!tpu.dma_semaphore, #tpu.memory_space<semaphore_mem>>)
        %dma_wait3A = arith.constant 0 : i32
        %dma_wait3A_51 = arith.constant 0 : i32
        %dma_wait3A_52 = tpu.memref_slice %arg4[%arg1, %dma_wait3A, %dma_wait3A_51] : memref<16x160x128xi32, #tpu.memory_space<hbm>> -> memref<1x160x128xi32, #tpu.memory_space<hbm>>
        %dma_wait3A_53 = tpu.memref_squeeze %dma_wait3A_52 : memref<1x160x128xi32, #tpu.memory_space<hbm>> -> memref<160x128xi32, #tpu.memory_space<hbm>>
        %dma_wait3A_54 = arith.constant 0 : i32
        %dma_wait3A_55 = arith.constant 0 : i32
        %dma_wait3A_56 = tpu.memref_slice %arg4[%arg1, %dma_wait3A_54, %dma_wait3A_55] : memref<16x160x128xi32, #tpu.memory_space<hbm>> -> memref<1x160x128xi32, #tpu.memory_space<hbm>>
        %dma_wait3A_57 = tpu.memref_squeeze %dma_wait3A_56 : memref<1x160x128xi32, #tpu.memory_space<hbm>> -> memref<160x128xi32, #tpu.memory_space<hbm>>
        tpu.wait_dma2 semaphore(%run_scoped3A_43 : memref<!tpu.dma_semaphore, #tpu.memory_space<semaphore_mem>>) src(%dma_wait3A_57 : memref<160x128xi32, #tpu.memory_space<hbm>>) dst(%arg9 : memref<160x128xi32, #tpu.memory_space<vmem>>)
        tpu.yield
      }) : () -> ()
    } else {
    }
    %eq3A_2 = arith.constant 1 : i32
    %eq3A_3 = arith.cmpi eq, %arg0, %eq3A_2 : i32
    %convert_element_type3A_4 = arith.extui %eq3A_3 : i1 to i32
    %cond3A_5 = arith.constant 0 : i32
    %cond3A_6 = arith.cmpi ne, %convert_element_type3A_4, %cond3A_5 : i32
    scf.if %cond3A_6 {
      %broadcast_in_dim3A = arith.constant 0.000000e+00 : f32
      %broadcast_in_dim3A_28 = vector.broadcast %broadcast_in_dim3A : f32 to vector<16xf32>
      %scan3A = arith.constant 0 : i32
      %scan3A_29 = arith.constant 0 : i32
      %scan3A_30 = arith.constant 0 : i32
      %scan3A_31 = arith.constant 128 : i32
      %scan3A_32 = arith.addi %scan3A_30, %scan3A_31 : i32
      %scan3A_33 = arith.constant 1 : i32
      scf.for %scan3A_40 = %scan3A_30 to %scan3A_32 step %scan3A_33  : i32 {
        %swap3A = arith.constant 0 : i32
        %swap3A_41 = arith.constant 0 : i32
        %swap3A_42 = tpu.memref_slice %arg10[%scan3A_29, %swap3A, %swap3A_41] : memref<2x128x128xf32, #tpu.memory_space<vmem>> -> memref<1x128x128xf32, #tpu.memory_space<vmem>>
        %swap3A_43 = tpu.memref_squeeze %swap3A_42 : memref<1x128x128xf32, #tpu.memory_space<vmem>> -> memref<128x128xf32, #tpu.memory_space<vmem>>
        %swap3A_44 = arith.index_cast %scan3A_40 : i32 to index
        %swap3A_45 = arith.constant 0 : index
        %swap3A_46 = tpu.vector_load %swap3A_43[%swap3A_44, %swap3A_45] {strides = array<i32>} : memref<128x128xf32, #tpu.memory_space<vmem>>, vector<1x16xf32>,
        %swap3A_47 = vector.shape_cast %swap3A_46 : vector<1x16xf32> to vector<16xf32>
        %swap3A_48 = vector.shape_cast %broadcast_in_dim3A_28 : vector<16xf32> to vector<1x16xf32>
        tpu.vector_store %swap3A_43[%swap3A_44, %swap3A_45], %swap3A_48 {strides = array<i32>} : memref<128x128xf32, #tpu.memory_space<vmem>>, vector<1x16xf32>,
        %swap3A_49 = arith.constant 0 : i32
        %swap3A_50 = arith.constant 0 : i32
        %swap3A_51 = tpu.memref_slice %arg10[%scan3A_29, %swap3A_49, %swap3A_50] : memref<2x128x128xf32, #tpu.memory_space<vmem>> -> memref<1x128x128xf32, #tpu.memory_space<vmem>>
        %swap3A_52 = tpu.memref_squeeze %swap3A_51 : memref<1x128x128xf32, #tpu.memory_space<vmem>> -> memref<128x128xf32, #tpu.memory_space<vmem>>
        %swap3A_53 = arith.index_cast %scan3A_40 : i32 to index
        %swap3A_54 = arith.constant 16 : index
        %swap3A_55 = tpu.vector_load %swap3A_52[%swap3A_53, %swap3A_54] {strides = array<i32>} : memref<128x128xf32, #tpu.memory_space<vmem>>, vector<1x16xf32>,
        %swap3A_56 = vector.shape_cast %swap3A_55 : vector<1x16xf32> to vector<16xf32>
        %swap3A_57 = vector.shape_cast %broadcast_in_dim3A_28 : vector<16xf32> to vector<1x16xf32>
        tpu.vector_store %swap3A_52[%swap3A_53, %swap3A_54], %swap3A_57 {strides = array<i32>} : memref<128x128xf32, #tpu.memory_space<vmem>>, vector<1x16xf32>,
        %swap3A_58 = arith.constant 0 : i32
        %swap3A_59 = arith.constant 0 : i32
        %swap3A_60 = tpu.memref_slice %arg10[%scan3A_29, %swap3A_58, %swap3A_59] : memref<2x128x128xf32, #tpu.memory_space<vmem>> -> memref<1x128x128xf32, #tpu.memory_space<vmem>>
        %swap3A_61 = tpu.memref_squeeze %swap3A_60 : memref<1x128x128xf32, #tpu.memory_space<vmem>> -> memref<128x128xf32, #tpu.memory_space<vmem>>
        %swap3A_62 = arith.index_cast %scan3A_40 : i32 to index
        %swap3A_63 = arith.constant 32 : index
        %swap3A_64 = tpu.vector_load %swap3A_61[%swap3A_62, %swap3A_63] {strides = array<i32>} : memref<128x128xf32, #tpu.memory_space<vmem>>, vector<1x16xf32>,
        %swap3A_65 = vector.shape_cast %swap3A_64 : vector<1x16xf32> to vector<16xf32>
        %swap3A_66 = vector.shape_cast %broadcast_in_dim3A_28 : vector<16xf32> to vector<1x16xf32>
        tpu.vector_store %swap3A_61[%swap3A_62, %swap3A_63], %swap3A_66 {strides = array<i32>} : memref<128x128xf32, #tpu.memory_space<vmem>>, vector<1x16xf32>,
        %swap3A_67 = arith.constant 0 : i32
        %swap3A_68 = arith.constant 0 : i32
        %swap3A_69 = tpu.memref_slice %arg10[%scan3A_29, %swap3A_67, %swap3A_68] : memref<2x128x128xf32, #tpu.memory_space<vmem>> -> memref<1x128x128xf32, #tpu.memory_space<vmem>>
        %swap3A_70 = tpu.memref_squeeze %swap3A_69 : memref<1x128x128xf32, #tpu.memory_space<vmem>> -> memref<128x128xf32, #tpu.memory_space<vmem>>
        %swap3A_71 = arith.index_cast %scan3A_40 : i32 to index
        %swap3A_72 = arith.constant 48 : index
        %swap3A_73 = tpu.vector_load %swap3A_70[%swap3A_71, %swap3A_72] {strides = array<i32>} : memref<128x128xf32, #tpu.memory_space<vmem>>, vector<1x16xf32>,
        %swap3A_74 = vector.shape_cast %swap3A_73 : vector<1x16xf32> to vector<16xf32>
        %swap3A_75 = vector.shape_cast %broadcast_in_dim3A_28 : vector<16xf32> to vector<1x16xf32>
        tpu.vector_store %swap3A_70[%swap3A_71, %swap3A_72], %swap3A_75 {strides = array<i32>} : memref<128x128xf32, #tpu.memory_space<vmem>>, vector<1x16xf32>,
        %swap3A_76 = arith.constant 0 : i32
        %swap3A_77 = arith.constant 0 : i32
        %swap3A_78 = tpu.memref_slice %arg10[%scan3A_29, %swap3A_76, %swap3A_77] : memref<2x128x128xf32, #tpu.memory_space<vmem>> -> memref<1x128x128xf32, #tpu.memory_space<vmem>>
        %swap3A_79 = tpu.memref_squeeze %swap3A_78 : memref<1x128x128xf32, #tpu.memory_space<vmem>> -> memref<128x128xf32, #tpu.memory_space<vmem>>
        %swap3A_80 = arith.index_cast %scan3A_40 : i32 to index
        %swap3A_81 = arith.constant 64 : index
        %swap3A_82 = tpu.vector_load %swap3A_79[%swap3A_80, %swap3A_81] {strides = array<i32>} : memref<128x128xf32, #tpu.memory_space<vmem>>, vector<1x16xf32>,
        %swap3A_83 = vector.shape_cast %swap3A_82 : vector<1x16xf32> to vector<16xf32>
        %swap3A_84 = vector.shape_cast %broadcast_in_dim3A_28 : vector<16xf32> to vector<1x16xf32>
        tpu.vector_store %swap3A_79[%swap3A_80, %swap3A_81], %swap3A_84 {strides = array<i32>} : memref<128x128xf32, #tpu.memory_space<vmem>>, vector<1x16xf32>,
        %swap3A_85 = arith.constant 0 : i32
        %swap3A_86 = arith.constant 0 : i32
        %swap3A_87 = tpu.memref_slice %arg10[%scan3A_29, %swap3A_85, %swap3A_86] : memref<2x128x128xf32, #tpu.memory_space<vmem>> -> memref<1x128x128xf32, #tpu.memory_space<vmem>>
        %swap3A_88 = tpu.memref_squeeze %swap3A_87 : memref<1x128x128xf32, #tpu.memory_space<vmem>> -> memref<128x128xf32, #tpu.memory_space<vmem>>
        %swap3A_89 = arith.index_cast %scan3A_40 : i32 to index
        %swap3A_90 = arith.constant 80 : index
        %swap3A_91 = tpu.vector_load %swap3A_88[%swap3A_89, %swap3A_90] {strides = array<i32>} : memref<128x128xf32, #tpu.memory_space<vmem>>, vector<1x16xf32>,
        %swap3A_92 = vector.shape_cast %swap3A_91 : vector<1x16xf32> to vector<16xf32>
        %swap3A_93 = vector.shape_cast %broadcast_in_dim3A_28 : vector<16xf32> to vector<1x16xf32>
        tpu.vector_store %swap3A_88[%swap3A_89, %swap3A_90], %swap3A_93 {strides = array<i32>} : memref<128x128xf32, #tpu.memory_space<vmem>>, vector<1x16xf32>,
        %swap3A_94 = arith.constant 0 : i32
        %swap3A_95 = arith.constant 0 : i32
        %swap3A_96 = tpu.memref_slice %arg10[%scan3A_29, %swap3A_94, %swap3A_95] : memref<2x128x128xf32, #tpu.memory_space<vmem>> -> memref<1x128x128xf32, #tpu.memory_space<vmem>>
        %swap3A_97 = tpu.memref_squeeze %swap3A_96 : memref<1x128x128xf32, #tpu.memory_space<vmem>> -> memref<128x128xf32, #tpu.memory_space<vmem>>
        %swap3A_98 = arith.index_cast %scan3A_40 : i32 to index
        %swap3A_99 = arith.constant 96 : index
        %swap3A_100 = tpu.vector_load %swap3A_97[%swap3A_98, %swap3A_99] {strides = array<i32>} : memref<128x128xf32, #tpu.memory_space<vmem>>, vector<1x16xf32>,
        %swap3A_101 = vector.shape_cast %swap3A_100 : vector<1x16xf32> to vector<16xf32>
        %swap3A_102 = vector.shape_cast %broadcast_in_dim3A_28 : vector<16xf32> to vector<1x16xf32>
        tpu.vector_store %swap3A_97[%swap3A_98, %swap3A_99], %swap3A_102 {strides = array<i32>} : memref<128x128xf32, #tpu.memory_space<vmem>>, vector<1x16xf32>,
        %swap3A_103 = arith.constant 0 : i32
        %swap3A_104 = arith.constant 0 : i32
        %swap3A_105 = tpu.memref_slice %arg10[%scan3A_29, %swap3A_103, %swap3A_104] : memref<2x128x128xf32, #tpu.memory_space<vmem>> -> memref<1x128x128xf32, #tpu.memory_space<vmem>>
        %swap3A_106 = tpu.memref_squeeze %swap3A_105 : memref<1x128x128xf32, #tpu.memory_space<vmem>> -> memref<128x128xf32, #tpu.memory_space<vmem>>
        %swap3A_107 = arith.index_cast %scan3A_40 : i32 to index
        %swap3A_108 = arith.constant 112 : index
        %swap3A_109 = tpu.vector_load %swap3A_106[%swap3A_107, %swap3A_108] {strides = array<i32>} : memref<128x128xf32, #tpu.memory_space<vmem>>, vector<1x16xf32>,
        %swap3A_110 = vector.shape_cast %swap3A_109 : vector<1x16xf32> to vector<16xf32>
        %swap3A_111 = vector.shape_cast %broadcast_in_dim3A_28 : vector<16xf32> to vector<1x16xf32>
        tpu.vector_store %swap3A_106[%swap3A_107, %swap3A_108], %swap3A_111 {strides = array<i32>} : memref<128x128xf32, #tpu.memory_space<vmem>>, vector<1x16xf32>,
      }
      %scan3A_34 = arith.constant 128 : i32
      %mul3A = arith.constant 256 : i32
      %mul3A_35 = arith.muli %arg1, %mul3A : i32
      %add3A = arith.constant 0 : i32
      %add3A_36 = arith.addi %mul3A_35, %add3A : i32
      %run_scoped3A = arith.constant 0 : i32
      "tpu.region"() ({
        %run_scoped3A_40 = tpu.sem_alloc : memref<!tpu.dma_semaphore, #tpu.memory_space<semaphore_mem>>
        %dma_start3A = arith.constant 0 : i32
        %dma_start3A_41 = arith.constant 0 : i32
        %dma_start3A_42 = tpu.memref_slice %arg10[%run_scoped3A, %dma_start3A, %dma_start3A_41] : memref<2x128x128xf32, #tpu.memory_space<vmem>> -> memref<1x128x128xf32, #tpu.memory_space<vmem>>
        %dma_start3A_43 = tpu.memref_squeeze %dma_start3A_42 : memref<1x128x128xf32, #tpu.memory_space<vmem>> -> memref<128x128xf32, #tpu.memory_space<vmem>>
        %dma_start3A_44 = arith.constant 0 : i32
        %dma_start3A_45 = tpu.memref_slice %arg11[%add3A_36, %dma_start3A_44] : memref<6016x128xf32, #tpu.memory_space<vmem_shared>> -> memref<128x128xf32, #tpu.memory_space<vmem_shared>>
        %dma_start3A_46 = arith.constant 0 : i32
        %dma_start3A_47 = tpu.memref_slice %arg11[%add3A_36, %dma_start3A_46] : memref<6016x128xf32, #tpu.memory_space<vmem_shared>> -> memref<128x128xf32, #tpu.memory_space<vmem_shared>>
        %dma_start3A_48 = arith.constant 0 : i32
        %dma_start3A_49 = arith.constant 0 : i32
        %dma_start3A_50 = tpu.memref_slice %arg10[%run_scoped3A, %dma_start3A_48, %dma_start3A_49] : memref<2x128x128xf32, #tpu.memory_space<vmem>> -> memref<1x128x128xf32, #tpu.memory_space<vmem>>
        %dma_start3A_51 = tpu.memref_squeeze %dma_start3A_50 : memref<1x128x128xf32, #tpu.memory_space<vmem>> -> memref<128x128xf32, #tpu.memory_space<vmem>>
        tpu.enqueue_dma source(%dma_start3A_51 : memref<128x128xf32, #tpu.memory_space<vmem>>) target(%dma_start3A_47 : memref<128x128xf32, #tpu.memory_space<vmem_shared>>) target_semaphore(%run_scoped3A_40 : memref<!tpu.dma_semaphore, #tpu.memory_space<semaphore_mem>>)
        %dma_wait3A = arith.constant 0 : i32
        %dma_wait3A_52 = arith.constant 0 : i32
        %dma_wait3A_53 = tpu.memref_slice %arg10[%run_scoped3A, %dma_wait3A, %dma_wait3A_52] : memref<2x128x128xf32, #tpu.memory_space<vmem>> -> memref<1x128x128xf32, #tpu.memory_space<vmem>>
        %dma_wait3A_54 = tpu.memref_squeeze %dma_wait3A_53 : memref<1x128x128xf32, #tpu.memory_space<vmem>> -> memref<128x128xf32, #tpu.memory_space<vmem>>
        %dma_wait3A_55 = arith.constant 0 : i32
        %dma_wait3A_56 = tpu.memref_slice %arg11[%add3A_36, %dma_wait3A_55] : memref<6016x128xf32, #tpu.memory_space<vmem_shared>> -> memref<128x128xf32, #tpu.memory_space<vmem_shared>>
        %dma_wait3A_57 = arith.constant 0 : i32
        %dma_wait3A_58 = tpu.memref_slice %arg11[%add3A_36, %dma_wait3A_57] : memref<6016x128xf32, #tpu.memory_space<vmem_shared>> -> memref<128x128xf32, #tpu.memory_space<vmem_shared>>
        %dma_wait3A_59 = arith.constant 0 : i32
        %dma_wait3A_60 = arith.constant 0 : i32
        %dma_wait3A_61 = tpu.memref_slice %arg10[%run_scoped3A, %dma_wait3A_59, %dma_wait3A_60] : memref<2x128x128xf32, #tpu.memory_space<vmem>> -> memref<1x128x128xf32, #tpu.memory_space<vmem>>
        %dma_wait3A_62 = tpu.memref_squeeze %dma_wait3A_61 : memref<1x128x128xf32, #tpu.memory_space<vmem>> -> memref<128x128xf32, #tpu.memory_space<vmem>>
        tpu.wait_dma2 semaphore(%run_scoped3A_40 : memref<!tpu.dma_semaphore, #tpu.memory_space<semaphore_mem>>) src(%dma_wait3A_62 : memref<128x128xf32, #tpu.memory_space<vmem>>) dst(%dma_wait3A_58 : memref<128x128xf32, #tpu.memory_space<vmem_shared>>)
        tpu.yield
      }) : () -> ()
      %add3A_37 = arith.constant 128 : i32
      %add3A_38 = arith.addi %mul3A_35, %add3A_37 : i32
      %run_scoped3A_39 = arith.constant 0 : i32
      "tpu.region"() ({
        %run_scoped3A_40 = tpu.sem_alloc : memref<!tpu.dma_semaphore, #tpu.memory_space<semaphore_mem>>
        %dma_start3A = arith.constant 0 : i32
        %dma_start3A_41 = arith.constant 0 : i32
        %dma_start3A_42 = tpu.memref_slice %arg10[%run_scoped3A_39, %dma_start3A, %dma_start3A_41] : memref<2x128x128xf32, #tpu.memory_space<vmem>> -> memref<1x128x128xf32, #tpu.memory_space<vmem>>
        %dma_start3A_43 = tpu.memref_squeeze %dma_start3A_42 : memref<1x128x128xf32, #tpu.memory_space<vmem>> -> memref<128x128xf32, #tpu.memory_space<vmem>>
        %dma_start3A_44 = arith.constant 0 : i32
        %dma_start3A_45 = tpu.memref_slice %arg11[%add3A_38, %dma_start3A_44] : memref<6016x128xf32, #tpu.memory_space<vmem_shared>> -> memref<128x128xf32, #tpu.memory_space<vmem_shared>>
        %dma_start3A_46 = arith.constant 0 : i32
        %dma_start3A_47 = tpu.memref_slice %arg11[%add3A_38, %dma_start3A_46] : memref<6016x128xf32, #tpu.memory_space<vmem_shared>> -> memref<128x128xf32, #tpu.memory_space<vmem_shared>>
        %dma_start3A_48 = arith.constant 0 : i32
        %dma_start3A_49 = arith.constant 0 : i32
        %dma_start3A_50 = tpu.memref_slice %arg10[%run_scoped3A_39, %dma_start3A_48, %dma_start3A_49] : memref<2x128x128xf32, #tpu.memory_space<vmem>> -> memref<1x128x128xf32, #tpu.memory_space<vmem>>
        %dma_start3A_51 = tpu.memref_squeeze %dma_start3A_50 : memref<1x128x128xf32, #tpu.memory_space<vmem>> -> memref<128x128xf32, #tpu.memory_space<vmem>>
        tpu.enqueue_dma source(%dma_start3A_51 : memref<128x128xf32, #tpu.memory_space<vmem>>) target(%dma_start3A_47 : memref<128x128xf32, #tpu.memory_space<vmem_shared>>) target_semaphore(%run_scoped3A_40 : memref<!tpu.dma_semaphore, #tpu.memory_space<semaphore_mem>>)
        %dma_wait3A = arith.constant 0 : i32
        %dma_wait3A_52 = arith.constant 0 : i32
        %dma_wait3A_53 = tpu.memref_slice %arg10[%run_scoped3A_39, %dma_wait3A, %dma_wait3A_52] : memref<2x128x128xf32, #tpu.memory_space<vmem>> -> memref<1x128x128xf32, #tpu.memory_space<vmem>>
        %dma_wait3A_54 = tpu.memref_squeeze %dma_wait3A_53 : memref<1x128x128xf32, #tpu.memory_space<vmem>> -> memref<128x128xf32, #tpu.memory_space<vmem>>
        %dma_wait3A_55 = arith.constant 0 : i32
        %dma_wait3A_56 = tpu.memref_slice %arg11[%add3A_38, %dma_wait3A_55] : memref<6016x128xf32, #tpu.memory_space<vmem_shared>> -> memref<128x128xf32, #tpu.memory_space<vmem_shared>>
        %dma_wait3A_57 = arith.constant 0 : i32
        %dma_wait3A_58 = tpu.memref_slice %arg11[%add3A_38, %dma_wait3A_57] : memref<6016x128xf32, #tpu.memory_space<vmem_shared>> -> memref<128x128xf32, #tpu.memory_space<vmem_shared>>
        %dma_wait3A_59 = arith.constant 0 : i32
        %dma_wait3A_60 = arith.constant 0 : i32
        %dma_wait3A_61 = tpu.memref_slice %arg10[%run_scoped3A_39, %dma_wait3A_59, %dma_wait3A_60] : memref<2x128x128xf32, #tpu.memory_space<vmem>> -> memref<1x128x128xf32, #tpu.memory_space<vmem>>
        %dma_wait3A_62 = tpu.memref_squeeze %dma_wait3A_61 : memref<1x128x128xf32, #tpu.memory_space<vmem>> -> memref<128x128xf32, #tpu.memory_space<vmem>>
        tpu.wait_dma2 semaphore(%run_scoped3A_40 : memref<!tpu.dma_semaphore, #tpu.memory_space<semaphore_mem>>) src(%dma_wait3A_62 : memref<128x128xf32, #tpu.memory_space<vmem>>) dst(%dma_wait3A_58 : memref<128x128xf32, #tpu.memory_space<vmem_shared>>)
        tpu.yield
      }) : () -> ()
      "tpu.region"() ({
        %run_scoped3A_40 = tpu.sem_alloc : memref<!tpu.dma_semaphore, #tpu.memory_space<semaphore_mem>>
        %dma_start3A = arith.constant 0 : i32
        %dma_start3A_41 = arith.constant 0 : i32
        %dma_start3A_42 = tpu.memref_slice %arg4[%arg1, %dma_start3A, %dma_start3A_41] : memref<16x160x128xi32, #tpu.memory_space<hbm>> -> memref<1x160x128xi32, #tpu.memory_space<hbm>>
        %dma_start3A_43 = tpu.memref_squeeze %dma_start3A_42 : memref<1x160x128xi32, #tpu.memory_space<hbm>> -> memref<160x128xi32, #tpu.memory_space<hbm>>
        %dma_start3A_44 = arith.constant 0 : i32
        %dma_start3A_45 = arith.constant 0 : i32
        %dma_start3A_46 = tpu.memref_slice %arg4[%arg1, %dma_start3A_44, %dma_start3A_45] : memref<16x160x128xi32, #tpu.memory_space<hbm>> -> memref<1x160x128xi32, #tpu.memory_space<hbm>>
        %dma_start3A_47 = tpu.memref_squeeze %dma_start3A_46 : memref<1x160x128xi32, #tpu.memory_space<hbm>> -> memref<160x128xi32, #tpu.memory_space<hbm>>
        tpu.enqueue_dma source(%dma_start3A_47 : memref<160x128xi32, #tpu.memory_space<hbm>>) target(%arg8 : memref<160x128xi32, #tpu.memory_space<vmem>>) target_semaphore(%run_scoped3A_40 : memref<!tpu.dma_semaphore, #tpu.memory_space<semaphore_mem>>)
        %dma_wait3A = arith.constant 0 : i32
        %dma_wait3A_48 = arith.constant 0 : i32
        %dma_wait3A_49 = tpu.memref_slice %arg4[%arg1, %dma_wait3A, %dma_wait3A_48] : memref<16x160x128xi32, #tpu.memory_space<hbm>> -> memref<1x160x128xi32, #tpu.memory_space<hbm>>
        %dma_wait3A_50 = tpu.memref_squeeze %dma_wait3A_49 : memref<1x160x128xi32, #tpu.memory_space<hbm>> -> memref<160x128xi32, #tpu.memory_space<hbm>>
        %dma_wait3A_51 = arith.constant 0 : i32
        %dma_wait3A_52 = arith.constant 0 : i32
        %dma_wait3A_53 = tpu.memref_slice %arg4[%arg1, %dma_wait3A_51, %dma_wait3A_52] : memref<16x160x128xi32, #tpu.memory_space<hbm>> -> memref<1x160x128xi32, #tpu.memory_space<hbm>>
        %dma_wait3A_54 = tpu.memref_squeeze %dma_wait3A_53 : memref<1x160x128xi32, #tpu.memory_space<hbm>> -> memref<160x128xi32, #tpu.memory_space<hbm>>
        tpu.wait_dma2 semaphore(%run_scoped3A_40 : memref<!tpu.dma_semaphore, #tpu.memory_space<semaphore_mem>>) src(%dma_wait3A_54 : memref<160x128xi32, #tpu.memory_space<hbm>>) dst(%arg8 : memref<160x128xi32, #tpu.memory_space<vmem>>)
        tpu.yield
      }) : () -> ()
      "tpu.region"() ({
        %run_scoped3A_40 = tpu.sem_alloc : memref<!tpu.dma_semaphore, #tpu.memory_space<semaphore_mem>>
        %dma_start3A = arith.constant 0 : i32
        %dma_start3A_41 = arith.constant 0 : i32
        %dma_start3A_42 = tpu.memref_slice %arg5[%arg1, %dma_start3A, %dma_start3A_41] : memref<16x160x128xi32, #tpu.memory_space<hbm>> -> memref<1x160x128xi32, #tpu.memory_space<hbm>>
        %dma_start3A_43 = tpu.memref_squeeze %dma_start3A_42 : memref<1x160x128xi32, #tpu.memory_space<hbm>> -> memref<160x128xi32, #tpu.memory_space<hbm>>
        %dma_start3A_44 = arith.constant 0 : i32
        %dma_start3A_45 = arith.constant 0 : i32
        %dma_start3A_46 = tpu.memref_slice %arg5[%arg1, %dma_start3A_44, %dma_start3A_45] : memref<16x160x128xi32, #tpu.memory_space<hbm>> -> memref<1x160x128xi32, #tpu.memory_space<hbm>>
        %dma_start3A_47 = tpu.memref_squeeze %dma_start3A_46 : memref<1x160x128xi32, #tpu.memory_space<hbm>> -> memref<160x128xi32, #tpu.memory_space<hbm>>
        tpu.enqueue_dma source(%dma_start3A_47 : memref<160x128xi32, #tpu.memory_space<hbm>>) target(%arg9 : memref<160x128xi32, #tpu.memory_space<vmem>>) target_semaphore(%run_scoped3A_40 : memref<!tpu.dma_semaphore, #tpu.memory_space<semaphore_mem>>)
        %dma_wait3A = arith.constant 0 : i32
        %dma_wait3A_48 = arith.constant 0 : i32
        %dma_wait3A_49 = tpu.memref_slice %arg5[%arg1, %dma_wait3A, %dma_wait3A_48] : memref<16x160x128xi32, #tpu.memory_space<hbm>> -> memref<1x160x128xi32, #tpu.memory_space<hbm>>
        %dma_wait3A_50 = tpu.memref_squeeze %dma_wait3A_49 : memref<1x160x128xi32, #tpu.memory_space<hbm>> -> memref<160x128xi32, #tpu.memory_space<hbm>>
        %dma_wait3A_51 = arith.constant 0 : i32
        %dma_wait3A_52 = arith.constant 0 : i32
        %dma_wait3A_53 = tpu.memref_slice %arg5[%arg1, %dma_wait3A_51, %dma_wait3A_52] : memref<16x160x128xi32, #tpu.memory_space<hbm>> -> memref<1x160x128xi32, #tpu.memory_space<hbm>>
        %dma_wait3A_54 = tpu.memref_squeeze %dma_wait3A_53 : memref<1x160x128xi32, #tpu.memory_space<hbm>> -> memref<160x128xi32, #tpu.memory_space<hbm>>
        tpu.wait_dma2 semaphore(%run_scoped3A_40 : memref<!tpu.dma_semaphore, #tpu.memory_space<semaphore_mem>>) src(%dma_wait3A_54 : memref<160x128xi32, #tpu.memory_space<hbm>>) dst(%arg9 : memref<160x128xi32, #tpu.memory_space<vmem>>)
        tpu.yield
      }) : () -> ()
    } else {
    }
    %barrier3A = arith.constant 0 : index
    tpu.barrier barrier_id(%barrier3A)
    %eq3A_7 = arith.constant 0 : i32
    %eq3A_8 = arith.cmpi eq, %arg0, %eq3A_7 : i32
    %convert_element_type3A_9 = arith.extui %eq3A_8 : i1 to i32
    %cond3A_10 = arith.constant 0 : i32
    %cond3A_11 = arith.cmpi ne, %convert_element_type3A_9, %cond3A_10 : i32
    scf.if %cond3A_11 {
      %dma_start3A = arith.constant 0 : i32
      %dma_start3A_28 = arith.constant 0 : i32
      %dma_start3A_29 = arith.constant 0 : i32
      %dma_start3A_30 = arith.constant 0 : i32
      %dma_start3A_31 = arith.constant 0 : i32
      %dma_start3A_32 = tpu.memref_slice %arg10[%dma_start3A_28, %dma_start3A_30, %dma_start3A_31] : memref<2x128x128xf32, #tpu.memory_space<vmem>> -> memref<1x128x128xf32, #tpu.memory_space<vmem>>
      %dma_start3A_33 = tpu.memref_squeeze %dma_start3A_32 : memref<1x128x128xf32, #tpu.memory_space<vmem>> -> memref<128x128xf32, #tpu.memory_space<vmem>>
      %dma_start3A_34 = arith.constant 0 : i32
      %dma_start3A_35 = tpu.memref_slice %arg8[%dma_start3A, %dma_start3A_34] : memref<160x128xi32, #tpu.memory_space<vmem>> -> memref<1x128xi32, #tpu.memory_space<vmem>>
      %dma_start3A_36 = tpu.memref_squeeze %dma_start3A_35 : memref<1x128xi32, #tpu.memory_space<vmem>> -> memref<128xi32, #tpu.memory_space<vmem>>
      %dma_start3A_37 = arith.constant 0 : i32
      %dma_start3A_38 = arith.constant 0 : i32
      %dma_start3A_39 = tpu.memref_slice %arg3[%dma_start3A_37, %dma_start3A_38] : memref<4096x128xf32, #tpu.memory_space<hbm>> -> memref<4096x128xf32, #tpu.memory_space<hbm>>
      %dma_start3A_40 = tpu.memref_slice %arg12[%dma_start3A_29] : memref<2x!tpu.dma_semaphore, #tpu.memory_space<semaphore_mem>> -> memref<1x!tpu.dma_semaphore, #tpu.memory_space<semaphore_mem>>
      %dma_start3A_41 = tpu.memref_squeeze %dma_start3A_40 : memref<1x!tpu.dma_semaphore, #tpu.memory_space<semaphore_mem>> -> memref<!tpu.dma_semaphore, #tpu.memory_space<semaphore_mem>>
      tpu.enqueue_indirect_dma source(%dma_start3A_39 : memref<4096x128xf32, #tpu.memory_space<hbm>>) target(%dma_start3A_33 : memref<128x128xf32, #tpu.memory_space<vmem>>) offsets(%dma_start3A_36 : memref<128xi32, #tpu.memory_space<vmem>>) semaphore(%dma_start3A_41 : memref<!tpu.dma_semaphore, #tpu.memory_space<semaphore_mem>>)
      %scan3A = arith.constant 0 : i32
      %scan3A_42 = arith.constant 0 : i32
      %scan3A_43 = arith.constant 80 : i32
      %scan3A_44 = arith.addi %scan3A_42, %scan3A_43 : i32
      %scan3A_45 = arith.constant 1 : i32
      scf.for %scan3A_47 = %scan3A_42 to %scan3A_44 step %scan3A_45  : i32 {
        %mul3A = arith.constant 2 : i32
        %mul3A_48 = arith.muli %scan3A_47, %mul3A : i32
        %add3A = arith.constant 1 : i32
        %add3A_49 = arith.addi %mul3A_48, %add3A : i32
        %dma_start3A_50 = arith.constant 1 : i32
        %dma_start3A_51 = arith.constant 1 : i32
        %dma_start3A_52 = arith.constant 0 : i32
        %dma_start3A_53 = arith.constant 0 : i32
        %dma_start3A_54 = tpu.memref_slice %arg10[%dma_start3A_50, %dma_start3A_52, %dma_start3A_53] : memref<2x128x128xf32, #tpu.memory_space<vmem>> -> memref<1x128x128xf32, #tpu.memory_space<vmem>>
        %dma_start3A_55 = tpu.memref_squeeze %dma_start3A_54 : memref<1x128x128xf32, #tpu.memory_space<vmem>> -> memref<128x128xf32, #tpu.memory_space<vmem>>
        %dma_start3A_56 = arith.constant 0 : i32
        %dma_start3A_57 = tpu.memref_slice %arg8[%add3A_49, %dma_start3A_56] : memref<160x128xi32, #tpu.memory_space<vmem>> -> memref<1x128xi32, #tpu.memory_space<vmem>>
        %dma_start3A_58 = tpu.memref_squeeze %dma_start3A_57 : memref<1x128xi32, #tpu.memory_space<vmem>> -> memref<128xi32, #tpu.memory_space<vmem>>
        %dma_start3A_59 = arith.constant 0 : i32
        %dma_start3A_60 = arith.constant 0 : i32
        %dma_start3A_61 = tpu.memref_slice %arg3[%dma_start3A_59, %dma_start3A_60] : memref<4096x128xf32, #tpu.memory_space<hbm>> -> memref<4096x128xf32, #tpu.memory_space<hbm>>
        %dma_start3A_62 = tpu.memref_slice %arg12[%dma_start3A_51] : memref<2x!tpu.dma_semaphore, #tpu.memory_space<semaphore_mem>> -> memref<1x!tpu.dma_semaphore, #tpu.memory_space<semaphore_mem>>
        %dma_start3A_63 = tpu.memref_squeeze %dma_start3A_62 : memref<1x!tpu.dma_semaphore, #tpu.memory_space<semaphore_mem>> -> memref<!tpu.dma_semaphore, #tpu.memory_space<semaphore_mem>>
        tpu.enqueue_indirect_dma source(%dma_start3A_61 : memref<4096x128xf32, #tpu.memory_space<hbm>>) target(%dma_start3A_55 : memref<128x128xf32, #tpu.memory_space<vmem>>) offsets(%dma_start3A_58 : memref<128xi32, #tpu.memory_space<vmem>>) semaphore(%dma_start3A_63 : memref<!tpu.dma_semaphore, #tpu.memory_space<semaphore_mem>>)
        %dma_wait3A = arith.constant 0 : i32
        %dma_wait3A_64 = arith.constant 0 : i32
        %dma_wait3A_65 = arith.constant 0 : i32
        %dma_wait3A_66 = arith.constant 0 : i32
        %dma_wait3A_67 = tpu.memref_slice %arg10[%dma_wait3A, %dma_wait3A_65, %dma_wait3A_66] : memref<2x128x128xf32, #tpu.memory_space<vmem>> -> memref<1x128x128xf32, #tpu.memory_space<vmem>>
        %dma_wait3A_68 = tpu.memref_squeeze %dma_wait3A_67 : memref<1x128x128xf32, #tpu.memory_space<vmem>> -> memref<128x128xf32, #tpu.memory_space<vmem>>
        %dma_wait3A_69 = arith.constant 0 : i32
        %dma_wait3A_70 = tpu.memref_slice %arg8[%mul3A_48, %dma_wait3A_69] : memref<160x128xi32, #tpu.memory_space<vmem>> -> memref<1x128xi32, #tpu.memory_space<vmem>>
        %dma_wait3A_71 = tpu.memref_squeeze %dma_wait3A_70 : memref<1x128xi32, #tpu.memory_space<vmem>> -> memref<128xi32, #tpu.memory_space<vmem>>
        %dma_wait3A_72 = arith.constant 0 : i32
        %dma_wait3A_73 = arith.constant 0 : i32
        %dma_wait3A_74 = tpu.memref_slice %arg3[%dma_wait3A_72, %dma_wait3A_73] : memref<4096x128xf32, #tpu.memory_space<hbm>> -> memref<4096x128xf32, #tpu.memory_space<hbm>>
        %dma_wait3A_75 = tpu.memref_slice %arg12[%dma_wait3A_64] : memref<2x!tpu.dma_semaphore, #tpu.memory_space<semaphore_mem>> -> memref<1x!tpu.dma_semaphore, #tpu.memory_space<semaphore_mem>>
        %dma_wait3A_76 = tpu.memref_squeeze %dma_wait3A_75 : memref<1x!tpu.dma_semaphore, #tpu.memory_space<semaphore_mem>> -> memref<!tpu.dma_semaphore, #tpu.memory_space<semaphore_mem>>
        tpu.wait_indirect_dma semaphore(%dma_wait3A_76 : memref<!tpu.dma_semaphore, #tpu.memory_space<semaphore_mem>>) src(%dma_wait3A_74 : memref<4096x128xf32, #tpu.memory_space<hbm>>) dst(%dma_wait3A_68 : memref<128x128xf32, #tpu.memory_space<vmem>>)
        %run_scoped3A = arith.constant 0 : i32
        "tpu.region"() ({
          %run_scoped3A_100 = tpu.sem_alloc : memref<!tpu.dma_semaphore, #tpu.memory_space<semaphore_mem>>
          %dma_start3A_101 = arith.constant 0 : i32
          %dma_start3A_102 = arith.constant 0 : i32
          %dma_start3A_103 = tpu.memref_slice %arg10[%run_scoped3A, %dma_start3A_101, %dma_start3A_102] : memref<2x128x128xf32, #tpu.memory_space<vmem>> -> memref<1x128x128xf32, #tpu.memory_space<vmem>>
          %dma_start3A_104 = tpu.memref_squeeze %dma_start3A_103 : memref<1x128x128xf32, #tpu.memory_space<vmem>> -> memref<128x128xf32, #tpu.memory_space<vmem>>
          %dma_start3A_105 = arith.constant 0 : i32
          %dma_start3A_106 = tpu.memref_slice %arg9[%mul3A_48, %dma_start3A_105] : memref<160x128xi32, #tpu.memory_space<vmem>> -> memref<1x128xi32, #tpu.memory_space<vmem>>
          %dma_start3A_107 = tpu.memref_squeeze %dma_start3A_106 : memref<1x128xi32, #tpu.memory_space<vmem>> -> memref<128xi32, #tpu.memory_space<vmem>>
          %dma_start3A_108 = arith.constant 0 : i32
          %dma_start3A_109 = arith.constant 0 : i32
          %dma_start3A_110 = tpu.memref_slice %arg11[%dma_start3A_108, %dma_start3A_109] : memref<6016x128xf32, #tpu.memory_space<vmem_shared>> -> memref<6016x128xf32, #tpu.memory_space<vmem_shared>>
          tpu.enqueue_indirect_dma source(%dma_start3A_104 : memref<128x128xf32, #tpu.memory_space<vmem>>) target(%dma_start3A_110 : memref<6016x128xf32, #tpu.memory_space<vmem_shared>>) offsets(%dma_start3A_107 : memref<128xi32, #tpu.memory_space<vmem>>) semaphore(%run_scoped3A_100 : memref<!tpu.dma_semaphore, #tpu.memory_space<semaphore_mem>>) {add = true}
          %dma_wait3A_111 = arith.constant 0 : i32
          %dma_wait3A_112 = arith.constant 0 : i32
          %dma_wait3A_113 = tpu.memref_slice %arg10[%run_scoped3A, %dma_wait3A_111, %dma_wait3A_112] : memref<2x128x128xf32, #tpu.memory_space<vmem>> -> memref<1x128x128xf32, #tpu.memory_space<vmem>>
          %dma_wait3A_114 = tpu.memref_squeeze %dma_wait3A_113 : memref<1x128x128xf32, #tpu.memory_space<vmem>> -> memref<128x128xf32, #tpu.memory_space<vmem>>
          %dma_wait3A_115 = arith.constant 0 : i32
          %dma_wait3A_116 = tpu.memref_slice %arg9[%mul3A_48, %dma_wait3A_115] : memref<160x128xi32, #tpu.memory_space<vmem>> -> memref<1x128xi32, #tpu.memory_space<vmem>>
          %dma_wait3A_117 = tpu.memref_squeeze %dma_wait3A_116 : memref<1x128xi32, #tpu.memory_space<vmem>> -> memref<128xi32, #tpu.memory_space<vmem>>
          %dma_wait3A_118 = arith.constant 0 : i32
          %dma_wait3A_119 = arith.constant 0 : i32
          %dma_wait3A_120 = tpu.memref_slice %arg11[%dma_wait3A_118, %dma_wait3A_119] : memref<6016x128xf32, #tpu.memory_space<vmem_shared>> -> memref<6016x128xf32, #tpu.memory_space<vmem_shared>>
          tpu.wait_indirect_dma semaphore(%run_scoped3A_100 : memref<!tpu.dma_semaphore, #tpu.memory_space<semaphore_mem>>) src(%dma_wait3A_114 : memref<128x128xf32, #tpu.memory_space<vmem>>) dst(%dma_wait3A_120 : memref<6016x128xf32, #tpu.memory_space<vmem_shared>>)
          tpu.yield
        }) : () -> ()
        %lt3A = arith.constant 79 : i32
        %lt3A_77 = arith.cmpi slt, %scan3A_47, %lt3A : i32
        %convert_element_type3A_78 = arith.extui %lt3A_77 : i1 to i32
        %cond3A_79 = arith.constant 0 : i32
        %cond3A_80 = arith.cmpi ne, %convert_element_type3A_78, %cond3A_79 : i32
        scf.if %cond3A_80 {
          %add3A_100 = arith.constant 2 : i32
          %add3A_101 = arith.addi %mul3A_48, %add3A_100 : i32
          %dma_start3A_102 = arith.constant 0 : i32
          %dma_start3A_103 = arith.constant 0 : i32
          %dma_start3A_104 = arith.constant 0 : i32
          %dma_start3A_105 = arith.constant 0 : i32
          %dma_start3A_106 = tpu.memref_slice %arg10[%dma_start3A_102, %dma_start3A_104, %dma_start3A_105] : memref<2x128x128xf32, #tpu.memory_space<vmem>> -> memref<1x128x128xf32, #tpu.memory_space<vmem>>
          %dma_start3A_107 = tpu.memref_squeeze %dma_start3A_106 : memref<1x128x128xf32, #tpu.memory_space<vmem>> -> memref<128x128xf32, #tpu.memory_space<vmem>>
          %dma_start3A_108 = arith.constant 0 : i32
          %dma_start3A_109 = tpu.memref_slice %arg8[%add3A_101, %dma_start3A_108] : memref<160x128xi32, #tpu.memory_space<vmem>> -> memref<1x128xi32, #tpu.memory_space<vmem>>
          %dma_start3A_110 = tpu.memref_squeeze %dma_start3A_109 : memref<1x128xi32, #tpu.memory_space<vmem>> -> memref<128xi32, #tpu.memory_space<vmem>>
          %dma_start3A_111 = arith.constant 0 : i32
          %dma_start3A_112 = arith.constant 0 : i32
          %dma_start3A_113 = tpu.memref_slice %arg3[%dma_start3A_111, %dma_start3A_112] : memref<4096x128xf32, #tpu.memory_space<hbm>> -> memref<4096x128xf32, #tpu.memory_space<hbm>>
          %dma_start3A_114 = tpu.memref_slice %arg12[%dma_start3A_103] : memref<2x!tpu.dma_semaphore, #tpu.memory_space<semaphore_mem>> -> memref<1x!tpu.dma_semaphore, #tpu.memory_space<semaphore_mem>>
          %dma_start3A_115 = tpu.memref_squeeze %dma_start3A_114 : memref<1x!tpu.dma_semaphore, #tpu.memory_space<semaphore_mem>> -> memref<!tpu.dma_semaphore, #tpu.memory_space<semaphore_mem>>
          tpu.enqueue_indirect_dma source(%dma_start3A_113 : memref<4096x128xf32, #tpu.memory_space<hbm>>) target(%dma_start3A_107 : memref<128x128xf32, #tpu.memory_space<vmem>>) offsets(%dma_start3A_110 : memref<128xi32, #tpu.memory_space<vmem>>) semaphore(%dma_start3A_115 : memref<!tpu.dma_semaphore, #tpu.memory_space<semaphore_mem>>)
        } else {
        }
        %add3A_81 = arith.constant 1 : i32
        %add3A_82 = arith.addi %mul3A_48, %add3A_81 : i32
        %dma_wait3A_83 = arith.constant 1 : i32
        %dma_wait3A_84 = arith.constant 1 : i32
        %dma_wait3A_85 = arith.constant 0 : i32
        %dma_wait3A_86 = arith.constant 0 : i32
        %dma_wait3A_87 = tpu.memref_slice %arg10[%dma_wait3A_83, %dma_wait3A_85, %dma_wait3A_86] : memref<2x128x128xf32, #tpu.memory_space<vmem>> -> memref<1x128x128xf32, #tpu.memory_space<vmem>>
        %dma_wait3A_88 = tpu.memref_squeeze %dma_wait3A_87 : memref<1x128x128xf32, #tpu.memory_space<vmem>> -> memref<128x128xf32, #tpu.memory_space<vmem>>
        %dma_wait3A_89 = arith.constant 0 : i32
        %dma_wait3A_90 = tpu.memref_slice %arg8[%add3A_82, %dma_wait3A_89] : memref<160x128xi32, #tpu.memory_space<vmem>> -> memref<1x128xi32, #tpu.memory_space<vmem>>
        %dma_wait3A_91 = tpu.memref_squeeze %dma_wait3A_90 : memref<1x128xi32, #tpu.memory_space<vmem>> -> memref<128xi32, #tpu.memory_space<vmem>>
        %dma_wait3A_92 = arith.constant 0 : i32
        %dma_wait3A_93 = arith.constant 0 : i32
        %dma_wait3A_94 = tpu.memref_slice %arg3[%dma_wait3A_92, %dma_wait3A_93] : memref<4096x128xf32, #tpu.memory_space<hbm>> -> memref<4096x128xf32, #tpu.memory_space<hbm>>
        %dma_wait3A_95 = tpu.memref_slice %arg12[%dma_wait3A_84] : memref<2x!tpu.dma_semaphore, #tpu.memory_space<semaphore_mem>> -> memref<1x!tpu.dma_semaphore, #tpu.memory_space<semaphore_mem>>
        %dma_wait3A_96 = tpu.memref_squeeze %dma_wait3A_95 : memref<1x!tpu.dma_semaphore, #tpu.memory_space<semaphore_mem>> -> memref<!tpu.dma_semaphore, #tpu.memory_space<semaphore_mem>>
        tpu.wait_indirect_dma semaphore(%dma_wait3A_96 : memref<!tpu.dma_semaphore, #tpu.memory_space<semaphore_mem>>) src(%dma_wait3A_94 : memref<4096x128xf32, #tpu.memory_space<hbm>>) dst(%dma_wait3A_88 : memref<128x128xf32, #tpu.memory_space<vmem>>)
        %add3A_97 = arith.constant 1 : i32
        %add3A_98 = arith.addi %mul3A_48, %add3A_97 : i32
        %run_scoped3A_99 = arith.constant 1 : i32
        "tpu.region"() ({
          %run_scoped3A_100 = tpu.sem_alloc : memref<!tpu.dma_semaphore, #tpu.memory_space<semaphore_mem>>
          %dma_start3A_101 = arith.constant 0 : i32
          %dma_start3A_102 = arith.constant 0 : i32
          %dma_start3A_103 = tpu.memref_slice %arg10[%run_scoped3A_99, %dma_start3A_101, %dma_start3A_102] : memref<2x128x128xf32, #tpu.memory_space<vmem>> -> memref<1x128x128xf32, #tpu.memory_space<vmem>>
          %dma_start3A_104 = tpu.memref_squeeze %dma_start3A_103 : memref<1x128x128xf32, #tpu.memory_space<vmem>> -> memref<128x128xf32, #tpu.memory_space<vmem>>
          %dma_start3A_105 = arith.constant 0 : i32
          %dma_start3A_106 = tpu.memref_slice %arg9[%add3A_98, %dma_start3A_105] : memref<160x128xi32, #tpu.memory_space<vmem>> -> memref<1x128xi32, #tpu.memory_space<vmem>>
          %dma_start3A_107 = tpu.memref_squeeze %dma_start3A_106 : memref<1x128xi32, #tpu.memory_space<vmem>> -> memref<128xi32, #tpu.memory_space<vmem>>
          %dma_start3A_108 = arith.constant 0 : i32
          %dma_start3A_109 = arith.constant 0 : i32
          %dma_start3A_110 = tpu.memref_slice %arg11[%dma_start3A_108, %dma_start3A_109] : memref<6016x128xf32, #tpu.memory_space<vmem_shared>> -> memref<6016x128xf32, #tpu.memory_space<vmem_shared>>
          tpu.enqueue_indirect_dma source(%dma_start3A_104 : memref<128x128xf32, #tpu.memory_space<vmem>>) target(%dma_start3A_110 : memref<6016x128xf32, #tpu.memory_space<vmem_shared>>) offsets(%dma_start3A_107 : memref<128xi32, #tpu.memory_space<vmem>>) semaphore(%run_scoped3A_100 : memref<!tpu.dma_semaphore, #tpu.memory_space<semaphore_mem>>) {add = true}
          %dma_wait3A_111 = arith.constant 0 : i32
          %dma_wait3A_112 = arith.constant 0 : i32
          %dma_wait3A_113 = tpu.memref_slice %arg10[%run_scoped3A_99, %dma_wait3A_111, %dma_wait3A_112] : memref<2x128x128xf32, #tpu.memory_space<vmem>> -> memref<1x128x128xf32, #tpu.memory_space<vmem>>
          %dma_wait3A_114 = tpu.memref_squeeze %dma_wait3A_113 : memref<1x128x128xf32, #tpu.memory_space<vmem>> -> memref<128x128xf32, #tpu.memory_space<vmem>>
          %dma_wait3A_115 = arith.constant 0 : i32
          %dma_wait3A_116 = tpu.memref_slice %arg9[%add3A_98, %dma_wait3A_115] : memref<160x128xi32, #tpu.memory_space<vmem>> -> memref<1x128xi32, #tpu.memory_space<vmem>>
          %dma_wait3A_117 = tpu.memref_squeeze %dma_wait3A_116 : memref<1x128xi32, #tpu.memory_space<vmem>> -> memref<128xi32, #tpu.memory_space<vmem>>
          %dma_wait3A_118 = arith.constant 0 : i32
          %dma_wait3A_119 = arith.constant 0 : i32
          %dma_wait3A_120 = tpu.memref_slice %arg11[%dma_wait3A_118, %dma_wait3A_119] : memref<6016x128xf32, #tpu.memory_space<vmem_shared>> -> memref<6016x128xf32, #tpu.memory_space<vmem_shared>>
          tpu.wait_indirect_dma semaphore(%run_scoped3A_100 : memref<!tpu.dma_semaphore, #tpu.memory_space<semaphore_mem>>) src(%dma_wait3A_114 : memref<128x128xf32, #tpu.memory_space<vmem>>) dst(%dma_wait3A_120 : memref<6016x128xf32, #tpu.memory_space<vmem_shared>>)
          tpu.yield
        }) : () -> ()
      }
      %scan3A_46 = arith.constant 80 : i32
    } else {
    }
    %eq3A_12 = arith.constant 1 : i32
    %eq3A_13 = arith.cmpi eq, %arg0, %eq3A_12 : i32
    %convert_element_type3A_14 = arith.extui %eq3A_13 : i1 to i32
    %cond3A_15 = arith.constant 0 : i32
    %cond3A_16 = arith.cmpi ne, %convert_element_type3A_14, %cond3A_15 : i32
    scf.if %cond3A_16 {
      %dma_start3A = arith.constant 0 : i32
      %dma_start3A_28 = arith.constant 0 : i32
      %dma_start3A_29 = arith.constant 0 : i32
      %dma_start3A_30 = arith.constant 0 : i32
      %dma_start3A_31 = arith.constant 0 : i32
      %dma_start3A_32 = tpu.memref_slice %arg10[%dma_start3A_28, %dma_start3A_30, %dma_start3A_31] : memref<2x128x128xf32, #tpu.memory_space<vmem>> -> memref<1x128x128xf32, #tpu.memory_space<vmem>>
      %dma_start3A_33 = tpu.memref_squeeze %dma_start3A_32 : memref<1x128x128xf32, #tpu.memory_space<vmem>> -> memref<128x128xf32, #tpu.memory_space<vmem>>
      %dma_start3A_34 = arith.constant 0 : i32
      %dma_start3A_35 = tpu.memref_slice %arg8[%dma_start3A, %dma_start3A_34] : memref<160x128xi32, #tpu.memory_space<vmem>> -> memref<1x128xi32, #tpu.memory_space<vmem>>
      %dma_start3A_36 = tpu.memref_squeeze %dma_start3A_35 : memref<1x128xi32, #tpu.memory_space<vmem>> -> memref<128xi32, #tpu.memory_space<vmem>>
      %dma_start3A_37 = arith.constant 0 : i32
      %dma_start3A_38 = arith.constant 0 : i32
      %dma_start3A_39 = tpu.memref_slice %arg2[%dma_start3A_37, %dma_start3A_38] : memref<6016x128xf32, #tpu.memory_space<hbm>> -> memref<6016x128xf32, #tpu.memory_space<hbm>>
      %dma_start3A_40 = tpu.memref_slice %arg12[%dma_start3A_29] : memref<2x!tpu.dma_semaphore, #tpu.memory_space<semaphore_mem>> -> memref<1x!tpu.dma_semaphore, #tpu.memory_space<semaphore_mem>>
      %dma_start3A_41 = tpu.memref_squeeze %dma_start3A_40 : memref<1x!tpu.dma_semaphore, #tpu.memory_space<semaphore_mem>> -> memref<!tpu.dma_semaphore, #tpu.memory_space<semaphore_mem>>
      tpu.enqueue_indirect_dma source(%dma_start3A_39 : memref<6016x128xf32, #tpu.memory_space<hbm>>) target(%dma_start3A_33 : memref<128x128xf32, #tpu.memory_space<vmem>>) offsets(%dma_start3A_36 : memref<128xi32, #tpu.memory_space<vmem>>) semaphore(%dma_start3A_41 : memref<!tpu.dma_semaphore, #tpu.memory_space<semaphore_mem>>)
      %scan3A = arith.constant 0 : i32
      %scan3A_42 = arith.constant 0 : i32
      %scan3A_43 = arith.constant 80 : i32
      %scan3A_44 = arith.addi %scan3A_42, %scan3A_43 : i32
      %scan3A_45 = arith.constant 1 : i32
      scf.for %scan3A_47 = %scan3A_42 to %scan3A_44 step %scan3A_45  : i32 {
        %mul3A = arith.constant 2 : i32
        %mul3A_48 = arith.muli %scan3A_47, %mul3A : i32
        %add3A = arith.constant 1 : i32
        %add3A_49 = arith.addi %mul3A_48, %add3A : i32
        %dma_start3A_50 = arith.constant 1 : i32
        %dma_start3A_51 = arith.constant 1 : i32
        %dma_start3A_52 = arith.constant 0 : i32
        %dma_start3A_53 = arith.constant 0 : i32
        %dma_start3A_54 = tpu.memref_slice %arg10[%dma_start3A_50, %dma_start3A_52, %dma_start3A_53] : memref<2x128x128xf32, #tpu.memory_space<vmem>> -> memref<1x128x128xf32, #tpu.memory_space<vmem>>
        %dma_start3A_55 = tpu.memref_squeeze %dma_start3A_54 : memref<1x128x128xf32, #tpu.memory_space<vmem>> -> memref<128x128xf32, #tpu.memory_space<vmem>>
        %dma_start3A_56 = arith.constant 0 : i32
        %dma_start3A_57 = tpu.memref_slice %arg8[%add3A_49, %dma_start3A_56] : memref<160x128xi32, #tpu.memory_space<vmem>> -> memref<1x128xi32, #tpu.memory_space<vmem>>
        %dma_start3A_58 = tpu.memref_squeeze %dma_start3A_57 : memref<1x128xi32, #tpu.memory_space<vmem>> -> memref<128xi32, #tpu.memory_space<vmem>>
        %dma_start3A_59 = arith.constant 0 : i32
        %dma_start3A_60 = arith.constant 0 : i32
        %dma_start3A_61 = tpu.memref_slice %arg2[%dma_start3A_59, %dma_start3A_60] : memref<6016x128xf32, #tpu.memory_space<hbm>> -> memref<6016x128xf32, #tpu.memory_space<hbm>>
        %dma_start3A_62 = tpu.memref_slice %arg12[%dma_start3A_51] : memref<2x!tpu.dma_semaphore, #tpu.memory_space<semaphore_mem>> -> memref<1x!tpu.dma_semaphore, #tpu.memory_space<semaphore_mem>>
        %dma_start3A_63 = tpu.memref_squeeze %dma_start3A_62 : memref<1x!tpu.dma_semaphore, #tpu.memory_space<semaphore_mem>> -> memref<!tpu.dma_semaphore, #tpu.memory_space<semaphore_mem>>
        tpu.enqueue_indirect_dma source(%dma_start3A_61 : memref<6016x128xf32, #tpu.memory_space<hbm>>) target(%dma_start3A_55 : memref<128x128xf32, #tpu.memory_space<vmem>>) offsets(%dma_start3A_58 : memref<128xi32, #tpu.memory_space<vmem>>) semaphore(%dma_start3A_63 : memref<!tpu.dma_semaphore, #tpu.memory_space<semaphore_mem>>)
        %dma_wait3A = arith.constant 0 : i32
        %dma_wait3A_64 = arith.constant 0 : i32
        %dma_wait3A_65 = arith.constant 0 : i32
        %dma_wait3A_66 = arith.constant 0 : i32
        %dma_wait3A_67 = tpu.memref_slice %arg10[%dma_wait3A, %dma_wait3A_65, %dma_wait3A_66] : memref<2x128x128xf32, #tpu.memory_space<vmem>> -> memref<1x128x128xf32, #tpu.memory_space<vmem>>
        %dma_wait3A_68 = tpu.memref_squeeze %dma_wait3A_67 : memref<1x128x128xf32, #tpu.memory_space<vmem>> -> memref<128x128xf32, #tpu.memory_space<vmem>>
        %dma_wait3A_69 = arith.constant 0 : i32
        %dma_wait3A_70 = tpu.memref_slice %arg8[%mul3A_48, %dma_wait3A_69] : memref<160x128xi32, #tpu.memory_space<vmem>> -> memref<1x128xi32, #tpu.memory_space<vmem>>
        %dma_wait3A_71 = tpu.memref_squeeze %dma_wait3A_70 : memref<1x128xi32, #tpu.memory_space<vmem>> -> memref<128xi32, #tpu.memory_space<vmem>>
        %dma_wait3A_72 = arith.constant 0 : i32
        %dma_wait3A_73 = arith.constant 0 : i32
        %dma_wait3A_74 = tpu.memref_slice %arg2[%dma_wait3A_72, %dma_wait3A_73] : memref<6016x128xf32, #tpu.memory_space<hbm>> -> memref<6016x128xf32, #tpu.memory_space<hbm>>
        %dma_wait3A_75 = tpu.memref_slice %arg12[%dma_wait3A_64] : memref<2x!tpu.dma_semaphore, #tpu.memory_space<semaphore_mem>> -> memref<1x!tpu.dma_semaphore, #tpu.memory_space<semaphore_mem>>
        %dma_wait3A_76 = tpu.memref_squeeze %dma_wait3A_75 : memref<1x!tpu.dma_semaphore, #tpu.memory_space<semaphore_mem>> -> memref<!tpu.dma_semaphore, #tpu.memory_space<semaphore_mem>>
        tpu.wait_indirect_dma semaphore(%dma_wait3A_76 : memref<!tpu.dma_semaphore, #tpu.memory_space<semaphore_mem>>) src(%dma_wait3A_74 : memref<6016x128xf32, #tpu.memory_space<hbm>>) dst(%dma_wait3A_68 : memref<128x128xf32, #tpu.memory_space<vmem>>)
        %run_scoped3A = arith.constant 0 : i32
        "tpu.region"() ({
          %run_scoped3A_100 = tpu.sem_alloc : memref<!tpu.dma_semaphore, #tpu.memory_space<semaphore_mem>>
          %dma_start3A_101 = arith.constant 0 : i32
          %dma_start3A_102 = arith.constant 0 : i32
          %dma_start3A_103 = tpu.memref_slice %arg10[%run_scoped3A, %dma_start3A_101, %dma_start3A_102] : memref<2x128x128xf32, #tpu.memory_space<vmem>> -> memref<1x128x128xf32, #tpu.memory_space<vmem>>
          %dma_start3A_104 = tpu.memref_squeeze %dma_start3A_103 : memref<1x128x128xf32, #tpu.memory_space<vmem>> -> memref<128x128xf32, #tpu.memory_space<vmem>>
          %dma_start3A_105 = arith.constant 0 : i32
          %dma_start3A_106 = tpu.memref_slice %arg9[%mul3A_48, %dma_start3A_105] : memref<160x128xi32, #tpu.memory_space<vmem>> -> memref<1x128xi32, #tpu.memory_space<vmem>>
          %dma_start3A_107 = tpu.memref_squeeze %dma_start3A_106 : memref<1x128xi32, #tpu.memory_space<vmem>> -> memref<128xi32, #tpu.memory_space<vmem>>
          %dma_start3A_108 = arith.constant 0 : i32
          %dma_start3A_109 = arith.constant 0 : i32
          %dma_start3A_110 = tpu.memref_slice %arg11[%dma_start3A_108, %dma_start3A_109] : memref<6016x128xf32, #tpu.memory_space<vmem_shared>> -> memref<6016x128xf32, #tpu.memory_space<vmem_shared>>
          tpu.enqueue_indirect_dma source(%dma_start3A_104 : memref<128x128xf32, #tpu.memory_space<vmem>>) target(%dma_start3A_110 : memref<6016x128xf32, #tpu.memory_space<vmem_shared>>) offsets(%dma_start3A_107 : memref<128xi32, #tpu.memory_space<vmem>>) semaphore(%run_scoped3A_100 : memref<!tpu.dma_semaphore, #tpu.memory_space<semaphore_mem>>) {add = true}
          %dma_wait3A_111 = arith.constant 0 : i32
          %dma_wait3A_112 = arith.constant 0 : i32
          %dma_wait3A_113 = tpu.memref_slice %arg10[%run_scoped3A, %dma_wait3A_111, %dma_wait3A_112] : memref<2x128x128xf32, #tpu.memory_space<vmem>> -> memref<1x128x128xf32, #tpu.memory_space<vmem>>
          %dma_wait3A_114 = tpu.memref_squeeze %dma_wait3A_113 : memref<1x128x128xf32, #tpu.memory_space<vmem>> -> memref<128x128xf32, #tpu.memory_space<vmem>>
          %dma_wait3A_115 = arith.constant 0 : i32
          %dma_wait3A_116 = tpu.memref_slice %arg9[%mul3A_48, %dma_wait3A_115] : memref<160x128xi32, #tpu.memory_space<vmem>> -> memref<1x128xi32, #tpu.memory_space<vmem>>
          %dma_wait3A_117 = tpu.memref_squeeze %dma_wait3A_116 : memref<1x128xi32, #tpu.memory_space<vmem>> -> memref<128xi32, #tpu.memory_space<vmem>>
          %dma_wait3A_118 = arith.constant 0 : i32
          %dma_wait3A_119 = arith.constant 0 : i32
          %dma_wait3A_120 = tpu.memref_slice %arg11[%dma_wait3A_118, %dma_wait3A_119] : memref<6016x128xf32, #tpu.memory_space<vmem_shared>> -> memref<6016x128xf32, #tpu.memory_space<vmem_shared>>
          tpu.wait_indirect_dma semaphore(%run_scoped3A_100 : memref<!tpu.dma_semaphore, #tpu.memory_space<semaphore_mem>>) src(%dma_wait3A_114 : memref<128x128xf32, #tpu.memory_space<vmem>>) dst(%dma_wait3A_120 : memref<6016x128xf32, #tpu.memory_space<vmem_shared>>)
          tpu.yield
        }) : () -> ()
        %lt3A = arith.constant 79 : i32
        %lt3A_77 = arith.cmpi slt, %scan3A_47, %lt3A : i32
        %convert_element_type3A_78 = arith.extui %lt3A_77 : i1 to i32
        %cond3A_79 = arith.constant 0 : i32
        %cond3A_80 = arith.cmpi ne, %convert_element_type3A_78, %cond3A_79 : i32
        scf.if %cond3A_80 {
          %add3A_100 = arith.constant 2 : i32
          %add3A_101 = arith.addi %mul3A_48, %add3A_100 : i32
          %dma_start3A_102 = arith.constant 0 : i32
          %dma_start3A_103 = arith.constant 0 : i32
          %dma_start3A_104 = arith.constant 0 : i32
          %dma_start3A_105 = arith.constant 0 : i32
          %dma_start3A_106 = tpu.memref_slice %arg10[%dma_start3A_102, %dma_start3A_104, %dma_start3A_105] : memref<2x128x128xf32, #tpu.memory_space<vmem>> -> memref<1x128x128xf32, #tpu.memory_space<vmem>>
          %dma_start3A_107 = tpu.memref_squeeze %dma_start3A_106 : memref<1x128x128xf32, #tpu.memory_space<vmem>> -> memref<128x128xf32, #tpu.memory_space<vmem>>
          %dma_start3A_108 = arith.constant 0 : i32
          %dma_start3A_109 = tpu.memref_slice %arg8[%add3A_101, %dma_start3A_108] : memref<160x128xi32, #tpu.memory_space<vmem>> -> memref<1x128xi32, #tpu.memory_space<vmem>>
          %dma_start3A_110 = tpu.memref_squeeze %dma_start3A_109 : memref<1x128xi32, #tpu.memory_space<vmem>> -> memref<128xi32, #tpu.memory_space<vmem>>
          %dma_start3A_111 = arith.constant 0 : i32
          %dma_start3A_112 = arith.constant 0 : i32
          %dma_start3A_113 = tpu.memref_slice %arg2[%dma_start3A_111, %dma_start3A_112] : memref<6016x128xf32, #tpu.memory_space<hbm>> -> memref<6016x128xf32, #tpu.memory_space<hbm>>
          %dma_start3A_114 = tpu.memref_slice %arg12[%dma_start3A_103] : memref<2x!tpu.dma_semaphore, #tpu.memory_space<semaphore_mem>> -> memref<1x!tpu.dma_semaphore, #tpu.memory_space<semaphore_mem>>
          %dma_start3A_115 = tpu.memref_squeeze %dma_start3A_114 : memref<1x!tpu.dma_semaphore, #tpu.memory_space<semaphore_mem>> -> memref<!tpu.dma_semaphore, #tpu.memory_space<semaphore_mem>>
          tpu.enqueue_indirect_dma source(%dma_start3A_113 : memref<6016x128xf32, #tpu.memory_space<hbm>>) target(%dma_start3A_107 : memref<128x128xf32, #tpu.memory_space<vmem>>) offsets(%dma_start3A_110 : memref<128xi32, #tpu.memory_space<vmem>>) semaphore(%dma_start3A_115 : memref<!tpu.dma_semaphore, #tpu.memory_space<semaphore_mem>>)
        } else {
        }
        %add3A_81 = arith.constant 1 : i32
        %add3A_82 = arith.addi %mul3A_48, %add3A_81 : i32
        %dma_wait3A_83 = arith.constant 1 : i32
        %dma_wait3A_84 = arith.constant 1 : i32
        %dma_wait3A_85 = arith.constant 0 : i32
        %dma_wait3A_86 = arith.constant 0 : i32
        %dma_wait3A_87 = tpu.memref_slice %arg10[%dma_wait3A_83, %dma_wait3A_85, %dma_wait3A_86] : memref<2x128x128xf32, #tpu.memory_space<vmem>> -> memref<1x128x128xf32, #tpu.memory_space<vmem>>
        %dma_wait3A_88 = tpu.memref_squeeze %dma_wait3A_87 : memref<1x128x128xf32, #tpu.memory_space<vmem>> -> memref<128x128xf32, #tpu.memory_space<vmem>>
        %dma_wait3A_89 = arith.constant 0 : i32
        %dma_wait3A_90 = tpu.memref_slice %arg8[%add3A_82, %dma_wait3A_89] : memref<160x128xi32, #tpu.memory_space<vmem>> -> memref<1x128xi32, #tpu.memory_space<vmem>>
        %dma_wait3A_91 = tpu.memref_squeeze %dma_wait3A_90 : memref<1x128xi32, #tpu.memory_space<vmem>> -> memref<128xi32, #tpu.memory_space<vmem>>
        %dma_wait3A_92 = arith.constant 0 : i32
        %dma_wait3A_93 = arith.constant 0 : i32
        %dma_wait3A_94 = tpu.memref_slice %arg2[%dma_wait3A_92, %dma_wait3A_93] : memref<6016x128xf32, #tpu.memory_space<hbm>> -> memref<6016x128xf32, #tpu.memory_space<hbm>>
        %dma_wait3A_95 = tpu.memref_slice %arg12[%dma_wait3A_84] : memref<2x!tpu.dma_semaphore, #tpu.memory_space<semaphore_mem>> -> memref<1x!tpu.dma_semaphore, #tpu.memory_space<semaphore_mem>>
        %dma_wait3A_96 = tpu.memref_squeeze %dma_wait3A_95 : memref<1x!tpu.dma_semaphore, #tpu.memory_space<semaphore_mem>> -> memref<!tpu.dma_semaphore, #tpu.memory_space<semaphore_mem>>
        tpu.wait_indirect_dma semaphore(%dma_wait3A_96 : memref<!tpu.dma_semaphore, #tpu.memory_space<semaphore_mem>>) src(%dma_wait3A_94 : memref<6016x128xf32, #tpu.memory_space<hbm>>) dst(%dma_wait3A_88 : memref<128x128xf32, #tpu.memory_space<vmem>>)
        %add3A_97 = arith.constant 1 : i32
        %add3A_98 = arith.addi %mul3A_48, %add3A_97 : i32
        %run_scoped3A_99 = arith.constant 1 : i32
        "tpu.region"() ({
          %run_scoped3A_100 = tpu.sem_alloc : memref<!tpu.dma_semaphore, #tpu.memory_space<semaphore_mem>>
          %dma_start3A_101 = arith.constant 0 : i32
          %dma_start3A_102 = arith.constant 0 : i32
          %dma_start3A_103 = tpu.memref_slice %arg10[%run_scoped3A_99, %dma_start3A_101, %dma_start3A_102] : memref<2x128x128xf32, #tpu.memory_space<vmem>> -> memref<1x128x128xf32, #tpu.memory_space<vmem>>
          %dma_start3A_104 = tpu.memref_squeeze %dma_start3A_103 : memref<1x128x128xf32, #tpu.memory_space<vmem>> -> memref<128x128xf32, #tpu.memory_space<vmem>>
          %dma_start3A_105 = arith.constant 0 : i32
          %dma_start3A_106 = tpu.memref_slice %arg9[%add3A_98, %dma_start3A_105] : memref<160x128xi32, #tpu.memory_space<vmem>> -> memref<1x128xi32, #tpu.memory_space<vmem>>
          %dma_start3A_107 = tpu.memref_squeeze %dma_start3A_106 : memref<1x128xi32, #tpu.memory_space<vmem>> -> memref<128xi32, #tpu.memory_space<vmem>>
          %dma_start3A_108 = arith.constant 0 : i32
          %dma_start3A_109 = arith.constant 0 : i32
          %dma_start3A_110 = tpu.memref_slice %arg11[%dma_start3A_108, %dma_start3A_109] : memref<6016x128xf32, #tpu.memory_space<vmem_shared>> -> memref<6016x128xf32, #tpu.memory_space<vmem_shared>>
          tpu.enqueue_indirect_dma source(%dma_start3A_104 : memref<128x128xf32, #tpu.memory_space<vmem>>) target(%dma_start3A_110 : memref<6016x128xf32, #tpu.memory_space<vmem_shared>>) offsets(%dma_start3A_107 : memref<128xi32, #tpu.memory_space<vmem>>) semaphore(%run_scoped3A_100 : memref<!tpu.dma_semaphore, #tpu.memory_space<semaphore_mem>>) {add = true}
          %dma_wait3A_111 = arith.constant 0 : i32
          %dma_wait3A_112 = arith.constant 0 : i32
          %dma_wait3A_113 = tpu.memref_slice %arg10[%run_scoped3A_99, %dma_wait3A_111, %dma_wait3A_112] : memref<2x128x128xf32, #tpu.memory_space<vmem>> -> memref<1x128x128xf32, #tpu.memory_space<vmem>>
          %dma_wait3A_114 = tpu.memref_squeeze %dma_wait3A_113 : memref<1x128x128xf32, #tpu.memory_space<vmem>> -> memref<128x128xf32, #tpu.memory_space<vmem>>
          %dma_wait3A_115 = arith.constant 0 : i32
          %dma_wait3A_116 = tpu.memref_slice %arg9[%add3A_98, %dma_wait3A_115] : memref<160x128xi32, #tpu.memory_space<vmem>> -> memref<1x128xi32, #tpu.memory_space<vmem>>
          %dma_wait3A_117 = tpu.memref_squeeze %dma_wait3A_116 : memref<1x128xi32, #tpu.memory_space<vmem>> -> memref<128xi32, #tpu.memory_space<vmem>>
          %dma_wait3A_118 = arith.constant 0 : i32
          %dma_wait3A_119 = arith.constant 0 : i32
          %dma_wait3A_120 = tpu.memref_slice %arg11[%dma_wait3A_118, %dma_wait3A_119] : memref<6016x128xf32, #tpu.memory_space<vmem_shared>> -> memref<6016x128xf32, #tpu.memory_space<vmem_shared>>
          tpu.wait_indirect_dma semaphore(%run_scoped3A_100 : memref<!tpu.dma_semaphore, #tpu.memory_space<semaphore_mem>>) src(%dma_wait3A_114 : memref<128x128xf32, #tpu.memory_space<vmem>>) dst(%dma_wait3A_120 : memref<6016x128xf32, #tpu.memory_space<vmem_shared>>)
          tpu.yield
        }) : () -> ()
      }
      %scan3A_46 = arith.constant 80 : i32
    } else {
    }
    %barrier3A_17 = arith.constant 0 : index
    tpu.barrier barrier_id(%barrier3A_17)
    %eq3A_18 = arith.constant 0 : i32
    %eq3A_19 = arith.cmpi eq, %arg0, %eq3A_18 : i32
    %convert_element_type3A_20 = arith.extui %eq3A_19 : i1 to i32
    %cond3A_21 = arith.constant 0 : i32
    %cond3A_22 = arith.cmpi ne, %convert_element_type3A_20, %cond3A_21 : i32
    scf.if %cond3A_22 {
      %mul3A = arith.constant 376 : i32
      %mul3A_28 = arith.muli %arg1, %mul3A : i32
      "tpu.region"() ({
        %run_scoped3A = tpu.sem_alloc : memref<!tpu.dma_semaphore, #tpu.memory_space<semaphore_mem>>
        %dma_start3A = arith.constant 0 : i32
        %dma_start3A_29 = tpu.memref_slice %arg6[%mul3A_28, %dma_start3A] : memref<6016x128xf32, #tpu.memory_space<hbm>> -> memref<376x128xf32, #tpu.memory_space<hbm>>
        %dma_start3A_30 = arith.constant 0 : i32
        %dma_start3A_31 = tpu.memref_slice %arg11[%mul3A_28, %dma_start3A_30] : memref<6016x128xf32, #tpu.memory_space<vmem_shared>> -> memref<376x128xf32, #tpu.memory_space<vmem_shared>>
        tpu.enqueue_dma source(%dma_start3A_31 : memref<376x128xf32, #tpu.memory_space<vmem_shared>>) target(%dma_start3A_29 : memref<376x128xf32, #tpu.memory_space<hbm>>) target_semaphore(%run_scoped3A : memref<!tpu.dma_semaphore, #tpu.memory_space<semaphore_mem>>)
        %dma_wait3A = arith.constant 0 : i32
        %dma_wait3A_32 = tpu.memref_slice %arg6[%mul3A_28, %dma_wait3A] : memref<6016x128xf32, #tpu.memory_space<hbm>> -> memref<376x128xf32, #tpu.memory_space<hbm>>
        %dma_wait3A_33 = arith.constant 0 : i32
        %dma_wait3A_34 = tpu.memref_slice %arg11[%mul3A_28, %dma_wait3A_33] : memref<6016x128xf32, #tpu.memory_space<vmem_shared>> -> memref<376x128xf32, #tpu.memory_space<vmem_shared>>
        tpu.wait_dma2 semaphore(%run_scoped3A : memref<!tpu.dma_semaphore, #tpu.memory_space<semaphore_mem>>) src(%dma_wait3A_34 : memref<376x128xf32, #tpu.memory_space<vmem_shared>>) dst(%dma_wait3A_32 : memref<376x128xf32, #tpu.memory_space<hbm>>)
        tpu.yield
      }) : () -> ()
    } else {
    }
    %eq3A_23 = arith.constant 1 : i32
    %eq3A_24 = arith.cmpi eq, %arg0, %eq3A_23 : i32
    %convert_element_type3A_25 = arith.extui %eq3A_24 : i1 to i32
    %cond3A_26 = arith.constant 0 : i32
    %cond3A_27 = arith.cmpi ne, %convert_element_type3A_25, %cond3A_26 : i32
    scf.if %cond3A_27 {
      %mul3A = arith.constant 256 : i32
      %mul3A_28 = arith.muli %arg1, %mul3A : i32
      "tpu.region"() ({
        %run_scoped3A = tpu.sem_alloc : memref<!tpu.dma_semaphore, #tpu.memory_space<semaphore_mem>>
        %dma_start3A = arith.constant 0 : i32
        %dma_start3A_29 = tpu.memref_slice %arg7[%mul3A_28, %dma_start3A] : memref<4096x128xf32, #tpu.memory_space<hbm>> -> memref<256x128xf32, #tpu.memory_space<hbm>>
        %dma_start3A_30 = arith.constant 0 : i32
        %dma_start3A_31 = tpu.memref_slice %arg11[%mul3A_28, %dma_start3A_30] : memref<6016x128xf32, #tpu.memory_space<vmem_shared>> -> memref<256x128xf32, #tpu.memory_space<vmem_shared>>
        tpu.enqueue_dma source(%dma_start3A_31 : memref<256x128xf32, #tpu.memory_space<vmem_shared>>) target(%dma_start3A_29 : memref<256x128xf32, #tpu.memory_space<hbm>>) target_semaphore(%run_scoped3A : memref<!tpu.dma_semaphore, #tpu.memory_space<semaphore_mem>>)
        %dma_wait3A = arith.constant 0 : i32
        %dma_wait3A_32 = tpu.memref_slice %arg7[%mul3A_28, %dma_wait3A] : memref<4096x128xf32, #tpu.memory_space<hbm>> -> memref<256x128xf32, #tpu.memory_space<hbm>>
        %dma_wait3A_33 = arith.constant 0 : i32
        %dma_wait3A_34 = tpu.memref_slice %arg11[%mul3A_28, %dma_wait3A_33] : memref<6016x128xf32, #tpu.memory_space<vmem_shared>> -> memref<256x128xf32, #tpu.memory_space<vmem_shared>>
        tpu.wait_dma2 semaphore(%run_scoped3A : memref<!tpu.dma_semaphore, #tpu.memory_space<semaphore_mem>>) src(%dma_wait3A_34 : memref<256x128xf32, #tpu.memory_space<vmem_shared>>) dst(%dma_wait3A_32 : memref<256x128xf32, #tpu.memory_space<hbm>>)
        tpu.yield
      }) : () -> ()
    } else {
    }
    return
  }
}

#map = affine_map<(d0, d1) -> (0, 0)>
#map1 = affine_map<(d0, d1) -> (0, 0, 0)>
module attributes {stable_mosaic.version = 14 : i64} {
  func.func @_sc_agg(%arg0: i32, %arg1: i32, %arg2: memref<6016x128xf32, #tpu.memory_space<hbm>>, %arg3: memref<4096x128xf32, #tpu.memory_space<hbm>>, %arg4: memref<16x160x128xi32, #tpu.memory_space<hbm>>, %arg5: memref<16x160x128xi32, #tpu.memory_space<hbm>>, %arg6: memref<6016x128xf32, #tpu.memory_space<hbm>>, %arg7: memref<4096x128xf32, #tpu.memory_space<hbm>>, %arg8: memref<160x128xi32, #tpu.memory_space<vmem>>, %arg9: memref<160x128xi32, #tpu.memory_space<vmem>>, %arg10: memref<2x128x128xf32, #tpu.memory_space<vmem>>, %arg11: memref<6016x128xf32, #tpu.memory_space<vmem_shared>>, %arg12: memref<2x!tpu.dma_semaphore, #tpu.memory_space<semaphore_mem>>, %arg13: memref<2x!tpu.dma_semaphore, #tpu.memory_space<semaphore_mem>>) attributes {dimension_semantics = [#tpu.dimension_semantics<core_parallel>, #tpu.dimension_semantics<subcore_parallel>], iteration_bounds = array<i64: 2, 16>, scalar_prefetch = 0 : i64, scratch_operands = 6 : i64, tpu.core_type = #tpu.core_type<sc_vector_subcore>, window_params = [{transform_indices = #map}, {transform_indices = #map}, {transform_indices = #map1}, {transform_indices = #map1}, {transform_indices = #map}, {transform_indices = #map}]} {
    %eq3A = arith.constant 0 : i32
    %eq3A_0 = arith.cmpi eq, %arg0, %eq3A : i32
    %convert_element_type3A = arith.extui %eq3A_0 : i1 to i32
    %cond3A = arith.constant 0 : i32
    %cond3A_1 = arith.cmpi ne, %convert_element_type3A, %cond3A : i32
    scf.if %cond3A_1 {
      %broadcast_in_dim3A = arith.constant 0.000000e+00 : f32
      %broadcast_in_dim3A_28 = vector.broadcast %broadcast_in_dim3A : f32 to vector<16xf32>
      %scan3A = arith.constant 0 : i32
      %scan3A_29 = arith.constant 0 : i32
      %scan3A_30 = arith.constant 0 : i32
      %scan3A_31 = arith.constant 128 : i32
      %scan3A_32 = arith.addi %scan3A_30, %scan3A_31 : i32
      %scan3A_33 = arith.constant 1 : i32
      scf.for %scan3A_43 = %scan3A_30 to %scan3A_32 step %scan3A_33  : i32 {
        %swap3A = arith.constant 0 : i32
        %swap3A_44 = arith.constant 0 : i32
        %swap3A_45 = tpu.memref_slice %arg10[%scan3A_29, %swap3A, %swap3A_44] : memref<2x128x128xf32, #tpu.memory_space<vmem>> -> memref<1x128x128xf32, #tpu.memory_space<vmem>>
        %swap3A_46 = tpu.memref_squeeze %swap3A_45 : memref<1x128x128xf32, #tpu.memory_space<vmem>> -> memref<128x128xf32, #tpu.memory_space<vmem>>
        %swap3A_47 = arith.index_cast %scan3A_43 : i32 to index
        %swap3A_48 = arith.constant 0 : index
        %swap3A_49 = tpu.vector_load %swap3A_46[%swap3A_47, %swap3A_48] {strides = array<i32>} : memref<128x128xf32, #tpu.memory_space<vmem>>, vector<1x16xf32>,
        %swap3A_50 = vector.shape_cast %swap3A_49 : vector<1x16xf32> to vector<16xf32>
        %swap3A_51 = vector.shape_cast %broadcast_in_dim3A_28 : vector<16xf32> to vector<1x16xf32>
        tpu.vector_store %swap3A_46[%swap3A_47, %swap3A_48], %swap3A_51 {strides = array<i32>} : memref<128x128xf32, #tpu.memory_space<vmem>>, vector<1x16xf32>,
        %swap3A_52 = arith.constant 0 : i32
        %swap3A_53 = arith.constant 0 : i32
        %swap3A_54 = tpu.memref_slice %arg10[%scan3A_29, %swap3A_52, %swap3A_53] : memref<2x128x128xf32, #tpu.memory_space<vmem>> -> memref<1x128x128xf32, #tpu.memory_space<vmem>>
        %swap3A_55 = tpu.memref_squeeze %swap3A_54 : memref<1x128x128xf32, #tpu.memory_space<vmem>> -> memref<128x128xf32, #tpu.memory_space<vmem>>
        %swap3A_56 = arith.index_cast %scan3A_43 : i32 to index
        %swap3A_57 = arith.constant 16 : index
        %swap3A_58 = tpu.vector_load %swap3A_55[%swap3A_56, %swap3A_57] {strides = array<i32>} : memref<128x128xf32, #tpu.memory_space<vmem>>, vector<1x16xf32>,
        %swap3A_59 = vector.shape_cast %swap3A_58 : vector<1x16xf32> to vector<16xf32>
        %swap3A_60 = vector.shape_cast %broadcast_in_dim3A_28 : vector<16xf32> to vector<1x16xf32>
        tpu.vector_store %swap3A_55[%swap3A_56, %swap3A_57], %swap3A_60 {strides = array<i32>} : memref<128x128xf32, #tpu.memory_space<vmem>>, vector<1x16xf32>,
        %swap3A_61 = arith.constant 0 : i32
        %swap3A_62 = arith.constant 0 : i32
        %swap3A_63 = tpu.memref_slice %arg10[%scan3A_29, %swap3A_61, %swap3A_62] : memref<2x128x128xf32, #tpu.memory_space<vmem>> -> memref<1x128x128xf32, #tpu.memory_space<vmem>>
        %swap3A_64 = tpu.memref_squeeze %swap3A_63 : memref<1x128x128xf32, #tpu.memory_space<vmem>> -> memref<128x128xf32, #tpu.memory_space<vmem>>
        %swap3A_65 = arith.index_cast %scan3A_43 : i32 to index
        %swap3A_66 = arith.constant 32 : index
        %swap3A_67 = tpu.vector_load %swap3A_64[%swap3A_65, %swap3A_66] {strides = array<i32>} : memref<128x128xf32, #tpu.memory_space<vmem>>, vector<1x16xf32>,
        %swap3A_68 = vector.shape_cast %swap3A_67 : vector<1x16xf32> to vector<16xf32>
        %swap3A_69 = vector.shape_cast %broadcast_in_dim3A_28 : vector<16xf32> to vector<1x16xf32>
        tpu.vector_store %swap3A_64[%swap3A_65, %swap3A_66], %swap3A_69 {strides = array<i32>} : memref<128x128xf32, #tpu.memory_space<vmem>>, vector<1x16xf32>,
        %swap3A_70 = arith.constant 0 : i32
        %swap3A_71 = arith.constant 0 : i32
        %swap3A_72 = tpu.memref_slice %arg10[%scan3A_29, %swap3A_70, %swap3A_71] : memref<2x128x128xf32, #tpu.memory_space<vmem>> -> memref<1x128x128xf32, #tpu.memory_space<vmem>>
        %swap3A_73 = tpu.memref_squeeze %swap3A_72 : memref<1x128x128xf32, #tpu.memory_space<vmem>> -> memref<128x128xf32, #tpu.memory_space<vmem>>
        %swap3A_74 = arith.index_cast %scan3A_43 : i32 to index
        %swap3A_75 = arith.constant 48 : index
        %swap3A_76 = tpu.vector_load %swap3A_73[%swap3A_74, %swap3A_75] {strides = array<i32>} : memref<128x128xf32, #tpu.memory_space<vmem>>, vector<1x16xf32>,
        %swap3A_77 = vector.shape_cast %swap3A_76 : vector<1x16xf32> to vector<16xf32>
        %swap3A_78 = vector.shape_cast %broadcast_in_dim3A_28 : vector<16xf32> to vector<1x16xf32>
        tpu.vector_store %swap3A_73[%swap3A_74, %swap3A_75], %swap3A_78 {strides = array<i32>} : memref<128x128xf32, #tpu.memory_space<vmem>>, vector<1x16xf32>,
        %swap3A_79 = arith.constant 0 : i32
        %swap3A_80 = arith.constant 0 : i32
        %swap3A_81 = tpu.memref_slice %arg10[%scan3A_29, %swap3A_79, %swap3A_80] : memref<2x128x128xf32, #tpu.memory_space<vmem>> -> memref<1x128x128xf32, #tpu.memory_space<vmem>>
        %swap3A_82 = tpu.memref_squeeze %swap3A_81 : memref<1x128x128xf32, #tpu.memory_space<vmem>> -> memref<128x128xf32, #tpu.memory_space<vmem>>
        %swap3A_83 = arith.index_cast %scan3A_43 : i32 to index
        %swap3A_84 = arith.constant 64 : index
        %swap3A_85 = tpu.vector_load %swap3A_82[%swap3A_83, %swap3A_84] {strides = array<i32>} : memref<128x128xf32, #tpu.memory_space<vmem>>, vector<1x16xf32>,
        %swap3A_86 = vector.shape_cast %swap3A_85 : vector<1x16xf32> to vector<16xf32>
        %swap3A_87 = vector.shape_cast %broadcast_in_dim3A_28 : vector<16xf32> to vector<1x16xf32>
        tpu.vector_store %swap3A_82[%swap3A_83, %swap3A_84], %swap3A_87 {strides = array<i32>} : memref<128x128xf32, #tpu.memory_space<vmem>>, vector<1x16xf32>,
        %swap3A_88 = arith.constant 0 : i32
        %swap3A_89 = arith.constant 0 : i32
        %swap3A_90 = tpu.memref_slice %arg10[%scan3A_29, %swap3A_88, %swap3A_89] : memref<2x128x128xf32, #tpu.memory_space<vmem>> -> memref<1x128x128xf32, #tpu.memory_space<vmem>>
        %swap3A_91 = tpu.memref_squeeze %swap3A_90 : memref<1x128x128xf32, #tpu.memory_space<vmem>> -> memref<128x128xf32, #tpu.memory_space<vmem>>
        %swap3A_92 = arith.index_cast %scan3A_43 : i32 to index
        %swap3A_93 = arith.constant 80 : index
        %swap3A_94 = tpu.vector_load %swap3A_91[%swap3A_92, %swap3A_93] {strides = array<i32>} : memref<128x128xf32, #tpu.memory_space<vmem>>, vector<1x16xf32>,
        %swap3A_95 = vector.shape_cast %swap3A_94 : vector<1x16xf32> to vector<16xf32>
        %swap3A_96 = vector.shape_cast %broadcast_in_dim3A_28 : vector<16xf32> to vector<1x16xf32>
        tpu.vector_store %swap3A_91[%swap3A_92, %swap3A_93], %swap3A_96 {strides = array<i32>} : memref<128x128xf32, #tpu.memory_space<vmem>>, vector<1x16xf32>,
        %swap3A_97 = arith.constant 0 : i32
        %swap3A_98 = arith.constant 0 : i32
        %swap3A_99 = tpu.memref_slice %arg10[%scan3A_29, %swap3A_97, %swap3A_98] : memref<2x128x128xf32, #tpu.memory_space<vmem>> -> memref<1x128x128xf32, #tpu.memory_space<vmem>>
        %swap3A_100 = tpu.memref_squeeze %swap3A_99 : memref<1x128x128xf32, #tpu.memory_space<vmem>> -> memref<128x128xf32, #tpu.memory_space<vmem>>
        %swap3A_101 = arith.index_cast %scan3A_43 : i32 to index
        %swap3A_102 = arith.constant 96 : index
        %swap3A_103 = tpu.vector_load %swap3A_100[%swap3A_101, %swap3A_102] {strides = array<i32>} : memref<128x128xf32, #tpu.memory_space<vmem>>, vector<1x16xf32>,
        %swap3A_104 = vector.shape_cast %swap3A_103 : vector<1x16xf32> to vector<16xf32>
        %swap3A_105 = vector.shape_cast %broadcast_in_dim3A_28 : vector<16xf32> to vector<1x16xf32>
        tpu.vector_store %swap3A_100[%swap3A_101, %swap3A_102], %swap3A_105 {strides = array<i32>} : memref<128x128xf32, #tpu.memory_space<vmem>>, vector<1x16xf32>,
        %swap3A_106 = arith.constant 0 : i32
        %swap3A_107 = arith.constant 0 : i32
        %swap3A_108 = tpu.memref_slice %arg10[%scan3A_29, %swap3A_106, %swap3A_107] : memref<2x128x128xf32, #tpu.memory_space<vmem>> -> memref<1x128x128xf32, #tpu.memory_space<vmem>>
        %swap3A_109 = tpu.memref_squeeze %swap3A_108 : memref<1x128x128xf32, #tpu.memory_space<vmem>> -> memref<128x128xf32, #tpu.memory_space<vmem>>
        %swap3A_110 = arith.index_cast %scan3A_43 : i32 to index
        %swap3A_111 = arith.constant 112 : index
        %swap3A_112 = tpu.vector_load %swap3A_109[%swap3A_110, %swap3A_111] {strides = array<i32>} : memref<128x128xf32, #tpu.memory_space<vmem>>, vector<1x16xf32>,
        %swap3A_113 = vector.shape_cast %swap3A_112 : vector<1x16xf32> to vector<16xf32>
        %swap3A_114 = vector.shape_cast %broadcast_in_dim3A_28 : vector<16xf32> to vector<1x16xf32>
        tpu.vector_store %swap3A_109[%swap3A_110, %swap3A_111], %swap3A_114 {strides = array<i32>} : memref<128x128xf32, #tpu.memory_space<vmem>>, vector<1x16xf32>,
      }
      %scan3A_34 = arith.constant 128 : i32
      %mul3A = arith.constant 376 : i32
      %mul3A_35 = arith.muli %arg1, %mul3A : i32
      %add3A = arith.constant 0 : i32
      %add3A_36 = arith.addi %mul3A_35, %add3A : i32
      %run_scoped3A = arith.constant 0 : i32
      "tpu.region"() ({
        %run_scoped3A_43 = tpu.sem_alloc : memref<!tpu.dma_semaphore, #tpu.memory_space<semaphore_mem>>
        %dma_start3A = arith.constant 0 : i32
        %dma_start3A_44 = arith.constant 0 : i32
        %dma_start3A_45 = tpu.memref_slice %arg10[%run_scoped3A, %dma_start3A, %dma_start3A_44] : memref<2x128x128xf32, #tpu.memory_space<vmem>> -> memref<1x128x128xf32, #tpu.memory_space<vmem>>
        %dma_start3A_46 = tpu.memref_squeeze %dma_start3A_45 : memref<1x128x128xf32, #tpu.memory_space<vmem>> -> memref<128x128xf32, #tpu.memory_space<vmem>>
        %dma_start3A_47 = arith.constant 0 : i32
        %dma_start3A_48 = tpu.memref_slice %arg11[%add3A_36, %dma_start3A_47] : memref<6016x128xf32, #tpu.memory_space<vmem_shared>> -> memref<128x128xf32, #tpu.memory_space<vmem_shared>>
        %dma_start3A_49 = arith.constant 0 : i32
        %dma_start3A_50 = tpu.memref_slice %arg11[%add3A_36, %dma_start3A_49] : memref<6016x128xf32, #tpu.memory_space<vmem_shared>> -> memref<128x128xf32, #tpu.memory_space<vmem_shared>>
        %dma_start3A_51 = arith.constant 0 : i32
        %dma_start3A_52 = arith.constant 0 : i32
        %dma_start3A_53 = tpu.memref_slice %arg10[%run_scoped3A, %dma_start3A_51, %dma_start3A_52] : memref<2x128x128xf32, #tpu.memory_space<vmem>> -> memref<1x128x128xf32, #tpu.memory_space<vmem>>
        %dma_start3A_54 = tpu.memref_squeeze %dma_start3A_53 : memref<1x128x128xf32, #tpu.memory_space<vmem>> -> memref<128x128xf32, #tpu.memory_space<vmem>>
        tpu.enqueue_dma source(%dma_start3A_54 : memref<128x128xf32, #tpu.memory_space<vmem>>) target(%dma_start3A_50 : memref<128x128xf32, #tpu.memory_space<vmem_shared>>) target_semaphore(%run_scoped3A_43 : memref<!tpu.dma_semaphore, #tpu.memory_space<semaphore_mem>>)
        %dma_wait3A = arith.constant 0 : i32
        %dma_wait3A_55 = arith.constant 0 : i32
        %dma_wait3A_56 = tpu.memref_slice %arg10[%run_scoped3A, %dma_wait3A, %dma_wait3A_55] : memref<2x128x128xf32, #tpu.memory_space<vmem>> -> memref<1x128x128xf32, #tpu.memory_space<vmem>>
        %dma_wait3A_57 = tpu.memref_squeeze %dma_wait3A_56 : memref<1x128x128xf32, #tpu.memory_space<vmem>> -> memref<128x128xf32, #tpu.memory_space<vmem>>
        %dma_wait3A_58 = arith.constant 0 : i32
        %dma_wait3A_59 = tpu.memref_slice %arg11[%add3A_36, %dma_wait3A_58] : memref<6016x128xf32, #tpu.memory_space<vmem_shared>> -> memref<128x128xf32, #tpu.memory_space<vmem_shared>>
        %dma_wait3A_60 = arith.constant 0 : i32
        %dma_wait3A_61 = tpu.memref_slice %arg11[%add3A_36, %dma_wait3A_60] : memref<6016x128xf32, #tpu.memory_space<vmem_shared>> -> memref<128x128xf32, #tpu.memory_space<vmem_shared>>
        %dma_wait3A_62 = arith.constant 0 : i32
        %dma_wait3A_63 = arith.constant 0 : i32
        %dma_wait3A_64 = tpu.memref_slice %arg10[%run_scoped3A, %dma_wait3A_62, %dma_wait3A_63] : memref<2x128x128xf32, #tpu.memory_space<vmem>> -> memref<1x128x128xf32, #tpu.memory_space<vmem>>
        %dma_wait3A_65 = tpu.memref_squeeze %dma_wait3A_64 : memref<1x128x128xf32, #tpu.memory_space<vmem>> -> memref<128x128xf32, #tpu.memory_space<vmem>>
        tpu.wait_dma2 semaphore(%run_scoped3A_43 : memref<!tpu.dma_semaphore, #tpu.memory_space<semaphore_mem>>) src(%dma_wait3A_65 : memref<128x128xf32, #tpu.memory_space<vmem>>) dst(%dma_wait3A_61 : memref<128x128xf32, #tpu.memory_space<vmem_shared>>)
        tpu.yield
      }) : () -> ()
      %add3A_37 = arith.constant 128 : i32
      %add3A_38 = arith.addi %mul3A_35, %add3A_37 : i32
      %run_scoped3A_39 = arith.constant 0 : i32
      "tpu.region"() ({
        %run_scoped3A_43 = tpu.sem_alloc : memref<!tpu.dma_semaphore, #tpu.memory_space<semaphore_mem>>
        %dma_start3A = arith.constant 0 : i32
        %dma_start3A_44 = arith.constant 0 : i32
        %dma_start3A_45 = tpu.memref_slice %arg10[%run_scoped3A_39, %dma_start3A, %dma_start3A_44] : memref<2x128x128xf32, #tpu.memory_space<vmem>> -> memref<1x128x128xf32, #tpu.memory_space<vmem>>
        %dma_start3A_46 = tpu.memref_squeeze %dma_start3A_45 : memref<1x128x128xf32, #tpu.memory_space<vmem>> -> memref<128x128xf32, #tpu.memory_space<vmem>>
        %dma_start3A_47 = arith.constant 0 : i32
        %dma_start3A_48 = tpu.memref_slice %arg11[%add3A_38, %dma_start3A_47] : memref<6016x128xf32, #tpu.memory_space<vmem_shared>> -> memref<128x128xf32, #tpu.memory_space<vmem_shared>>
        %dma_start3A_49 = arith.constant 0 : i32
        %dma_start3A_50 = tpu.memref_slice %arg11[%add3A_38, %dma_start3A_49] : memref<6016x128xf32, #tpu.memory_space<vmem_shared>> -> memref<128x128xf32, #tpu.memory_space<vmem_shared>>
        %dma_start3A_51 = arith.constant 0 : i32
        %dma_start3A_52 = arith.constant 0 : i32
        %dma_start3A_53 = tpu.memref_slice %arg10[%run_scoped3A_39, %dma_start3A_51, %dma_start3A_52] : memref<2x128x128xf32, #tpu.memory_space<vmem>> -> memref<1x128x128xf32, #tpu.memory_space<vmem>>
        %dma_start3A_54 = tpu.memref_squeeze %dma_start3A_53 : memref<1x128x128xf32, #tpu.memory_space<vmem>> -> memref<128x128xf32, #tpu.memory_space<vmem>>
        tpu.enqueue_dma source(%dma_start3A_54 : memref<128x128xf32, #tpu.memory_space<vmem>>) target(%dma_start3A_50 : memref<128x128xf32, #tpu.memory_space<vmem_shared>>) target_semaphore(%run_scoped3A_43 : memref<!tpu.dma_semaphore, #tpu.memory_space<semaphore_mem>>)
        %dma_wait3A = arith.constant 0 : i32
        %dma_wait3A_55 = arith.constant 0 : i32
        %dma_wait3A_56 = tpu.memref_slice %arg10[%run_scoped3A_39, %dma_wait3A, %dma_wait3A_55] : memref<2x128x128xf32, #tpu.memory_space<vmem>> -> memref<1x128x128xf32, #tpu.memory_space<vmem>>
        %dma_wait3A_57 = tpu.memref_squeeze %dma_wait3A_56 : memref<1x128x128xf32, #tpu.memory_space<vmem>> -> memref<128x128xf32, #tpu.memory_space<vmem>>
        %dma_wait3A_58 = arith.constant 0 : i32
        %dma_wait3A_59 = tpu.memref_slice %arg11[%add3A_38, %dma_wait3A_58] : memref<6016x128xf32, #tpu.memory_space<vmem_shared>> -> memref<128x128xf32, #tpu.memory_space<vmem_shared>>
        %dma_wait3A_60 = arith.constant 0 : i32
        %dma_wait3A_61 = tpu.memref_slice %arg11[%add3A_38, %dma_wait3A_60] : memref<6016x128xf32, #tpu.memory_space<vmem_shared>> -> memref<128x128xf32, #tpu.memory_space<vmem_shared>>
        %dma_wait3A_62 = arith.constant 0 : i32
        %dma_wait3A_63 = arith.constant 0 : i32
        %dma_wait3A_64 = tpu.memref_slice %arg10[%run_scoped3A_39, %dma_wait3A_62, %dma_wait3A_63] : memref<2x128x128xf32, #tpu.memory_space<vmem>> -> memref<1x128x128xf32, #tpu.memory_space<vmem>>
        %dma_wait3A_65 = tpu.memref_squeeze %dma_wait3A_64 : memref<1x128x128xf32, #tpu.memory_space<vmem>> -> memref<128x128xf32, #tpu.memory_space<vmem>>
        tpu.wait_dma2 semaphore(%run_scoped3A_43 : memref<!tpu.dma_semaphore, #tpu.memory_space<semaphore_mem>>) src(%dma_wait3A_65 : memref<128x128xf32, #tpu.memory_space<vmem>>) dst(%dma_wait3A_61 : memref<128x128xf32, #tpu.memory_space<vmem_shared>>)
        tpu.yield
      }) : () -> ()
      %add3A_40 = arith.constant 256 : i32
      %add3A_41 = arith.addi %mul3A_35, %add3A_40 : i32
      %run_scoped3A_42 = arith.constant 0 : i32
      "tpu.region"() ({
        %run_scoped3A_43 = tpu.sem_alloc : memref<!tpu.dma_semaphore, #tpu.memory_space<semaphore_mem>>
        %dma_start3A = arith.constant 0 : i32
        %dma_start3A_44 = arith.constant 0 : i32
        %dma_start3A_45 = tpu.memref_slice %arg10[%run_scoped3A_42, %dma_start3A, %dma_start3A_44] : memref<2x128x128xf32, #tpu.memory_space<vmem>> -> memref<1x128x128xf32, #tpu.memory_space<vmem>>
        %dma_start3A_46 = tpu.memref_squeeze %dma_start3A_45 : memref<1x128x128xf32, #tpu.memory_space<vmem>> -> memref<128x128xf32, #tpu.memory_space<vmem>>
        %dma_start3A_47 = arith.constant 0 : i32
        %dma_start3A_48 = arith.constant 0 : i32
        %dma_start3A_49 = tpu.memref_slice %dma_start3A_46[%dma_start3A_47, %dma_start3A_48] : memref<128x128xf32, #tpu.memory_space<vmem>> -> memref<120x128xf32, #tpu.memory_space<vmem>>
        %dma_start3A_50 = arith.constant 0 : i32
        %dma_start3A_51 = tpu.memref_slice %arg11[%add3A_41, %dma_start3A_50] : memref<6016x128xf32, #tpu.memory_space<vmem_shared>> -> memref<120x128xf32, #tpu.memory_space<vmem_shared>>
        %dma_start3A_52 = arith.constant 0 : i32
        %dma_start3A_53 = tpu.memref_slice %arg11[%add3A_41, %dma_start3A_52] : memref<6016x128xf32, #tpu.memory_space<vmem_shared>> -> memref<120x128xf32, #tpu.memory_space<vmem_shared>>
        %dma_start3A_54 = arith.constant 0 : i32
        %dma_start3A_55 = arith.constant 0 : i32
        %dma_start3A_56 = tpu.memref_slice %arg10[%run_scoped3A_42, %dma_start3A_54, %dma_start3A_55] : memref<2x128x128xf32, #tpu.memory_space<vmem>> -> memref<1x128x128xf32, #tpu.memory_space<vmem>>
        %dma_start3A_57 = tpu.memref_squeeze %dma_start3A_56 : memref<1x128x128xf32, #tpu.memory_space<vmem>> -> memref<128x128xf32, #tpu.memory_space<vmem>>
        %dma_start3A_58 = arith.constant 0 : i32
        %dma_start3A_59 = arith.constant 0 : i32
        %dma_start3A_60 = tpu.memref_slice %dma_start3A_57[%dma_start3A_58, %dma_start3A_59] : memref<128x128xf32, #tpu.memory_space<vmem>> -> memref<120x128xf32, #tpu.memory_space<vmem>>
        tpu.enqueue_dma source(%dma_start3A_60 : memref<120x128xf32, #tpu.memory_space<vmem>>) target(%dma_start3A_53 : memref<120x128xf32, #tpu.memory_space<vmem_shared>>) target_semaphore(%run_scoped3A_43 : memref<!tpu.dma_semaphore, #tpu.memory_space<semaphore_mem>>)
        %dma_wait3A = arith.constant 0 : i32
        %dma_wait3A_61 = arith.constant 0 : i32
        %dma_wait3A_62 = tpu.memref_slice %arg10[%run_scoped3A_42, %dma_wait3A, %dma_wait3A_61] : memref<2x128x128xf32, #tpu.memory_space<vmem>> -> memref<1x128x128xf32, #tpu.memory_space<vmem>>
        %dma_wait3A_63 = tpu.memref_squeeze %dma_wait3A_62 : memref<1x128x128xf32, #tpu.memory_space<vmem>> -> memref<128x128xf32, #tpu.memory_space<vmem>>
        %dma_wait3A_64 = arith.constant 0 : i32
        %dma_wait3A_65 = arith.constant 0 : i32
        %dma_wait3A_66 = tpu.memref_slice %dma_wait3A_63[%dma_wait3A_64, %dma_wait3A_65] : memref<128x128xf32, #tpu.memory_space<vmem>> -> memref<120x128xf32, #tpu.memory_space<vmem>>
        %dma_wait3A_67 = arith.constant 0 : i32
        %dma_wait3A_68 = tpu.memref_slice %arg11[%add3A_41, %dma_wait3A_67] : memref<6016x128xf32, #tpu.memory_space<vmem_shared>> -> memref<120x128xf32, #tpu.memory_space<vmem_shared>>
        %dma_wait3A_69 = arith.constant 0 : i32
        %dma_wait3A_70 = tpu.memref_slice %arg11[%add3A_41, %dma_wait3A_69] : memref<6016x128xf32, #tpu.memory_space<vmem_shared>> -> memref<120x128xf32, #tpu.memory_space<vmem_shared>>
        %dma_wait3A_71 = arith.constant 0 : i32
        %dma_wait3A_72 = arith.constant 0 : i32
        %dma_wait3A_73 = tpu.memref_slice %arg10[%run_scoped3A_42, %dma_wait3A_71, %dma_wait3A_72] : memref<2x128x128xf32, #tpu.memory_space<vmem>> -> memref<1x128x128xf32, #tpu.memory_space<vmem>>
        %dma_wait3A_74 = tpu.memref_squeeze %dma_wait3A_73 : memref<1x128x128xf32, #tpu.memory_space<vmem>> -> memref<128x128xf32, #tpu.memory_space<vmem>>
        %dma_wait3A_75 = arith.constant 0 : i32
        %dma_wait3A_76 = arith.constant 0 : i32
        %dma_wait3A_77 = tpu.memref_slice %dma_wait3A_74[%dma_wait3A_75, %dma_wait3A_76] : memref<128x128xf32, #tpu.memory_space<vmem>> -> memref<120x128xf32, #tpu.memory_space<vmem>>
        tpu.wait_dma2 semaphore(%run_scoped3A_43 : memref<!tpu.dma_semaphore, #tpu.memory_space<semaphore_mem>>) src(%dma_wait3A_77 : memref<120x128xf32, #tpu.memory_space<vmem>>) dst(%dma_wait3A_70 : memref<120x128xf32, #tpu.memory_space<vmem_shared>>)
        tpu.yield
      }) : () -> ()
      "tpu.region"() ({
        %run_scoped3A_43 = tpu.sem_alloc : memref<!tpu.dma_semaphore, #tpu.memory_space<semaphore_mem>>
        %dma_start3A = arith.constant 0 : i32
        %dma_start3A_44 = arith.constant 0 : i32
        %dma_start3A_45 = tpu.memref_slice %arg5[%arg1, %dma_start3A, %dma_start3A_44] : memref<16x160x128xi32, #tpu.memory_space<hbm>> -> memref<1x160x128xi32, #tpu.memory_space<hbm>>
        %dma_start3A_46 = tpu.memref_squeeze %dma_start3A_45 : memref<1x160x128xi32, #tpu.memory_space<hbm>> -> memref<160x128xi32, #tpu.memory_space<hbm>>
        %dma_start3A_47 = arith.constant 0 : i32
        %dma_start3A_48 = arith.constant 0 : i32
        %dma_start3A_49 = tpu.memref_slice %arg5[%arg1, %dma_start3A_47, %dma_start3A_48] : memref<16x160x128xi32, #tpu.memory_space<hbm>> -> memref<1x160x128xi32, #tpu.memory_space<hbm>>
        %dma_start3A_50 = tpu.memref_squeeze %dma_start3A_49 : memref<1x160x128xi32, #tpu.memory_space<hbm>> -> memref<160x128xi32, #tpu.memory_space<hbm>>
        tpu.enqueue_dma source(%dma_start3A_50 : memref<160x128xi32, #tpu.memory_space<hbm>>) target(%arg8 : memref<160x128xi32, #tpu.memory_space<vmem>>) target_semaphore(%run_scoped3A_43 : memref<!tpu.dma_semaphore, #tpu.memory_space<semaphore_mem>>)
        %dma_wait3A = arith.constant 0 : i32
        %dma_wait3A_51 = arith.constant 0 : i32
        %dma_wait3A_52 = tpu.memref_slice %arg5[%arg1, %dma_wait3A, %dma_wait3A_51] : memref<16x160x128xi32, #tpu.memory_space<hbm>> -> memref<1x160x128xi32, #tpu.memory_space<hbm>>
        %dma_wait3A_53 = tpu.memref_squeeze %dma_wait3A_52 : memref<1x160x128xi32, #tpu.memory_space<hbm>> -> memref<160x128xi32, #tpu.memory_space<hbm>>
        %dma_wait3A_54 = arith.constant 0 : i32
        %dma_wait3A_55 = arith.constant 0 : i32
        %dma_wait3A_56 = tpu.memref_slice %arg5[%arg1, %dma_wait3A_54, %dma_wait3A_55] : memref<16x160x128xi32, #tpu.memory_space<hbm>> -> memref<1x160x128xi32, #tpu.memory_space<hbm>>
        %dma_wait3A_57 = tpu.memref_squeeze %dma_wait3A_56 : memref<1x160x128xi32, #tpu.memory_space<hbm>> -> memref<160x128xi32, #tpu.memory_space<hbm>>
        tpu.wait_dma2 semaphore(%run_scoped3A_43 : memref<!tpu.dma_semaphore, #tpu.memory_space<semaphore_mem>>) src(%dma_wait3A_57 : memref<160x128xi32, #tpu.memory_space<hbm>>) dst(%arg8 : memref<160x128xi32, #tpu.memory_space<vmem>>)
        tpu.yield
      }) : () -> ()
      "tpu.region"() ({
        %run_scoped3A_43 = tpu.sem_alloc : memref<!tpu.dma_semaphore, #tpu.memory_space<semaphore_mem>>
        %dma_start3A = arith.constant 0 : i32
        %dma_start3A_44 = arith.constant 0 : i32
        %dma_start3A_45 = tpu.memref_slice %arg4[%arg1, %dma_start3A, %dma_start3A_44] : memref<16x160x128xi32, #tpu.memory_space<hbm>> -> memref<1x160x128xi32, #tpu.memory_space<hbm>>
        %dma_start3A_46 = tpu.memref_squeeze %dma_start3A_45 : memref<1x160x128xi32, #tpu.memory_space<hbm>> -> memref<160x128xi32, #tpu.memory_space<hbm>>
        %dma_start3A_47 = arith.constant 0 : i32
        %dma_start3A_48 = arith.constant 0 : i32
        %dma_start3A_49 = tpu.memref_slice %arg4[%arg1, %dma_start3A_47, %dma_start3A_48] : memref<16x160x128xi32, #tpu.memory_space<hbm>> -> memref<1x160x128xi32, #tpu.memory_space<hbm>>
        %dma_start3A_50 = tpu.memref_squeeze %dma_start3A_49 : memref<1x160x128xi32, #tpu.memory_space<hbm>> -> memref<160x128xi32, #tpu.memory_space<hbm>>
        tpu.enqueue_dma source(%dma_start3A_50 : memref<160x128xi32, #tpu.memory_space<hbm>>) target(%arg9 : memref<160x128xi32, #tpu.memory_space<vmem>>) target_semaphore(%run_scoped3A_43 : memref<!tpu.dma_semaphore, #tpu.memory_space<semaphore_mem>>)
        %dma_wait3A = arith.constant 0 : i32
        %dma_wait3A_51 = arith.constant 0 : i32
        %dma_wait3A_52 = tpu.memref_slice %arg4[%arg1, %dma_wait3A, %dma_wait3A_51] : memref<16x160x128xi32, #tpu.memory_space<hbm>> -> memref<1x160x128xi32, #tpu.memory_space<hbm>>
        %dma_wait3A_53 = tpu.memref_squeeze %dma_wait3A_52 : memref<1x160x128xi32, #tpu.memory_space<hbm>> -> memref<160x128xi32, #tpu.memory_space<hbm>>
        %dma_wait3A_54 = arith.constant 0 : i32
        %dma_wait3A_55 = arith.constant 0 : i32
        %dma_wait3A_56 = tpu.memref_slice %arg4[%arg1, %dma_wait3A_54, %dma_wait3A_55] : memref<16x160x128xi32, #tpu.memory_space<hbm>> -> memref<1x160x128xi32, #tpu.memory_space<hbm>>
        %dma_wait3A_57 = tpu.memref_squeeze %dma_wait3A_56 : memref<1x160x128xi32, #tpu.memory_space<hbm>> -> memref<160x128xi32, #tpu.memory_space<hbm>>
        tpu.wait_dma2 semaphore(%run_scoped3A_43 : memref<!tpu.dma_semaphore, #tpu.memory_space<semaphore_mem>>) src(%dma_wait3A_57 : memref<160x128xi32, #tpu.memory_space<hbm>>) dst(%arg9 : memref<160x128xi32, #tpu.memory_space<vmem>>)
        tpu.yield
      }) : () -> ()
    } else {
    }
    %eq3A_2 = arith.constant 1 : i32
    %eq3A_3 = arith.cmpi eq, %arg0, %eq3A_2 : i32
    %convert_element_type3A_4 = arith.extui %eq3A_3 : i1 to i32
    %cond3A_5 = arith.constant 0 : i32
    %cond3A_6 = arith.cmpi ne, %convert_element_type3A_4, %cond3A_5 : i32
    scf.if %cond3A_6 {
      %broadcast_in_dim3A = arith.constant 0.000000e+00 : f32
      %broadcast_in_dim3A_28 = vector.broadcast %broadcast_in_dim3A : f32 to vector<16xf32>
      %scan3A = arith.constant 0 : i32
      %scan3A_29 = arith.constant 0 : i32
      %scan3A_30 = arith.constant 0 : i32
      %scan3A_31 = arith.constant 128 : i32
      %scan3A_32 = arith.addi %scan3A_30, %scan3A_31 : i32
      %scan3A_33 = arith.constant 1 : i32
      scf.for %scan3A_40 = %scan3A_30 to %scan3A_32 step %scan3A_33  : i32 {
        %swap3A = arith.constant 0 : i32
        %swap3A_41 = arith.constant 0 : i32
        %swap3A_42 = tpu.memref_slice %arg10[%scan3A_29, %swap3A, %swap3A_41] : memref<2x128x128xf32, #tpu.memory_space<vmem>> -> memref<1x128x128xf32, #tpu.memory_space<vmem>>
        %swap3A_43 = tpu.memref_squeeze %swap3A_42 : memref<1x128x128xf32, #tpu.memory_space<vmem>> -> memref<128x128xf32, #tpu.memory_space<vmem>>
        %swap3A_44 = arith.index_cast %scan3A_40 : i32 to index
        %swap3A_45 = arith.constant 0 : index
        %swap3A_46 = tpu.vector_load %swap3A_43[%swap3A_44, %swap3A_45] {strides = array<i32>} : memref<128x128xf32, #tpu.memory_space<vmem>>, vector<1x16xf32>,
        %swap3A_47 = vector.shape_cast %swap3A_46 : vector<1x16xf32> to vector<16xf32>
        %swap3A_48 = vector.shape_cast %broadcast_in_dim3A_28 : vector<16xf32> to vector<1x16xf32>
        tpu.vector_store %swap3A_43[%swap3A_44, %swap3A_45], %swap3A_48 {strides = array<i32>} : memref<128x128xf32, #tpu.memory_space<vmem>>, vector<1x16xf32>,
        %swap3A_49 = arith.constant 0 : i32
        %swap3A_50 = arith.constant 0 : i32
        %swap3A_51 = tpu.memref_slice %arg10[%scan3A_29, %swap3A_49, %swap3A_50] : memref<2x128x128xf32, #tpu.memory_space<vmem>> -> memref<1x128x128xf32, #tpu.memory_space<vmem>>
        %swap3A_52 = tpu.memref_squeeze %swap3A_51 : memref<1x128x128xf32, #tpu.memory_space<vmem>> -> memref<128x128xf32, #tpu.memory_space<vmem>>
        %swap3A_53 = arith.index_cast %scan3A_40 : i32 to index
        %swap3A_54 = arith.constant 16 : index
        %swap3A_55 = tpu.vector_load %swap3A_52[%swap3A_53, %swap3A_54] {strides = array<i32>} : memref<128x128xf32, #tpu.memory_space<vmem>>, vector<1x16xf32>,
        %swap3A_56 = vector.shape_cast %swap3A_55 : vector<1x16xf32> to vector<16xf32>
        %swap3A_57 = vector.shape_cast %broadcast_in_dim3A_28 : vector<16xf32> to vector<1x16xf32>
        tpu.vector_store %swap3A_52[%swap3A_53, %swap3A_54], %swap3A_57 {strides = array<i32>} : memref<128x128xf32, #tpu.memory_space<vmem>>, vector<1x16xf32>,
        %swap3A_58 = arith.constant 0 : i32
        %swap3A_59 = arith.constant 0 : i32
        %swap3A_60 = tpu.memref_slice %arg10[%scan3A_29, %swap3A_58, %swap3A_59] : memref<2x128x128xf32, #tpu.memory_space<vmem>> -> memref<1x128x128xf32, #tpu.memory_space<vmem>>
        %swap3A_61 = tpu.memref_squeeze %swap3A_60 : memref<1x128x128xf32, #tpu.memory_space<vmem>> -> memref<128x128xf32, #tpu.memory_space<vmem>>
        %swap3A_62 = arith.index_cast %scan3A_40 : i32 to index
        %swap3A_63 = arith.constant 32 : index
        %swap3A_64 = tpu.vector_load %swap3A_61[%swap3A_62, %swap3A_63] {strides = array<i32>} : memref<128x128xf32, #tpu.memory_space<vmem>>, vector<1x16xf32>,
        %swap3A_65 = vector.shape_cast %swap3A_64 : vector<1x16xf32> to vector<16xf32>
        %swap3A_66 = vector.shape_cast %broadcast_in_dim3A_28 : vector<16xf32> to vector<1x16xf32>
        tpu.vector_store %swap3A_61[%swap3A_62, %swap3A_63], %swap3A_66 {strides = array<i32>} : memref<128x128xf32, #tpu.memory_space<vmem>>, vector<1x16xf32>,
        %swap3A_67 = arith.constant 0 : i32
        %swap3A_68 = arith.constant 0 : i32
        %swap3A_69 = tpu.memref_slice %arg10[%scan3A_29, %swap3A_67, %swap3A_68] : memref<2x128x128xf32, #tpu.memory_space<vmem>> -> memref<1x128x128xf32, #tpu.memory_space<vmem>>
        %swap3A_70 = tpu.memref_squeeze %swap3A_69 : memref<1x128x128xf32, #tpu.memory_space<vmem>> -> memref<128x128xf32, #tpu.memory_space<vmem>>
        %swap3A_71 = arith.index_cast %scan3A_40 : i32 to index
        %swap3A_72 = arith.constant 48 : index
        %swap3A_73 = tpu.vector_load %swap3A_70[%swap3A_71, %swap3A_72] {strides = array<i32>} : memref<128x128xf32, #tpu.memory_space<vmem>>, vector<1x16xf32>,
        %swap3A_74 = vector.shape_cast %swap3A_73 : vector<1x16xf32> to vector<16xf32>
        %swap3A_75 = vector.shape_cast %broadcast_in_dim3A_28 : vector<16xf32> to vector<1x16xf32>
        tpu.vector_store %swap3A_70[%swap3A_71, %swap3A_72], %swap3A_75 {strides = array<i32>} : memref<128x128xf32, #tpu.memory_space<vmem>>, vector<1x16xf32>,
        %swap3A_76 = arith.constant 0 : i32
        %swap3A_77 = arith.constant 0 : i32
        %swap3A_78 = tpu.memref_slice %arg10[%scan3A_29, %swap3A_76, %swap3A_77] : memref<2x128x128xf32, #tpu.memory_space<vmem>> -> memref<1x128x128xf32, #tpu.memory_space<vmem>>
        %swap3A_79 = tpu.memref_squeeze %swap3A_78 : memref<1x128x128xf32, #tpu.memory_space<vmem>> -> memref<128x128xf32, #tpu.memory_space<vmem>>
        %swap3A_80 = arith.index_cast %scan3A_40 : i32 to index
        %swap3A_81 = arith.constant 64 : index
        %swap3A_82 = tpu.vector_load %swap3A_79[%swap3A_80, %swap3A_81] {strides = array<i32>} : memref<128x128xf32, #tpu.memory_space<vmem>>, vector<1x16xf32>,
        %swap3A_83 = vector.shape_cast %swap3A_82 : vector<1x16xf32> to vector<16xf32>
        %swap3A_84 = vector.shape_cast %broadcast_in_dim3A_28 : vector<16xf32> to vector<1x16xf32>
        tpu.vector_store %swap3A_79[%swap3A_80, %swap3A_81], %swap3A_84 {strides = array<i32>} : memref<128x128xf32, #tpu.memory_space<vmem>>, vector<1x16xf32>,
        %swap3A_85 = arith.constant 0 : i32
        %swap3A_86 = arith.constant 0 : i32
        %swap3A_87 = tpu.memref_slice %arg10[%scan3A_29, %swap3A_85, %swap3A_86] : memref<2x128x128xf32, #tpu.memory_space<vmem>> -> memref<1x128x128xf32, #tpu.memory_space<vmem>>
        %swap3A_88 = tpu.memref_squeeze %swap3A_87 : memref<1x128x128xf32, #tpu.memory_space<vmem>> -> memref<128x128xf32, #tpu.memory_space<vmem>>
        %swap3A_89 = arith.index_cast %scan3A_40 : i32 to index
        %swap3A_90 = arith.constant 80 : index
        %swap3A_91 = tpu.vector_load %swap3A_88[%swap3A_89, %swap3A_90] {strides = array<i32>} : memref<128x128xf32, #tpu.memory_space<vmem>>, vector<1x16xf32>,
        %swap3A_92 = vector.shape_cast %swap3A_91 : vector<1x16xf32> to vector<16xf32>
        %swap3A_93 = vector.shape_cast %broadcast_in_dim3A_28 : vector<16xf32> to vector<1x16xf32>
        tpu.vector_store %swap3A_88[%swap3A_89, %swap3A_90], %swap3A_93 {strides = array<i32>} : memref<128x128xf32, #tpu.memory_space<vmem>>, vector<1x16xf32>,
        %swap3A_94 = arith.constant 0 : i32
        %swap3A_95 = arith.constant 0 : i32
        %swap3A_96 = tpu.memref_slice %arg10[%scan3A_29, %swap3A_94, %swap3A_95] : memref<2x128x128xf32, #tpu.memory_space<vmem>> -> memref<1x128x128xf32, #tpu.memory_space<vmem>>
        %swap3A_97 = tpu.memref_squeeze %swap3A_96 : memref<1x128x128xf32, #tpu.memory_space<vmem>> -> memref<128x128xf32, #tpu.memory_space<vmem>>
        %swap3A_98 = arith.index_cast %scan3A_40 : i32 to index
        %swap3A_99 = arith.constant 96 : index
        %swap3A_100 = tpu.vector_load %swap3A_97[%swap3A_98, %swap3A_99] {strides = array<i32>} : memref<128x128xf32, #tpu.memory_space<vmem>>, vector<1x16xf32>,
        %swap3A_101 = vector.shape_cast %swap3A_100 : vector<1x16xf32> to vector<16xf32>
        %swap3A_102 = vector.shape_cast %broadcast_in_dim3A_28 : vector<16xf32> to vector<1x16xf32>
        tpu.vector_store %swap3A_97[%swap3A_98, %swap3A_99], %swap3A_102 {strides = array<i32>} : memref<128x128xf32, #tpu.memory_space<vmem>>, vector<1x16xf32>,
        %swap3A_103 = arith.constant 0 : i32
        %swap3A_104 = arith.constant 0 : i32
        %swap3A_105 = tpu.memref_slice %arg10[%scan3A_29, %swap3A_103, %swap3A_104] : memref<2x128x128xf32, #tpu.memory_space<vmem>> -> memref<1x128x128xf32, #tpu.memory_space<vmem>>
        %swap3A_106 = tpu.memref_squeeze %swap3A_105 : memref<1x128x128xf32, #tpu.memory_space<vmem>> -> memref<128x128xf32, #tpu.memory_space<vmem>>
        %swap3A_107 = arith.index_cast %scan3A_40 : i32 to index
        %swap3A_108 = arith.constant 112 : index
        %swap3A_109 = tpu.vector_load %swap3A_106[%swap3A_107, %swap3A_108] {strides = array<i32>} : memref<128x128xf32, #tpu.memory_space<vmem>>, vector<1x16xf32>,
        %swap3A_110 = vector.shape_cast %swap3A_109 : vector<1x16xf32> to vector<16xf32>
        %swap3A_111 = vector.shape_cast %broadcast_in_dim3A_28 : vector<16xf32> to vector<1x16xf32>
        tpu.vector_store %swap3A_106[%swap3A_107, %swap3A_108], %swap3A_111 {strides = array<i32>} : memref<128x128xf32, #tpu.memory_space<vmem>>, vector<1x16xf32>,
      }
      %scan3A_34 = arith.constant 128 : i32
      %mul3A = arith.constant 256 : i32
      %mul3A_35 = arith.muli %arg1, %mul3A : i32
      %add3A = arith.constant 0 : i32
      %add3A_36 = arith.addi %mul3A_35, %add3A : i32
      %run_scoped3A = arith.constant 0 : i32
      "tpu.region"() ({
        %run_scoped3A_40 = tpu.sem_alloc : memref<!tpu.dma_semaphore, #tpu.memory_space<semaphore_mem>>
        %dma_start3A = arith.constant 0 : i32
        %dma_start3A_41 = arith.constant 0 : i32
        %dma_start3A_42 = tpu.memref_slice %arg10[%run_scoped3A, %dma_start3A, %dma_start3A_41] : memref<2x128x128xf32, #tpu.memory_space<vmem>> -> memref<1x128x128xf32, #tpu.memory_space<vmem>>
        %dma_start3A_43 = tpu.memref_squeeze %dma_start3A_42 : memref<1x128x128xf32, #tpu.memory_space<vmem>> -> memref<128x128xf32, #tpu.memory_space<vmem>>
        %dma_start3A_44 = arith.constant 0 : i32
        %dma_start3A_45 = tpu.memref_slice %arg11[%add3A_36, %dma_start3A_44] : memref<6016x128xf32, #tpu.memory_space<vmem_shared>> -> memref<128x128xf32, #tpu.memory_space<vmem_shared>>
        %dma_start3A_46 = arith.constant 0 : i32
        %dma_start3A_47 = tpu.memref_slice %arg11[%add3A_36, %dma_start3A_46] : memref<6016x128xf32, #tpu.memory_space<vmem_shared>> -> memref<128x128xf32, #tpu.memory_space<vmem_shared>>
        %dma_start3A_48 = arith.constant 0 : i32
        %dma_start3A_49 = arith.constant 0 : i32
        %dma_start3A_50 = tpu.memref_slice %arg10[%run_scoped3A, %dma_start3A_48, %dma_start3A_49] : memref<2x128x128xf32, #tpu.memory_space<vmem>> -> memref<1x128x128xf32, #tpu.memory_space<vmem>>
        %dma_start3A_51 = tpu.memref_squeeze %dma_start3A_50 : memref<1x128x128xf32, #tpu.memory_space<vmem>> -> memref<128x128xf32, #tpu.memory_space<vmem>>
        tpu.enqueue_dma source(%dma_start3A_51 : memref<128x128xf32, #tpu.memory_space<vmem>>) target(%dma_start3A_47 : memref<128x128xf32, #tpu.memory_space<vmem_shared>>) target_semaphore(%run_scoped3A_40 : memref<!tpu.dma_semaphore, #tpu.memory_space<semaphore_mem>>)
        %dma_wait3A = arith.constant 0 : i32
        %dma_wait3A_52 = arith.constant 0 : i32
        %dma_wait3A_53 = tpu.memref_slice %arg10[%run_scoped3A, %dma_wait3A, %dma_wait3A_52] : memref<2x128x128xf32, #tpu.memory_space<vmem>> -> memref<1x128x128xf32, #tpu.memory_space<vmem>>
        %dma_wait3A_54 = tpu.memref_squeeze %dma_wait3A_53 : memref<1x128x128xf32, #tpu.memory_space<vmem>> -> memref<128x128xf32, #tpu.memory_space<vmem>>
        %dma_wait3A_55 = arith.constant 0 : i32
        %dma_wait3A_56 = tpu.memref_slice %arg11[%add3A_36, %dma_wait3A_55] : memref<6016x128xf32, #tpu.memory_space<vmem_shared>> -> memref<128x128xf32, #tpu.memory_space<vmem_shared>>
        %dma_wait3A_57 = arith.constant 0 : i32
        %dma_wait3A_58 = tpu.memref_slice %arg11[%add3A_36, %dma_wait3A_57] : memref<6016x128xf32, #tpu.memory_space<vmem_shared>> -> memref<128x128xf32, #tpu.memory_space<vmem_shared>>
        %dma_wait3A_59 = arith.constant 0 : i32
        %dma_wait3A_60 = arith.constant 0 : i32
        %dma_wait3A_61 = tpu.memref_slice %arg10[%run_scoped3A, %dma_wait3A_59, %dma_wait3A_60] : memref<2x128x128xf32, #tpu.memory_space<vmem>> -> memref<1x128x128xf32, #tpu.memory_space<vmem>>
        %dma_wait3A_62 = tpu.memref_squeeze %dma_wait3A_61 : memref<1x128x128xf32, #tpu.memory_space<vmem>> -> memref<128x128xf32, #tpu.memory_space<vmem>>
        tpu.wait_dma2 semaphore(%run_scoped3A_40 : memref<!tpu.dma_semaphore, #tpu.memory_space<semaphore_mem>>) src(%dma_wait3A_62 : memref<128x128xf32, #tpu.memory_space<vmem>>) dst(%dma_wait3A_58 : memref<128x128xf32, #tpu.memory_space<vmem_shared>>)
        tpu.yield
      }) : () -> ()
      %add3A_37 = arith.constant 128 : i32
      %add3A_38 = arith.addi %mul3A_35, %add3A_37 : i32
      %run_scoped3A_39 = arith.constant 0 : i32
      "tpu.region"() ({
        %run_scoped3A_40 = tpu.sem_alloc : memref<!tpu.dma_semaphore, #tpu.memory_space<semaphore_mem>>
        %dma_start3A = arith.constant 0 : i32
        %dma_start3A_41 = arith.constant 0 : i32
        %dma_start3A_42 = tpu.memref_slice %arg10[%run_scoped3A_39, %dma_start3A, %dma_start3A_41] : memref<2x128x128xf32, #tpu.memory_space<vmem>> -> memref<1x128x128xf32, #tpu.memory_space<vmem>>
        %dma_start3A_43 = tpu.memref_squeeze %dma_start3A_42 : memref<1x128x128xf32, #tpu.memory_space<vmem>> -> memref<128x128xf32, #tpu.memory_space<vmem>>
        %dma_start3A_44 = arith.constant 0 : i32
        %dma_start3A_45 = tpu.memref_slice %arg11[%add3A_38, %dma_start3A_44] : memref<6016x128xf32, #tpu.memory_space<vmem_shared>> -> memref<128x128xf32, #tpu.memory_space<vmem_shared>>
        %dma_start3A_46 = arith.constant 0 : i32
        %dma_start3A_47 = tpu.memref_slice %arg11[%add3A_38, %dma_start3A_46] : memref<6016x128xf32, #tpu.memory_space<vmem_shared>> -> memref<128x128xf32, #tpu.memory_space<vmem_shared>>
        %dma_start3A_48 = arith.constant 0 : i32
        %dma_start3A_49 = arith.constant 0 : i32
        %dma_start3A_50 = tpu.memref_slice %arg10[%run_scoped3A_39, %dma_start3A_48, %dma_start3A_49] : memref<2x128x128xf32, #tpu.memory_space<vmem>> -> memref<1x128x128xf32, #tpu.memory_space<vmem>>
        %dma_start3A_51 = tpu.memref_squeeze %dma_start3A_50 : memref<1x128x128xf32, #tpu.memory_space<vmem>> -> memref<128x128xf32, #tpu.memory_space<vmem>>
        tpu.enqueue_dma source(%dma_start3A_51 : memref<128x128xf32, #tpu.memory_space<vmem>>) target(%dma_start3A_47 : memref<128x128xf32, #tpu.memory_space<vmem_shared>>) target_semaphore(%run_scoped3A_40 : memref<!tpu.dma_semaphore, #tpu.memory_space<semaphore_mem>>)
        %dma_wait3A = arith.constant 0 : i32
        %dma_wait3A_52 = arith.constant 0 : i32
        %dma_wait3A_53 = tpu.memref_slice %arg10[%run_scoped3A_39, %dma_wait3A, %dma_wait3A_52] : memref<2x128x128xf32, #tpu.memory_space<vmem>> -> memref<1x128x128xf32, #tpu.memory_space<vmem>>
        %dma_wait3A_54 = tpu.memref_squeeze %dma_wait3A_53 : memref<1x128x128xf32, #tpu.memory_space<vmem>> -> memref<128x128xf32, #tpu.memory_space<vmem>>
        %dma_wait3A_55 = arith.constant 0 : i32
        %dma_wait3A_56 = tpu.memref_slice %arg11[%add3A_38, %dma_wait3A_55] : memref<6016x128xf32, #tpu.memory_space<vmem_shared>> -> memref<128x128xf32, #tpu.memory_space<vmem_shared>>
        %dma_wait3A_57 = arith.constant 0 : i32
        %dma_wait3A_58 = tpu.memref_slice %arg11[%add3A_38, %dma_wait3A_57] : memref<6016x128xf32, #tpu.memory_space<vmem_shared>> -> memref<128x128xf32, #tpu.memory_space<vmem_shared>>
        %dma_wait3A_59 = arith.constant 0 : i32
        %dma_wait3A_60 = arith.constant 0 : i32
        %dma_wait3A_61 = tpu.memref_slice %arg10[%run_scoped3A_39, %dma_wait3A_59, %dma_wait3A_60] : memref<2x128x128xf32, #tpu.memory_space<vmem>> -> memref<1x128x128xf32, #tpu.memory_space<vmem>>
        %dma_wait3A_62 = tpu.memref_squeeze %dma_wait3A_61 : memref<1x128x128xf32, #tpu.memory_space<vmem>> -> memref<128x128xf32, #tpu.memory_space<vmem>>
        tpu.wait_dma2 semaphore(%run_scoped3A_40 : memref<!tpu.dma_semaphore, #tpu.memory_space<semaphore_mem>>) src(%dma_wait3A_62 : memref<128x128xf32, #tpu.memory_space<vmem>>) dst(%dma_wait3A_58 : memref<128x128xf32, #tpu.memory_space<vmem_shared>>)
        tpu.yield
      }) : () -> ()
      "tpu.region"() ({
        %run_scoped3A_40 = tpu.sem_alloc : memref<!tpu.dma_semaphore, #tpu.memory_space<semaphore_mem>>
        %dma_start3A = arith.constant 0 : i32
        %dma_start3A_41 = arith.constant 0 : i32
        %dma_start3A_42 = tpu.memref_slice %arg4[%arg1, %dma_start3A, %dma_start3A_41] : memref<16x160x128xi32, #tpu.memory_space<hbm>> -> memref<1x160x128xi32, #tpu.memory_space<hbm>>
        %dma_start3A_43 = tpu.memref_squeeze %dma_start3A_42 : memref<1x160x128xi32, #tpu.memory_space<hbm>> -> memref<160x128xi32, #tpu.memory_space<hbm>>
        %dma_start3A_44 = arith.constant 0 : i32
        %dma_start3A_45 = arith.constant 0 : i32
        %dma_start3A_46 = tpu.memref_slice %arg4[%arg1, %dma_start3A_44, %dma_start3A_45] : memref<16x160x128xi32, #tpu.memory_space<hbm>> -> memref<1x160x128xi32, #tpu.memory_space<hbm>>
        %dma_start3A_47 = tpu.memref_squeeze %dma_start3A_46 : memref<1x160x128xi32, #tpu.memory_space<hbm>> -> memref<160x128xi32, #tpu.memory_space<hbm>>
        tpu.enqueue_dma source(%dma_start3A_47 : memref<160x128xi32, #tpu.memory_space<hbm>>) target(%arg8 : memref<160x128xi32, #tpu.memory_space<vmem>>) target_semaphore(%run_scoped3A_40 : memref<!tpu.dma_semaphore, #tpu.memory_space<semaphore_mem>>)
        %dma_wait3A = arith.constant 0 : i32
        %dma_wait3A_48 = arith.constant 0 : i32
        %dma_wait3A_49 = tpu.memref_slice %arg4[%arg1, %dma_wait3A, %dma_wait3A_48] : memref<16x160x128xi32, #tpu.memory_space<hbm>> -> memref<1x160x128xi32, #tpu.memory_space<hbm>>
        %dma_wait3A_50 = tpu.memref_squeeze %dma_wait3A_49 : memref<1x160x128xi32, #tpu.memory_space<hbm>> -> memref<160x128xi32, #tpu.memory_space<hbm>>
        %dma_wait3A_51 = arith.constant 0 : i32
        %dma_wait3A_52 = arith.constant 0 : i32
        %dma_wait3A_53 = tpu.memref_slice %arg4[%arg1, %dma_wait3A_51, %dma_wait3A_52] : memref<16x160x128xi32, #tpu.memory_space<hbm>> -> memref<1x160x128xi32, #tpu.memory_space<hbm>>
        %dma_wait3A_54 = tpu.memref_squeeze %dma_wait3A_53 : memref<1x160x128xi32, #tpu.memory_space<hbm>> -> memref<160x128xi32, #tpu.memory_space<hbm>>
        tpu.wait_dma2 semaphore(%run_scoped3A_40 : memref<!tpu.dma_semaphore, #tpu.memory_space<semaphore_mem>>) src(%dma_wait3A_54 : memref<160x128xi32, #tpu.memory_space<hbm>>) dst(%arg8 : memref<160x128xi32, #tpu.memory_space<vmem>>)
        tpu.yield
      }) : () -> ()
      "tpu.region"() ({
        %run_scoped3A_40 = tpu.sem_alloc : memref<!tpu.dma_semaphore, #tpu.memory_space<semaphore_mem>>
        %dma_start3A = arith.constant 0 : i32
        %dma_start3A_41 = arith.constant 0 : i32
        %dma_start3A_42 = tpu.memref_slice %arg5[%arg1, %dma_start3A, %dma_start3A_41] : memref<16x160x128xi32, #tpu.memory_space<hbm>> -> memref<1x160x128xi32, #tpu.memory_space<hbm>>
        %dma_start3A_43 = tpu.memref_squeeze %dma_start3A_42 : memref<1x160x128xi32, #tpu.memory_space<hbm>> -> memref<160x128xi32, #tpu.memory_space<hbm>>
        %dma_start3A_44 = arith.constant 0 : i32
        %dma_start3A_45 = arith.constant 0 : i32
        %dma_start3A_46 = tpu.memref_slice %arg5[%arg1, %dma_start3A_44, %dma_start3A_45] : memref<16x160x128xi32, #tpu.memory_space<hbm>> -> memref<1x160x128xi32, #tpu.memory_space<hbm>>
        %dma_start3A_47 = tpu.memref_squeeze %dma_start3A_46 : memref<1x160x128xi32, #tpu.memory_space<hbm>> -> memref<160x128xi32, #tpu.memory_space<hbm>>
        tpu.enqueue_dma source(%dma_start3A_47 : memref<160x128xi32, #tpu.memory_space<hbm>>) target(%arg9 : memref<160x128xi32, #tpu.memory_space<vmem>>) target_semaphore(%run_scoped3A_40 : memref<!tpu.dma_semaphore, #tpu.memory_space<semaphore_mem>>)
        %dma_wait3A = arith.constant 0 : i32
        %dma_wait3A_48 = arith.constant 0 : i32
        %dma_wait3A_49 = tpu.memref_slice %arg5[%arg1, %dma_wait3A, %dma_wait3A_48] : memref<16x160x128xi32, #tpu.memory_space<hbm>> -> memref<1x160x128xi32, #tpu.memory_space<hbm>>
        %dma_wait3A_50 = tpu.memref_squeeze %dma_wait3A_49 : memref<1x160x128xi32, #tpu.memory_space<hbm>> -> memref<160x128xi32, #tpu.memory_space<hbm>>
        %dma_wait3A_51 = arith.constant 0 : i32
        %dma_wait3A_52 = arith.constant 0 : i32
        %dma_wait3A_53 = tpu.memref_slice %arg5[%arg1, %dma_wait3A_51, %dma_wait3A_52] : memref<16x160x128xi32, #tpu.memory_space<hbm>> -> memref<1x160x128xi32, #tpu.memory_space<hbm>>
        %dma_wait3A_54 = tpu.memref_squeeze %dma_wait3A_53 : memref<1x160x128xi32, #tpu.memory_space<hbm>> -> memref<160x128xi32, #tpu.memory_space<hbm>>
        tpu.wait_dma2 semaphore(%run_scoped3A_40 : memref<!tpu.dma_semaphore, #tpu.memory_space<semaphore_mem>>) src(%dma_wait3A_54 : memref<160x128xi32, #tpu.memory_space<hbm>>) dst(%arg9 : memref<160x128xi32, #tpu.memory_space<vmem>>)
        tpu.yield
      }) : () -> ()
    } else {
    }
    %barrier3A = arith.constant 0 : index
    tpu.barrier barrier_id(%barrier3A)
    %eq3A_7 = arith.constant 0 : i32
    %eq3A_8 = arith.cmpi eq, %arg0, %eq3A_7 : i32
    %convert_element_type3A_9 = arith.extui %eq3A_8 : i1 to i32
    %cond3A_10 = arith.constant 0 : i32
    %cond3A_11 = arith.cmpi ne, %convert_element_type3A_9, %cond3A_10 : i32
    scf.if %cond3A_11 {
      %dma_start3A = arith.constant 0 : i32
      %dma_start3A_28 = arith.constant 0 : i32
      %dma_start3A_29 = arith.constant 0 : i32
      %dma_start3A_30 = arith.constant 0 : i32
      %dma_start3A_31 = arith.constant 0 : i32
      %dma_start3A_32 = tpu.memref_slice %arg10[%dma_start3A_28, %dma_start3A_30, %dma_start3A_31] : memref<2x128x128xf32, #tpu.memory_space<vmem>> -> memref<1x128x128xf32, #tpu.memory_space<vmem>>
      %dma_start3A_33 = tpu.memref_squeeze %dma_start3A_32 : memref<1x128x128xf32, #tpu.memory_space<vmem>> -> memref<128x128xf32, #tpu.memory_space<vmem>>
      %dma_start3A_34 = arith.constant 0 : i32
      %dma_start3A_35 = tpu.memref_slice %arg8[%dma_start3A, %dma_start3A_34] : memref<160x128xi32, #tpu.memory_space<vmem>> -> memref<1x128xi32, #tpu.memory_space<vmem>>
      %dma_start3A_36 = tpu.memref_squeeze %dma_start3A_35 : memref<1x128xi32, #tpu.memory_space<vmem>> -> memref<128xi32, #tpu.memory_space<vmem>>
      %dma_start3A_37 = arith.constant 0 : i32
      %dma_start3A_38 = arith.constant 0 : i32
      %dma_start3A_39 = tpu.memref_slice %arg3[%dma_start3A_37, %dma_start3A_38] : memref<4096x128xf32, #tpu.memory_space<hbm>> -> memref<4096x128xf32, #tpu.memory_space<hbm>>
      %dma_start3A_40 = tpu.memref_slice %arg12[%dma_start3A_29] : memref<2x!tpu.dma_semaphore, #tpu.memory_space<semaphore_mem>> -> memref<1x!tpu.dma_semaphore, #tpu.memory_space<semaphore_mem>>
      %dma_start3A_41 = tpu.memref_squeeze %dma_start3A_40 : memref<1x!tpu.dma_semaphore, #tpu.memory_space<semaphore_mem>> -> memref<!tpu.dma_semaphore, #tpu.memory_space<semaphore_mem>>
      tpu.enqueue_indirect_dma source(%dma_start3A_39 : memref<4096x128xf32, #tpu.memory_space<hbm>>) target(%dma_start3A_33 : memref<128x128xf32, #tpu.memory_space<vmem>>) offsets(%dma_start3A_36 : memref<128xi32, #tpu.memory_space<vmem>>) semaphore(%dma_start3A_41 : memref<!tpu.dma_semaphore, #tpu.memory_space<semaphore_mem>>)
      %scan3A = arith.constant 0 : i32
      %scan3A_42 = arith.constant 0 : i32
      %scan3A_43 = arith.constant 80 : i32
      %scan3A_44 = arith.addi %scan3A_42, %scan3A_43 : i32
      %scan3A_45 = arith.constant 1 : i32
      scf.for %scan3A_47 = %scan3A_42 to %scan3A_44 step %scan3A_45  : i32 {
        %mul3A = arith.constant 2 : i32
        %mul3A_48 = arith.muli %scan3A_47, %mul3A : i32
        %add3A = arith.constant 1 : i32
        %add3A_49 = arith.addi %mul3A_48, %add3A : i32
        %dma_start3A_50 = arith.constant 1 : i32
        %dma_start3A_51 = arith.constant 1 : i32
        %dma_start3A_52 = arith.constant 0 : i32
        %dma_start3A_53 = arith.constant 0 : i32
        %dma_start3A_54 = tpu.memref_slice %arg10[%dma_start3A_50, %dma_start3A_52, %dma_start3A_53] : memref<2x128x128xf32, #tpu.memory_space<vmem>> -> memref<1x128x128xf32, #tpu.memory_space<vmem>>
        %dma_start3A_55 = tpu.memref_squeeze %dma_start3A_54 : memref<1x128x128xf32, #tpu.memory_space<vmem>> -> memref<128x128xf32, #tpu.memory_space<vmem>>
        %dma_start3A_56 = arith.constant 0 : i32
        %dma_start3A_57 = tpu.memref_slice %arg8[%add3A_49, %dma_start3A_56] : memref<160x128xi32, #tpu.memory_space<vmem>> -> memref<1x128xi32, #tpu.memory_space<vmem>>
        %dma_start3A_58 = tpu.memref_squeeze %dma_start3A_57 : memref<1x128xi32, #tpu.memory_space<vmem>> -> memref<128xi32, #tpu.memory_space<vmem>>
        %dma_start3A_59 = arith.constant 0 : i32
        %dma_start3A_60 = arith.constant 0 : i32
        %dma_start3A_61 = tpu.memref_slice %arg3[%dma_start3A_59, %dma_start3A_60] : memref<4096x128xf32, #tpu.memory_space<hbm>> -> memref<4096x128xf32, #tpu.memory_space<hbm>>
        %dma_start3A_62 = tpu.memref_slice %arg12[%dma_start3A_51] : memref<2x!tpu.dma_semaphore, #tpu.memory_space<semaphore_mem>> -> memref<1x!tpu.dma_semaphore, #tpu.memory_space<semaphore_mem>>
        %dma_start3A_63 = tpu.memref_squeeze %dma_start3A_62 : memref<1x!tpu.dma_semaphore, #tpu.memory_space<semaphore_mem>> -> memref<!tpu.dma_semaphore, #tpu.memory_space<semaphore_mem>>
        tpu.enqueue_indirect_dma source(%dma_start3A_61 : memref<4096x128xf32, #tpu.memory_space<hbm>>) target(%dma_start3A_55 : memref<128x128xf32, #tpu.memory_space<vmem>>) offsets(%dma_start3A_58 : memref<128xi32, #tpu.memory_space<vmem>>) semaphore(%dma_start3A_63 : memref<!tpu.dma_semaphore, #tpu.memory_space<semaphore_mem>>)
        %dma_wait3A = arith.constant 0 : i32
        %dma_wait3A_64 = arith.constant 0 : i32
        %dma_wait3A_65 = arith.constant 0 : i32
        %dma_wait3A_66 = arith.constant 0 : i32
        %dma_wait3A_67 = tpu.memref_slice %arg10[%dma_wait3A, %dma_wait3A_65, %dma_wait3A_66] : memref<2x128x128xf32, #tpu.memory_space<vmem>> -> memref<1x128x128xf32, #tpu.memory_space<vmem>>
        %dma_wait3A_68 = tpu.memref_squeeze %dma_wait3A_67 : memref<1x128x128xf32, #tpu.memory_space<vmem>> -> memref<128x128xf32, #tpu.memory_space<vmem>>
        %dma_wait3A_69 = arith.constant 0 : i32
        %dma_wait3A_70 = tpu.memref_slice %arg8[%mul3A_48, %dma_wait3A_69] : memref<160x128xi32, #tpu.memory_space<vmem>> -> memref<1x128xi32, #tpu.memory_space<vmem>>
        %dma_wait3A_71 = tpu.memref_squeeze %dma_wait3A_70 : memref<1x128xi32, #tpu.memory_space<vmem>> -> memref<128xi32, #tpu.memory_space<vmem>>
        %dma_wait3A_72 = arith.constant 0 : i32
        %dma_wait3A_73 = arith.constant 0 : i32
        %dma_wait3A_74 = tpu.memref_slice %arg3[%dma_wait3A_72, %dma_wait3A_73] : memref<4096x128xf32, #tpu.memory_space<hbm>> -> memref<4096x128xf32, #tpu.memory_space<hbm>>
        %dma_wait3A_75 = tpu.memref_slice %arg12[%dma_wait3A_64] : memref<2x!tpu.dma_semaphore, #tpu.memory_space<semaphore_mem>> -> memref<1x!tpu.dma_semaphore, #tpu.memory_space<semaphore_mem>>
        %dma_wait3A_76 = tpu.memref_squeeze %dma_wait3A_75 : memref<1x!tpu.dma_semaphore, #tpu.memory_space<semaphore_mem>> -> memref<!tpu.dma_semaphore, #tpu.memory_space<semaphore_mem>>
        tpu.wait_indirect_dma semaphore(%dma_wait3A_76 : memref<!tpu.dma_semaphore, #tpu.memory_space<semaphore_mem>>) src(%dma_wait3A_74 : memref<4096x128xf32, #tpu.memory_space<hbm>>) dst(%dma_wait3A_68 : memref<128x128xf32, #tpu.memory_space<vmem>>)
        %run_scoped3A = arith.constant 0 : i32
        "tpu.region"() ({
          %run_scoped3A_100 = tpu.sem_alloc : memref<!tpu.dma_semaphore, #tpu.memory_space<semaphore_mem>>
          %dma_start3A_101 = arith.constant 0 : i32
          %dma_start3A_102 = arith.constant 0 : i32
          %dma_start3A_103 = tpu.memref_slice %arg10[%run_scoped3A, %dma_start3A_101, %dma_start3A_102] : memref<2x128x128xf32, #tpu.memory_space<vmem>> -> memref<1x128x128xf32, #tpu.memory_space<vmem>>
          %dma_start3A_104 = tpu.memref_squeeze %dma_start3A_103 : memref<1x128x128xf32, #tpu.memory_space<vmem>> -> memref<128x128xf32, #tpu.memory_space<vmem>>
          %dma_start3A_105 = arith.constant 0 : i32
          %dma_start3A_106 = tpu.memref_slice %arg9[%mul3A_48, %dma_start3A_105] : memref<160x128xi32, #tpu.memory_space<vmem>> -> memref<1x128xi32, #tpu.memory_space<vmem>>
          %dma_start3A_107 = tpu.memref_squeeze %dma_start3A_106 : memref<1x128xi32, #tpu.memory_space<vmem>> -> memref<128xi32, #tpu.memory_space<vmem>>
          %dma_start3A_108 = arith.constant 0 : i32
          %dma_start3A_109 = arith.constant 0 : i32
          %dma_start3A_110 = tpu.memref_slice %arg11[%dma_start3A_108, %dma_start3A_109] : memref<6016x128xf32, #tpu.memory_space<vmem_shared>> -> memref<6016x128xf32, #tpu.memory_space<vmem_shared>>
          tpu.enqueue_indirect_dma source(%dma_start3A_104 : memref<128x128xf32, #tpu.memory_space<vmem>>) target(%dma_start3A_110 : memref<6016x128xf32, #tpu.memory_space<vmem_shared>>) offsets(%dma_start3A_107 : memref<128xi32, #tpu.memory_space<vmem>>) semaphore(%run_scoped3A_100 : memref<!tpu.dma_semaphore, #tpu.memory_space<semaphore_mem>>) {add = true}
          %dma_wait3A_111 = arith.constant 0 : i32
          %dma_wait3A_112 = arith.constant 0 : i32
          %dma_wait3A_113 = tpu.memref_slice %arg10[%run_scoped3A, %dma_wait3A_111, %dma_wait3A_112] : memref<2x128x128xf32, #tpu.memory_space<vmem>> -> memref<1x128x128xf32, #tpu.memory_space<vmem>>
          %dma_wait3A_114 = tpu.memref_squeeze %dma_wait3A_113 : memref<1x128x128xf32, #tpu.memory_space<vmem>> -> memref<128x128xf32, #tpu.memory_space<vmem>>
          %dma_wait3A_115 = arith.constant 0 : i32
          %dma_wait3A_116 = tpu.memref_slice %arg9[%mul3A_48, %dma_wait3A_115] : memref<160x128xi32, #tpu.memory_space<vmem>> -> memref<1x128xi32, #tpu.memory_space<vmem>>
          %dma_wait3A_117 = tpu.memref_squeeze %dma_wait3A_116 : memref<1x128xi32, #tpu.memory_space<vmem>> -> memref<128xi32, #tpu.memory_space<vmem>>
          %dma_wait3A_118 = arith.constant 0 : i32
          %dma_wait3A_119 = arith.constant 0 : i32
          %dma_wait3A_120 = tpu.memref_slice %arg11[%dma_wait3A_118, %dma_wait3A_119] : memref<6016x128xf32, #tpu.memory_space<vmem_shared>> -> memref<6016x128xf32, #tpu.memory_space<vmem_shared>>
          tpu.wait_indirect_dma semaphore(%run_scoped3A_100 : memref<!tpu.dma_semaphore, #tpu.memory_space<semaphore_mem>>) src(%dma_wait3A_114 : memref<128x128xf32, #tpu.memory_space<vmem>>) dst(%dma_wait3A_120 : memref<6016x128xf32, #tpu.memory_space<vmem_shared>>)
          tpu.yield
        }) : () -> ()
        %lt3A = arith.constant 79 : i32
        %lt3A_77 = arith.cmpi slt, %scan3A_47, %lt3A : i32
        %convert_element_type3A_78 = arith.extui %lt3A_77 : i1 to i32
        %cond3A_79 = arith.constant 0 : i32
        %cond3A_80 = arith.cmpi ne, %convert_element_type3A_78, %cond3A_79 : i32
        scf.if %cond3A_80 {
          %add3A_100 = arith.constant 2 : i32
          %add3A_101 = arith.addi %mul3A_48, %add3A_100 : i32
          %dma_start3A_102 = arith.constant 0 : i32
          %dma_start3A_103 = arith.constant 0 : i32
          %dma_start3A_104 = arith.constant 0 : i32
          %dma_start3A_105 = arith.constant 0 : i32
          %dma_start3A_106 = tpu.memref_slice %arg10[%dma_start3A_102, %dma_start3A_104, %dma_start3A_105] : memref<2x128x128xf32, #tpu.memory_space<vmem>> -> memref<1x128x128xf32, #tpu.memory_space<vmem>>
          %dma_start3A_107 = tpu.memref_squeeze %dma_start3A_106 : memref<1x128x128xf32, #tpu.memory_space<vmem>> -> memref<128x128xf32, #tpu.memory_space<vmem>>
          %dma_start3A_108 = arith.constant 0 : i32
          %dma_start3A_109 = tpu.memref_slice %arg8[%add3A_101, %dma_start3A_108] : memref<160x128xi32, #tpu.memory_space<vmem>> -> memref<1x128xi32, #tpu.memory_space<vmem>>
          %dma_start3A_110 = tpu.memref_squeeze %dma_start3A_109 : memref<1x128xi32, #tpu.memory_space<vmem>> -> memref<128xi32, #tpu.memory_space<vmem>>
          %dma_start3A_111 = arith.constant 0 : i32
          %dma_start3A_112 = arith.constant 0 : i32
          %dma_start3A_113 = tpu.memref_slice %arg3[%dma_start3A_111, %dma_start3A_112] : memref<4096x128xf32, #tpu.memory_space<hbm>> -> memref<4096x128xf32, #tpu.memory_space<hbm>>
          %dma_start3A_114 = tpu.memref_slice %arg12[%dma_start3A_103] : memref<2x!tpu.dma_semaphore, #tpu.memory_space<semaphore_mem>> -> memref<1x!tpu.dma_semaphore, #tpu.memory_space<semaphore_mem>>
          %dma_start3A_115 = tpu.memref_squeeze %dma_start3A_114 : memref<1x!tpu.dma_semaphore, #tpu.memory_space<semaphore_mem>> -> memref<!tpu.dma_semaphore, #tpu.memory_space<semaphore_mem>>
          tpu.enqueue_indirect_dma source(%dma_start3A_113 : memref<4096x128xf32, #tpu.memory_space<hbm>>) target(%dma_start3A_107 : memref<128x128xf32, #tpu.memory_space<vmem>>) offsets(%dma_start3A_110 : memref<128xi32, #tpu.memory_space<vmem>>) semaphore(%dma_start3A_115 : memref<!tpu.dma_semaphore, #tpu.memory_space<semaphore_mem>>)
        } else {
        }
        %add3A_81 = arith.constant 1 : i32
        %add3A_82 = arith.addi %mul3A_48, %add3A_81 : i32
        %dma_wait3A_83 = arith.constant 1 : i32
        %dma_wait3A_84 = arith.constant 1 : i32
        %dma_wait3A_85 = arith.constant 0 : i32
        %dma_wait3A_86 = arith.constant 0 : i32
        %dma_wait3A_87 = tpu.memref_slice %arg10[%dma_wait3A_83, %dma_wait3A_85, %dma_wait3A_86] : memref<2x128x128xf32, #tpu.memory_space<vmem>> -> memref<1x128x128xf32, #tpu.memory_space<vmem>>
        %dma_wait3A_88 = tpu.memref_squeeze %dma_wait3A_87 : memref<1x128x128xf32, #tpu.memory_space<vmem>> -> memref<128x128xf32, #tpu.memory_space<vmem>>
        %dma_wait3A_89 = arith.constant 0 : i32
        %dma_wait3A_90 = tpu.memref_slice %arg8[%add3A_82, %dma_wait3A_89] : memref<160x128xi32, #tpu.memory_space<vmem>> -> memref<1x128xi32, #tpu.memory_space<vmem>>
        %dma_wait3A_91 = tpu.memref_squeeze %dma_wait3A_90 : memref<1x128xi32, #tpu.memory_space<vmem>> -> memref<128xi32, #tpu.memory_space<vmem>>
        %dma_wait3A_92 = arith.constant 0 : i32
        %dma_wait3A_93 = arith.constant 0 : i32
        %dma_wait3A_94 = tpu.memref_slice %arg3[%dma_wait3A_92, %dma_wait3A_93] : memref<4096x128xf32, #tpu.memory_space<hbm>> -> memref<4096x128xf32, #tpu.memory_space<hbm>>
        %dma_wait3A_95 = tpu.memref_slice %arg12[%dma_wait3A_84] : memref<2x!tpu.dma_semaphore, #tpu.memory_space<semaphore_mem>> -> memref<1x!tpu.dma_semaphore, #tpu.memory_space<semaphore_mem>>
        %dma_wait3A_96 = tpu.memref_squeeze %dma_wait3A_95 : memref<1x!tpu.dma_semaphore, #tpu.memory_space<semaphore_mem>> -> memref<!tpu.dma_semaphore, #tpu.memory_space<semaphore_mem>>
        tpu.wait_indirect_dma semaphore(%dma_wait3A_96 : memref<!tpu.dma_semaphore, #tpu.memory_space<semaphore_mem>>) src(%dma_wait3A_94 : memref<4096x128xf32, #tpu.memory_space<hbm>>) dst(%dma_wait3A_88 : memref<128x128xf32, #tpu.memory_space<vmem>>)
        %add3A_97 = arith.constant 1 : i32
        %add3A_98 = arith.addi %mul3A_48, %add3A_97 : i32
        %run_scoped3A_99 = arith.constant 1 : i32
        "tpu.region"() ({
          %run_scoped3A_100 = tpu.sem_alloc : memref<!tpu.dma_semaphore, #tpu.memory_space<semaphore_mem>>
          %dma_start3A_101 = arith.constant 0 : i32
          %dma_start3A_102 = arith.constant 0 : i32
          %dma_start3A_103 = tpu.memref_slice %arg10[%run_scoped3A_99, %dma_start3A_101, %dma_start3A_102] : memref<2x128x128xf32, #tpu.memory_space<vmem>> -> memref<1x128x128xf32, #tpu.memory_space<vmem>>
          %dma_start3A_104 = tpu.memref_squeeze %dma_start3A_103 : memref<1x128x128xf32, #tpu.memory_space<vmem>> -> memref<128x128xf32, #tpu.memory_space<vmem>>
          %dma_start3A_105 = arith.constant 0 : i32
          %dma_start3A_106 = tpu.memref_slice %arg9[%add3A_98, %dma_start3A_105] : memref<160x128xi32, #tpu.memory_space<vmem>> -> memref<1x128xi32, #tpu.memory_space<vmem>>
          %dma_start3A_107 = tpu.memref_squeeze %dma_start3A_106 : memref<1x128xi32, #tpu.memory_space<vmem>> -> memref<128xi32, #tpu.memory_space<vmem>>
          %dma_start3A_108 = arith.constant 0 : i32
          %dma_start3A_109 = arith.constant 0 : i32
          %dma_start3A_110 = tpu.memref_slice %arg11[%dma_start3A_108, %dma_start3A_109] : memref<6016x128xf32, #tpu.memory_space<vmem_shared>> -> memref<6016x128xf32, #tpu.memory_space<vmem_shared>>
          tpu.enqueue_indirect_dma source(%dma_start3A_104 : memref<128x128xf32, #tpu.memory_space<vmem>>) target(%dma_start3A_110 : memref<6016x128xf32, #tpu.memory_space<vmem_shared>>) offsets(%dma_start3A_107 : memref<128xi32, #tpu.memory_space<vmem>>) semaphore(%run_scoped3A_100 : memref<!tpu.dma_semaphore, #tpu.memory_space<semaphore_mem>>) {add = true}
          %dma_wait3A_111 = arith.constant 0 : i32
          %dma_wait3A_112 = arith.constant 0 : i32
          %dma_wait3A_113 = tpu.memref_slice %arg10[%run_scoped3A_99, %dma_wait3A_111, %dma_wait3A_112] : memref<2x128x128xf32, #tpu.memory_space<vmem>> -> memref<1x128x128xf32, #tpu.memory_space<vmem>>
          %dma_wait3A_114 = tpu.memref_squeeze %dma_wait3A_113 : memref<1x128x128xf32, #tpu.memory_space<vmem>> -> memref<128x128xf32, #tpu.memory_space<vmem>>
          %dma_wait3A_115 = arith.constant 0 : i32
          %dma_wait3A_116 = tpu.memref_slice %arg9[%add3A_98, %dma_wait3A_115] : memref<160x128xi32, #tpu.memory_space<vmem>> -> memref<1x128xi32, #tpu.memory_space<vmem>>
          %dma_wait3A_117 = tpu.memref_squeeze %dma_wait3A_116 : memref<1x128xi32, #tpu.memory_space<vmem>> -> memref<128xi32, #tpu.memory_space<vmem>>
          %dma_wait3A_118 = arith.constant 0 : i32
          %dma_wait3A_119 = arith.constant 0 : i32
          %dma_wait3A_120 = tpu.memref_slice %arg11[%dma_wait3A_118, %dma_wait3A_119] : memref<6016x128xf32, #tpu.memory_space<vmem_shared>> -> memref<6016x128xf32, #tpu.memory_space<vmem_shared>>
          tpu.wait_indirect_dma semaphore(%run_scoped3A_100 : memref<!tpu.dma_semaphore, #tpu.memory_space<semaphore_mem>>) src(%dma_wait3A_114 : memref<128x128xf32, #tpu.memory_space<vmem>>) dst(%dma_wait3A_120 : memref<6016x128xf32, #tpu.memory_space<vmem_shared>>)
          tpu.yield
        }) : () -> ()
      }
      %scan3A_46 = arith.constant 80 : i32
    } else {
    }
    %eq3A_12 = arith.constant 1 : i32
    %eq3A_13 = arith.cmpi eq, %arg0, %eq3A_12 : i32
    %convert_element_type3A_14 = arith.extui %eq3A_13 : i1 to i32
    %cond3A_15 = arith.constant 0 : i32
    %cond3A_16 = arith.cmpi ne, %convert_element_type3A_14, %cond3A_15 : i32
    scf.if %cond3A_16 {
      %dma_start3A = arith.constant 0 : i32
      %dma_start3A_28 = arith.constant 0 : i32
      %dma_start3A_29 = arith.constant 0 : i32
      %dma_start3A_30 = arith.constant 0 : i32
      %dma_start3A_31 = arith.constant 0 : i32
      %dma_start3A_32 = tpu.memref_slice %arg10[%dma_start3A_28, %dma_start3A_30, %dma_start3A_31] : memref<2x128x128xf32, #tpu.memory_space<vmem>> -> memref<1x128x128xf32, #tpu.memory_space<vmem>>
      %dma_start3A_33 = tpu.memref_squeeze %dma_start3A_32 : memref<1x128x128xf32, #tpu.memory_space<vmem>> -> memref<128x128xf32, #tpu.memory_space<vmem>>
      %dma_start3A_34 = arith.constant 0 : i32
      %dma_start3A_35 = tpu.memref_slice %arg8[%dma_start3A, %dma_start3A_34] : memref<160x128xi32, #tpu.memory_space<vmem>> -> memref<1x128xi32, #tpu.memory_space<vmem>>
      %dma_start3A_36 = tpu.memref_squeeze %dma_start3A_35 : memref<1x128xi32, #tpu.memory_space<vmem>> -> memref<128xi32, #tpu.memory_space<vmem>>
      %dma_start3A_37 = arith.constant 0 : i32
      %dma_start3A_38 = arith.constant 0 : i32
      %dma_start3A_39 = tpu.memref_slice %arg2[%dma_start3A_37, %dma_start3A_38] : memref<6016x128xf32, #tpu.memory_space<hbm>> -> memref<6016x128xf32, #tpu.memory_space<hbm>>
      %dma_start3A_40 = tpu.memref_slice %arg12[%dma_start3A_29] : memref<2x!tpu.dma_semaphore, #tpu.memory_space<semaphore_mem>> -> memref<1x!tpu.dma_semaphore, #tpu.memory_space<semaphore_mem>>
      %dma_start3A_41 = tpu.memref_squeeze %dma_start3A_40 : memref<1x!tpu.dma_semaphore, #tpu.memory_space<semaphore_mem>> -> memref<!tpu.dma_semaphore, #tpu.memory_space<semaphore_mem>>
      tpu.enqueue_indirect_dma source(%dma_start3A_39 : memref<6016x128xf32, #tpu.memory_space<hbm>>) target(%dma_start3A_33 : memref<128x128xf32, #tpu.memory_space<vmem>>) offsets(%dma_start3A_36 : memref<128xi32, #tpu.memory_space<vmem>>) semaphore(%dma_start3A_41 : memref<!tpu.dma_semaphore, #tpu.memory_space<semaphore_mem>>)
      %scan3A = arith.constant 0 : i32
      %scan3A_42 = arith.constant 0 : i32
      %scan3A_43 = arith.constant 80 : i32
      %scan3A_44 = arith.addi %scan3A_42, %scan3A_43 : i32
      %scan3A_45 = arith.constant 1 : i32
      scf.for %scan3A_47 = %scan3A_42 to %scan3A_44 step %scan3A_45  : i32 {
        %mul3A = arith.constant 2 : i32
        %mul3A_48 = arith.muli %scan3A_47, %mul3A : i32
        %add3A = arith.constant 1 : i32
        %add3A_49 = arith.addi %mul3A_48, %add3A : i32
        %dma_start3A_50 = arith.constant 1 : i32
        %dma_start3A_51 = arith.constant 1 : i32
        %dma_start3A_52 = arith.constant 0 : i32
        %dma_start3A_53 = arith.constant 0 : i32
        %dma_start3A_54 = tpu.memref_slice %arg10[%dma_start3A_50, %dma_start3A_52, %dma_start3A_53] : memref<2x128x128xf32, #tpu.memory_space<vmem>> -> memref<1x128x128xf32, #tpu.memory_space<vmem>>
        %dma_start3A_55 = tpu.memref_squeeze %dma_start3A_54 : memref<1x128x128xf32, #tpu.memory_space<vmem>> -> memref<128x128xf32, #tpu.memory_space<vmem>>
        %dma_start3A_56 = arith.constant 0 : i32
        %dma_start3A_57 = tpu.memref_slice %arg8[%add3A_49, %dma_start3A_56] : memref<160x128xi32, #tpu.memory_space<vmem>> -> memref<1x128xi32, #tpu.memory_space<vmem>>
        %dma_start3A_58 = tpu.memref_squeeze %dma_start3A_57 : memref<1x128xi32, #tpu.memory_space<vmem>> -> memref<128xi32, #tpu.memory_space<vmem>>
        %dma_start3A_59 = arith.constant 0 : i32
        %dma_start3A_60 = arith.constant 0 : i32
        %dma_start3A_61 = tpu.memref_slice %arg2[%dma_start3A_59, %dma_start3A_60] : memref<6016x128xf32, #tpu.memory_space<hbm>> -> memref<6016x128xf32, #tpu.memory_space<hbm>>
        %dma_start3A_62 = tpu.memref_slice %arg12[%dma_start3A_51] : memref<2x!tpu.dma_semaphore, #tpu.memory_space<semaphore_mem>> -> memref<1x!tpu.dma_semaphore, #tpu.memory_space<semaphore_mem>>
        %dma_start3A_63 = tpu.memref_squeeze %dma_start3A_62 : memref<1x!tpu.dma_semaphore, #tpu.memory_space<semaphore_mem>> -> memref<!tpu.dma_semaphore, #tpu.memory_space<semaphore_mem>>
        tpu.enqueue_indirect_dma source(%dma_start3A_61 : memref<6016x128xf32, #tpu.memory_space<hbm>>) target(%dma_start3A_55 : memref<128x128xf32, #tpu.memory_space<vmem>>) offsets(%dma_start3A_58 : memref<128xi32, #tpu.memory_space<vmem>>) semaphore(%dma_start3A_63 : memref<!tpu.dma_semaphore, #tpu.memory_space<semaphore_mem>>)
        %dma_wait3A = arith.constant 0 : i32
        %dma_wait3A_64 = arith.constant 0 : i32
        %dma_wait3A_65 = arith.constant 0 : i32
        %dma_wait3A_66 = arith.constant 0 : i32
        %dma_wait3A_67 = tpu.memref_slice %arg10[%dma_wait3A, %dma_wait3A_65, %dma_wait3A_66] : memref<2x128x128xf32, #tpu.memory_space<vmem>> -> memref<1x128x128xf32, #tpu.memory_space<vmem>>
        %dma_wait3A_68 = tpu.memref_squeeze %dma_wait3A_67 : memref<1x128x128xf32, #tpu.memory_space<vmem>> -> memref<128x128xf32, #tpu.memory_space<vmem>>
        %dma_wait3A_69 = arith.constant 0 : i32
        %dma_wait3A_70 = tpu.memref_slice %arg8[%mul3A_48, %dma_wait3A_69] : memref<160x128xi32, #tpu.memory_space<vmem>> -> memref<1x128xi32, #tpu.memory_space<vmem>>
        %dma_wait3A_71 = tpu.memref_squeeze %dma_wait3A_70 : memref<1x128xi32, #tpu.memory_space<vmem>> -> memref<128xi32, #tpu.memory_space<vmem>>
        %dma_wait3A_72 = arith.constant 0 : i32
        %dma_wait3A_73 = arith.constant 0 : i32
        %dma_wait3A_74 = tpu.memref_slice %arg2[%dma_wait3A_72, %dma_wait3A_73] : memref<6016x128xf32, #tpu.memory_space<hbm>> -> memref<6016x128xf32, #tpu.memory_space<hbm>>
        %dma_wait3A_75 = tpu.memref_slice %arg12[%dma_wait3A_64] : memref<2x!tpu.dma_semaphore, #tpu.memory_space<semaphore_mem>> -> memref<1x!tpu.dma_semaphore, #tpu.memory_space<semaphore_mem>>
        %dma_wait3A_76 = tpu.memref_squeeze %dma_wait3A_75 : memref<1x!tpu.dma_semaphore, #tpu.memory_space<semaphore_mem>> -> memref<!tpu.dma_semaphore, #tpu.memory_space<semaphore_mem>>
        tpu.wait_indirect_dma semaphore(%dma_wait3A_76 : memref<!tpu.dma_semaphore, #tpu.memory_space<semaphore_mem>>) src(%dma_wait3A_74 : memref<6016x128xf32, #tpu.memory_space<hbm>>) dst(%dma_wait3A_68 : memref<128x128xf32, #tpu.memory_space<vmem>>)
        %run_scoped3A = arith.constant 0 : i32
        "tpu.region"() ({
          %run_scoped3A_100 = tpu.sem_alloc : memref<!tpu.dma_semaphore, #tpu.memory_space<semaphore_mem>>
          %dma_start3A_101 = arith.constant 0 : i32
          %dma_start3A_102 = arith.constant 0 : i32
          %dma_start3A_103 = tpu.memref_slice %arg10[%run_scoped3A, %dma_start3A_101, %dma_start3A_102] : memref<2x128x128xf32, #tpu.memory_space<vmem>> -> memref<1x128x128xf32, #tpu.memory_space<vmem>>
          %dma_start3A_104 = tpu.memref_squeeze %dma_start3A_103 : memref<1x128x128xf32, #tpu.memory_space<vmem>> -> memref<128x128xf32, #tpu.memory_space<vmem>>
          %dma_start3A_105 = arith.constant 0 : i32
          %dma_start3A_106 = tpu.memref_slice %arg9[%mul3A_48, %dma_start3A_105] : memref<160x128xi32, #tpu.memory_space<vmem>> -> memref<1x128xi32, #tpu.memory_space<vmem>>
          %dma_start3A_107 = tpu.memref_squeeze %dma_start3A_106 : memref<1x128xi32, #tpu.memory_space<vmem>> -> memref<128xi32, #tpu.memory_space<vmem>>
          %dma_start3A_108 = arith.constant 0 : i32
          %dma_start3A_109 = arith.constant 0 : i32
          %dma_start3A_110 = tpu.memref_slice %arg11[%dma_start3A_108, %dma_start3A_109] : memref<6016x128xf32, #tpu.memory_space<vmem_shared>> -> memref<6016x128xf32, #tpu.memory_space<vmem_shared>>
          tpu.enqueue_indirect_dma source(%dma_start3A_104 : memref<128x128xf32, #tpu.memory_space<vmem>>) target(%dma_start3A_110 : memref<6016x128xf32, #tpu.memory_space<vmem_shared>>) offsets(%dma_start3A_107 : memref<128xi32, #tpu.memory_space<vmem>>) semaphore(%run_scoped3A_100 : memref<!tpu.dma_semaphore, #tpu.memory_space<semaphore_mem>>) {add = true}
          %dma_wait3A_111 = arith.constant 0 : i32
          %dma_wait3A_112 = arith.constant 0 : i32
          %dma_wait3A_113 = tpu.memref_slice %arg10[%run_scoped3A, %dma_wait3A_111, %dma_wait3A_112] : memref<2x128x128xf32, #tpu.memory_space<vmem>> -> memref<1x128x128xf32, #tpu.memory_space<vmem>>
          %dma_wait3A_114 = tpu.memref_squeeze %dma_wait3A_113 : memref<1x128x128xf32, #tpu.memory_space<vmem>> -> memref<128x128xf32, #tpu.memory_space<vmem>>
          %dma_wait3A_115 = arith.constant 0 : i32
          %dma_wait3A_116 = tpu.memref_slice %arg9[%mul3A_48, %dma_wait3A_115] : memref<160x128xi32, #tpu.memory_space<vmem>> -> memref<1x128xi32, #tpu.memory_space<vmem>>
          %dma_wait3A_117 = tpu.memref_squeeze %dma_wait3A_116 : memref<1x128xi32, #tpu.memory_space<vmem>> -> memref<128xi32, #tpu.memory_space<vmem>>
          %dma_wait3A_118 = arith.constant 0 : i32
          %dma_wait3A_119 = arith.constant 0 : i32
          %dma_wait3A_120 = tpu.memref_slice %arg11[%dma_wait3A_118, %dma_wait3A_119] : memref<6016x128xf32, #tpu.memory_space<vmem_shared>> -> memref<6016x128xf32, #tpu.memory_space<vmem_shared>>
          tpu.wait_indirect_dma semaphore(%run_scoped3A_100 : memref<!tpu.dma_semaphore, #tpu.memory_space<semaphore_mem>>) src(%dma_wait3A_114 : memref<128x128xf32, #tpu.memory_space<vmem>>) dst(%dma_wait3A_120 : memref<6016x128xf32, #tpu.memory_space<vmem_shared>>)
          tpu.yield
        }) : () -> ()
        %lt3A = arith.constant 79 : i32
        %lt3A_77 = arith.cmpi slt, %scan3A_47, %lt3A : i32
        %convert_element_type3A_78 = arith.extui %lt3A_77 : i1 to i32
        %cond3A_79 = arith.constant 0 : i32
        %cond3A_80 = arith.cmpi ne, %convert_element_type3A_78, %cond3A_79 : i32
        scf.if %cond3A_80 {
          %add3A_100 = arith.constant 2 : i32
          %add3A_101 = arith.addi %mul3A_48, %add3A_100 : i32
          %dma_start3A_102 = arith.constant 0 : i32
          %dma_start3A_103 = arith.constant 0 : i32
          %dma_start3A_104 = arith.constant 0 : i32
          %dma_start3A_105 = arith.constant 0 : i32
          %dma_start3A_106 = tpu.memref_slice %arg10[%dma_start3A_102, %dma_start3A_104, %dma_start3A_105] : memref<2x128x128xf32, #tpu.memory_space<vmem>> -> memref<1x128x128xf32, #tpu.memory_space<vmem>>
          %dma_start3A_107 = tpu.memref_squeeze %dma_start3A_106 : memref<1x128x128xf32, #tpu.memory_space<vmem>> -> memref<128x128xf32, #tpu.memory_space<vmem>>
          %dma_start3A_108 = arith.constant 0 : i32
          %dma_start3A_109 = tpu.memref_slice %arg8[%add3A_101, %dma_start3A_108] : memref<160x128xi32, #tpu.memory_space<vmem>> -> memref<1x128xi32, #tpu.memory_space<vmem>>
          %dma_start3A_110 = tpu.memref_squeeze %dma_start3A_109 : memref<1x128xi32, #tpu.memory_space<vmem>> -> memref<128xi32, #tpu.memory_space<vmem>>
          %dma_start3A_111 = arith.constant 0 : i32
          %dma_start3A_112 = arith.constant 0 : i32
          %dma_start3A_113 = tpu.memref_slice %arg2[%dma_start3A_111, %dma_start3A_112] : memref<6016x128xf32, #tpu.memory_space<hbm>> -> memref<6016x128xf32, #tpu.memory_space<hbm>>
          %dma_start3A_114 = tpu.memref_slice %arg12[%dma_start3A_103] : memref<2x!tpu.dma_semaphore, #tpu.memory_space<semaphore_mem>> -> memref<1x!tpu.dma_semaphore, #tpu.memory_space<semaphore_mem>>
          %dma_start3A_115 = tpu.memref_squeeze %dma_start3A_114 : memref<1x!tpu.dma_semaphore, #tpu.memory_space<semaphore_mem>> -> memref<!tpu.dma_semaphore, #tpu.memory_space<semaphore_mem>>
          tpu.enqueue_indirect_dma source(%dma_start3A_113 : memref<6016x128xf32, #tpu.memory_space<hbm>>) target(%dma_start3A_107 : memref<128x128xf32, #tpu.memory_space<vmem>>) offsets(%dma_start3A_110 : memref<128xi32, #tpu.memory_space<vmem>>) semaphore(%dma_start3A_115 : memref<!tpu.dma_semaphore, #tpu.memory_space<semaphore_mem>>)
        } else {
        }
        %add3A_81 = arith.constant 1 : i32
        %add3A_82 = arith.addi %mul3A_48, %add3A_81 : i32
        %dma_wait3A_83 = arith.constant 1 : i32
        %dma_wait3A_84 = arith.constant 1 : i32
        %dma_wait3A_85 = arith.constant 0 : i32
        %dma_wait3A_86 = arith.constant 0 : i32
        %dma_wait3A_87 = tpu.memref_slice %arg10[%dma_wait3A_83, %dma_wait3A_85, %dma_wait3A_86] : memref<2x128x128xf32, #tpu.memory_space<vmem>> -> memref<1x128x128xf32, #tpu.memory_space<vmem>>
        %dma_wait3A_88 = tpu.memref_squeeze %dma_wait3A_87 : memref<1x128x128xf32, #tpu.memory_space<vmem>> -> memref<128x128xf32, #tpu.memory_space<vmem>>
        %dma_wait3A_89 = arith.constant 0 : i32
        %dma_wait3A_90 = tpu.memref_slice %arg8[%add3A_82, %dma_wait3A_89] : memref<160x128xi32, #tpu.memory_space<vmem>> -> memref<1x128xi32, #tpu.memory_space<vmem>>
        %dma_wait3A_91 = tpu.memref_squeeze %dma_wait3A_90 : memref<1x128xi32, #tpu.memory_space<vmem>> -> memref<128xi32, #tpu.memory_space<vmem>>
        %dma_wait3A_92 = arith.constant 0 : i32
        %dma_wait3A_93 = arith.constant 0 : i32
        %dma_wait3A_94 = tpu.memref_slice %arg2[%dma_wait3A_92, %dma_wait3A_93] : memref<6016x128xf32, #tpu.memory_space<hbm>> -> memref<6016x128xf32, #tpu.memory_space<hbm>>
        %dma_wait3A_95 = tpu.memref_slice %arg12[%dma_wait3A_84] : memref<2x!tpu.dma_semaphore, #tpu.memory_space<semaphore_mem>> -> memref<1x!tpu.dma_semaphore, #tpu.memory_space<semaphore_mem>>
        %dma_wait3A_96 = tpu.memref_squeeze %dma_wait3A_95 : memref<1x!tpu.dma_semaphore, #tpu.memory_space<semaphore_mem>> -> memref<!tpu.dma_semaphore, #tpu.memory_space<semaphore_mem>>
        tpu.wait_indirect_dma semaphore(%dma_wait3A_96 : memref<!tpu.dma_semaphore, #tpu.memory_space<semaphore_mem>>) src(%dma_wait3A_94 : memref<6016x128xf32, #tpu.memory_space<hbm>>) dst(%dma_wait3A_88 : memref<128x128xf32, #tpu.memory_space<vmem>>)
        %add3A_97 = arith.constant 1 : i32
        %add3A_98 = arith.addi %mul3A_48, %add3A_97 : i32
        %run_scoped3A_99 = arith.constant 1 : i32
        "tpu.region"() ({
          %run_scoped3A_100 = tpu.sem_alloc : memref<!tpu.dma_semaphore, #tpu.memory_space<semaphore_mem>>
          %dma_start3A_101 = arith.constant 0 : i32
          %dma_start3A_102 = arith.constant 0 : i32
          %dma_start3A_103 = tpu.memref_slice %arg10[%run_scoped3A_99, %dma_start3A_101, %dma_start3A_102] : memref<2x128x128xf32, #tpu.memory_space<vmem>> -> memref<1x128x128xf32, #tpu.memory_space<vmem>>
          %dma_start3A_104 = tpu.memref_squeeze %dma_start3A_103 : memref<1x128x128xf32, #tpu.memory_space<vmem>> -> memref<128x128xf32, #tpu.memory_space<vmem>>
          %dma_start3A_105 = arith.constant 0 : i32
          %dma_start3A_106 = tpu.memref_slice %arg9[%add3A_98, %dma_start3A_105] : memref<160x128xi32, #tpu.memory_space<vmem>> -> memref<1x128xi32, #tpu.memory_space<vmem>>
          %dma_start3A_107 = tpu.memref_squeeze %dma_start3A_106 : memref<1x128xi32, #tpu.memory_space<vmem>> -> memref<128xi32, #tpu.memory_space<vmem>>
          %dma_start3A_108 = arith.constant 0 : i32
          %dma_start3A_109 = arith.constant 0 : i32
          %dma_start3A_110 = tpu.memref_slice %arg11[%dma_start3A_108, %dma_start3A_109] : memref<6016x128xf32, #tpu.memory_space<vmem_shared>> -> memref<6016x128xf32, #tpu.memory_space<vmem_shared>>
          tpu.enqueue_indirect_dma source(%dma_start3A_104 : memref<128x128xf32, #tpu.memory_space<vmem>>) target(%dma_start3A_110 : memref<6016x128xf32, #tpu.memory_space<vmem_shared>>) offsets(%dma_start3A_107 : memref<128xi32, #tpu.memory_space<vmem>>) semaphore(%run_scoped3A_100 : memref<!tpu.dma_semaphore, #tpu.memory_space<semaphore_mem>>) {add = true}
          %dma_wait3A_111 = arith.constant 0 : i32
          %dma_wait3A_112 = arith.constant 0 : i32
          %dma_wait3A_113 = tpu.memref_slice %arg10[%run_scoped3A_99, %dma_wait3A_111, %dma_wait3A_112] : memref<2x128x128xf32, #tpu.memory_space<vmem>> -> memref<1x128x128xf32, #tpu.memory_space<vmem>>
          %dma_wait3A_114 = tpu.memref_squeeze %dma_wait3A_113 : memref<1x128x128xf32, #tpu.memory_space<vmem>> -> memref<128x128xf32, #tpu.memory_space<vmem>>
          %dma_wait3A_115 = arith.constant 0 : i32
          %dma_wait3A_116 = tpu.memref_slice %arg9[%add3A_98, %dma_wait3A_115] : memref<160x128xi32, #tpu.memory_space<vmem>> -> memref<1x128xi32, #tpu.memory_space<vmem>>
          %dma_wait3A_117 = tpu.memref_squeeze %dma_wait3A_116 : memref<1x128xi32, #tpu.memory_space<vmem>> -> memref<128xi32, #tpu.memory_space<vmem>>
          %dma_wait3A_118 = arith.constant 0 : i32
          %dma_wait3A_119 = arith.constant 0 : i32
          %dma_wait3A_120 = tpu.memref_slice %arg11[%dma_wait3A_118, %dma_wait3A_119] : memref<6016x128xf32, #tpu.memory_space<vmem_shared>> -> memref<6016x128xf32, #tpu.memory_space<vmem_shared>>
          tpu.wait_indirect_dma semaphore(%run_scoped3A_100 : memref<!tpu.dma_semaphore, #tpu.memory_space<semaphore_mem>>) src(%dma_wait3A_114 : memref<128x128xf32, #tpu.memory_space<vmem>>) dst(%dma_wait3A_120 : memref<6016x128xf32, #tpu.memory_space<vmem_shared>>)
          tpu.yield
        }) : () -> ()
      }
      %scan3A_46 = arith.constant 80 : i32
    } else {
    }
    %barrier3A_17 = arith.constant 0 : index
    tpu.barrier barrier_id(%barrier3A_17)
    %eq3A_18 = arith.constant 0 : i32
    %eq3A_19 = arith.cmpi eq, %arg0, %eq3A_18 : i32
    %convert_element_type3A_20 = arith.extui %eq3A_19 : i1 to i32
    %cond3A_21 = arith.constant 0 : i32
    %cond3A_22 = arith.cmpi ne, %convert_element_type3A_20, %cond3A_21 : i32
    scf.if %cond3A_22 {
      %mul3A = arith.constant 376 : i32
      %mul3A_28 = arith.muli %arg1, %mul3A : i32
      "tpu.region"() ({
        %run_scoped3A = tpu.sem_alloc : memref<!tpu.dma_semaphore, #tpu.memory_space<semaphore_mem>>
        %dma_start3A = arith.constant 0 : i32
        %dma_start3A_29 = tpu.memref_slice %arg6[%mul3A_28, %dma_start3A] : memref<6016x128xf32, #tpu.memory_space<hbm>> -> memref<376x128xf32, #tpu.memory_space<hbm>>
        %dma_start3A_30 = arith.constant 0 : i32
        %dma_start3A_31 = tpu.memref_slice %arg11[%mul3A_28, %dma_start3A_30] : memref<6016x128xf32, #tpu.memory_space<vmem_shared>> -> memref<376x128xf32, #tpu.memory_space<vmem_shared>>
        tpu.enqueue_dma source(%dma_start3A_31 : memref<376x128xf32, #tpu.memory_space<vmem_shared>>) target(%dma_start3A_29 : memref<376x128xf32, #tpu.memory_space<hbm>>) target_semaphore(%run_scoped3A : memref<!tpu.dma_semaphore, #tpu.memory_space<semaphore_mem>>)
        %dma_wait3A = arith.constant 0 : i32
        %dma_wait3A_32 = tpu.memref_slice %arg6[%mul3A_28, %dma_wait3A] : memref<6016x128xf32, #tpu.memory_space<hbm>> -> memref<376x128xf32, #tpu.memory_space<hbm>>
        %dma_wait3A_33 = arith.constant 0 : i32
        %dma_wait3A_34 = tpu.memref_slice %arg11[%mul3A_28, %dma_wait3A_33] : memref<6016x128xf32, #tpu.memory_space<vmem_shared>> -> memref<376x128xf32, #tpu.memory_space<vmem_shared>>
        tpu.wait_dma2 semaphore(%run_scoped3A : memref<!tpu.dma_semaphore, #tpu.memory_space<semaphore_mem>>) src(%dma_wait3A_34 : memref<376x128xf32, #tpu.memory_space<vmem_shared>>) dst(%dma_wait3A_32 : memref<376x128xf32, #tpu.memory_space<hbm>>)
        tpu.yield
      }) : () -> ()
    } else {
    }
    %eq3A_23 = arith.constant 1 : i32
    %eq3A_24 = arith.cmpi eq, %arg0, %eq3A_23 : i32
    %convert_element_type3A_25 = arith.extui %eq3A_24 : i1 to i32
    %cond3A_26 = arith.constant 0 : i32
    %cond3A_27 = arith.cmpi ne, %convert_element_type3A_25, %cond3A_26 : i32
    scf.if %cond3A_27 {
      %mul3A = arith.constant 256 : i32
      %mul3A_28 = arith.muli %arg1, %mul3A : i32
      "tpu.region"() ({
        %run_scoped3A = tpu.sem_alloc : memref<!tpu.dma_semaphore, #tpu.memory_space<semaphore_mem>>
        %dma_start3A = arith.constant 0 : i32
        %dma_start3A_29 = tpu.memref_slice %arg7[%mul3A_28, %dma_start3A] : memref<4096x128xf32, #tpu.memory_space<hbm>> -> memref<256x128xf32, #tpu.memory_space<hbm>>
        %dma_start3A_30 = arith.constant 0 : i32
        %dma_start3A_31 = tpu.memref_slice %arg11[%mul3A_28, %dma_start3A_30] : memref<6016x128xf32, #tpu.memory_space<vmem_shared>> -> memref<256x128xf32, #tpu.memory_space<vmem_shared>>
        tpu.enqueue_dma source(%dma_start3A_31 : memref<256x128xf32, #tpu.memory_space<vmem_shared>>) target(%dma_start3A_29 : memref<256x128xf32, #tpu.memory_space<hbm>>) target_semaphore(%run_scoped3A : memref<!tpu.dma_semaphore, #tpu.memory_space<semaphore_mem>>)
        %dma_wait3A = arith.constant 0 : i32
        %dma_wait3A_32 = tpu.memref_slice %arg7[%mul3A_28, %dma_wait3A] : memref<4096x128xf32, #tpu.memory_space<hbm>> -> memref<256x128xf32, #tpu.memory_space<hbm>>
        %dma_wait3A_33 = arith.constant 0 : i32
        %dma_wait3A_34 = tpu.memref_slice %arg11[%mul3A_28, %dma_wait3A_33] : memref<6016x128xf32, #tpu.memory_space<vmem_shared>> -> memref<256x128xf32, #tpu.memory_space<vmem_shared>>
        tpu.wait_dma2 semaphore(%run_scoped3A : memref<!tpu.dma_semaphore, #tpu.memory_space<semaphore_mem>>) src(%dma_wait3A_34 : memref<256x128xf32, #tpu.memory_space<vmem_shared>>) dst(%dma_wait3A_32 : memref<256x128xf32, #tpu.memory_space<hbm>>)
        tpu.yield
      }) : () -> ()
    } else {
    }
    return
  }
}

#map = affine_map<(d0, d1) -> (0, 0, 0)>
#map1 = affine_map<(d0, d1) -> (0, 0)>
module attributes {stable_mosaic.version = 14 : i64} {
  func.func @_sc_counts(%arg0: i32, %arg1: i32, %arg2: memref<16x160x128xi32, #tpu.memory_space<hbm>>, %arg3: memref<16x160x128xi32, #tpu.memory_space<hbm>>, %arg4: memref<6016x128xf32, #tpu.memory_space<hbm>>, %arg5: memref<4096x128xf32, #tpu.memory_space<hbm>>, %arg6: memref<160x128xi32, #tpu.memory_space<vmem>>, %arg7: memref<128x128xf32, #tpu.memory_space<vmem>>, %arg8: memref<128x128xf32, #tpu.memory_space<vmem>>, %arg9: memref<6016x128xf32, #tpu.memory_space<vmem_shared>>) attributes {dimension_semantics = [#tpu.dimension_semantics<core_parallel>, #tpu.dimension_semantics<subcore_parallel>], iteration_bounds = array<i64: 2, 16>, scalar_prefetch = 0 : i64, scratch_operands = 4 : i64, tpu.core_type = #tpu.core_type<sc_vector_subcore>, window_params = [{transform_indices = #map}, {transform_indices = #map}, {transform_indices = #map1}, {transform_indices = #map1}]} {
    %eq3A = arith.constant 0 : i32
    %eq3A_0 = arith.cmpi eq, %arg0, %eq3A : i32
    %convert_element_type3A = arith.extui %eq3A_0 : i1 to i32
    %cond3A = arith.constant 0 : i32
    %cond3A_1 = arith.cmpi ne, %convert_element_type3A, %cond3A : i32
    scf.if %cond3A_1 {
      %broadcast_in_dim3A = arith.constant 0.000000e+00 : f32
      %broadcast_in_dim3A_23 = vector.broadcast %broadcast_in_dim3A : f32 to vector<16xf32>
      %scan3A_24 = arith.constant 0 : i32
      %scan3A_25 = arith.constant 0 : i32
      %scan3A_26 = arith.constant 128 : i32
      %scan3A_27 = arith.addi %scan3A_25, %scan3A_26 : i32
      %scan3A_28 = arith.constant 1 : i32
      scf.for %scan3A_44 = %scan3A_25 to %scan3A_27 step %scan3A_28  : i32 {
        %swap3A = arith.index_cast %scan3A_44 : i32 to index
        %swap3A_45 = arith.constant 0 : index
        %swap3A_46 = tpu.vector_load %arg8[%swap3A, %swap3A_45] {strides = array<i32>} : memref<128x128xf32, #tpu.memory_space<vmem>>, vector<1x16xf32>,
        %swap3A_47 = vector.shape_cast %swap3A_46 : vector<1x16xf32> to vector<16xf32>
        %swap3A_48 = vector.shape_cast %broadcast_in_dim3A_23 : vector<16xf32> to vector<1x16xf32>
        tpu.vector_store %arg8[%swap3A, %swap3A_45], %swap3A_48 {strides = array<i32>} : memref<128x128xf32, #tpu.memory_space<vmem>>, vector<1x16xf32>,
        %swap3A_49 = arith.index_cast %scan3A_44 : i32 to index
        %swap3A_50 = arith.constant 16 : index
        %swap3A_51 = tpu.vector_load %arg8[%swap3A_49, %swap3A_50] {strides = array<i32>} : memref<128x128xf32, #tpu.memory_space<vmem>>, vector<1x16xf32>,
        %swap3A_52 = vector.shape_cast %swap3A_51 : vector<1x16xf32> to vector<16xf32>
        %swap3A_53 = vector.shape_cast %broadcast_in_dim3A_23 : vector<16xf32> to vector<1x16xf32>
        tpu.vector_store %arg8[%swap3A_49, %swap3A_50], %swap3A_53 {strides = array<i32>} : memref<128x128xf32, #tpu.memory_space<vmem>>, vector<1x16xf32>,
        %swap3A_54 = arith.index_cast %scan3A_44 : i32 to index
        %swap3A_55 = arith.constant 32 : index
        %swap3A_56 = tpu.vector_load %arg8[%swap3A_54, %swap3A_55] {strides = array<i32>} : memref<128x128xf32, #tpu.memory_space<vmem>>, vector<1x16xf32>,
        %swap3A_57 = vector.shape_cast %swap3A_56 : vector<1x16xf32> to vector<16xf32>
        %swap3A_58 = vector.shape_cast %broadcast_in_dim3A_23 : vector<16xf32> to vector<1x16xf32>
        tpu.vector_store %arg8[%swap3A_54, %swap3A_55], %swap3A_58 {strides = array<i32>} : memref<128x128xf32, #tpu.memory_space<vmem>>, vector<1x16xf32>,
        %swap3A_59 = arith.index_cast %scan3A_44 : i32 to index
        %swap3A_60 = arith.constant 48 : index
        %swap3A_61 = tpu.vector_load %arg8[%swap3A_59, %swap3A_60] {strides = array<i32>} : memref<128x128xf32, #tpu.memory_space<vmem>>, vector<1x16xf32>,
        %swap3A_62 = vector.shape_cast %swap3A_61 : vector<1x16xf32> to vector<16xf32>
        %swap3A_63 = vector.shape_cast %broadcast_in_dim3A_23 : vector<16xf32> to vector<1x16xf32>
        tpu.vector_store %arg8[%swap3A_59, %swap3A_60], %swap3A_63 {strides = array<i32>} : memref<128x128xf32, #tpu.memory_space<vmem>>, vector<1x16xf32>,
        %swap3A_64 = arith.index_cast %scan3A_44 : i32 to index
        %swap3A_65 = arith.constant 64 : index
        %swap3A_66 = tpu.vector_load %arg8[%swap3A_64, %swap3A_65] {strides = array<i32>} : memref<128x128xf32, #tpu.memory_space<vmem>>, vector<1x16xf32>,
        %swap3A_67 = vector.shape_cast %swap3A_66 : vector<1x16xf32> to vector<16xf32>
        %swap3A_68 = vector.shape_cast %broadcast_in_dim3A_23 : vector<16xf32> to vector<1x16xf32>
        tpu.vector_store %arg8[%swap3A_64, %swap3A_65], %swap3A_68 {strides = array<i32>} : memref<128x128xf32, #tpu.memory_space<vmem>>, vector<1x16xf32>,
        %swap3A_69 = arith.index_cast %scan3A_44 : i32 to index
        %swap3A_70 = arith.constant 80 : index
        %swap3A_71 = tpu.vector_load %arg8[%swap3A_69, %swap3A_70] {strides = array<i32>} : memref<128x128xf32, #tpu.memory_space<vmem>>, vector<1x16xf32>,
        %swap3A_72 = vector.shape_cast %swap3A_71 : vector<1x16xf32> to vector<16xf32>
        %swap3A_73 = vector.shape_cast %broadcast_in_dim3A_23 : vector<16xf32> to vector<1x16xf32>
        tpu.vector_store %arg8[%swap3A_69, %swap3A_70], %swap3A_73 {strides = array<i32>} : memref<128x128xf32, #tpu.memory_space<vmem>>, vector<1x16xf32>,
        %swap3A_74 = arith.index_cast %scan3A_44 : i32 to index
        %swap3A_75 = arith.constant 96 : index
        %swap3A_76 = tpu.vector_load %arg8[%swap3A_74, %swap3A_75] {strides = array<i32>} : memref<128x128xf32, #tpu.memory_space<vmem>>, vector<1x16xf32>,
        %swap3A_77 = vector.shape_cast %swap3A_76 : vector<1x16xf32> to vector<16xf32>
        %swap3A_78 = vector.shape_cast %broadcast_in_dim3A_23 : vector<16xf32> to vector<1x16xf32>
        tpu.vector_store %arg8[%swap3A_74, %swap3A_75], %swap3A_78 {strides = array<i32>} : memref<128x128xf32, #tpu.memory_space<vmem>>, vector<1x16xf32>,
        %swap3A_79 = arith.index_cast %scan3A_44 : i32 to index
        %swap3A_80 = arith.constant 112 : index
        %swap3A_81 = tpu.vector_load %arg8[%swap3A_79, %swap3A_80] {strides = array<i32>} : memref<128x128xf32, #tpu.memory_space<vmem>>, vector<1x16xf32>,
        %swap3A_82 = vector.shape_cast %swap3A_81 : vector<1x16xf32> to vector<16xf32>
        %swap3A_83 = vector.shape_cast %broadcast_in_dim3A_23 : vector<16xf32> to vector<1x16xf32>
        tpu.vector_store %arg8[%swap3A_79, %swap3A_80], %swap3A_83 {strides = array<i32>} : memref<128x128xf32, #tpu.memory_space<vmem>>, vector<1x16xf32>,
      }
      %scan3A_29 = arith.constant 128 : i32
      %broadcast_in_dim3A_30 = arith.constant 1.000000e+00 : f32
      %broadcast_in_dim3A_31 = vector.broadcast %broadcast_in_dim3A_30 : f32 to vector<16xf32>
      %scan3A_32 = arith.constant 0 : i32
      %scan3A_33 = arith.constant 0 : i32
      %scan3A_34 = arith.constant 128 : i32
      %scan3A_35 = arith.addi %scan3A_33, %scan3A_34 : i32
      %scan3A_36 = arith.constant 1 : i32
      scf.for %scan3A_44 = %scan3A_33 to %scan3A_35 step %scan3A_36  : i32 {
        %swap3A = arith.index_cast %scan3A_44 : i32 to index
        %swap3A_45 = arith.constant 0 : index
        %swap3A_46 = tpu.vector_load %arg7[%swap3A, %swap3A_45] {strides = array<i32>} : memref<128x128xf32, #tpu.memory_space<vmem>>, vector<1x16xf32>,
        %swap3A_47 = vector.shape_cast %swap3A_46 : vector<1x16xf32> to vector<16xf32>
        %swap3A_48 = vector.shape_cast %broadcast_in_dim3A_31 : vector<16xf32> to vector<1x16xf32>
        tpu.vector_store %arg7[%swap3A, %swap3A_45], %swap3A_48 {strides = array<i32>} : memref<128x128xf32, #tpu.memory_space<vmem>>, vector<1x16xf32>,
        %swap3A_49 = arith.index_cast %scan3A_44 : i32 to index
        %swap3A_50 = arith.constant 16 : index
        %swap3A_51 = tpu.vector_load %arg7[%swap3A_49, %swap3A_50] {strides = array<i32>} : memref<128x128xf32, #tpu.memory_space<vmem>>, vector<1x16xf32>,
        %swap3A_52 = vector.shape_cast %swap3A_51 : vector<1x16xf32> to vector<16xf32>
        %swap3A_53 = vector.shape_cast %broadcast_in_dim3A_31 : vector<16xf32> to vector<1x16xf32>
        tpu.vector_store %arg7[%swap3A_49, %swap3A_50], %swap3A_53 {strides = array<i32>} : memref<128x128xf32, #tpu.memory_space<vmem>>, vector<1x16xf32>,
        %swap3A_54 = arith.index_cast %scan3A_44 : i32 to index
        %swap3A_55 = arith.constant 32 : index
        %swap3A_56 = tpu.vector_load %arg7[%swap3A_54, %swap3A_55] {strides = array<i32>} : memref<128x128xf32, #tpu.memory_space<vmem>>, vector<1x16xf32>,
        %swap3A_57 = vector.shape_cast %swap3A_56 : vector<1x16xf32> to vector<16xf32>
        %swap3A_58 = vector.shape_cast %broadcast_in_dim3A_31 : vector<16xf32> to vector<1x16xf32>
        tpu.vector_store %arg7[%swap3A_54, %swap3A_55], %swap3A_58 {strides = array<i32>} : memref<128x128xf32, #tpu.memory_space<vmem>>, vector<1x16xf32>,
        %swap3A_59 = arith.index_cast %scan3A_44 : i32 to index
        %swap3A_60 = arith.constant 48 : index
        %swap3A_61 = tpu.vector_load %arg7[%swap3A_59, %swap3A_60] {strides = array<i32>} : memref<128x128xf32, #tpu.memory_space<vmem>>, vector<1x16xf32>,
        %swap3A_62 = vector.shape_cast %swap3A_61 : vector<1x16xf32> to vector<16xf32>
        %swap3A_63 = vector.shape_cast %broadcast_in_dim3A_31 : vector<16xf32> to vector<1x16xf32>
        tpu.vector_store %arg7[%swap3A_59, %swap3A_60], %swap3A_63 {strides = array<i32>} : memref<128x128xf32, #tpu.memory_space<vmem>>, vector<1x16xf32>,
        %swap3A_64 = arith.index_cast %scan3A_44 : i32 to index
        %swap3A_65 = arith.constant 64 : index
        %swap3A_66 = tpu.vector_load %arg7[%swap3A_64, %swap3A_65] {strides = array<i32>} : memref<128x128xf32, #tpu.memory_space<vmem>>, vector<1x16xf32>,
        %swap3A_67 = vector.shape_cast %swap3A_66 : vector<1x16xf32> to vector<16xf32>
        %swap3A_68 = vector.shape_cast %broadcast_in_dim3A_31 : vector<16xf32> to vector<1x16xf32>
        tpu.vector_store %arg7[%swap3A_64, %swap3A_65], %swap3A_68 {strides = array<i32>} : memref<128x128xf32, #tpu.memory_space<vmem>>, vector<1x16xf32>,
        %swap3A_69 = arith.index_cast %scan3A_44 : i32 to index
        %swap3A_70 = arith.constant 80 : index
        %swap3A_71 = tpu.vector_load %arg7[%swap3A_69, %swap3A_70] {strides = array<i32>} : memref<128x128xf32, #tpu.memory_space<vmem>>, vector<1x16xf32>,
        %swap3A_72 = vector.shape_cast %swap3A_71 : vector<1x16xf32> to vector<16xf32>
        %swap3A_73 = vector.shape_cast %broadcast_in_dim3A_31 : vector<16xf32> to vector<1x16xf32>
        tpu.vector_store %arg7[%swap3A_69, %swap3A_70], %swap3A_73 {strides = array<i32>} : memref<128x128xf32, #tpu.memory_space<vmem>>, vector<1x16xf32>,
        %swap3A_74 = arith.index_cast %scan3A_44 : i32 to index
        %swap3A_75 = arith.constant 96 : index
        %swap3A_76 = tpu.vector_load %arg7[%swap3A_74, %swap3A_75] {strides = array<i32>} : memref<128x128xf32, #tpu.memory_space<vmem>>, vector<1x16xf32>,
        %swap3A_77 = vector.shape_cast %swap3A_76 : vector<1x16xf32> to vector<16xf32>
        %swap3A_78 = vector.shape_cast %broadcast_in_dim3A_31 : vector<16xf32> to vector<1x16xf32>
        tpu.vector_store %arg7[%swap3A_74, %swap3A_75], %swap3A_78 {strides = array<i32>} : memref<128x128xf32, #tpu.memory_space<vmem>>, vector<1x16xf32>,
        %swap3A_79 = arith.index_cast %scan3A_44 : i32 to index
        %swap3A_80 = arith.constant 112 : index
        %swap3A_81 = tpu.vector_load %arg7[%swap3A_79, %swap3A_80] {strides = array<i32>} : memref<128x128xf32, #tpu.memory_space<vmem>>, vector<1x16xf32>,
        %swap3A_82 = vector.shape_cast %swap3A_81 : vector<1x16xf32> to vector<16xf32>
        %swap3A_83 = vector.shape_cast %broadcast_in_dim3A_31 : vector<16xf32> to vector<1x16xf32>
        tpu.vector_store %arg7[%swap3A_79, %swap3A_80], %swap3A_83 {strides = array<i32>} : memref<128x128xf32, #tpu.memory_space<vmem>>, vector<1x16xf32>,
      }
      %scan3A_37 = arith.constant 128 : i32
      %mul3A = arith.constant 376 : i32
      %mul3A_38 = arith.muli %arg1, %mul3A : i32
      %add3A = arith.constant 0 : i32
      %add3A_39 = arith.addi %mul3A_38, %add3A : i32
      "tpu.region"() ({
        %run_scoped3A = tpu.sem_alloc : memref<!tpu.dma_semaphore, #tpu.memory_space<semaphore_mem>>
        %dma_start3A = arith.constant 0 : i32
        %dma_start3A_44 = tpu.memref_slice %arg9[%add3A_39, %dma_start3A] : memref<6016x128xf32, #tpu.memory_space<vmem_shared>> -> memref<128x128xf32, #tpu.memory_space<vmem_shared>>
        %dma_start3A_45 = arith.constant 0 : i32
        %dma_start3A_46 = tpu.memref_slice %arg9[%add3A_39, %dma_start3A_45] : memref<6016x128xf32, #tpu.memory_space<vmem_shared>> -> memref<128x128xf32, #tpu.memory_space<vmem_shared>>
        tpu.enqueue_dma source(%arg8 : memref<128x128xf32, #tpu.memory_space<vmem>>) target(%dma_start3A_46 : memref<128x128xf32, #tpu.memory_space<vmem_shared>>) target_semaphore(%run_scoped3A : memref<!tpu.dma_semaphore, #tpu.memory_space<semaphore_mem>>)
        %dma_wait3A = arith.constant 0 : i32
        %dma_wait3A_47 = tpu.memref_slice %arg9[%add3A_39, %dma_wait3A] : memref<6016x128xf32, #tpu.memory_space<vmem_shared>> -> memref<128x128xf32, #tpu.memory_space<vmem_shared>>
        %dma_wait3A_48 = arith.constant 0 : i32
        %dma_wait3A_49 = tpu.memref_slice %arg9[%add3A_39, %dma_wait3A_48] : memref<6016x128xf32, #tpu.memory_space<vmem_shared>> -> memref<128x128xf32, #tpu.memory_space<vmem_shared>>
        tpu.wait_dma2 semaphore(%run_scoped3A : memref<!tpu.dma_semaphore, #tpu.memory_space<semaphore_mem>>) src(%arg8 : memref<128x128xf32, #tpu.memory_space<vmem>>) dst(%dma_wait3A_49 : memref<128x128xf32, #tpu.memory_space<vmem_shared>>)
        tpu.yield
      }) : () -> ()
      %add3A_40 = arith.constant 128 : i32
      %add3A_41 = arith.addi %mul3A_38, %add3A_40 : i32
      "tpu.region"() ({
        %run_scoped3A = tpu.sem_alloc : memref<!tpu.dma_semaphore, #tpu.memory_space<semaphore_mem>>
        %dma_start3A = arith.constant 0 : i32
        %dma_start3A_44 = tpu.memref_slice %arg9[%add3A_41, %dma_start3A] : memref<6016x128xf32, #tpu.memory_space<vmem_shared>> -> memref<128x128xf32, #tpu.memory_space<vmem_shared>>
        %dma_start3A_45 = arith.constant 0 : i32
        %dma_start3A_46 = tpu.memref_slice %arg9[%add3A_41, %dma_start3A_45] : memref<6016x128xf32, #tpu.memory_space<vmem_shared>> -> memref<128x128xf32, #tpu.memory_space<vmem_shared>>
        tpu.enqueue_dma source(%arg8 : memref<128x128xf32, #tpu.memory_space<vmem>>) target(%dma_start3A_46 : memref<128x128xf32, #tpu.memory_space<vmem_shared>>) target_semaphore(%run_scoped3A : memref<!tpu.dma_semaphore, #tpu.memory_space<semaphore_mem>>)
        %dma_wait3A = arith.constant 0 : i32
        %dma_wait3A_47 = tpu.memref_slice %arg9[%add3A_41, %dma_wait3A] : memref<6016x128xf32, #tpu.memory_space<vmem_shared>> -> memref<128x128xf32, #tpu.memory_space<vmem_shared>>
        %dma_wait3A_48 = arith.constant 0 : i32
        %dma_wait3A_49 = tpu.memref_slice %arg9[%add3A_41, %dma_wait3A_48] : memref<6016x128xf32, #tpu.memory_space<vmem_shared>> -> memref<128x128xf32, #tpu.memory_space<vmem_shared>>
        tpu.wait_dma2 semaphore(%run_scoped3A : memref<!tpu.dma_semaphore, #tpu.memory_space<semaphore_mem>>) src(%arg8 : memref<128x128xf32, #tpu.memory_space<vmem>>) dst(%dma_wait3A_49 : memref<128x128xf32, #tpu.memory_space<vmem_shared>>)
        tpu.yield
      }) : () -> ()
      %add3A_42 = arith.constant 256 : i32
      %add3A_43 = arith.addi %mul3A_38, %add3A_42 : i32
      "tpu.region"() ({
        %run_scoped3A = tpu.sem_alloc : memref<!tpu.dma_semaphore, #tpu.memory_space<semaphore_mem>>
        %dma_start3A = arith.constant 0 : i32
        %dma_start3A_44 = arith.constant 0 : i32
        %dma_start3A_45 = tpu.memref_slice %arg8[%dma_start3A, %dma_start3A_44] : memref<128x128xf32, #tpu.memory_space<vmem>> -> memref<120x128xf32, #tpu.memory_space<vmem>>
        %dma_start3A_46 = arith.constant 0 : i32
        %dma_start3A_47 = tpu.memref_slice %arg9[%add3A_43, %dma_start3A_46] : memref<6016x128xf32, #tpu.memory_space<vmem_shared>> -> memref<120x128xf32, #tpu.memory_space<vmem_shared>>
        %dma_start3A_48 = arith.constant 0 : i32
        %dma_start3A_49 = tpu.memref_slice %arg9[%add3A_43, %dma_start3A_48] : memref<6016x128xf32, #tpu.memory_space<vmem_shared>> -> memref<120x128xf32, #tpu.memory_space<vmem_shared>>
        %dma_start3A_50 = arith.constant 0 : i32
        %dma_start3A_51 = arith.constant 0 : i32
        %dma_start3A_52 = tpu.memref_slice %arg8[%dma_start3A_50, %dma_start3A_51] : memref<128x128xf32, #tpu.memory_space<vmem>> -> memref<120x128xf32, #tpu.memory_space<vmem>>
        tpu.enqueue_dma source(%dma_start3A_52 : memref<120x128xf32, #tpu.memory_space<vmem>>) target(%dma_start3A_49 : memref<120x128xf32, #tpu.memory_space<vmem_shared>>) target_semaphore(%run_scoped3A : memref<!tpu.dma_semaphore, #tpu.memory_space<semaphore_mem>>)
        %dma_wait3A = arith.constant 0 : i32
        %dma_wait3A_53 = arith.constant 0 : i32
        %dma_wait3A_54 = tpu.memref_slice %arg8[%dma_wait3A, %dma_wait3A_53] : memref<128x128xf32, #tpu.memory_space<vmem>> -> memref<120x128xf32, #tpu.memory_space<vmem>>
        %dma_wait3A_55 = arith.constant 0 : i32
        %dma_wait3A_56 = tpu.memref_slice %arg9[%add3A_43, %dma_wait3A_55] : memref<6016x128xf32, #tpu.memory_space<vmem_shared>> -> memref<120x128xf32, #tpu.memory_space<vmem_shared>>
        %dma_wait3A_57 = arith.constant 0 : i32
        %dma_wait3A_58 = tpu.memref_slice %arg9[%add3A_43, %dma_wait3A_57] : memref<6016x128xf32, #tpu.memory_space<vmem_shared>> -> memref<120x128xf32, #tpu.memory_space<vmem_shared>>
        %dma_wait3A_59 = arith.constant 0 : i32
        %dma_wait3A_60 = arith.constant 0 : i32
        %dma_wait3A_61 = tpu.memref_slice %arg8[%dma_wait3A_59, %dma_wait3A_60] : memref<128x128xf32, #tpu.memory_space<vmem>> -> memref<120x128xf32, #tpu.memory_space<vmem>>
        tpu.wait_dma2 semaphore(%run_scoped3A : memref<!tpu.dma_semaphore, #tpu.memory_space<semaphore_mem>>) src(%dma_wait3A_61 : memref<120x128xf32, #tpu.memory_space<vmem>>) dst(%dma_wait3A_58 : memref<120x128xf32, #tpu.memory_space<vmem_shared>>)
        tpu.yield
      }) : () -> ()
      "tpu.region"() ({
        %run_scoped3A = tpu.sem_alloc : memref<!tpu.dma_semaphore, #tpu.memory_space<semaphore_mem>>
        %dma_start3A = arith.constant 0 : i32
        %dma_start3A_44 = arith.constant 0 : i32
        %dma_start3A_45 = tpu.memref_slice %arg2[%arg1, %dma_start3A, %dma_start3A_44] : memref<16x160x128xi32, #tpu.memory_space<hbm>> -> memref<1x160x128xi32, #tpu.memory_space<hbm>>
        %dma_start3A_46 = tpu.memref_squeeze %dma_start3A_45 : memref<1x160x128xi32, #tpu.memory_space<hbm>> -> memref<160x128xi32, #tpu.memory_space<hbm>>
        %dma_start3A_47 = arith.constant 0 : i32
        %dma_start3A_48 = arith.constant 0 : i32
        %dma_start3A_49 = tpu.memref_slice %arg2[%arg1, %dma_start3A_47, %dma_start3A_48] : memref<16x160x128xi32, #tpu.memory_space<hbm>> -> memref<1x160x128xi32, #tpu.memory_space<hbm>>
        %dma_start3A_50 = tpu.memref_squeeze %dma_start3A_49 : memref<1x160x128xi32, #tpu.memory_space<hbm>> -> memref<160x128xi32, #tpu.memory_space<hbm>>
        tpu.enqueue_dma source(%dma_start3A_50 : memref<160x128xi32, #tpu.memory_space<hbm>>) target(%arg6 : memref<160x128xi32, #tpu.memory_space<vmem>>) target_semaphore(%run_scoped3A : memref<!tpu.dma_semaphore, #tpu.memory_space<semaphore_mem>>)
        %dma_wait3A = arith.constant 0 : i32
        %dma_wait3A_51 = arith.constant 0 : i32
        %dma_wait3A_52 = tpu.memref_slice %arg2[%arg1, %dma_wait3A, %dma_wait3A_51] : memref<16x160x128xi32, #tpu.memory_space<hbm>> -> memref<1x160x128xi32, #tpu.memory_space<hbm>>
        %dma_wait3A_53 = tpu.memref_squeeze %dma_wait3A_52 : memref<1x160x128xi32, #tpu.memory_space<hbm>> -> memref<160x128xi32, #tpu.memory_space<hbm>>
        %dma_wait3A_54 = arith.constant 0 : i32
        %dma_wait3A_55 = arith.constant 0 : i32
        %dma_wait3A_56 = tpu.memref_slice %arg2[%arg1, %dma_wait3A_54, %dma_wait3A_55] : memref<16x160x128xi32, #tpu.memory_space<hbm>> -> memref<1x160x128xi32, #tpu.memory_space<hbm>>
        %dma_wait3A_57 = tpu.memref_squeeze %dma_wait3A_56 : memref<1x160x128xi32, #tpu.memory_space<hbm>> -> memref<160x128xi32, #tpu.memory_space<hbm>>
        tpu.wait_dma2 semaphore(%run_scoped3A : memref<!tpu.dma_semaphore, #tpu.memory_space<semaphore_mem>>) src(%dma_wait3A_57 : memref<160x128xi32, #tpu.memory_space<hbm>>) dst(%arg6 : memref<160x128xi32, #tpu.memory_space<vmem>>)
        tpu.yield
      }) : () -> ()
    } else {
    }
    %eq3A_2 = arith.constant 1 : i32
    %eq3A_3 = arith.cmpi eq, %arg0, %eq3A_2 : i32
    %convert_element_type3A_4 = arith.extui %eq3A_3 : i1 to i32
    %cond3A_5 = arith.constant 0 : i32
    %cond3A_6 = arith.cmpi ne, %convert_element_type3A_4, %cond3A_5 : i32
    scf.if %cond3A_6 {
      %broadcast_in_dim3A = arith.constant 0.000000e+00 : f32
      %broadcast_in_dim3A_23 = vector.broadcast %broadcast_in_dim3A : f32 to vector<16xf32>
      %scan3A_24 = arith.constant 0 : i32
      %scan3A_25 = arith.constant 0 : i32
      %scan3A_26 = arith.constant 128 : i32
      %scan3A_27 = arith.addi %scan3A_25, %scan3A_26 : i32
      %scan3A_28 = arith.constant 1 : i32
      scf.for %scan3A_42 = %scan3A_25 to %scan3A_27 step %scan3A_28  : i32 {
        %swap3A = arith.index_cast %scan3A_42 : i32 to index
        %swap3A_43 = arith.constant 0 : index
        %swap3A_44 = tpu.vector_load %arg8[%swap3A, %swap3A_43] {strides = array<i32>} : memref<128x128xf32, #tpu.memory_space<vmem>>, vector<1x16xf32>,
        %swap3A_45 = vector.shape_cast %swap3A_44 : vector<1x16xf32> to vector<16xf32>
        %swap3A_46 = vector.shape_cast %broadcast_in_dim3A_23 : vector<16xf32> to vector<1x16xf32>
        tpu.vector_store %arg8[%swap3A, %swap3A_43], %swap3A_46 {strides = array<i32>} : memref<128x128xf32, #tpu.memory_space<vmem>>, vector<1x16xf32>,
        %swap3A_47 = arith.index_cast %scan3A_42 : i32 to index
        %swap3A_48 = arith.constant 16 : index
        %swap3A_49 = tpu.vector_load %arg8[%swap3A_47, %swap3A_48] {strides = array<i32>} : memref<128x128xf32, #tpu.memory_space<vmem>>, vector<1x16xf32>,
        %swap3A_50 = vector.shape_cast %swap3A_49 : vector<1x16xf32> to vector<16xf32>
        %swap3A_51 = vector.shape_cast %broadcast_in_dim3A_23 : vector<16xf32> to vector<1x16xf32>
        tpu.vector_store %arg8[%swap3A_47, %swap3A_48], %swap3A_51 {strides = array<i32>} : memref<128x128xf32, #tpu.memory_space<vmem>>, vector<1x16xf32>,
        %swap3A_52 = arith.index_cast %scan3A_42 : i32 to index
        %swap3A_53 = arith.constant 32 : index
        %swap3A_54 = tpu.vector_load %arg8[%swap3A_52, %swap3A_53] {strides = array<i32>} : memref<128x128xf32, #tpu.memory_space<vmem>>, vector<1x16xf32>,
        %swap3A_55 = vector.shape_cast %swap3A_54 : vector<1x16xf32> to vector<16xf32>
        %swap3A_56 = vector.shape_cast %broadcast_in_dim3A_23 : vector<16xf32> to vector<1x16xf32>
        tpu.vector_store %arg8[%swap3A_52, %swap3A_53], %swap3A_56 {strides = array<i32>} : memref<128x128xf32, #tpu.memory_space<vmem>>, vector<1x16xf32>,
        %swap3A_57 = arith.index_cast %scan3A_42 : i32 to index
        %swap3A_58 = arith.constant 48 : index
        %swap3A_59 = tpu.vector_load %arg8[%swap3A_57, %swap3A_58] {strides = array<i32>} : memref<128x128xf32, #tpu.memory_space<vmem>>, vector<1x16xf32>,
        %swap3A_60 = vector.shape_cast %swap3A_59 : vector<1x16xf32> to vector<16xf32>
        %swap3A_61 = vector.shape_cast %broadcast_in_dim3A_23 : vector<16xf32> to vector<1x16xf32>
        tpu.vector_store %arg8[%swap3A_57, %swap3A_58], %swap3A_61 {strides = array<i32>} : memref<128x128xf32, #tpu.memory_space<vmem>>, vector<1x16xf32>,
        %swap3A_62 = arith.index_cast %scan3A_42 : i32 to index
        %swap3A_63 = arith.constant 64 : index
        %swap3A_64 = tpu.vector_load %arg8[%swap3A_62, %swap3A_63] {strides = array<i32>} : memref<128x128xf32, #tpu.memory_space<vmem>>, vector<1x16xf32>,
        %swap3A_65 = vector.shape_cast %swap3A_64 : vector<1x16xf32> to vector<16xf32>
        %swap3A_66 = vector.shape_cast %broadcast_in_dim3A_23 : vector<16xf32> to vector<1x16xf32>
        tpu.vector_store %arg8[%swap3A_62, %swap3A_63], %swap3A_66 {strides = array<i32>} : memref<128x128xf32, #tpu.memory_space<vmem>>, vector<1x16xf32>,
        %swap3A_67 = arith.index_cast %scan3A_42 : i32 to index
        %swap3A_68 = arith.constant 80 : index
        %swap3A_69 = tpu.vector_load %arg8[%swap3A_67, %swap3A_68] {strides = array<i32>} : memref<128x128xf32, #tpu.memory_space<vmem>>, vector<1x16xf32>,
        %swap3A_70 = vector.shape_cast %swap3A_69 : vector<1x16xf32> to vector<16xf32>
        %swap3A_71 = vector.shape_cast %broadcast_in_dim3A_23 : vector<16xf32> to vector<1x16xf32>
        tpu.vector_store %arg8[%swap3A_67, %swap3A_68], %swap3A_71 {strides = array<i32>} : memref<128x128xf32, #tpu.memory_space<vmem>>, vector<1x16xf32>,
        %swap3A_72 = arith.index_cast %scan3A_42 : i32 to index
        %swap3A_73 = arith.constant 96 : index
        %swap3A_74 = tpu.vector_load %arg8[%swap3A_72, %swap3A_73] {strides = array<i32>} : memref<128x128xf32, #tpu.memory_space<vmem>>, vector<1x16xf32>,
        %swap3A_75 = vector.shape_cast %swap3A_74 : vector<1x16xf32> to vector<16xf32>
        %swap3A_76 = vector.shape_cast %broadcast_in_dim3A_23 : vector<16xf32> to vector<1x16xf32>
        tpu.vector_store %arg8[%swap3A_72, %swap3A_73], %swap3A_76 {strides = array<i32>} : memref<128x128xf32, #tpu.memory_space<vmem>>, vector<1x16xf32>,
        %swap3A_77 = arith.index_cast %scan3A_42 : i32 to index
        %swap3A_78 = arith.constant 112 : index
        %swap3A_79 = tpu.vector_load %arg8[%swap3A_77, %swap3A_78] {strides = array<i32>} : memref<128x128xf32, #tpu.memory_space<vmem>>, vector<1x16xf32>,
        %swap3A_80 = vector.shape_cast %swap3A_79 : vector<1x16xf32> to vector<16xf32>
        %swap3A_81 = vector.shape_cast %broadcast_in_dim3A_23 : vector<16xf32> to vector<1x16xf32>
        tpu.vector_store %arg8[%swap3A_77, %swap3A_78], %swap3A_81 {strides = array<i32>} : memref<128x128xf32, #tpu.memory_space<vmem>>, vector<1x16xf32>,
      }
      %scan3A_29 = arith.constant 128 : i32
      %broadcast_in_dim3A_30 = arith.constant 1.000000e+00 : f32
      %broadcast_in_dim3A_31 = vector.broadcast %broadcast_in_dim3A_30 : f32 to vector<16xf32>
      %scan3A_32 = arith.constant 0 : i32
      %scan3A_33 = arith.constant 0 : i32
      %scan3A_34 = arith.constant 128 : i32
      %scan3A_35 = arith.addi %scan3A_33, %scan3A_34 : i32
      %scan3A_36 = arith.constant 1 : i32
      scf.for %scan3A_42 = %scan3A_33 to %scan3A_35 step %scan3A_36  : i32 {
        %swap3A = arith.index_cast %scan3A_42 : i32 to index
        %swap3A_43 = arith.constant 0 : index
        %swap3A_44 = tpu.vector_load %arg7[%swap3A, %swap3A_43] {strides = array<i32>} : memref<128x128xf32, #tpu.memory_space<vmem>>, vector<1x16xf32>,
        %swap3A_45 = vector.shape_cast %swap3A_44 : vector<1x16xf32> to vector<16xf32>
        %swap3A_46 = vector.shape_cast %broadcast_in_dim3A_31 : vector<16xf32> to vector<1x16xf32>
        tpu.vector_store %arg7[%swap3A, %swap3A_43], %swap3A_46 {strides = array<i32>} : memref<128x128xf32, #tpu.memory_space<vmem>>, vector<1x16xf32>,
        %swap3A_47 = arith.index_cast %scan3A_42 : i32 to index
        %swap3A_48 = arith.constant 16 : index
        %swap3A_49 = tpu.vector_load %arg7[%swap3A_47, %swap3A_48] {strides = array<i32>} : memref<128x128xf32, #tpu.memory_space<vmem>>, vector<1x16xf32>,
        %swap3A_50 = vector.shape_cast %swap3A_49 : vector<1x16xf32> to vector<16xf32>
        %swap3A_51 = vector.shape_cast %broadcast_in_dim3A_31 : vector<16xf32> to vector<1x16xf32>
        tpu.vector_store %arg7[%swap3A_47, %swap3A_48], %swap3A_51 {strides = array<i32>} : memref<128x128xf32, #tpu.memory_space<vmem>>, vector<1x16xf32>,
        %swap3A_52 = arith.index_cast %scan3A_42 : i32 to index
        %swap3A_53 = arith.constant 32 : index
        %swap3A_54 = tpu.vector_load %arg7[%swap3A_52, %swap3A_53] {strides = array<i32>} : memref<128x128xf32, #tpu.memory_space<vmem>>, vector<1x16xf32>,
        %swap3A_55 = vector.shape_cast %swap3A_54 : vector<1x16xf32> to vector<16xf32>
        %swap3A_56 = vector.shape_cast %broadcast_in_dim3A_31 : vector<16xf32> to vector<1x16xf32>
        tpu.vector_store %arg7[%swap3A_52, %swap3A_53], %swap3A_56 {strides = array<i32>} : memref<128x128xf32, #tpu.memory_space<vmem>>, vector<1x16xf32>,
        %swap3A_57 = arith.index_cast %scan3A_42 : i32 to index
        %swap3A_58 = arith.constant 48 : index
        %swap3A_59 = tpu.vector_load %arg7[%swap3A_57, %swap3A_58] {strides = array<i32>} : memref<128x128xf32, #tpu.memory_space<vmem>>, vector<1x16xf32>,
        %swap3A_60 = vector.shape_cast %swap3A_59 : vector<1x16xf32> to vector<16xf32>
        %swap3A_61 = vector.shape_cast %broadcast_in_dim3A_31 : vector<16xf32> to vector<1x16xf32>
        tpu.vector_store %arg7[%swap3A_57, %swap3A_58], %swap3A_61 {strides = array<i32>} : memref<128x128xf32, #tpu.memory_space<vmem>>, vector<1x16xf32>,
        %swap3A_62 = arith.index_cast %scan3A_42 : i32 to index
        %swap3A_63 = arith.constant 64 : index
        %swap3A_64 = tpu.vector_load %arg7[%swap3A_62, %swap3A_63] {strides = array<i32>} : memref<128x128xf32, #tpu.memory_space<vmem>>, vector<1x16xf32>,
        %swap3A_65 = vector.shape_cast %swap3A_64 : vector<1x16xf32> to vector<16xf32>
        %swap3A_66 = vector.shape_cast %broadcast_in_dim3A_31 : vector<16xf32> to vector<1x16xf32>
        tpu.vector_store %arg7[%swap3A_62, %swap3A_63], %swap3A_66 {strides = array<i32>} : memref<128x128xf32, #tpu.memory_space<vmem>>, vector<1x16xf32>,
        %swap3A_67 = arith.index_cast %scan3A_42 : i32 to index
        %swap3A_68 = arith.constant 80 : index
        %swap3A_69 = tpu.vector_load %arg7[%swap3A_67, %swap3A_68] {strides = array<i32>} : memref<128x128xf32, #tpu.memory_space<vmem>>, vector<1x16xf32>,
        %swap3A_70 = vector.shape_cast %swap3A_69 : vector<1x16xf32> to vector<16xf32>
        %swap3A_71 = vector.shape_cast %broadcast_in_dim3A_31 : vector<16xf32> to vector<1x16xf32>
        tpu.vector_store %arg7[%swap3A_67, %swap3A_68], %swap3A_71 {strides = array<i32>} : memref<128x128xf32, #tpu.memory_space<vmem>>, vector<1x16xf32>,
        %swap3A_72 = arith.index_cast %scan3A_42 : i32 to index
        %swap3A_73 = arith.constant 96 : index
        %swap3A_74 = tpu.vector_load %arg7[%swap3A_72, %swap3A_73] {strides = array<i32>} : memref<128x128xf32, #tpu.memory_space<vmem>>, vector<1x16xf32>,
        %swap3A_75 = vector.shape_cast %swap3A_74 : vector<1x16xf32> to vector<16xf32>
        %swap3A_76 = vector.shape_cast %broadcast_in_dim3A_31 : vector<16xf32> to vector<1x16xf32>
        tpu.vector_store %arg7[%swap3A_72, %swap3A_73], %swap3A_76 {strides = array<i32>} : memref<128x128xf32, #tpu.memory_space<vmem>>, vector<1x16xf32>,
        %swap3A_77 = arith.index_cast %scan3A_42 : i32 to index
        %swap3A_78 = arith.constant 112 : index
        %swap3A_79 = tpu.vector_load %arg7[%swap3A_77, %swap3A_78] {strides = array<i32>} : memref<128x128xf32, #tpu.memory_space<vmem>>, vector<1x16xf32>,
        %swap3A_80 = vector.shape_cast %swap3A_79 : vector<1x16xf32> to vector<16xf32>
        %swap3A_81 = vector.shape_cast %broadcast_in_dim3A_31 : vector<16xf32> to vector<1x16xf32>
        tpu.vector_store %arg7[%swap3A_77, %swap3A_78], %swap3A_81 {strides = array<i32>} : memref<128x128xf32, #tpu.memory_space<vmem>>, vector<1x16xf32>,
      }
      %scan3A_37 = arith.constant 128 : i32
      %mul3A = arith.constant 256 : i32
      %mul3A_38 = arith.muli %arg1, %mul3A : i32
      %add3A = arith.constant 0 : i32
      %add3A_39 = arith.addi %mul3A_38, %add3A : i32
      "tpu.region"() ({
        %run_scoped3A = tpu.sem_alloc : memref<!tpu.dma_semaphore, #tpu.memory_space<semaphore_mem>>
        %dma_start3A = arith.constant 0 : i32
        %dma_start3A_42 = tpu.memref_slice %arg9[%add3A_39, %dma_start3A] : memref<6016x128xf32, #tpu.memory_space<vmem_shared>> -> memref<128x128xf32, #tpu.memory_space<vmem_shared>>
        %dma_start3A_43 = arith.constant 0 : i32
        %dma_start3A_44 = tpu.memref_slice %arg9[%add3A_39, %dma_start3A_43] : memref<6016x128xf32, #tpu.memory_space<vmem_shared>> -> memref<128x128xf32, #tpu.memory_space<vmem_shared>>
        tpu.enqueue_dma source(%arg8 : memref<128x128xf32, #tpu.memory_space<vmem>>) target(%dma_start3A_44 : memref<128x128xf32, #tpu.memory_space<vmem_shared>>) target_semaphore(%run_scoped3A : memref<!tpu.dma_semaphore, #tpu.memory_space<semaphore_mem>>)
        %dma_wait3A = arith.constant 0 : i32
        %dma_wait3A_45 = tpu.memref_slice %arg9[%add3A_39, %dma_wait3A] : memref<6016x128xf32, #tpu.memory_space<vmem_shared>> -> memref<128x128xf32, #tpu.memory_space<vmem_shared>>
        %dma_wait3A_46 = arith.constant 0 : i32
        %dma_wait3A_47 = tpu.memref_slice %arg9[%add3A_39, %dma_wait3A_46] : memref<6016x128xf32, #tpu.memory_space<vmem_shared>> -> memref<128x128xf32, #tpu.memory_space<vmem_shared>>
        tpu.wait_dma2 semaphore(%run_scoped3A : memref<!tpu.dma_semaphore, #tpu.memory_space<semaphore_mem>>) src(%arg8 : memref<128x128xf32, #tpu.memory_space<vmem>>) dst(%dma_wait3A_47 : memref<128x128xf32, #tpu.memory_space<vmem_shared>>)
        tpu.yield
      }) : () -> ()
      %add3A_40 = arith.constant 128 : i32
      %add3A_41 = arith.addi %mul3A_38, %add3A_40 : i32
      "tpu.region"() ({
        %run_scoped3A = tpu.sem_alloc : memref<!tpu.dma_semaphore, #tpu.memory_space<semaphore_mem>>
        %dma_start3A = arith.constant 0 : i32
        %dma_start3A_42 = tpu.memref_slice %arg9[%add3A_41, %dma_start3A] : memref<6016x128xf32, #tpu.memory_space<vmem_shared>> -> memref<128x128xf32, #tpu.memory_space<vmem_shared>>
        %dma_start3A_43 = arith.constant 0 : i32
        %dma_start3A_44 = tpu.memref_slice %arg9[%add3A_41, %dma_start3A_43] : memref<6016x128xf32, #tpu.memory_space<vmem_shared>> -> memref<128x128xf32, #tpu.memory_space<vmem_shared>>
        tpu.enqueue_dma source(%arg8 : memref<128x128xf32, #tpu.memory_space<vmem>>) target(%dma_start3A_44 : memref<128x128xf32, #tpu.memory_space<vmem_shared>>) target_semaphore(%run_scoped3A : memref<!tpu.dma_semaphore, #tpu.memory_space<semaphore_mem>>)
        %dma_wait3A = arith.constant 0 : i32
        %dma_wait3A_45 = tpu.memref_slice %arg9[%add3A_41, %dma_wait3A] : memref<6016x128xf32, #tpu.memory_space<vmem_shared>> -> memref<128x128xf32, #tpu.memory_space<vmem_shared>>
        %dma_wait3A_46 = arith.constant 0 : i32
        %dma_wait3A_47 = tpu.memref_slice %arg9[%add3A_41, %dma_wait3A_46] : memref<6016x128xf32, #tpu.memory_space<vmem_shared>> -> memref<128x128xf32, #tpu.memory_space<vmem_shared>>
        tpu.wait_dma2 semaphore(%run_scoped3A : memref<!tpu.dma_semaphore, #tpu.memory_space<semaphore_mem>>) src(%arg8 : memref<128x128xf32, #tpu.memory_space<vmem>>) dst(%dma_wait3A_47 : memref<128x128xf32, #tpu.memory_space<vmem_shared>>)
        tpu.yield
      }) : () -> ()
      "tpu.region"() ({
        %run_scoped3A = tpu.sem_alloc : memref<!tpu.dma_semaphore, #tpu.memory_space<semaphore_mem>>
        %dma_start3A = arith.constant 0 : i32
        %dma_start3A_42 = arith.constant 0 : i32
        %dma_start3A_43 = tpu.memref_slice %arg3[%arg1, %dma_start3A, %dma_start3A_42] : memref<16x160x128xi32, #tpu.memory_space<hbm>> -> memref<1x160x128xi32, #tpu.memory_space<hbm>>
        %dma_start3A_44 = tpu.memref_squeeze %dma_start3A_43 : memref<1x160x128xi32, #tpu.memory_space<hbm>> -> memref<160x128xi32, #tpu.memory_space<hbm>>
        %dma_start3A_45 = arith.constant 0 : i32
        %dma_start3A_46 = arith.constant 0 : i32
        %dma_start3A_47 = tpu.memref_slice %arg3[%arg1, %dma_start3A_45, %dma_start3A_46] : memref<16x160x128xi32, #tpu.memory_space<hbm>> -> memref<1x160x128xi32, #tpu.memory_space<hbm>>
        %dma_start3A_48 = tpu.memref_squeeze %dma_start3A_47 : memref<1x160x128xi32, #tpu.memory_space<hbm>> -> memref<160x128xi32, #tpu.memory_space<hbm>>
        tpu.enqueue_dma source(%dma_start3A_48 : memref<160x128xi32, #tpu.memory_space<hbm>>) target(%arg6 : memref<160x128xi32, #tpu.memory_space<vmem>>) target_semaphore(%run_scoped3A : memref<!tpu.dma_semaphore, #tpu.memory_space<semaphore_mem>>)
        %dma_wait3A = arith.constant 0 : i32
        %dma_wait3A_49 = arith.constant 0 : i32
        %dma_wait3A_50 = tpu.memref_slice %arg3[%arg1, %dma_wait3A, %dma_wait3A_49] : memref<16x160x128xi32, #tpu.memory_space<hbm>> -> memref<1x160x128xi32, #tpu.memory_space<hbm>>
        %dma_wait3A_51 = tpu.memref_squeeze %dma_wait3A_50 : memref<1x160x128xi32, #tpu.memory_space<hbm>> -> memref<160x128xi32, #tpu.memory_space<hbm>>
        %dma_wait3A_52 = arith.constant 0 : i32
        %dma_wait3A_53 = arith.constant 0 : i32
        %dma_wait3A_54 = tpu.memref_slice %arg3[%arg1, %dma_wait3A_52, %dma_wait3A_53] : memref<16x160x128xi32, #tpu.memory_space<hbm>> -> memref<1x160x128xi32, #tpu.memory_space<hbm>>
        %dma_wait3A_55 = tpu.memref_squeeze %dma_wait3A_54 : memref<1x160x128xi32, #tpu.memory_space<hbm>> -> memref<160x128xi32, #tpu.memory_space<hbm>>
        tpu.wait_dma2 semaphore(%run_scoped3A : memref<!tpu.dma_semaphore, #tpu.memory_space<semaphore_mem>>) src(%dma_wait3A_55 : memref<160x128xi32, #tpu.memory_space<hbm>>) dst(%arg6 : memref<160x128xi32, #tpu.memory_space<vmem>>)
        tpu.yield
      }) : () -> ()
    } else {
    }
    %barrier3A = arith.constant 0 : index
    tpu.barrier barrier_id(%barrier3A)
    %scan3A = arith.constant 0 : i32
    %scan3A_7 = arith.constant 0 : i32
    %scan3A_8 = arith.constant 160 : i32
    %scan3A_9 = arith.addi %scan3A_7, %scan3A_8 : i32
    %scan3A_10 = arith.constant 1 : i32
    scf.for %scan3A_23 = %scan3A_7 to %scan3A_9 step %scan3A_10  : i32 {
      "tpu.region"() ({
        %run_scoped3A = tpu.sem_alloc : memref<!tpu.dma_semaphore, #tpu.memory_space<semaphore_mem>>
        %dma_start3A = arith.constant 0 : i32
        %dma_start3A_24 = tpu.memref_slice %arg6[%scan3A_23, %dma_start3A] : memref<160x128xi32, #tpu.memory_space<vmem>> -> memref<1x128xi32, #tpu.memory_space<vmem>>
        %dma_start3A_25 = tpu.memref_squeeze %dma_start3A_24 : memref<1x128xi32, #tpu.memory_space<vmem>> -> memref<128xi32, #tpu.memory_space<vmem>>
        %dma_start3A_26 = arith.constant 0 : i32
        %dma_start3A_27 = arith.constant 0 : i32
        %dma_start3A_28 = tpu.memref_slice %arg9[%dma_start3A_26, %dma_start3A_27] : memref<6016x128xf32, #tpu.memory_space<vmem_shared>> -> memref<6016x128xf32, #tpu.memory_space<vmem_shared>>
        tpu.enqueue_indirect_dma source(%arg7 : memref<128x128xf32, #tpu.memory_space<vmem>>) target(%dma_start3A_28 : memref<6016x128xf32, #tpu.memory_space<vmem_shared>>) offsets(%dma_start3A_25 : memref<128xi32, #tpu.memory_space<vmem>>) semaphore(%run_scoped3A : memref<!tpu.dma_semaphore, #tpu.memory_space<semaphore_mem>>) {add = true}
        %dma_wait3A = arith.constant 0 : i32
        %dma_wait3A_29 = tpu.memref_slice %arg6[%scan3A_23, %dma_wait3A] : memref<160x128xi32, #tpu.memory_space<vmem>> -> memref<1x128xi32, #tpu.memory_space<vmem>>
        %dma_wait3A_30 = tpu.memref_squeeze %dma_wait3A_29 : memref<1x128xi32, #tpu.memory_space<vmem>> -> memref<128xi32, #tpu.memory_space<vmem>>
        %dma_wait3A_31 = arith.constant 0 : i32
        %dma_wait3A_32 = arith.constant 0 : i32
        %dma_wait3A_33 = tpu.memref_slice %arg9[%dma_wait3A_31, %dma_wait3A_32] : memref<6016x128xf32, #tpu.memory_space<vmem_shared>> -> memref<6016x128xf32, #tpu.memory_space<vmem_shared>>
        tpu.wait_indirect_dma semaphore(%run_scoped3A : memref<!tpu.dma_semaphore, #tpu.memory_space<semaphore_mem>>) src(%arg7 : memref<128x128xf32, #tpu.memory_space<vmem>>) dst(%dma_wait3A_33 : memref<6016x128xf32, #tpu.memory_space<vmem_shared>>)
        tpu.yield
      }) : () -> ()
    }
    %scan3A_11 = arith.constant 160 : i32
    %barrier3A_12 = arith.constant 0 : index
    tpu.barrier barrier_id(%barrier3A_12)
    %eq3A_13 = arith.constant 0 : i32
    %eq3A_14 = arith.cmpi eq, %arg0, %eq3A_13 : i32
    %convert_element_type3A_15 = arith.extui %eq3A_14 : i1 to i32
    %cond3A_16 = arith.constant 0 : i32
    %cond3A_17 = arith.cmpi ne, %convert_element_type3A_15, %cond3A_16 : i32
    scf.if %cond3A_17 {
      %mul3A = arith.constant 376 : i32
      %mul3A_23 = arith.muli %arg1, %mul3A : i32
      "tpu.region"() ({
        %run_scoped3A = tpu.sem_alloc : memref<!tpu.dma_semaphore, #tpu.memory_space<semaphore_mem>>
        %dma_start3A = arith.constant 0 : i32
        %dma_start3A_24 = tpu.memref_slice %arg4[%mul3A_23, %dma_start3A] : memref<6016x128xf32, #tpu.memory_space<hbm>> -> memref<376x128xf32, #tpu.memory_space<hbm>>
        %dma_start3A_25 = arith.constant 0 : i32
        %dma_start3A_26 = tpu.memref_slice %arg9[%mul3A_23, %dma_start3A_25] : memref<6016x128xf32, #tpu.memory_space<vmem_shared>> -> memref<376x128xf32, #tpu.memory_space<vmem_shared>>
        tpu.enqueue_dma source(%dma_start3A_26 : memref<376x128xf32, #tpu.memory_space<vmem_shared>>) target(%dma_start3A_24 : memref<376x128xf32, #tpu.memory_space<hbm>>) target_semaphore(%run_scoped3A : memref<!tpu.dma_semaphore, #tpu.memory_space<semaphore_mem>>)
        %dma_wait3A = arith.constant 0 : i32
        %dma_wait3A_27 = tpu.memref_slice %arg4[%mul3A_23, %dma_wait3A] : memref<6016x128xf32, #tpu.memory_space<hbm>> -> memref<376x128xf32, #tpu.memory_space<hbm>>
        %dma_wait3A_28 = arith.constant 0 : i32
        %dma_wait3A_29 = tpu.memref_slice %arg9[%mul3A_23, %dma_wait3A_28] : memref<6016x128xf32, #tpu.memory_space<vmem_shared>> -> memref<376x128xf32, #tpu.memory_space<vmem_shared>>
        tpu.wait_dma2 semaphore(%run_scoped3A : memref<!tpu.dma_semaphore, #tpu.memory_space<semaphore_mem>>) src(%dma_wait3A_29 : memref<376x128xf32, #tpu.memory_space<vmem_shared>>) dst(%dma_wait3A_27 : memref<376x128xf32, #tpu.memory_space<hbm>>)
        tpu.yield
      }) : () -> ()
    } else {
    }
    %eq3A_18 = arith.constant 1 : i32
    %eq3A_19 = arith.cmpi eq, %arg0, %eq3A_18 : i32
    %convert_element_type3A_20 = arith.extui %eq3A_19 : i1 to i32
    %cond3A_21 = arith.constant 0 : i32
    %cond3A_22 = arith.cmpi ne, %convert_element_type3A_20, %cond3A_21 : i32
    scf.if %cond3A_22 {
      %mul3A = arith.constant 256 : i32
      %mul3A_23 = arith.muli %arg1, %mul3A : i32
      "tpu.region"() ({
        %run_scoped3A = tpu.sem_alloc : memref<!tpu.dma_semaphore, #tpu.memory_space<semaphore_mem>>
        %dma_start3A = arith.constant 0 : i32
        %dma_start3A_24 = tpu.memref_slice %arg5[%mul3A_23, %dma_start3A] : memref<4096x128xf32, #tpu.memory_space<hbm>> -> memref<256x128xf32, #tpu.memory_space<hbm>>
        %dma_start3A_25 = arith.constant 0 : i32
        %dma_start3A_26 = tpu.memref_slice %arg9[%mul3A_23, %dma_start3A_25] : memref<6016x128xf32, #tpu.memory_space<vmem_shared>> -> memref<256x128xf32, #tpu.memory_space<vmem_shared>>
        tpu.enqueue_dma source(%dma_start3A_26 : memref<256x128xf32, #tpu.memory_space<vmem_shared>>) target(%dma_start3A_24 : memref<256x128xf32, #tpu.memory_space<hbm>>) target_semaphore(%run_scoped3A : memref<!tpu.dma_semaphore, #tpu.memory_space<semaphore_mem>>)
        %dma_wait3A = arith.constant 0 : i32
        %dma_wait3A_27 = tpu.memref_slice %arg5[%mul3A_23, %dma_wait3A] : memref<4096x128xf32, #tpu.memory_space<hbm>> -> memref<256x128xf32, #tpu.memory_space<hbm>>
        %dma_wait3A_28 = arith.constant 0 : i32
        %dma_wait3A_29 = tpu.memref_slice %arg9[%mul3A_23, %dma_wait3A_28] : memref<6016x128xf32, #tpu.memory_space<vmem_shared>> -> memref<256x128xf32, #tpu.memory_space<vmem_shared>>
        tpu.wait_dma2 semaphore(%run_scoped3A : memref<!tpu.dma_semaphore, #tpu.memory_space<semaphore_mem>>) src(%dma_wait3A_29 : memref<256x128xf32, #tpu.memory_space<vmem_shared>>) dst(%dma_wait3A_27 : memref<256x128xf32, #tpu.memory_space<hbm>>)
        tpu.yield
      }) : () -> ()
    } else {
    }
    return
  }
}

module attributes {stable_mosaic.version = 14 : i64} {
  func.func @_layer_body(%arg0: memref<6016x128xf32, #tpu.memory_space<vmem>>, %arg1: memref<4096x128xf32, #tpu.memory_space<vmem>>, %arg2: memref<6016x128xf32, #tpu.memory_space<vmem>>, %arg3: memref<4096x128xf32, #tpu.memory_space<vmem>>, %arg4: memref<6016x128xf32, #tpu.memory_space<vmem>>, %arg5: memref<4096x128xf32, #tpu.memory_space<vmem>>, %arg6: memref<128x128xf32, #tpu.memory_space<vmem>>, %arg7: memref<128x128xf32, #tpu.memory_space<vmem>>, %arg8: memref<1x128xf32, #tpu.memory_space<vmem>>, %arg9: memref<128x128xf32, #tpu.memory_space<vmem>>, %arg10: memref<128x128xf32, #tpu.memory_space<vmem>>, %arg11: memref<1x128xf32, #tpu.memory_space<vmem>>, %arg12: memref<6016x128xf32, #tpu.memory_space<vmem>>, %arg13: memref<4096x128xf32, #tpu.memory_space<vmem>>) attributes {dimension_semantics = [], scalar_prefetch = 0 : i64, scratch_operands = 0 : i64, tpu.core_type = #tpu.core_type<tc>} {
    %get3A = arith.constant 0 : index
    %get3A_0 = arith.constant 0 : index
    %get3A_1 = vector.load %arg0[%get3A, %get3A_0] : memref<6016x128xf32, #tpu.memory_space<vmem>>, vector<6000x128xf32>
    %get3A_2 = arith.constant 0 : index
    %get3A_3 = arith.constant 0 : index
    %get3A_4 = vector.load %arg2[%get3A_2, %get3A_3] : memref<6016x128xf32, #tpu.memory_space<vmem>>, vector<6000x1xf32>
    %max3A = arith.constant 1.000000e+00 : f32
    %max3A_5 = vector.broadcast %max3A : f32 to vector<6000x1xf32>
    %max3A_6 = arith.maximumf %get3A_4, %max3A_5 : vector<6000x1xf32>
    %div3A = vector.broadcast %max3A_6 : vector<6000x1xf32> to vector<6000x128xf32>
    %div3A_7 = arith.divf %get3A_1, %div3A : vector<6000x128xf32>
    %get3A_8 = arith.constant 0 : index
    %get3A_9 = arith.constant 0 : index
    %get3A_10 = vector.load %arg4[%get3A_8, %get3A_9] : memref<6016x128xf32, #tpu.memory_space<vmem>>, vector<6000x128xf32>
    %get3A_11 = arith.constant 0 : index
    %get3A_12 = arith.constant 0 : index
    %get3A_13 = vector.load %arg6[%get3A_11, %get3A_12] : memref<128x128xf32, #tpu.memory_space<vmem>>, vector<128x128xf32>
    %dot_general3A = arith.constant dense<0.000000e+00> : vector<6000x128xf32>
    %dot_general3A_14 = tpu.matmul %get3A_10, %get3A_13, %dot_general3A {dimension_numbers = #tpu.dot_dimension_numbers<[1], [0], [0], [1], [0, 0, 1, 1], [], []>, transpose_lhs_hint = false} : vector<6000x128xf32>, vector<128x128xf32>, vector<6000x128xf32> -> vector<6000x128xf32>
    %get3A_15 = arith.constant 0 : index
    %get3A_16 = arith.constant 0 : index
    %get3A_17 = vector.load %arg7[%get3A_15, %get3A_16] : memref<128x128xf32, #tpu.memory_space<vmem>>, vector<128x128xf32>
    %dot_general3A_18 = arith.constant dense<0.000000e+00> : vector<6000x128xf32>
    %dot_general3A_19 = tpu.matmul %div3A_7, %get3A_17, %dot_general3A_18 {dimension_numbers = #tpu.dot_dimension_numbers<[1], [0], [0], [1], [0, 0, 1, 1], [], []>, transpose_lhs_hint = false} : vector<6000x128xf32>, vector<128x128xf32>, vector<6000x128xf32> -> vector<6000x128xf32>
    %add3A = arith.addf %dot_general3A_14, %dot_general3A_19 : vector<6000x128xf32>
    %get3A_20 = arith.constant 0 : index
    %get3A_21 = arith.constant 0 : index
    %get3A_22 = vector.load %arg8[%get3A_20, %get3A_21] : memref<1x128xf32, #tpu.memory_space<vmem>>, vector<1x128xf32>
    %add3A_23 = vector.broadcast %get3A_22 : vector<1x128xf32> to vector<6000x128xf32>
    %add3A_24 = arith.addf %add3A, %add3A_23 : vector<6000x128xf32>
    %max3A_25 = arith.constant 0.000000e+00 : f32
    %max3A_26 = vector.broadcast %max3A_25 : f32 to vector<6000x128xf32>
    %max3A_27 = arith.maximumf %add3A_24, %max3A_26 : vector<6000x128xf32>
    %broadcast_in_dim3A = arith.constant 0.000000e+00 : f32
    %broadcast_in_dim3A_28 = vector.broadcast %broadcast_in_dim3A : f32 to vector<16x128xf32>
    %concatenate3A = tpu.concatenate %max3A_27, %broadcast_in_dim3A_28 in 0 : vector<6000x128xf32>, vector<16x128xf32> -> vector<6016x128xf32>
    %swap3A = arith.constant 0 : index
    %swap3A_29 = arith.constant 0 : index
    %swap3A_30 = vector.load %arg12[%swap3A, %swap3A_29] : memref<6016x128xf32, #tpu.memory_space<vmem>>, vector<6016x128xf32>
    tpu.vector_store %arg12[%swap3A, %swap3A_29], %concatenate3A {strides = array<i32>} : memref<6016x128xf32, #tpu.memory_space<vmem>>, vector<6016x128xf32>,
    %get3A_31 = arith.constant 0 : index
    %get3A_32 = arith.constant 0 : index
    %get3A_33 = vector.load %arg1[%get3A_31, %get3A_32] : memref<4096x128xf32, #tpu.memory_space<vmem>>, vector<4000x128xf32>
    %get3A_34 = arith.constant 0 : index
    %get3A_35 = arith.constant 0 : index
    %get3A_36 = vector.load %arg3[%get3A_34, %get3A_35] : memref<4096x128xf32, #tpu.memory_space<vmem>>, vector<4000x1xf32>
    %max3A_37 = arith.constant 1.000000e+00 : f32
    %max3A_38 = vector.broadcast %max3A_37 : f32 to vector<4000x1xf32>
    %max3A_39 = arith.maximumf %get3A_36, %max3A_38 : vector<4000x1xf32>
    %div3A_40 = vector.broadcast %max3A_39 : vector<4000x1xf32> to vector<4000x128xf32>
    %div3A_41 = arith.divf %get3A_33, %div3A_40 : vector<4000x128xf32>
    %get3A_42 = arith.constant 0 : index
    %get3A_43 = arith.constant 0 : index
    %get3A_44 = vector.load %arg5[%get3A_42, %get3A_43] : memref<4096x128xf32, #tpu.memory_space<vmem>>, vector<4000x128xf32>
    %get3A_45 = arith.constant 0 : index
    %get3A_46 = arith.constant 0 : index
    %get3A_47 = vector.load %arg9[%get3A_45, %get3A_46] : memref<128x128xf32, #tpu.memory_space<vmem>>, vector<128x128xf32>
    %dot_general3A_48 = arith.constant dense<0.000000e+00> : vector<4000x128xf32>
    %dot_general3A_49 = tpu.matmul %get3A_44, %get3A_47, %dot_general3A_48 {dimension_numbers = #tpu.dot_dimension_numbers<[1], [0], [0], [1], [0, 0, 1, 1], [], []>, transpose_lhs_hint = false} : vector<4000x128xf32>, vector<128x128xf32>, vector<4000x128xf32> -> vector<4000x128xf32>
    %get3A_50 = arith.constant 0 : index
    %get3A_51 = arith.constant 0 : index
    %get3A_52 = vector.load %arg10[%get3A_50, %get3A_51] : memref<128x128xf32, #tpu.memory_space<vmem>>, vector<128x128xf32>
    %dot_general3A_53 = arith.constant dense<0.000000e+00> : vector<4000x128xf32>
    %dot_general3A_54 = tpu.matmul %div3A_41, %get3A_52, %dot_general3A_53 {dimension_numbers = #tpu.dot_dimension_numbers<[1], [0], [0], [1], [0, 0, 1, 1], [], []>, transpose_lhs_hint = false} : vector<4000x128xf32>, vector<128x128xf32>, vector<4000x128xf32> -> vector<4000x128xf32>
    %add3A_55 = arith.addf %dot_general3A_49, %dot_general3A_54 : vector<4000x128xf32>
    %get3A_56 = arith.constant 0 : index
    %get3A_57 = arith.constant 0 : index
    %get3A_58 = vector.load %arg11[%get3A_56, %get3A_57] : memref<1x128xf32, #tpu.memory_space<vmem>>, vector<1x128xf32>
    %add3A_59 = vector.broadcast %get3A_58 : vector<1x128xf32> to vector<4000x128xf32>
    %add3A_60 = arith.addf %add3A_55, %add3A_59 : vector<4000x128xf32>
    %max3A_61 = arith.constant 0.000000e+00 : f32
    %max3A_62 = vector.broadcast %max3A_61 : f32 to vector<4000x128xf32>
    %max3A_63 = arith.maximumf %add3A_60, %max3A_62 : vector<4000x128xf32>
    %broadcast_in_dim3A_64 = arith.constant 0.000000e+00 : f32
    %broadcast_in_dim3A_65 = vector.broadcast %broadcast_in_dim3A_64 : f32 to vector<96x128xf32>
    %concatenate3A_66 = tpu.concatenate %max3A_63, %broadcast_in_dim3A_65 in 0 : vector<4000x128xf32>, vector<96x128xf32> -> vector<4096x128xf32>
    %swap3A_67 = arith.constant 0 : index
    %swap3A_68 = arith.constant 0 : index
    %swap3A_69 = vector.load %arg13[%swap3A_67, %swap3A_68] : memref<4096x128xf32, #tpu.memory_space<vmem>>, vector<4096x128xf32>
    tpu.vector_store %arg13[%swap3A_67, %swap3A_68], %concatenate3A_66 {strides = array<i32>} : memref<4096x128xf32, #tpu.memory_space<vmem>>, vector<4096x128xf32>,
    return
  }
}

module attributes {stable_mosaic.version = 14 : i64} {
  func.func @_pool_body(%arg0: memref<6016x128xf32, #tpu.memory_space<vmem>>, %arg1: memref<4096x128xf32, #tpu.memory_space<vmem>>, %arg2: memref<1x6000xi32, #tpu.memory_space<vmem>>, %arg3: memref<1x4000xi32, #tpu.memory_space<vmem>>, %arg4: memref<256x256xf32, #tpu.memory_space<vmem>>, %arg5: memref<1x256xf32, #tpu.memory_space<vmem>>, %arg6: memref<256x128xf32, #tpu.memory_space<vmem>>, %arg7: memref<1x128xf32, #tpu.memory_space<vmem>>, %arg8: memref<128x192xf32, #tpu.memory_space<vmem>>, %arg9: memref<1x192xf32, #tpu.memory_space<vmem>>, %arg10: memref<192x3xf32, #tpu.memory_space<vmem>>, %arg11: memref<1x3xf32, #tpu.memory_space<vmem>>, %arg12: memref<64x3xf32, #tpu.memory_space<vmem>>) attributes {dimension_semantics = [], scalar_prefetch = 0 : i64, scratch_operands = 0 : i64, tpu.core_type = #tpu.core_type<tc>} {
    %iota3A = tpu.iota {dimensions = array<i32: 0>} : vector<64x6000xi32>
    %get3A = arith.constant 0 : index
    %get3A_0 = arith.constant 0 : index
    %get3A_1 = vector.load %arg2[%get3A, %get3A_0] : memref<1x6000xi32, #tpu.memory_space<vmem>>, vector<1x6000xi32>
    %eq3A = vector.broadcast %get3A_1 : vector<1x6000xi32> to vector<64x6000xi32>
    %eq3A_2 = arith.cmpi eq, %eq3A, %iota3A : vector<64x6000xi32>
    %convert_element_type3A = arith.extui %eq3A_2 : vector<64x6000xi1> to vector<64x6000xi32>
    %convert_element_type3A_3 = arith.sitofp %convert_element_type3A : vector<64x6000xi32> to vector<64x6000xf32>
    %get3A_4 = arith.constant 0 : index
    %get3A_5 = arith.constant 0 : index
    %get3A_6 = vector.load %arg0[%get3A_4, %get3A_5] : memref<6016x128xf32, #tpu.memory_space<vmem>>, vector<6000x128xf32>
    %dot_general3A = arith.constant dense<0.000000e+00> : vector<64x128xf32>
    %dot_general3A_7 = tpu.matmul %convert_element_type3A_3, %get3A_6, %dot_general3A {dimension_numbers = #tpu.dot_dimension_numbers<[1], [0], [0], [1], [0, 0, 1, 1], [], []>, transpose_lhs_hint = false} : vector<64x6000xf32>, vector<6000x128xf32>, vector<64x128xf32> -> vector<64x128xf32>
    %reduce_sum3A = arith.constant dense<0.000000e+00> : vector<64xf32>
    %reduce_sum3A_8 = vector.multi_reduction <add>, %convert_element_type3A_3, %reduce_sum3A [1] : vector<64x6000xf32> to vector<64xf32>
    %broadcast_in_dim3A = vector.shape_cast %reduce_sum3A_8 : vector<64xf32> to vector<64x1xf32>
    %max3A = arith.constant 1.000000e+00 : f32
    %max3A_9 = vector.broadcast %max3A : f32 to vector<64x1xf32>
    %max3A_10 = arith.maximumf %broadcast_in_dim3A, %max3A_9 : vector<64x1xf32>
    %div3A = vector.broadcast %max3A_10 : vector<64x1xf32> to vector<64x128xf32>
    %div3A_11 = arith.divf %dot_general3A_7, %div3A : vector<64x128xf32>
    %iota3A_12 = tpu.iota {dimensions = array<i32: 0>} : vector<64x4000xi32>
    %get3A_13 = arith.constant 0 : index
    %get3A_14 = arith.constant 0 : index
    %get3A_15 = vector.load %arg3[%get3A_13, %get3A_14] : memref<1x4000xi32, #tpu.memory_space<vmem>>, vector<1x4000xi32>
    %eq3A_16 = vector.broadcast %get3A_15 : vector<1x4000xi32> to vector<64x4000xi32>
    %eq3A_17 = arith.cmpi eq, %eq3A_16, %iota3A_12 : vector<64x4000xi32>
    %convert_element_type3A_18 = arith.extui %eq3A_17 : vector<64x4000xi1> to vector<64x4000xi32>
    %convert_element_type3A_19 = arith.sitofp %convert_element_type3A_18 : vector<64x4000xi32> to vector<64x4000xf32>
    %get3A_20 = arith.constant 0 : index
    %get3A_21 = arith.constant 0 : index
    %get3A_22 = vector.load %arg1[%get3A_20, %get3A_21] : memref<4096x128xf32, #tpu.memory_space<vmem>>, vector<4000x128xf32>
    %dot_general3A_23 = arith.constant dense<0.000000e+00> : vector<64x128xf32>
    %dot_general3A_24 = tpu.matmul %convert_element_type3A_19, %get3A_22, %dot_general3A_23 {dimension_numbers = #tpu.dot_dimension_numbers<[1], [0], [0], [1], [0, 0, 1, 1], [], []>, transpose_lhs_hint = false} : vector<64x4000xf32>, vector<4000x128xf32>, vector<64x128xf32> -> vector<64x128xf32>
    %reduce_sum3A_25 = arith.constant dense<0.000000e+00> : vector<64xf32>
    %reduce_sum3A_26 = vector.multi_reduction <add>, %convert_element_type3A_19, %reduce_sum3A_25 [1] : vector<64x4000xf32> to vector<64xf32>
    %broadcast_in_dim3A_27 = vector.shape_cast %reduce_sum3A_26 : vector<64xf32> to vector<64x1xf32>
    %max3A_28 = arith.constant 1.000000e+00 : f32
    %max3A_29 = vector.broadcast %max3A_28 : f32 to vector<64x1xf32>
    %max3A_30 = arith.maximumf %broadcast_in_dim3A_27, %max3A_29 : vector<64x1xf32>
    %div3A_31 = vector.broadcast %max3A_30 : vector<64x1xf32> to vector<64x128xf32>
    %div3A_32 = arith.divf %dot_general3A_24, %div3A_31 : vector<64x128xf32>
    %concatenate3A = tpu.concatenate %div3A_11, %div3A_32 in 1 : vector<64x128xf32>, vector<64x128xf32> -> vector<64x256xf32>
    %get3A_33 = arith.constant 0 : index
    %get3A_34 = arith.constant 0 : index
    %get3A_35 = vector.load %arg4[%get3A_33, %get3A_34] : memref<256x256xf32, #tpu.memory_space<vmem>>, vector<256x256xf32>
    %dot_general3A_36 = arith.constant dense<0.000000e+00> : vector<64x256xf32>
    %dot_general3A_37 = tpu.matmul %concatenate3A, %get3A_35, %dot_general3A_36 {dimension_numbers = #tpu.dot_dimension_numbers<[1], [0], [0], [1], [0, 0, 1, 1], [], []>, transpose_lhs_hint = false} : vector<64x256xf32>, vector<256x256xf32>, vector<64x256xf32> -> vector<64x256xf32>
    %get3A_38 = arith.constant 0 : index
    %get3A_39 = arith.constant 0 : index
    %get3A_40 = vector.load %arg5[%get3A_38, %get3A_39] : memref<1x256xf32, #tpu.memory_space<vmem>>, vector<1x256xf32>
    %add3A = vector.broadcast %get3A_40 : vector<1x256xf32> to vector<64x256xf32>
    %add3A_41 = arith.addf %dot_general3A_37, %add3A : vector<64x256xf32>
    %max3A_42 = arith.constant 0.000000e+00 : f32
    %max3A_43 = vector.broadcast %max3A_42 : f32 to vector<64x256xf32>
    %max3A_44 = arith.maximumf %add3A_41, %max3A_43 : vector<64x256xf32>
    %get3A_45 = arith.constant 0 : index
    %get3A_46 = arith.constant 0 : index
    %get3A_47 = vector.load %arg6[%get3A_45, %get3A_46] : memref<256x128xf32, #tpu.memory_space<vmem>>, vector<256x128xf32>
    %dot_general3A_48 = arith.constant dense<0.000000e+00> : vector<64x128xf32>
    %dot_general3A_49 = tpu.matmul %max3A_44, %get3A_47, %dot_general3A_48 {dimension_numbers = #tpu.dot_dimension_numbers<[1], [0], [0], [1], [0, 0, 1, 1], [], []>, transpose_lhs_hint = false} : vector<64x256xf32>, vector<256x128xf32>, vector<64x128xf32> -> vector<64x128xf32>
    %get3A_50 = arith.constant 0 : index
    %get3A_51 = arith.constant 0 : index
    %get3A_52 = vector.load %arg7[%get3A_50, %get3A_51] : memref<1x128xf32, #tpu.memory_space<vmem>>, vector<1x128xf32>
    %add3A_53 = vector.broadcast %get3A_52 : vector<1x128xf32> to vector<64x128xf32>
    %add3A_54 = arith.addf %dot_general3A_49, %add3A_53 : vector<64x128xf32>
    %get3A_55 = arith.constant 0 : index
    %get3A_56 = arith.constant 0 : index
    %get3A_57 = vector.load %arg8[%get3A_55, %get3A_56] : memref<128x192xf32, #tpu.memory_space<vmem>>, vector<128x192xf32>
    %dot_general3A_58 = arith.constant dense<0.000000e+00> : vector<64x192xf32>
    %dot_general3A_59 = tpu.matmul %add3A_54, %get3A_57, %dot_general3A_58 {dimension_numbers = #tpu.dot_dimension_numbers<[1], [0], [0], [1], [0, 0, 1, 1], [], []>, transpose_lhs_hint = false} : vector<64x128xf32>, vector<128x192xf32>, vector<64x192xf32> -> vector<64x192xf32>
    %get3A_60 = arith.constant 0 : index
    %get3A_61 = arith.constant 0 : index
    %get3A_62 = vector.load %arg9[%get3A_60, %get3A_61] : memref<1x192xf32, #tpu.memory_space<vmem>>, vector<1x192xf32>
    %add3A_63 = vector.broadcast %get3A_62 : vector<1x192xf32> to vector<64x192xf32>
    %add3A_64 = arith.addf %dot_general3A_59, %add3A_63 : vector<64x192xf32>
    %max3A_65 = arith.constant 0.000000e+00 : f32
    %max3A_66 = vector.broadcast %max3A_65 : f32 to vector<64x192xf32>
    %max3A_67 = arith.maximumf %add3A_64, %max3A_66 : vector<64x192xf32>
    %get3A_68 = arith.constant 0 : index
    %get3A_69 = arith.constant 0 : index
    %get3A_70 = vector.load %arg10[%get3A_68, %get3A_69] : memref<192x3xf32, #tpu.memory_space<vmem>>, vector<192x3xf32>
    %dot_general3A_71 = arith.constant dense<0.000000e+00> : vector<64x3xf32>
    %dot_general3A_72 = tpu.matmul %max3A_67, %get3A_70, %dot_general3A_71 {dimension_numbers = #tpu.dot_dimension_numbers<[1], [0], [0], [1], [0, 0, 1, 1], [], []>, transpose_lhs_hint = false} : vector<64x192xf32>, vector<192x3xf32>, vector<64x3xf32> -> vector<64x3xf32>
    %get3A_73 = arith.constant 0 : index
    %get3A_74 = arith.constant 0 : index
    %get3A_75 = vector.load %arg11[%get3A_73, %get3A_74] : memref<1x3xf32, #tpu.memory_space<vmem>>, vector<1x3xf32>
    %add3A_76 = vector.broadcast %get3A_75 : vector<1x3xf32> to vector<64x3xf32>
    %add3A_77 = arith.addf %dot_general3A_72, %add3A_76 : vector<64x3xf32>
    %swap3A = arith.constant 0 : index
    %swap3A_78 = arith.constant 0 : index
    %swap3A_79 = vector.load %arg12[%swap3A, %swap3A_78] : memref<64x3xf32, #tpu.memory_space<vmem>>, vector<64x3xf32>
    tpu.vector_store %arg12[%swap3A, %swap3A_78], %add3A_77 {strides = array<i32>} : memref<64x3xf32, #tpu.memory_space<vmem>>, vector<64x3xf32>,
    return
  }
}

module attributes {stable_mosaic.version = 14 : i64} {
  func.func @_layer_body(%arg0: memref<6016x128xf32, #tpu.memory_space<vmem>>, %arg1: memref<4096x128xf32, #tpu.memory_space<vmem>>, %arg2: memref<6016x128xf32, #tpu.memory_space<vmem>>, %arg3: memref<4096x128xf32, #tpu.memory_space<vmem>>, %arg4: memref<6016x128xf32, #tpu.memory_space<vmem>>, %arg5: memref<4096x128xf32, #tpu.memory_space<vmem>>, %arg6: memref<128x128xf32, #tpu.memory_space<vmem>>, %arg7: memref<128x128xf32, #tpu.memory_space<vmem>>, %arg8: memref<1x128xf32, #tpu.memory_space<vmem>>, %arg9: memref<128x128xf32, #tpu.memory_space<vmem>>, %arg10: memref<128x128xf32, #tpu.memory_space<vmem>>, %arg11: memref<1x128xf32, #tpu.memory_space<vmem>>, %arg12: memref<6016x128xf32, #tpu.memory_space<vmem>>, %arg13: memref<4096x128xf32, #tpu.memory_space<vmem>>) attributes {dimension_semantics = [], scalar_prefetch = 0 : i64, scratch_operands = 0 : i64, tpu.core_type = #tpu.core_type<tc>} {
    %get3A = arith.constant 0 : index
    %get3A_0 = arith.constant 0 : index
    %get3A_1 = vector.load %arg0[%get3A, %get3A_0] : memref<6016x128xf32, #tpu.memory_space<vmem>>, vector<6000x128xf32>
    %get3A_2 = arith.constant 0 : index
    %get3A_3 = arith.constant 0 : index
    %get3A_4 = vector.load %arg2[%get3A_2, %get3A_3] : memref<6016x128xf32, #tpu.memory_space<vmem>>, vector<6000x1xf32>
    %max3A = arith.constant 1.000000e+00 : f32
    %max3A_5 = vector.broadcast %max3A : f32 to vector<6000x1xf32>
    %max3A_6 = arith.maximumf %get3A_4, %max3A_5 : vector<6000x1xf32>
    %div3A = vector.broadcast %max3A_6 : vector<6000x1xf32> to vector<6000x128xf32>
    %div3A_7 = arith.divf %get3A_1, %div3A : vector<6000x128xf32>
    %get3A_8 = arith.constant 0 : index
    %get3A_9 = arith.constant 0 : index
    %get3A_10 = vector.load %arg4[%get3A_8, %get3A_9] : memref<6016x128xf32, #tpu.memory_space<vmem>>, vector<6000x128xf32>
    %get3A_11 = arith.constant 0 : index
    %get3A_12 = arith.constant 0 : index
    %get3A_13 = vector.load %arg6[%get3A_11, %get3A_12] : memref<128x128xf32, #tpu.memory_space<vmem>>, vector<128x128xf32>
    %dot_general3A = arith.constant dense<0.000000e+00> : vector<6000x128xf32>
    %dot_general3A_14 = tpu.matmul %get3A_10, %get3A_13, %dot_general3A {dimension_numbers = #tpu.dot_dimension_numbers<[1], [0], [0], [1], [0, 0, 1, 1], [], []>, transpose_lhs_hint = false} : vector<6000x128xf32>, vector<128x128xf32>, vector<6000x128xf32> -> vector<6000x128xf32>
    %get3A_15 = arith.constant 0 : index
    %get3A_16 = arith.constant 0 : index
    %get3A_17 = vector.load %arg7[%get3A_15, %get3A_16] : memref<128x128xf32, #tpu.memory_space<vmem>>, vector<128x128xf32>
    %dot_general3A_18 = arith.constant dense<0.000000e+00> : vector<6000x128xf32>
    %dot_general3A_19 = tpu.matmul %div3A_7, %get3A_17, %dot_general3A_18 {dimension_numbers = #tpu.dot_dimension_numbers<[1], [0], [0], [1], [0, 0, 1, 1], [], []>, transpose_lhs_hint = false} : vector<6000x128xf32>, vector<128x128xf32>, vector<6000x128xf32> -> vector<6000x128xf32>
    %add3A = arith.addf %dot_general3A_14, %dot_general3A_19 : vector<6000x128xf32>
    %get3A_20 = arith.constant 0 : index
    %get3A_21 = arith.constant 0 : index
    %get3A_22 = vector.load %arg8[%get3A_20, %get3A_21] : memref<1x128xf32, #tpu.memory_space<vmem>>, vector<1x128xf32>
    %add3A_23 = vector.broadcast %get3A_22 : vector<1x128xf32> to vector<6000x128xf32>
    %add3A_24 = arith.addf %add3A, %add3A_23 : vector<6000x128xf32>
    %broadcast_in_dim3A = arith.constant 0.000000e+00 : f32
    %broadcast_in_dim3A_25 = vector.broadcast %broadcast_in_dim3A : f32 to vector<16x128xf32>
    %concatenate3A = tpu.concatenate %add3A_24, %broadcast_in_dim3A_25 in 0 : vector<6000x128xf32>, vector<16x128xf32> -> vector<6016x128xf32>
    %swap3A = arith.constant 0 : index
    %swap3A_26 = arith.constant 0 : index
    %swap3A_27 = vector.load %arg12[%swap3A, %swap3A_26] : memref<6016x128xf32, #tpu.memory_space<vmem>>, vector<6016x128xf32>
    tpu.vector_store %arg12[%swap3A, %swap3A_26], %concatenate3A {strides = array<i32>} : memref<6016x128xf32, #tpu.memory_space<vmem>>, vector<6016x128xf32>,
    %get3A_28 = arith.constant 0 : index
    %get3A_29 = arith.constant 0 : index
    %get3A_30 = vector.load %arg1[%get3A_28, %get3A_29] : memref<4096x128xf32, #tpu.memory_space<vmem>>, vector<4000x128xf32>
    %get3A_31 = arith.constant 0 : index
    %get3A_32 = arith.constant 0 : index
    %get3A_33 = vector.load %arg3[%get3A_31, %get3A_32] : memref<4096x128xf32, #tpu.memory_space<vmem>>, vector<4000x1xf32>
    %max3A_34 = arith.constant 1.000000e+00 : f32
    %max3A_35 = vector.broadcast %max3A_34 : f32 to vector<4000x1xf32>
    %max3A_36 = arith.maximumf %get3A_33, %max3A_35 : vector<4000x1xf32>
    %div3A_37 = vector.broadcast %max3A_36 : vector<4000x1xf32> to vector<4000x128xf32>
    %div3A_38 = arith.divf %get3A_30, %div3A_37 : vector<4000x128xf32>
    %get3A_39 = arith.constant 0 : index
    %get3A_40 = arith.constant 0 : index
    %get3A_41 = vector.load %arg5[%get3A_39, %get3A_40] : memref<4096x128xf32, #tpu.memory_space<vmem>>, vector<4000x128xf32>
    %get3A_42 = arith.constant 0 : index
    %get3A_43 = arith.constant 0 : index
    %get3A_44 = vector.load %arg9[%get3A_42, %get3A_43] : memref<128x128xf32, #tpu.memory_space<vmem>>, vector<128x128xf32>
    %dot_general3A_45 = arith.constant dense<0.000000e+00> : vector<4000x128xf32>
    %dot_general3A_46 = tpu.matmul %get3A_41, %get3A_44, %dot_general3A_45 {dimension_numbers = #tpu.dot_dimension_numbers<[1], [0], [0], [1], [0, 0, 1, 1], [], []>, transpose_lhs_hint = false} : vector<4000x128xf32>, vector<128x128xf32>, vector<4000x128xf32> -> vector<4000x128xf32>
    %get3A_47 = arith.constant 0 : index
    %get3A_48 = arith.constant 0 : index
    %get3A_49 = vector.load %arg10[%get3A_47, %get3A_48] : memref<128x128xf32, #tpu.memory_space<vmem>>, vector<128x128xf32>
    %dot_general3A_50 = arith.constant dense<0.000000e+00> : vector<4000x128xf32>
    %dot_general3A_51 = tpu.matmul %div3A_38, %get3A_49, %dot_general3A_50 {dimension_numbers = #tpu.dot_dimension_numbers<[1], [0], [0], [1], [0, 0, 1, 1], [], []>, transpose_lhs_hint = false} : vector<4000x128xf32>, vector<128x128xf32>, vector<4000x128xf32> -> vector<4000x128xf32>
    %add3A_52 = arith.addf %dot_general3A_46, %dot_general3A_51 : vector<4000x128xf32>
    %get3A_53 = arith.constant 0 : index
    %get3A_54 = arith.constant 0 : index
    %get3A_55 = vector.load %arg11[%get3A_53, %get3A_54] : memref<1x128xf32, #tpu.memory_space<vmem>>, vector<1x128xf32>
    %add3A_56 = vector.broadcast %get3A_55 : vector<1x128xf32> to vector<4000x128xf32>
    %add3A_57 = arith.addf %add3A_52, %add3A_56 : vector<4000x128xf32>
    %broadcast_in_dim3A_58 = arith.constant 0.000000e+00 : f32
    %broadcast_in_dim3A_59 = vector.broadcast %broadcast_in_dim3A_58 : f32 to vector<96x128xf32>
    %concatenate3A_60 = tpu.concatenate %add3A_57, %broadcast_in_dim3A_59 in 0 : vector<4000x128xf32>, vector<96x128xf32> -> vector<4096x128xf32>
    %swap3A_61 = arith.constant 0 : index
    %swap3A_62 = arith.constant 0 : index
    %swap3A_63 = vector.load %arg13[%swap3A_61, %swap3A_62] : memref<4096x128xf32, #tpu.memory_space<vmem>>, vector<4096x128xf32>
    tpu.vector_store %arg13[%swap3A_61, %swap3A_62], %concatenate3A_60 {strides = array<i32>} : memref<4096x128xf32, #tpu.memory_space<vmem>>, vector<4096x128xf32>,
    return
  }
}

</mosaic_0001>

<sc_bundles>
// kernel: kernel.11.cloned.1.call-start
scs
__scs_entry_jumppad:
0x0: {  	(pc) =	sbr.rel $0x88, $3  }
0x1: {  	(tag) =	ssettag $0x0;
	lr =	simm.s32 $0x1  }
0x2: {  	[smem:$0x3F80] =	sst lr;
	_ =	strace $0xD0000000  }
0x3: {  	_ = 	snop  }
0x4: {  	_ = 	snop  }
0x5: {  	_ = 	snop  }
0x6: {  	_ = 	snop  }
0x7: {  	_ = 	snop  }
__scs_overlays_trampoline_lowered:
0x8: {  	[smem:$0x3F8F] =	sst s0  }
0x9: {  	[smem:$0x3F90] =	sst s1  }
0xa: {  	[smem:$0x3F91] =	sst s2  }
0xb: {  	[smem:$0x3F92] =	sst s3  }
0xc: {  	[smem:$0x3F93] =	sst s4  }
0xd: {  	[smem:$0x3F94] =	sst s5  }
0xe: {  	[smem:$0x3F95] =	sst s6  }
0xf: {  	[smem:$0x3F96] =	sst s7  }
0x10: {  	[smem:$0x3F97] =	sst s8  }
0x11: {  	[smem:$0x3F98] =	sst s9;
	s0 =	simm.s32 @!p0 $0x0  }
0x12: {  	s1 =	sld [smem:$0x3F7E];
	s0 =	simm.s32 @p0 $0x1  }
0x13: {  	[smem:$0x3F99] =	sst s0;
	s0 =	simm.s32 @!p1 $0x0  }
0x14: {  	s2 =	sld [smem:$0x3F7D];
	s0 =	simm.s32 @p1 $0x1  }
0x15: {  	[smem:$0x3F9A] =	sst s0;
	s0 =	simm.s32 @!p2 $0x0  }
0x16: {  	s3 =	sld [smem:$0x3FDB];
	s0 =	simm.s32 @p2 $0x1  }
0x17: {  	s4 =	simm.s32 $0x1BF5;
	[smem:$0x3F9C] =	sst s0  }
0x18: {  	s0 =	sld [smem:$0x3F7F];
	_ =	swait.ge [sflag:s4], $0x0  }
0x19: {  	s7 =	sld [smem:$0x3F80]  }
0x1a: {  	s8 =	sadd.s32 $0xFFFFE003, lr  }
0x1b: {  	s9 =	sadd.s32 $0xFFFFFEF7, lr;
	s5 =	simm.s32 $0xFFFFFFFF;
	p2 =	slt.u32 s8, $0xFFFFF086  }
0x1c: {  	p1 =	slt.u32 s9, $0xF7A;
	s5 =	simm.s32 @!p2 $0x0  }
0x1d: {  	s5 =	simm.s32 @p1 $0x1;
	p0 =	seq.s32 s7, s2  }
0x1e: {  	s7 =	smul.u32 @!p0 $0xF7A, s2;
	p2 =	seq.s32 @!p0 s5, $0x0  }
0x1f: {  	s9 =	smul.u32 $0xF7A, s1;
	s8 =	simm.s32 @!p0 $0x1BF5;
	p2 =	por !p2, p0  }
0x20: {  	[sflag:s8] =	ssyncset.s32 @!p0 $0xFFFFF086;
	s6 =	sadd.s32 @!p0 s3, s7;
	s7 =	simm.s32 @!p0 $0x108  }
0x21: {  	s3 =	sadd.s32 s3, s9;
	s6 =	sadd.s32 @!p0 $0x88, s6;
	s7 =	simm.s32 @p2 $0x1082  }
0x22: {  	[simem:s7], [sflag:s8] =	dma.local @!p0 [hbm:s6], $0xF7A  }
0x23: {  	s9 =	sor.u32 $0xD0000000, s2;
	s6 =	simm.s32 $0x108;
	_ =	swait.ge @!p0 [sflag:s8], $0x0  }
0x24: {  	s3 =	sadd.s32 $0x88, s3;
	s6 =	simm.s32 @!p1 $0x1082;
	[sflag:s4] =	ssyncset.s32 $0xFFFFF086  }
0x25: {  	[simem:s6], [sflag:s4] =	dma.local [hbm:s3], $0xF7A  }
0x26: {  	[smem:$0x3F80] =	sst s1;
	(tag) =	ssettag s2;
	_ =	strace s9  }
0x27: {  	s1 =	sld [smem:$0x3F90]  }
0x28: {  	s2 =	sld [smem:$0x3F91]  }
0x29: {  	s4 =	sld [smem:$0x3F93]  }
0x2a: {  	p0 =	seq.s32 s5, $0x0;
	s5 =	sld [smem:$0x3F94]  }
0x2b: {  	s6 =	sld [smem:$0x3F95]  }
0x2c: {  	s7 =	sld [smem:$0x3F96]  }
0x2d: {  	s3 =	simm.s32 $0x108;
	s8 =	sld [smem:$0x3F97]  }
0x2e: {  	s3 =	simm.s32 @!p0 $0x1082;
	s9 =	sld [smem:$0x3F98]  }
0x2f: {  	lr =	sadd.s32 s0, s3;
	s0 =	sld [smem:$0x3F8F]  }
0x30: {  	s3 =	sld [smem:$0x3F92]  }
0x31: {  	[smem:$0x3F9B] =	sst s10  }
0x32: {  	s10 =	sld [smem:$0x3F99];
	_ =	sdelay $0x3  }
0x33: {  	p0 =	seq.s32 s10, $0x1;
	s10 =	sld [smem:$0x3F9B];
	_ =	sdelay $0x3  }
0x34: {  	[smem:$0x3F9B] =	sst s10  }
0x35: {  	s10 =	sld [smem:$0x3F9A];
	_ =	sdelay $0x3  }
0x36: {  	p1 =	seq.s32 s10, $0x1;
	s10 =	sld [smem:$0x3F9B];
	_ =	sdelay $0x3  }
0x37: {  	[smem:$0x3F9B] =	sst s10  }
0x38: {  	s10 =	sld [smem:$0x3F9C]  }
0x39: {  	_ = 	snop;
	(pc) =	sbr.ind lr, $3  }
0x3a: {  	_ = 	snop  }
0x3b: {  	_ = 	snop  }
0x3c: {  	p2 =	seq.s32 s10, $0x1;
	s10 =	sld [smem:$0x3F9B]  }
0x3d: {  	_ =	shalt  }
0x3e: {  	_ =	shalt  }
0x3f: {  	_ =	shalt  }
0x40: {  	_ =	shalt  }
0x41: {  	_ =	shalt  }
0x42: {  	_ =	shalt  }
0x43: {  	_ =	shalt  }
0x44: {  	_ =	shalt  }
0x45: {  	_ =	shalt  }
0x46: {  	_ =	shalt  }
0x47: {  	_ =	shalt  }
0x48: {  	_ =	shalt  }
0x49: {  	_ =	shalt  }
0x4a: {  	_ =	shalt  }
0x4b: {  	_ =	shalt  }
0x4c: {  	_ =	shalt  }
0x4d: {  	_ =	shalt  }
0x4e: {  	_ =	shalt  }
0x4f: {  	_ =	shalt  }
0x50: {  	_ =	shalt  }
0x51: {  	_ =	shalt  }
0x52: {  	_ =	shalt  }
0x53: {  	_ =	shalt  }
0x54: {  	_ =	shalt  }
0x55: {  	_ =	shalt  }
0x56: {  	_ =	shalt  }
0x57: {  	_ =	shalt  }
0x58: {  	_ =	shalt  }
0x59: {  	_ =	shalt  }
0x5a: {  	_ =	shalt  }
0x5b: {  	_ =	shalt  }
0x5c: {  	_ =	shalt  }
0x5d: {  	_ =	shalt  }
0x5e: {  	_ =	shalt  }
0x5f: {  	_ =	shalt  }
0x60: {  	_ =	shalt  }
0x61: {  	_ =	shalt  }
0x62: {  	_ =	shalt  }
0x63: {  	_ =	shalt  }
0x64: {  	_ =	shalt  }
0x65: {  	_ =	shalt  }
0x66: {  	_ =	shalt  }
0x67: {  	_ =	shalt  }
0x68: {  	_ =	shalt  }
0x69: {  	_ =	shalt  }
0x6a: {  	_ =	shalt  }
0x6b: {  	_ =	shalt  }
0x6c: {  	_ =	shalt  }
0x6d: {  	_ =	shalt  }
0x6e: {  	_ =	shalt  }
0x6f: {  	_ =	shalt  }
0x70: {  	_ =	shalt  }
0x71: {  	_ =	shalt  }
0x72: {  	_ =	shalt  }
0x73: {  	_ =	shalt  }
0x74: {  	_ =	shalt  }
0x75: {  	_ =	shalt  }
0x76: {  	_ =	shalt  }
0x77: {  	_ =	shalt  }
0x78: {  	_ =	shalt  }
0x79: {  	_ =	shalt  }
0x7a: {  	_ =	shalt  }
0x7b: {  	_ =	shalt  }
0x7c: {  	_ =	shalt  }
0x7d: {  	_ =	shalt  }
0x7e: {  	_ =	shalt  }
0x7f: {  	_ =	shalt  }
0x80: {  	_ =	shalt  }
0x81: {  	_ =	shalt  }
0x82: {  	_ =	shalt  }
0x83: {  	_ =	shalt  }
0x84: {  	_ =	shalt  }
0x85: {  	_ =	shalt  }
0x86: {  	_ =	shalt  }
0x87: {  	_ =	shalt  }
.Lfunc_end0:
.L_simem_size_0:
called_computation.1_lowered:
.L_overlay_start_0:
0x88: {  	s2 =	sld [smem:$0x3FD9]  }
0x89: {  	s3 =	sld [smem:$0x3FFE];
	_ =	sdelay $0x1  }
0x8a: {  	s1 =	srdreg.scid  }
0x8b: {  	s0 =	sand.u32 $0x1, s1  }
0x8c: {  	s16 =	sshll.u32 s0, $0xA;
	s2 =	sadd.s32 s3, s2  }
0x8d: {  	s2 =	sadd.s32 s2, s16  }
0x8e: {  	[smem:$0x3FA7] =	sst s2  }
0x8f: {  	_ = 	snop  }
0x90: {  	(tm) =	ssettm $0x1  }
0x91: {  	s17 =	sld [smem:$0x3FFB];
	_ =	sdelay $0x3  }
0x92: {  	_ =	strace s17  }
0x93: {  	s2 =	sld [smem:$0x3FFC];
	_ =	sdelay $0x3  }
0x94: {  	_ =	strace s2  }
0x95: {  	s2 =	sld [smem:$0x3FFD];
	_ =	sdelay $0x3  }
0x96: {  	_ =	strace s2  }
0x97: {  	_ =	strace $0x8FFFFFFF  }
0x98: {  	s18 =	sld [smem:$0x3FDB];
	_ =	sdelay $0x1  }
0x99: {  	s19 =	simm.s32 $_scs_section_size  }
0x9a: {  	s4 =	simm.s32 $_size__tile_overlayer_lowered;
	s5 =	simm.s32 $_tile_overlayer_lowered  }
0x9b: {  	s22 =	simm.s32 $0x1BFF;
	s21 =	sshll.u32 s5, $0x1;
	s2 =	sadd.s32 s19, s18  }
0x9c: {  	s6 =	simm.s32 $0x0;
	s20 =	sshll.u32 s4, $0x1;
	s4 =	sadd.s32 s21, s2  }
0x9d: {  	[timem:s6], [sflag:s22] =	dma.local [hbm:s4], s20  }
0x9e: {  	_ =	swait.ge [sflag:s22], s20  }
0x9f: {  	s3 =	ssub.s32 $0x0, s20;
	[sflag:s22] =	ssyncset.done $0x0  }
0xa0: {  	[sflag:s22] =	ssyncadd.s32 s3;
	_ =	sdelay $0x1  }
0xa1: {  	s23 =	simm.s32 $0x1B8B  }
0xa2: {  	_ =	swait.ge [sflag:s23], $0x1  }
0xa3: {  	[sflag:s23] =	ssyncset.done $0x0  }
0xa4: {  	s25 =	simm.s32 $0x1B8E;
	s24 =	sld [smem:$0x3FFE];
	[sflag:s23] =	ssyncadd.s32 $0xFFFFFFFF  }
0xa5: {  	s26 =	simm.s32 $execute0_lowered;
	[smem:$0x3FD2] =	sst s25  }
0xa6: {  	s4 =	sshll.u32 s26, $0x1;
	_ =	strace $0x80000046;
	[dreg:$0x1] =	wrdreg $0xFFFFFFFF  }
0xa7: {  	s28 =	simm.s32 $_size_execute0_lowered;
	s2 =	sadd.s32 s2, s4;
	[dreg:$0x0] =	wrdreg $0x0  }
0xa8: {  	s4 =	sshll.u32 s28, $0x1;
	[dreg:$0x2] =	wrdreg s2  }
0xa9: {  	[dreg:$0x3] =	wrdreg s4  }
0xaa: {  	[dreg:$0x4] =	wrdreg $0xC0  }
0xab: {  	_ =	task [dreg:s6], $0x5FFFF  }
0xac: {  	[dreg:$0x1] =	wrdreg $0xFFFFFFFF  }
0xad: {  	[dreg:$0x0] =	wrdreg $0x60  }
0xae: {  	[dreg:$0x2] =	wrdreg s24  }
0xaf: {  	[dreg:$0x3] =	wrdreg $0x120000  }
0xb0: {  	[dreg:$0x4] =	wrdreg $0xA  }
0xb1: {  	_ =	task.clear_ibuf [dreg:s6], $0x5FFFF;
	_ =	strace $0x90000046  }
0xb2: {  	s29 =	simm.s32 $0xA;
	_ =	strace $0x80000048  }
0xb3: {  	_ =	swait.ge [sflag:s29], $0x1  }
0xb4: {  	[sflag:s29] =	ssyncadd.s32 $0xFFFFFFFF  }
0xb5: {  	_ =	strace $0x90000048  }
0xb6: {  	_ =	sfence  }
0xb7: {  	s30 =	sld [smem:$0x0];
	_ =	sdelay $0x2  }
0xb8: {  	s31 =	sshll.u32 s1, $0xD;
	s1 =	sshrl.u32 s1, $0x2  }
0xb9: {  	s3 =	sand.u32 $0x4000, s31;
	s1 =	sadd.s32 s1, s30  }
0xba: {  	s0 =	sor.u32 s3, s0;
	s1 =	sshll.u32 s1, $0x11  }
0xbb: {  	s0 =	sor.u32 s1, s0  }
0xbc: {  	s0 =	sadd.s32 $0x8F2B, s0  }
0xbd: {  	[sflag:s0] =	ssyncadd.remote.s32 $0x1  }
0xbe: {  	_ =	sfence.sel $0xFFFF  }
0xbf: {  	[dreg:$0x0] =	wrdreg $0xFFFFFFFF;
	(pc) =	sbr.abs _section_cstart, $3  }
0xc0: {  	[dreg:$0x1] =	wrdreg $0xFFFFFFFF  }
0xc1: {  	_ =	task.clear_ibuf [dreg:s6], $0x2FFFF;
	_ =	strace $0x9FFFFFFF  }
0xc2: {  	(tm) =	ssettm $0x7FFFFFFF  }
0xc3: {  	_ =	shalt  }
tec
execute0_lowered:
.L_overlay_start_1:
0x0: {  	(tag) =	ssettag $0x1  }
0x1: {  	s6 =	rddreg [dreg:$0x0]  }
0x2: {  	s2 =	rddreg [dreg:$0x1];
	s3 =	simm.s32 $0x0  }
0x3: {  	s1 =	stileid.u32;
	s9 =	srdreg.scid;
	s17 =	simm.s32 $0x3  }
0x4: {  	s18 =	simm.s32 $0x5000;
	s19 =	simm.s32 $0x80;
	s20 =	simm.s32 $0xE000  }
0x5: {  	s21 =	simm.s32 $0x1;
	s22 =	simm.s32 $0x2;
	s23 =	simm.s32 $0x4F80  }
0x6: {  	s24 =	simm.s32 $0x9F00;
	s25 =	simm.s32 $0x9F80;
	s7 =	smul.u32 $0xA00, s1  }
0x7: {  	[smem:$0x7FF] =	sst s3;
	s8 =	smul.u32 $0x1780, s1;
	s4 =	sadd.s32 $0x6600, s6  }
0x8: {  	s5 =	sadd.s32 $0x1DE00, s6;
	s16 =	sand.u32 $0x1, s9;
	s26 =	sshll.u32 s1, $0xC  }
0x9: {  	s29 =	smul.u32 $0x2F000, s1;
	s31 =	sshll.u32 s1, $0xF;
	_ =	strace $0x80000047  }
0xa: {  	s28 =	ssub.s32 $0x2, s16;
	s13 =	sadd.s32 s26, s6;
	p0 =	sne.s32 s16, $0x0  }
0xb: {  	s16 =	simm.s32 $0xA000;
	s26 =	simm.s32 $0x0;
	s10 =	sadd.s32 s7, s6  }
.Ltmp0:
0xc: {  	s14 =	sadd.s32 s8, s6;
	s30 =	sshrl.u32 s28, $0x1;
	(pc) =	sbr.rel .LBB2_1-.Ltmp0, $4  }
0xd: {  	s6 =	sadd.s32 s31, s2;
	s9 =	sshrl.u32 s29, $0x2;
	s13 =	sadd.s32 $0x59600, s13  }
0xe: {  	s15 =	ssub.s32 s28, s30;
	s7 =	sadd.s32 $0x4000, s6;
	s8 =	sadd.s32 $0x2DE00, s10  }
0xf: {  	s9 =	sadd.s32 s9, s2;
	s10 =	sadd.s32 $0x37E00, s10;
	s14 =	sadd.s32 $0x41E00, s14  }
0x10: {  	v0 =	vimm.f32 $0.0e+00;
	s11 =	sadd.s32 $0x4000, s9;
	s12 =	sadd.s32 $0x8000, s9;
	s15 =	smax.u32 s15, $0x1  }
.LBB2_9:
0x11: {  	s0 =	sadd.s32 $0x80, s28;
	[sflag:s17] =	ssyncadd.s32 $0xFFFFC000  }
0x12: {  	[tilespmem:s20], [sflag:$0x2] =	stream.indirect.gather [hbm4b:s4+s19], $0x80, s0, s19, $0xb8;
	[tilespmem:$0x1DC00] =	vst v63  }
0x13: {  	_ =	swait.ge [sflag:s21], $0x4000  }
0x14: {  	[sflag:s21] =	ssyncset.done $0x0  }
0x15: {  	s30 =	sadd.s32 $0x5000, s28;
	[sflag:s21] =	ssyncadd.s32 $0xFFFFC000  }
0x16: {  	[spmem:s2] =	stream.indirect.scatter.add.f32 [tilespmem:s16], [sflag:$0x3], $0x80, s30, s19, $0xb8;
	[tilespmem:$0x1DC00] =	vst v63  }
0x17: {  	_ =	swait.ge [sflag:s17], $0x4000  }
0x18: {  	[sflag:s17] =	ssyncset.done $0x0  }
0x19: {  	s31 =	sadd.s32 $0x100, s28;
	[sflag:s17] =	ssyncadd.s32 $0xFFFFC000  }
0x1a: {  	[tilespmem:s16], [sflag:$0x1] =	stream.indirect.gather [hbm4b:s4+s19], $0x80, s31, s19, $0xb8;
	[tilespmem:$0x1DC00] =	vst v63  }
0x1b: {  	_ =	swait.ge [sflag:s22], $0x4000  }
0x1c: {  	[sflag:s22] =	ssyncset.done $0x0  }
0x1d: {  	s29 =	sadd.s32 $0x5080, s28;
	[sflag:s22] =	ssyncadd.s32 $0xFFFFC000  }
0x1e: {  	[spmem:s2] =	stream.indirect.scatter.add.f32 [tilespmem:s20], [sflag:$0x3], $0x80, s29, s19, $0xb8;
	[tilespmem:$0x1DC00] =	vst v63  }
0x1f: {  	_ =	swait.ge [sflag:s17], $0x4000  }
0x20: {  	[sflag:s17] =	ssyncset.done $0x0  }
0x21: {  	[sflag:s17] =	ssyncadd.s32 $0xFFFFC000  }
0x22: {  	[tilespmem:s20], [sflag:$0x2] =	stream.indirect.gather [hbm4b:s4+s19], $0x80, s23, s19, $0xb8;
	[tilespmem:$0x1DC00] =	vst v63  }
0x23: {  	_ =	swait.ge [sflag:s21], $0x4000  }
0x24: {  	[sflag:s21] =	ssyncset.done $0x0  }
0x25: {  	[sflag:s21] =	ssyncadd.s32 $0xFFFFC000  }
0x26: {  	[spmem:s2] =	stream.indirect.scatter.add.f32 [tilespmem:s16], [sflag:$0x3], $0x80, s24, s19, $0xb8;
	[tilespmem:$0x1DC00] =	vst v63  }
0x27: {  	_ =	swait.ge [sflag:s17], $0x4000  }
0x28: {  	[sflag:s17] =	ssyncset.done $0x0  }
0x29: {  	[sflag:s17] =	ssyncadd.s32 $0xFFFFC000  }
0x2a: {  	_ =	swait.ge [sflag:s22], $0x4000  }
0x2b: {  	[sflag:s22] =	ssyncset.done $0x0  }
0x2c: {  	[sflag:s22] =	ssyncadd.s32 $0xFFFFC000  }
0x2d: {  	[spmem:s2] =	stream.indirect.scatter.add.f32 [tilespmem:s20], [sflag:$0x3], $0x80, s25, s19, $0xb8;
	[tilespmem:$0x1DC00] =	vst v63  }
0x2e: {  	_ =	swait.ge [sflag:s17], $0x4000  }
0x2f: {  	[sflag:s17] =	ssyncset.done $0x0  }
0x30: {  	s30 =	sshll.u32 s1, $0x6;
	[sflag:s17] =	ssyncadd.s32 $0xFFFFC000  }
0x31: {  	s0 =	sor.u32 $0x1C03, s30;
	s31 =	sshrl.u32 s6, $0x3;
	[bflag:$0x0] =	sbarrier.arrive $0xFFFF  }
0x32: {  	[hbm:s13], [sflag:s0] =	dma.local [spmem:s31], $0x1000  }
0x33: {  	_ =	swait.ge [sflag:s17], $0x1000  }
0x34: {  	[sflag:s17] =	ssyncset.done $0x0  }
0x35: {  	[sflag:s17] =	ssyncadd.s32 $0xFFFFF000  }
.LBB2_10:
0x36: {  	s26 =	sadd.s32 $0x1, s26  }
0x37: {  	p1 =	sne.s32 s26, s15  }
.Ltmp1:
0x38: {  	_ = 	snop;
	(pc) =	sbr.rel @!p1 .LBB2_11-.Ltmp1, $1  }
0x39: {  	_ =	sdelay $0x3  }
.LBB2_1:
.Ltmp2:
0x3a: {  	(pc) =	sbr.rel @p0 .LBB2_6-.Ltmp2, $2  }
0x3b: {  	_ =	sdelay $0x2  }
0x3c: {  	s28 =	sshra.s32 s3, $0x2;
	s29 =	sadd.s32 $0x200, s3  }
.LBB2_2:
0x3d: {  	p1 =	sne.s32 s29, $0xFE00;
	[tilespmem:s28+$0xA070] =	vst v0  }
0x3e: {  	[tilespmem:s28+$0xA000] =	vst v0  }
0x3f: {  	[tilespmem:s28+$0xA010] =	vst v0  }
.Ltmp3:
0x40: {  	[tilespmem:s28+$0xA020] =	vst v0;
	(pc) =	sbr.rel @p1 .LBB2_2-.Ltmp3, $4  }
0x41: {  	[tilespmem:s28+$0xA030] =	vst v0  }
0x42: {  	[tilespmem:s28+$0xA040] =	vst v0  }
0x43: {  	[tilespmem:s28+$0xA050] =	vst v0  }
0x44: {  	[tilespmem:s28+$0xA060] =	vst v0;
	s28 =	sshra.s32 s29, $0x2;
	s29 =	sadd.s32 $0x200, s29  }
0x45: {  	[tilespmem:s28+$0xA070] =	vst v0  }
0x46: {  	[tilespmem:s28+$0xA000] =	vst v0  }
0x47: {  	[tilespmem:s28+$0xA010] =	vst v0  }
0x48: {  	[tilespmem:s28+$0xA020] =	vst v0  }
0x49: {  	[tilespmem:s28+$0xA030] =	vst v0  }
0x4a: {  	[tilespmem:s28+$0xA040] =	vst v0  }
0x4b: {  	[tilespmem:s28+$0xA050] =	vst v0  }
0x4c: {  	[tilespmem:s28+$0xA060] =	vst v0  }
0x4d: {  	[spmem:s9] =	stream.linear.scatter [tilespmem:s16], [sflag:$0x3], $0x4000, $0x38;
	[tilespmem:$0x1DC00] =	vst v63  }
0x4e: {  	_ =	swait.ge [sflag:s17], $0x4000  }
0x4f: {  	[sflag:s17] =	ssyncset.done $0x0  }
0x50: {  	[sflag:s17] =	ssyncadd.s32 $0xFFFFC000  }
0x51: {  	[spmem:s11] =	stream.linear.scatter [tilespmem:s16], [sflag:$0x3], $0x4000, $0x38;
	[tilespmem:$0x1DC00] =	vst v63  }
0x52: {  	_ =	swait.ge [sflag:s17], $0x4000  }
0x53: {  	[sflag:s17] =	ssyncset.done $0x0  }
0x54: {  	[sflag:s17] =	ssyncadd.s32 $0xFFFFC000  }
0x55: {  	[spmem:s12] =	stream.linear.scatter [tilespmem:s16], [sflag:$0x3], $0x3C00, $0x38;
	[tilespmem:$0x1DC00] =	vst v63  }
0x56: {  	_ =	swait.ge [sflag:s17], $0x3C00  }
0x57: {  	[sflag:s17] =	ssyncset.done $0x0  }
0x58: {  	s28 =	simm.s32 $0x0;
	[sflag:s17] =	ssyncadd.s32 $0xFFFFC400  }
0x59: {  	[tilespmem:s28], [sflag:$0x3] =	stream.linear.gather [hbm4b:s10+s28], $0x5000, $0x38;
	[tilespmem:$0x1DC00] =	vst v63  }
0x5a: {  	_ =	swait.ge [sflag:s17], $0x5000  }
0x5b: {  	[sflag:s17] =	ssyncset.done $0x0  }
0x5c: {  	[sflag:s17] =	ssyncadd.s32 $0xFFFFB000  }
0x5d: {  	[tilespmem:s18], [sflag:$0x3] =	stream.linear.gather [hbm4b:s8+s28], $0x5000, $0x38;
	[tilespmem:$0x1DC00] =	vst v63  }
0x5e: {  	_ =	swait.ge [sflag:s17], $0x5000  }
0x5f: {  	[sflag:s17] =	ssyncset.done $0x0  }
0x60: {  	[sflag:s17] =	ssyncadd.s32 $0xFFFFB000  }
0x61: {  	[bflag:$0x0] =	sbarrier.arrive $0xFFFF  }
0x62: {  	[tilespmem:s16], [sflag:$0x1] =	stream.indirect.gather [hbm4b:s5+s19], $0x80, s28, s19, $0xb8;
	[tilespmem:$0x1DC00] =	vst v63  }
0x63: {  	s28 =	simm.s32 $0x80  }
0x64: {  	[tilespmem:s20], [sflag:$0x2] =	stream.indirect.gather [hbm4b:s5+s19], $0x80, s28, s19, $0xb8;
	[tilespmem:$0x1DC00] =	vst v63  }
0x65: {  	_ =	swait.ge [sflag:s21], $0x4000  }
0x66: {  	[sflag:s21] =	ssyncset.done $0x0  }
0x67: {  	s28 =	simm.s32 $0x5000;
	[sflag:s21] =	ssyncadd.s32 $0xFFFFC000  }
0x68: {  	[spmem:s2] =	stream.indirect.scatter.add.f32 [tilespmem:s16], [sflag:$0x3], $0x80, s28, s19, $0xb8;
	[tilespmem:$0x1DC00] =	vst v63  }
0x69: {  	_ =	swait.ge [sflag:s17], $0x4000  }
0x6a: {  	[sflag:s17] =	ssyncset.done $0x0  }
0x6b: {  	s28 =	simm.s32 $0x100;
	[sflag:s17] =	ssyncadd.s32 $0xFFFFC000  }
0x6c: {  	[tilespmem:s16], [sflag:$0x1] =	stream.indirect.gather [hbm4b:s5+s19], $0x80, s28, s19, $0xb8;
	[tilespmem:$0x1DC00] =	vst v63  }
0x6d: {  	_ =	swait.ge [sflag:s22], $0x4000  }
0x6e: {  	[sflag:s22] =	ssyncset.done $0x0  }
0x6f: {  	s28 =	simm.s32 $0x5080;
	[sflag:s22] =	ssyncadd.s32 $0xFFFFC000  }
0x70: {  	[spmem:s2] =	stream.indirect.scatter.add.f32 [tilespmem:s20], [sflag:$0x3], $0x80, s28, s19, $0xb8;
	[tilespmem:$0x1DC00] =	vst v63  }
0x71: {  	_ =	swait.ge [sflag:s17], $0x4000  }
0x72: {  	s29 =	simm.s32 $0x800;
	s28 =	simm.s32 $0x100;
	[sflag:s17] =	ssyncset.done $0x0  }
.LBB2_4:
0x73: {  	s30 =	sadd.s32 $0x80, s28  }
0x74: {  	[sflag:s17] =	ssyncadd.s32 $0xFFFFC000;
	s31 =	smov.u32 s29;
	s0 =	sadd.s32 $0x400, s29  }
0x75: {  	[tilespmem:s20], [sflag:$0x2] =	stream.indirect.gather [hbm4b:s5+s19], $0x80, s30, s19, $0xb8;
	[tilespmem:$0x1DC00] =	vst v63  }
0x76: {  	p1 =	seq.s32 s29, $0x13800;
	_ =	swait.ge [sflag:s21], $0x4000  }
0x77: {  	[sflag:s21] =	ssyncset.done $0x0  }
0x78: {  	s29 =	sadd.s32 $0x5000, s28;
	[sflag:s21] =	ssyncadd.s32 $0xFFFFC000  }
0x79: {  	[spmem:s2] =	stream.indirect.scatter.add.f32 [tilespmem:s16], [sflag:$0x3], $0x80, s29, s19, $0xb8;
	[tilespmem:$0x1DC00] =	vst v63  }
0x7a: {  	_ =	swait.ge [sflag:s17], $0x4000  }
0x7b: {  	[sflag:s17] =	ssyncset.done $0x0  }
0x7c: {  	s29 =	sadd.s32 $0x100, s28;
	[sflag:s17] =	ssyncadd.s32 $0xFFFFC000  }
0x7d: {  	[tilespmem:s16], [sflag:$0x1] =	stream.indirect.gather [hbm4b:s5+s19], $0x80, s29, s19, $0xb8;
	[tilespmem:$0x1DC00] =	vst v63  }
0x7e: {  	_ =	swait.ge [sflag:s22], $0x4000  }
.Ltmp4:
0x7f: {  	[sflag:s22] =	ssyncset.done $0x0;
	(pc) =	sbr.rel @!p1 .LBB2_4-.Ltmp4, $4  }
0x80: {  	s28 =	sadd.s32 $0x5080, s28;
	[sflag:s22] =	ssyncadd.s32 $0xFFFFC000  }
0x81: {  	[spmem:s2] =	stream.indirect.scatter.add.f32 [tilespmem:s20], [sflag:$0x3], $0x80, s28, s19, $0xb8;
	[tilespmem:$0x1DC00] =	vst v63  }
0x82: {  	_ =	swait.ge [sflag:s17], $0x4000  }
0x83: {  	s29 =	smov.u32 s0;
	s28 =	sshra.s32 s31, $0x2;
	[sflag:s17] =	ssyncset.done $0x0  }
0x84: {  	s0 =	sadd.s32 $0x80, s28;
	[sflag:s17] =	ssyncadd.s32 $0xFFFFC000  }
0x85: {  	[tilespmem:s20], [sflag:$0x2] =	stream.indirect.gather [hbm4b:s5+s19], $0x80, s0, s19, $0xb8;
	[tilespmem:$0x1DC00] =	vst v63  }
0x86: {  	_ =	swait.ge [sflag:s21], $0x4000  }
0x87: {  	[sflag:s21] =	ssyncset.done $0x0  }
0x88: {  	s30 =	sadd.s32 $0x5000, s28;
	[sflag:s21] =	ssyncadd.s32 $0xFFFFC000  }
0x89: {  	[spmem:s2] =	stream.indirect.scatter.add.f32 [tilespmem:s16], [sflag:$0x3], $0x80, s30, s19, $0xb8;
	[tilespmem:$0x1DC00] =	vst v63  }
0x8a: {  	_ =	swait.ge [sflag:s17], $0x4000  }
0x8b: {  	[sflag:s17] =	ssyncset.done $0x0  }
0x8c: {  	s31 =	sadd.s32 $0x100, s28;
	[sflag:s17] =	ssyncadd.s32 $0xFFFFC000  }
0x8d: {  	[tilespmem:s16], [sflag:$0x1] =	stream.indirect.gather [hbm4b:s5+s19], $0x80, s31, s19, $0xb8;
	[tilespmem:$0x1DC00] =	vst v63  }
0x8e: {  	_ =	swait.ge [sflag:s22], $0x4000  }
0x8f: {  	[sflag:s22] =	ssyncset.done $0x0  }
0x90: {  	s29 =	sadd.s32 $0x5080, s28;
	[sflag:s22] =	ssyncadd.s32 $0xFFFFC000  }
0x91: {  	[spmem:s2] =	stream.indirect.scatter.add.f32 [tilespmem:s20], [sflag:$0x3], $0x80, s29, s19, $0xb8;
	[tilespmem:$0x1DC00] =	vst v63  }
0x92: {  	_ =	swait.ge [sflag:s17], $0x4000  }
0x93: {  	[sflag:s17] =	ssyncset.done $0x0  }
0x94: {  	[sflag:s17] =	ssyncadd.s32 $0xFFFFC000  }
0x95: {  	[tilespmem:s20], [sflag:$0x2] =	stream.indirect.gather [hbm4b:s5+s19], $0x80, s23, s19, $0xb8;
	[tilespmem:$0x1DC00] =	vst v63  }
0x96: {  	_ =	swait.ge [sflag:s21], $0x4000  }
0x97: {  	[sflag:s21] =	ssyncset.done $0x0  }
0x98: {  	[sflag:s21] =	ssyncadd.s32 $0xFFFFC000  }
0x99: {  	[spmem:s2] =	stream.indirect.scatter.add.f32 [tilespmem:s16], [sflag:$0x3], $0x80, s24, s19, $0xb8;
	[tilespmem:$0x1DC00] =	vst v63  }
0x9a: {  	_ =	swait.ge [sflag:s17], $0x4000  }
0x9b: {  	[sflag:s17] =	ssyncset.done $0x0  }
0x9c: {  	[sflag:s17] =	ssyncadd.s32 $0xFFFFC000  }
0x9d: {  	_ =	swait.ge [sflag:s22], $0x4000  }
0x9e: {  	[sflag:s22] =	ssyncset.done $0x0  }
0x9f: {  	[sflag:s22] =	ssyncadd.s32 $0xFFFFC000  }
0xa0: {  	[spmem:s2] =	stream.indirect.scatter.add.f32 [tilespmem:s20], [sflag:$0x3], $0x80, s25, s19, $0xb8;
	[tilespmem:$0x1DC00] =	vst v63  }
0xa1: {  	_ =	swait.ge [sflag:s17], $0x4000  }
0xa2: {  	s30 =	sshll.u32 s1, $0x6;
	[sflag:s17] =	ssyncset.done $0x0  }
0xa3: {  	s0 =	sor.u32 $0x1C03, s30;
	[sflag:s17] =	ssyncadd.s32 $0xFFFFC000  }
.Ltmp5:
0xa4: {  	s31 =	sshrl.u32 s9, $0x3;
	[bflag:$0x0] =	sbarrier.arrive $0xFFFF;
	(pc) =	sbr.rel .LBB2_10-.Ltmp5, $4  }
0xa5: {  	[hbm:s14], [sflag:s0] =	dma.local [spmem:s31], $0x1780  }
0xa6: {  	_ =	swait.ge [sflag:s17], $0x1780  }
0xa7: {  	[sflag:s17] =	ssyncset.done $0x0  }
0xa8: {  	[sflag:s17] =	ssyncadd.s32 $0xFFFFE880  }
.LBB2_6:
0xa9: {  	p1 =	seq.s32 s29, $0xFE00;
	[tilespmem:s28+$0xA070] =	vst v0  }
0xaa: {  	[tilespmem:s28+$0xA000] =	vst v0  }
0xab: {  	[tilespmem:s28+$0xA010] =	vst v0  }
.Ltmp6:
0xac: {  	[tilespmem:s28+$0xA020] =	vst v0;
	(pc) =	sbr.rel @!p1 .LBB2_6-.Ltmp6, $4  }
0xad: {  	[tilespmem:s28+$0xA030] =	vst v0  }
0xae: {  	[tilespmem:s28+$0xA040] =	vst v0  }
0xaf: {  	[tilespmem:s28+$0xA050] =	vst v0  }
0xb0: {  	[tilespmem:s28+$0xA060] =	vst v0;
	s28 =	sshra.s32 s29, $0x2;
	s29 =	sadd.s32 $0x200, s29  }
0xb1: {  	[tilespmem:s28+$0xA070] =	vst v0  }
0xb2: {  	[tilespmem:s28+$0xA000] =	vst v0  }
0xb3: {  	[tilespmem:s28+$0xA010] =	vst v0  }
0xb4: {  	[tilespmem:s28+$0xA020] =	vst v0  }
0xb5: {  	[tilespmem:s28+$0xA030] =	vst v0  }
0xb6: {  	[tilespmem:s28+$0xA040] =	vst v0  }
0xb7: {  	[tilespmem:s28+$0xA050] =	vst v0  }
0xb8: {  	[tilespmem:s28+$0xA060] =	vst v0  }
0xb9: {  	[spmem:s6] =	stream.linear.scatter [tilespmem:s16], [sflag:$0x3], $0x4000, $0x38;
	[tilespmem:$0x1DC00] =	vst v63  }
0xba: {  	_ =	swait.ge [sflag:s17], $0x4000  }
0xbb: {  	[sflag:s17] =	ssyncset.done $0x0  }
0xbc: {  	[sflag:s17] =	ssyncadd.s32 $0xFFFFC000  }
0xbd: {  	[spmem:s7] =	stream.linear.scatter [tilespmem:s16], [sflag:$0x3], $0x4000, $0x38;
	[tilespmem:$0x1DC00] =	vst v63  }
0xbe: {  	_ =	swait.ge [sflag:s17], $0x4000  }
0xbf: {  	[sflag:s17] =	ssyncset.done $0x0  }
0xc0: {  	s0 =	simm.s32 $0x0;
	[sflag:s17] =	ssyncadd.s32 $0xFFFFC000  }
0xc1: {  	[tilespmem:s0], [sflag:$0x3] =	stream.linear.gather [hbm4b:s8+s0], $0x5000, $0x38;
	[tilespmem:$0x1DC00] =	vst v63  }
0xc2: {  	_ =	swait.ge [sflag:s17], $0x5000  }
0xc3: {  	[sflag:s17] =	ssyncset.done $0x0  }
0xc4: {  	[sflag:s17] =	ssyncadd.s32 $0xFFFFB000  }
0xc5: {  	[tilespmem:s18], [sflag:$0x3] =	stream.linear.gather [hbm4b:s10+s0], $0x5000, $0x38;
	[tilespmem:$0x1DC00] =	vst v63  }
0xc6: {  	_ =	swait.ge [sflag:s17], $0x5000  }
0xc7: {  	[sflag:s17] =	ssyncset.done $0x0  }
0xc8: {  	[sflag:s17] =	ssyncadd.s32 $0xFFFFB000  }
0xc9: {  	[bflag:$0x0] =	sbarrier.arrive $0xFFFF  }
0xca: {  	[tilespmem:s16], [sflag:$0x1] =	stream.indirect.gather [hbm4b:s4+s19], $0x80, s0, s19, $0xb8;
	[tilespmem:$0x1DC00] =	vst v63  }
0xcb: {  	s30 =	simm.s32 $0x80  }
0xcc: {  	[tilespmem:s20], [sflag:$0x2] =	stream.indirect.gather [hbm4b:s4+s19], $0x80, s30, s19, $0xb8;
	[tilespmem:$0x1DC00] =	vst v63  }
0xcd: {  	_ =	swait.ge [sflag:s21], $0x4000  }
0xce: {  	[sflag:s21] =	ssyncset.done $0x0  }
0xcf: {  	s31 =	simm.s32 $0x5000;
	[sflag:s21] =	ssyncadd.s32 $0xFFFFC000  }
0xd0: {  	[spmem:s2] =	stream.indirect.scatter.add.f32 [tilespmem:s16], [sflag:$0x3], $0x80, s31, s19, $0xb8;
	[tilespmem:$0x1DC00] =	vst v63  }
0xd1: {  	_ =	swait.ge [sflag:s17], $0x4000  }
0xd2: {  	[sflag:s17] =	ssyncset.done $0x0  }
0xd3: {  	s30 =	simm.s32 $0x100;
	[sflag:s17] =	ssyncadd.s32 $0xFFFFC000  }
0xd4: {  	[tilespmem:s16], [sflag:$0x1] =	stream.indirect.gather [hbm4b:s4+s19], $0x80, s30, s19, $0xb8;
	[tilespmem:$0x1DC00] =	vst v63  }
0xd5: {  	_ =	swait.ge [sflag:s22], $0x4000  }
0xd6: {  	[sflag:s22] =	ssyncset.done $0x0  }
0xd7: {  	s31 =	simm.s32 $0x5080;
	[sflag:s22] =	ssyncadd.s32 $0xFFFFC000  }
0xd8: {  	[spmem:s2] =	stream.indirect.scatter.add.f32 [tilespmem:s20], [sflag:$0x3], $0x80, s31, s19, $0xb8;
	[tilespmem:$0x1DC00] =	vst v63  }
0xd9: {  	_ =	swait.ge [sflag:s17], $0x4000  }
0xda: {  	s29 =	simm.s32 $0x800;
	s28 =	simm.s32 $0x100;
	[sflag:s17] =	ssyncset.done $0x0  }
.LBB2_8:
0xdb: {  	s0 =	sadd.s32 $0x80, s28  }
0xdc: {  	[sflag:s17] =	ssyncadd.s32 $0xFFFFC000;
	s30 =	smov.u32 s29;
	s31 =	sadd.s32 $0x400, s29  }
0xdd: {  	[tilespmem:s20], [sflag:$0x2] =	stream.indirect.gather [hbm4b:s4+s19], $0x80, s0, s19, $0xb8;
	[tilespmem:$0x1DC00] =	vst v63  }
0xde: {  	p1 =	seq.s32 s29, $0x13800;
	_ =	swait.ge [sflag:s21], $0x4000  }
0xdf: {  	[sflag:s21] =	ssyncset.done $0x0  }
0xe0: {  	s0 =	sadd.s32 $0x5000, s28;
	[sflag:s21] =	ssyncadd.s32 $0xFFFFC000  }
0xe1: {  	[spmem:s2] =	stream.indirect.scatter.add.f32 [tilespmem:s16], [sflag:$0x3], $0x80, s0, s19, $0xb8;
	[tilespmem:$0x1DC00] =	vst v63  }
0xe2: {  	_ =	swait.ge [sflag:s17], $0x4000  }
0xe3: {  	[sflag:s17] =	ssyncset.done $0x0  }
0xe4: {  	s0 =	sadd.s32 $0x100, s28;
	[sflag:s17] =	ssyncadd.s32 $0xFFFFC000  }
0xe5: {  	[tilespmem:s16], [sflag:$0x1] =	stream.indirect.gather [hbm4b:s4+s19], $0x80, s0, s19, $0xb8;
	[tilespmem:$0x1DC00] =	vst v63  }
0xe6: {  	_ =	swait.ge [sflag:s22], $0x4000  }
.Ltmp7:
0xe7: {  	[sflag:s22] =	ssyncset.done $0x0;
	(pc) =	sbr.rel @!p1 .LBB2_8-.Ltmp7, $4  }
0xe8: {  	s0 =	sadd.s32 $0x5080, s28;
	[sflag:s22] =	ssyncadd.s32 $0xFFFFC000  }
0xe9: {  	[spmem:s2] =	stream.indirect.scatter.add.f32 [tilespmem:s20], [sflag:$0x3], $0x80, s0, s19, $0xb8;
	[tilespmem:$0x1DC00] =	vst v63  }
0xea: {  	_ =	swait.ge [sflag:s17], $0x4000  }
0xeb: {  	s29 =	smov.u32 s31;
	s28 =	sshra.s32 s30, $0x2;
	[sflag:s17] =	ssyncset.done $0x0  }
.Ltmp8:
0xec: {  	_ = 	snop;
	(pc) =	sbr.rel .LBB2_9-.Ltmp8, $1  }
0xed: {  	_ =	sdelay $0x3  }
.LBB2_11:
0xee: {  	_ =	sfence.sel $0x180000  }
0xef: {  	[bflag:$0x0] =	sbarrier.arrive $0xFFFF  }
0xf0: {  	_ =	strace $0x90000047  }
0xf1: {  	[bflag:$0x2] =	sbarrier.arrive $0xFFFF  }
0xf2: {  	p0 =	sne.s32 s1, $0x0;
	s0 =	rddreg [dreg:$0x2]  }
0xf3: {  	s0 =	sadd.s32 @!p0 $0x100000, s0  }
0xf4: {  	[sflag:s0] =	ssyncadd.tile.s32 @!p0 $0x1;
	_ =	shalt  }
.Lfunc_end2:
_tile_overlayer_lowered:
.L_overlay_start_2:
0xf5: {  	(tag) =	ssettag $0x2  }
0xf6: {  	s0 =	rddreg [dreg:$0x0];
	s2 =	stileid.u32  }
0xf7: {  	s1 =	rddreg [dreg:$0x1];
	p0 =	sne.s32 s2, $0x0  }
0xf8: {  	s3 =	rddreg [dreg:$0x2];
	[bflag:$0x3] =	sbarrier.arrive $0xFFFF;
	s2 =	simm.s32 @!p0 $0x1C03  }
0xf9: {  	[timem:s3], [sflag:s2] =	dma.local @!p0 [hbm:s0], s1  }
0xfa: {  	s0 =	simm.s32 @!p0 $0x3  }
0xfb: {  	_ =	swait.ge @!p0 [sflag:s0], s1  }
0xfc: {  	s1 =	ssub.s32 @!p0 $0x0, s1;
	[sflag:s0] =	ssyncset.done @!p0 $0x0  }
0xfd: {  	[sflag:s0] =	ssyncadd.s32 @!p0 s1  }
0xfe: {  	[bflag:$0x3] =	sbarrier.arrive $0xFFFF  }
0xff: {  	_ =	shalt  }

// kernel: kernel.14.cloned.1.call-start
scs
__scs_entry_jumppad:
0x0: {  	(pc) =	sbr.rel $0x88, $3  }
0x1: {  	(tag) =	ssettag $0x0;
	lr =	simm.s32 $0x1  }
0x2: {  	[smem:$0x3F80] =	sst lr;
	_ =	strace $0xD0000000  }
0x3: {  	_ = 	snop  }
0x4: {  	_ = 	snop  }
0x5: {  	_ = 	snop  }
0x6: {  	_ = 	snop  }
0x7: {  	_ = 	snop  }
__scs_overlays_trampoline_lowered:
0x8: {  	[smem:$0x3F8F] =	sst s0  }
0x9: {  	[smem:$0x3F90] =	sst s1  }
0xa: {  	[smem:$0x3F91] =	sst s2  }
0xb: {  	[smem:$0x3F92] =	sst s3  }
0xc: {  	[smem:$0x3F93] =	sst s4  }
0xd: {  	[smem:$0x3F94] =	sst s5  }
0xe: {  	[smem:$0x3F95] =	sst s6  }
0xf: {  	[smem:$0x3F96] =	sst s7  }
0x10: {  	[smem:$0x3F97] =	sst s8  }
0x11: {  	[smem:$0x3F98] =	sst s9;
	s0 =	simm.s32 @!p0 $0x0  }
0x12: {  	s1 =	sld [smem:$0x3F7E];
	s0 =	simm.s32 @p0 $0x1  }
0x13: {  	[smem:$0x3F99] =	sst s0;
	s0 =	simm.s32 @!p1 $0x0  }
0x14: {  	s2 =	sld [smem:$0x3F7D];
	s0 =	simm.s32 @p1 $0x1  }
0x15: {  	[smem:$0x3F9A] =	sst s0;
	s0 =	simm.s32 @!p2 $0x0  }
0x16: {  	s3 =	sld [smem:$0x3FDB];
	s0 =	simm.s32 @p2 $0x1  }
0x17: {  	s4 =	simm.s32 $0x1BF5;
	[smem:$0x3F9C] =	sst s0  }
0x18: {  	s0 =	sld [smem:$0x3F7F];
	_ =	swait.ge [sflag:s4], $0x0  }
0x19: {  	s7 =	sld [smem:$0x3F80]  }
0x1a: {  	s8 =	sadd.s32 $0xFFFFE003, lr  }
0x1b: {  	s9 =	sadd.s32 $0xFFFFFEF7, lr;
	s5 =	simm.s32 $0xFFFFFFFF;
	p2 =	slt.u32 s8, $0xFFFFF086  }
0x1c: {  	p1 =	slt.u32 s9, $0xF7A;
	s5 =	simm.s32 @!p2 $0x0  }
0x1d: {  	s5 =	simm.s32 @p1 $0x1;
	p0 =	seq.s32 s7, s2  }
0x1e: {  	s7 =	smul.u32 @!p0 $0xF7A, s2;
	p2 =	seq.s32 @!p0 s5, $0x0  }
0x1f: {  	s9 =	smul.u32 $0xF7A, s1;
	s8 =	simm.s32 @!p0 $0x1BF5;
	p2 =	por !p2, p0  }
0x20: {  	[sflag:s8] =	ssyncset.s32 @!p0 $0xFFFFF086;
	s6 =	sadd.s32 @!p0 s3, s7;
	s7 =	simm.s32 @!p0 $0x108  }
0x21: {  	s3 =	sadd.s32 s3, s9;
	s6 =	sadd.s32 @!p0 $0x88, s6;
	s7 =	simm.s32 @p2 $0x1082  }
0x22: {  	[simem:s7], [sflag:s8] =	dma.local @!p0 [hbm:s6], $0xF7A  }
0x23: {  	s9 =	sor.u32 $0xD0000000, s2;
	s6 =	simm.s32 $0x108;
	_ =	swait.ge @!p0 [sflag:s8], $0x0  }
0x24: {  	s3 =	sadd.s32 $0x88, s3;
	s6 =	simm.s32 @!p1 $0x1082;
	[sflag:s4] =	ssyncset.s32 $0xFFFFF086  }
0x25: {  	[simem:s6], [sflag:s4] =	dma.local [hbm:s3], $0xF7A  }
0x26: {  	[smem:$0x3F80] =	sst s1;
	(tag) =	ssettag s2;
	_ =	strace s9  }
0x27: {  	s1 =	sld [smem:$0x3F90]  }
0x28: {  	s2 =	sld [smem:$0x3F91]  }
0x29: {  	s4 =	sld [smem:$0x3F93]  }
0x2a: {  	p0 =	seq.s32 s5, $0x0;
	s5 =	sld [smem:$0x3F94]  }
0x2b: {  	s6 =	sld [smem:$0x3F95]  }
0x2c: {  	s7 =	sld [smem:$0x3F96]  }
0x2d: {  	s3 =	simm.s32 $0x108;
	s8 =	sld [smem:$0x3F97]  }
0x2e: {  	s3 =	simm.s32 @!p0 $0x1082;
	s9 =	sld [smem:$0x3F98]  }
0x2f: {  	lr =	sadd.s32 s0, s3;
	s0 =	sld [smem:$0x3F8F]  }
0x30: {  	s3 =	sld [smem:$0x3F92]  }
0x31: {  	[smem:$0x3F9B] =	sst s10  }
0x32: {  	s10 =	sld [smem:$0x3F99];
	_ =	sdelay $0x3  }
0x33: {  	p0 =	seq.s32 s10, $0x1;
	s10 =	sld [smem:$0x3F9B];
	_ =	sdelay $0x3  }
0x34: {  	[smem:$0x3F9B] =	sst s10  }
0x35: {  	s10 =	sld [smem:$0x3F9A];
	_ =	sdelay $0x3  }
0x36: {  	p1 =	seq.s32 s10, $0x1;
	s10 =	sld [smem:$0x3F9B];
	_ =	sdelay $0x3  }
0x37: {  	[smem:$0x3F9B] =	sst s10  }
0x38: {  	s10 =	sld [smem:$0x3F9C]  }
0x39: {  	_ = 	snop;
	(pc) =	sbr.ind lr, $3  }
0x3a: {  	_ = 	snop  }
0x3b: {  	_ = 	snop  }
0x3c: {  	p2 =	seq.s32 s10, $0x1;
	s10 =	sld [smem:$0x3F9B]  }
0x3d: {  	_ =	shalt  }
0x3e: {  	_ =	shalt  }
0x3f: {  	_ =	shalt  }
0x40: {  	_ =	shalt  }
0x41: {  	_ =	shalt  }
0x42: {  	_ =	shalt  }
0x43: {  	_ =	shalt  }
0x44: {  	_ =	shalt  }
0x45: {  	_ =	shalt  }
0x46: {  	_ =	shalt  }
0x47: {  	_ =	shalt  }
0x48: {  	_ =	shalt  }
0x49: {  	_ =	shalt  }
0x4a: {  	_ =	shalt  }
0x4b: {  	_ =	shalt  }
0x4c: {  	_ =	shalt  }
0x4d: {  	_ =	shalt  }
0x4e: {  	_ =	shalt  }
0x4f: {  	_ =	shalt  }
0x50: {  	_ =	shalt  }
0x51: {  	_ =	shalt  }
0x52: {  	_ =	shalt  }
0x53: {  	_ =	shalt  }
0x54: {  	_ =	shalt  }
0x55: {  	_ =	shalt  }
0x56: {  	_ =	shalt  }
0x57: {  	_ =	shalt  }
0x58: {  	_ =	shalt  }
0x59: {  	_ =	shalt  }
0x5a: {  	_ =	shalt  }
0x5b: {  	_ =	shalt  }
0x5c: {  	_ =	shalt  }
0x5d: {  	_ =	shalt  }
0x5e: {  	_ =	shalt  }
0x5f: {  	_ =	shalt  }
0x60: {  	_ =	shalt  }
0x61: {  	_ =	shalt  }
0x62: {  	_ =	shalt  }
0x63: {  	_ =	shalt  }
0x64: {  	_ =	shalt  }
0x65: {  	_ =	shalt  }
0x66: {  	_ =	shalt  }
0x67: {  	_ =	shalt  }
0x68: {  	_ =	shalt  }
0x69: {  	_ =	shalt  }
0x6a: {  	_ =	shalt  }
0x6b: {  	_ =	shalt  }
0x6c: {  	_ =	shalt  }
0x6d: {  	_ =	shalt  }
0x6e: {  	_ =	shalt  }
0x6f: {  	_ =	shalt  }
0x70: {  	_ =	shalt  }
0x71: {  	_ =	shalt  }
0x72: {  	_ =	shalt  }
0x73: {  	_ =	shalt  }
0x74: {  	_ =	shalt  }
0x75: {  	_ =	shalt  }
0x76: {  	_ =	shalt  }
0x77: {  	_ =	shalt  }
0x78: {  	_ =	shalt  }
0x79: {  	_ =	shalt  }
0x7a: {  	_ =	shalt  }
0x7b: {  	_ =	shalt  }
0x7c: {  	_ =	shalt  }
0x7d: {  	_ =	shalt  }
0x7e: {  	_ =	shalt  }
0x7f: {  	_ =	shalt  }
0x80: {  	_ =	shalt  }
0x81: {  	_ =	shalt  }
0x82: {  	_ =	shalt  }
0x83: {  	_ =	shalt  }
0x84: {  	_ =	shalt  }
0x85: {  	_ =	shalt  }
0x86: {  	_ =	shalt  }
0x87: {  	_ =	shalt  }
.Lfunc_end0:
.L_simem_size_0:
called_computation.2_lowered:
.L_overlay_start_0:
0x88: {  	s2 =	sld [smem:$0x3FD9]  }
0x89: {  	s3 =	sld [smem:$0x3FFE];
	_ =	sdelay $0x1  }
0x8a: {  	s1 =	srdreg.scid  }
0x8b: {  	s0 =	sand.u32 $0x1, s1  }
0x8c: {  	s16 =	sshll.u32 s0, $0xA;
	s2 =	sadd.s32 s3, s2  }
0x8d: {  	s2 =	sadd.s32 s2, s16  }
0x8e: {  	[smem:$0x3FA7] =	sst s2  }
0x8f: {  	_ = 	snop  }
0x90: {  	(tm) =	ssettm $0x1  }
0x91: {  	s17 =	sld [smem:$0x3FFB];
	_ =	sdelay $0x3  }
0x92: {  	_ =	strace s17  }
0x93: {  	s2 =	sld [smem:$0x3FFC];
	_ =	sdelay $0x3  }
0x94: {  	_ =	strace s2  }
0x95: {  	s2 =	sld [smem:$0x3FFD];
	_ =	sdelay $0x3  }
0x96: {  	_ =	strace s2  }
0x97: {  	_ =	strace $0x8FFFFFFF  }
0x98: {  	s18 =	sld [smem:$0x3FDB];
	_ =	sdelay $0x1  }
0x99: {  	s19 =	simm.s32 $_scs_section_size  }
0x9a: {  	s4 =	simm.s32 $_size__tile_overlayer_lowered;
	s5 =	simm.s32 $_tile_overlayer_lowered  }
0x9b: {  	s22 =	simm.s32 $0x1BFF;
	s21 =	sshll.u32 s5, $0x1;
	s2 =	sadd.s32 s19, s18  }
0x9c: {  	s6 =	simm.s32 $0x0;
	s20 =	sshll.u32 s4, $0x1;
	s4 =	sadd.s32 s21, s2  }
0x9d: {  	[timem:s6], [sflag:s22] =	dma.local [hbm:s4], s20  }
0x9e: {  	_ =	swait.ge [sflag:s22], s20  }
0x9f: {  	s3 =	ssub.s32 $0x0, s20;
	[sflag:s22] =	ssyncset.done $0x0  }
0xa0: {  	[sflag:s22] =	ssyncadd.s32 s3;
	_ =	sdelay $0x1  }
0xa1: {  	s23 =	simm.s32 $0x1B8B  }
0xa2: {  	_ =	swait.ge [sflag:s23], $0x1  }
0xa3: {  	[sflag:s23] =	ssyncset.done $0x0  }
0xa4: {  	s25 =	simm.s32 $0x1B8E;
	s24 =	sld [smem:$0x3FFE];
	[sflag:s23] =	ssyncadd.s32 $0xFFFFFFFF  }
0xa5: {  	s26 =	simm.s32 $execute0_lowered;
	[smem:$0x3FD2] =	sst s25  }
0xa6: {  	s4 =	sshll.u32 s26, $0x1;
	_ =	strace $0x8000004C;
	[dreg:$0x1] =	wrdreg $0xFFFFFFFF  }
0xa7: {  	s28 =	simm.s32 $_size_execute0_lowered;
	s2 =	sadd.s32 s2, s4;
	[dreg:$0x0] =	wrdreg $0x0  }
0xa8: {  	s4 =	sshll.u32 s28, $0x1;
	[dreg:$0x2] =	wrdreg s2  }
0xa9: {  	[dreg:$0x3] =	wrdreg s4  }
0xaa: {  	[dreg:$0x4] =	wrdreg $0xC0  }
0xab: {  	_ =	task [dreg:s6], $0x5FFFF  }
0xac: {  	[dreg:$0x1] =	wrdreg $0xFFFFFFFF  }
0xad: {  	[dreg:$0x0] =	wrdreg $0x60  }
0xae: {  	[dreg:$0x2] =	wrdreg s24  }
0xaf: {  	[dreg:$0x3] =	wrdreg $0x120000  }
0xb0: {  	[dreg:$0x4] =	wrdreg $0x9  }
0xb1: {  	_ =	task.clear_ibuf [dreg:s6], $0x5FFFF;
	_ =	strace $0x9000004C  }
0xb2: {  	s29 =	simm.s32 $0x9;
	_ =	strace $0x8000004E  }
0xb3: {  	_ =	swait.ge [sflag:s29], $0x1  }
0xb4: {  	[sflag:s29] =	ssyncadd.s32 $0xFFFFFFFF  }
0xb5: {  	_ =	strace $0x9000004E  }
0xb6: {  	_ =	sfence  }
0xb7: {  	s30 =	sld [smem:$0x0];
	_ =	sdelay $0x2  }
0xb8: {  	s31 =	sshll.u32 s1, $0xD;
	s1 =	sshrl.u32 s1, $0x2  }
0xb9: {  	s3 =	sand.u32 $0x4000, s31;
	s1 =	sadd.s32 s1, s30  }
0xba: {  	s0 =	sor.u32 s3, s0;
	s1 =	sshll.u32 s1, $0x11  }
0xbb: {  	s0 =	sor.u32 s1, s0  }
0xbc: {  	s0 =	sadd.s32 $0x8F2B, s0  }
0xbd: {  	[sflag:s0] =	ssyncadd.remote.s32 $0x1  }
0xbe: {  	_ =	sfence.sel $0xFFFF  }
0xbf: {  	[dreg:$0x0] =	wrdreg $0xFFFFFFFF;
	(pc) =	sbr.abs _section_cstart, $3  }
0xc0: {  	[dreg:$0x1] =	wrdreg $0xFFFFFFFF  }
0xc1: {  	_ =	task.clear_ibuf [dreg:s6], $0x2FFFF;
	_ =	strace $0x9FFFFFFF  }
0xc2: {  	(tm) =	ssettm $0x7FFFFFFF  }
0xc3: {  	_ =	shalt  }
tec
execute0_lowered:
.L_overlay_start_1:
0x0: {  	(tag) =	ssettag $0x1  }
0x1: {  	s6 =	rddreg [dreg:$0x0]  }
0x2: {  	s2 =	rddreg [dreg:$0x1];
	s3 =	simm.s32 $0x0  }
0x3: {  	s1 =	stileid.u32;
	s9 =	srdreg.scid;
	s17 =	simm.s32 $0x3  }
0x4: {  	s18 =	simm.s32 $0x5000;
	s19 =	simm.s32 $0x80;
	s20 =	simm.s32 $0xE000  }
0x5: {  	s21 =	simm.s32 $0x1;
	s22 =	simm.s32 $0x2;
	s23 =	simm.s32 $0x4F80  }
0x6: {  	s24 =	simm.s32 $0x9F00;
	s25 =	simm.s32 $0x9F80;
	s7 =	smul.u32 $0xA00, s1  }
0x7: {  	[smem:$0x7FF] =	sst s3;
	s8 =	smul.u32 $0x1780, s1;
	s4 =	sadd.s32 $0x6600, s6  }
0x8: {  	s5 =	sadd.s32 $0x1DE00, s6;
	s16 =	sand.u32 $0x1, s9;
	s26 =	sshll.u32 s1, $0xC  }
0x9: {  	s29 =	smul.u32 $0x2F000, s1;
	s31 =	sshll.u32 s1, $0xF;
	_ =	strace $0x8000004D  }
0xa: {  	s28 =	ssub.s32 $0x2, s16;
	s13 =	sadd.s32 s26, s6;
	p0 =	sne.s32 s16, $0x0  }
0xb: {  	s16 =	simm.s32 $0xA000;
	s26 =	simm.s32 $0x0;
	s10 =	sadd.s32 s7, s6  }
.Ltmp0:
0xc: {  	s14 =	sadd.s32 s8, s6;
	s30 =	sshrl.u32 s28, $0x1;
	(pc) =	sbr.rel .LBB2_1-.Ltmp0, $4  }
0xd: {  	s6 =	sadd.s32 s31, s2;
	s9 =	sshrl.u32 s29, $0x2;
	s13 =	sadd.s32 $0x59600, s13  }
0xe: {  	s15 =	ssub.s32 s28, s30;
	s7 =	sadd.s32 $0x4000, s6;
	s8 =	sadd.s32 $0x2DE00, s10  }
0xf: {  	s9 =	sadd.s32 s9, s2;
	s10 =	sadd.s32 $0x37E00, s10;
	s14 =	sadd.s32 $0x41E00, s14  }
0x10: {  	v0 =	vimm.f32 $0.0e+00;
	s11 =	sadd.s32 $0x4000, s9;
	s12 =	sadd.s32 $0x8000, s9;
	s15 =	smax.u32 s15, $0x1  }
.LBB2_9:
0x11: {  	s0 =	sadd.s32 $0x80, s28;
	[sflag:s17] =	ssyncadd.s32 $0xFFFFC000  }
0x12: {  	[tilespmem:s20], [sflag:$0x2] =	stream.indirect.gather [hbm4b:s4+s19], $0x80, s0, s19, $0xb8;
	[tilespmem:$0x1DC00] =	vst v63  }
0x13: {  	_ =	swait.ge [sflag:s21], $0x4000  }
0x14: {  	[sflag:s21] =	ssyncset.done $0x0  }
0x15: {  	s30 =	sadd.s32 $0x5000, s28;
	[sflag:s21] =	ssyncadd.s32 $0xFFFFC000  }
0x16: {  	[spmem:s2] =	stream.indirect.scatter.add.f32 [tilespmem:s16], [sflag:$0x3], $0x80, s30, s19, $0xb8;
	[tilespmem:$0x1DC00] =	vst v63  }
0x17: {  	_ =	swait.ge [sflag:s17], $0x4000  }
0x18: {  	[sflag:s17] =	ssyncset.done $0x0  }
0x19: {  	s31 =	sadd.s32 $0x100, s28;
	[sflag:s17] =	ssyncadd.s32 $0xFFFFC000  }
0x1a: {  	[tilespmem:s16], [sflag:$0x1] =	stream.indirect.gather [hbm4b:s4+s19], $0x80, s31, s19, $0xb8;
	[tilespmem:$0x1DC00] =	vst v63  }
0x1b: {  	_ =	swait.ge [sflag:s22], $0x4000  }
0x1c: {  	[sflag:s22] =	ssyncset.done $0x0  }
0x1d: {  	s29 =	sadd.s32 $0x5080, s28;
	[sflag:s22] =	ssyncadd.s32 $0xFFFFC000  }
0x1e: {  	[spmem:s2] =	stream.indirect.scatter.add.f32 [tilespmem:s20], [sflag:$0x3], $0x80, s29, s19, $0xb8;
	[tilespmem:$0x1DC00] =	vst v63  }
0x1f: {  	_ =	swait.ge [sflag:s17], $0x4000  }
0x20: {  	[sflag:s17] =	ssyncset.done $0x0  }
0x21: {  	[sflag:s17] =	ssyncadd.s32 $0xFFFFC000  }
0x22: {  	[tilespmem:s20], [sflag:$0x2] =	stream.indirect.gather [hbm4b:s4+s19], $0x80, s23, s19, $0xb8;
	[tilespmem:$0x1DC00] =	vst v63  }
0x23: {  	_ =	swait.ge [sflag:s21], $0x4000  }
0x24: {  	[sflag:s21] =	ssyncset.done $0x0  }
0x25: {  	[sflag:s21] =	ssyncadd.s32 $0xFFFFC000  }
0x26: {  	[spmem:s2] =	stream.indirect.scatter.add.f32 [tilespmem:s16], [sflag:$0x3], $0x80, s24, s19, $0xb8;
	[tilespmem:$0x1DC00] =	vst v63  }
0x27: {  	_ =	swait.ge [sflag:s17], $0x4000  }
0x28: {  	[sflag:s17] =	ssyncset.done $0x0  }
0x29: {  	[sflag:s17] =	ssyncadd.s32 $0xFFFFC000  }
0x2a: {  	_ =	swait.ge [sflag:s22], $0x4000  }
0x2b: {  	[sflag:s22] =	ssyncset.done $0x0  }
0x2c: {  	[sflag:s22] =	ssyncadd.s32 $0xFFFFC000  }
0x2d: {  	[spmem:s2] =	stream.indirect.scatter.add.f32 [tilespmem:s20], [sflag:$0x3], $0x80, s25, s19, $0xb8;
	[tilespmem:$0x1DC00] =	vst v63  }
0x2e: {  	_ =	swait.ge [sflag:s17], $0x4000  }
0x2f: {  	[sflag:s17] =	ssyncset.done $0x0  }
0x30: {  	s30 =	sshll.u32 s1, $0x6;
	[sflag:s17] =	ssyncadd.s32 $0xFFFFC000  }
0x31: {  	s0 =	sor.u32 $0x1C03, s30;
	s31 =	sshrl.u32 s6, $0x3;
	[bflag:$0x0] =	sbarrier.arrive $0xFFFF  }
0x32: {  	[hbm:s13], [sflag:s0] =	dma.local [spmem:s31], $0x1000  }
0x33: {  	_ =	swait.ge [sflag:s17], $0x1000  }
0x34: {  	[sflag:s17] =	ssyncset.done $0x0  }
0x35: {  	[sflag:s17] =	ssyncadd.s32 $0xFFFFF000  }
.LBB2_10:
0x36: {  	s26 =	sadd.s32 $0x1, s26  }
0x37: {  	p1 =	sne.s32 s26, s15  }
.Ltmp1:
0x38: {  	_ = 	snop;
	(pc) =	sbr.rel @!p1 .LBB2_11-.Ltmp1, $1  }
0x39: {  	_ =	sdelay $0x3  }
.LBB2_1:
.Ltmp2:
0x3a: {  	(pc) =	sbr.rel @p0 .LBB2_6-.Ltmp2, $2  }
0x3b: {  	_ =	sdelay $0x2  }
0x3c: {  	s28 =	sshra.s32 s3, $0x2;
	s29 =	sadd.s32 $0x200, s3  }
.LBB2_2:
0x3d: {  	p1 =	sne.s32 s29, $0xFE00;
	[tilespmem:s28+$0xA070] =	vst v0  }
0x3e: {  	[tilespmem:s28+$0xA000] =	vst v0  }
0x3f: {  	[tilespmem:s28+$0xA010] =	vst v0  }
.Ltmp3:
0x40: {  	[tilespmem:s28+$0xA020] =	vst v0;
	(pc) =	sbr.rel @p1 .LBB2_2-.Ltmp3, $4  }
0x41: {  	[tilespmem:s28+$0xA030] =	vst v0  }
0x42: {  	[tilespmem:s28+$0xA040] =	vst v0  }
0x43: {  	[tilespmem:s28+$0xA050] =	vst v0  }
0x44: {  	[tilespmem:s28+$0xA060] =	vst v0;
	s28 =	sshra.s32 s29, $0x2;
	s29 =	sadd.s32 $0x200, s29  }
0x45: {  	[tilespmem:s28+$0xA070] =	vst v0  }
0x46: {  	[tilespmem:s28+$0xA000] =	vst v0  }
0x47: {  	[tilespmem:s28+$0xA010] =	vst v0  }
0x48: {  	[tilespmem:s28+$0xA020] =	vst v0  }
0x49: {  	[tilespmem:s28+$0xA030] =	vst v0  }
0x4a: {  	[tilespmem:s28+$0xA040] =	vst v0  }
0x4b: {  	[tilespmem:s28+$0xA050] =	vst v0  }
0x4c: {  	[tilespmem:s28+$0xA060] =	vst v0  }
0x4d: {  	[spmem:s9] =	stream.linear.scatter [tilespmem:s16], [sflag:$0x3], $0x4000, $0x38;
	[tilespmem:$0x1DC00] =	vst v63  }
0x4e: {  	_ =	swait.ge [sflag:s17], $0x4000  }
0x4f: {  	[sflag:s17] =	ssyncset.done $0x0  }
0x50: {  	[sflag:s17] =	ssyncadd.s32 $0xFFFFC000  }
0x51: {  	[spmem:s11] =	stream.linear.scatter [tilespmem:s16], [sflag:$0x3], $0x4000, $0x38;
	[tilespmem:$0x1DC00] =	vst v63  }
0x52: {  	_ =	swait.ge [sflag:s17], $0x4000  }
0x53: {  	[sflag:s17] =	ssyncset.done $0x0  }
0x54: {  	[sflag:s17] =	ssyncadd.s32 $0xFFFFC000  }
0x55: {  	[spmem:s12] =	stream.linear.scatter [tilespmem:s16], [sflag:$0x3], $0x3C00, $0x38;
	[tilespmem:$0x1DC00] =	vst v63  }
0x56: {  	_ =	swait.ge [sflag:s17], $0x3C00  }
0x57: {  	[sflag:s17] =	ssyncset.done $0x0  }
0x58: {  	s28 =	simm.s32 $0x0;
	[sflag:s17] =	ssyncadd.s32 $0xFFFFC400  }
0x59: {  	[tilespmem:s28], [sflag:$0x3] =	stream.linear.gather [hbm4b:s10+s28], $0x5000, $0x38;
	[tilespmem:$0x1DC00] =	vst v63  }
0x5a: {  	_ =	swait.ge [sflag:s17], $0x5000  }
0x5b: {  	[sflag:s17] =	ssyncset.done $0x0  }
0x5c: {  	[sflag:s17] =	ssyncadd.s32 $0xFFFFB000  }
0x5d: {  	[tilespmem:s18], [sflag:$0x3] =	stream.linear.gather [hbm4b:s8+s28], $0x5000, $0x38;
	[tilespmem:$0x1DC00] =	vst v63  }
0x5e: {  	_ =	swait.ge [sflag:s17], $0x5000  }
0x5f: {  	[sflag:s17] =	ssyncset.done $0x0  }
0x60: {  	[sflag:s17] =	ssyncadd.s32 $0xFFFFB000  }
0x61: {  	[bflag:$0x0] =	sbarrier.arrive $0xFFFF  }
0x62: {  	[tilespmem:s16], [sflag:$0x1] =	stream.indirect.gather [hbm4b:s5+s19], $0x80, s28, s19, $0xb8;
	[tilespmem:$0x1DC00] =	vst v63  }
0x63: {  	s28 =	simm.s32 $0x80  }
0x64: {  	[tilespmem:s20], [sflag:$0x2] =	stream.indirect.gather [hbm4b:s5+s19], $0x80, s28, s19, $0xb8;
	[tilespmem:$0x1DC00] =	vst v63  }
0x65: {  	_ =	swait.ge [sflag:s21], $0x4000  }
0x66: {  	[sflag:s21] =	ssyncset.done $0x0  }
0x67: {  	s28 =	simm.s32 $0x5000;
	[sflag:s21] =	ssyncadd.s32 $0xFFFFC000  }
0x68: {  	[spmem:s2] =	stream.indirect.scatter.add.f32 [tilespmem:s16], [sflag:$0x3], $0x80, s28, s19, $0xb8;
	[tilespmem:$0x1DC00] =	vst v63  }
0x69: {  	_ =	swait.ge [sflag:s17], $0x4000  }
0x6a: {  	[sflag:s17] =	ssyncset.done $0x0  }
0x6b: {  	s28 =	simm.s32 $0x100;
	[sflag:s17] =	ssyncadd.s32 $0xFFFFC000  }
0x6c: {  	[tilespmem:s16], [sflag:$0x1] =	stream.indirect.gather [hbm4b:s5+s19], $0x80, s28, s19, $0xb8;
	[tilespmem:$0x1DC00] =	vst v63  }
0x6d: {  	_ =	swait.ge [sflag:s22], $0x4000  }
0x6e: {  	[sflag:s22] =	ssyncset.done $0x0  }
0x6f: {  	s28 =	simm.s32 $0x5080;
	[sflag:s22] =	ssyncadd.s32 $0xFFFFC000  }
0x70: {  	[spmem:s2] =	stream.indirect.scatter.add.f32 [tilespmem:s20], [sflag:$0x3], $0x80, s28, s19, $0xb8;
	[tilespmem:$0x1DC00] =	vst v63  }
0x71: {  	_ =	swait.ge [sflag:s17], $0x4000  }
0x72: {  	s29 =	simm.s32 $0x800;
	s28 =	simm.s32 $0x100;
	[sflag:s17] =	ssyncset.done $0x0  }
.LBB2_4:
0x73: {  	s30 =	sadd.s32 $0x80, s28  }
0x74: {  	[sflag:s17] =	ssyncadd.s32 $0xFFFFC000;
	s31 =	smov.u32 s29;
	s0 =	sadd.s32 $0x400, s29  }
0x75: {  	[tilespmem:s20], [sflag:$0x2] =	stream.indirect.gather [hbm4b:s5+s19], $0x80, s30, s19, $0xb8;
	[tilespmem:$0x1DC00] =	vst v63  }
0x76: {  	p1 =	seq.s32 s29, $0x13800;
	_ =	swait.ge [sflag:s21], $0x4000  }
0x77: {  	[sflag:s21] =	ssyncset.done $0x0  }
0x78: {  	s29 =	sadd.s32 $0x5000, s28;
	[sflag:s21] =	ssyncadd.s32 $0xFFFFC000  }
0x79: {  	[spmem:s2] =	stream.indirect.scatter.add.f32 [tilespmem:s16], [sflag:$0x3], $0x80, s29, s19, $0xb8;
	[tilespmem:$0x1DC00] =	vst v63  }
0x7a: {  	_ =	swait.ge [sflag:s17], $0x4000  }
0x7b: {  	[sflag:s17] =	ssyncset.done $0x0  }
0x7c: {  	s29 =	sadd.s32 $0x100, s28;
	[sflag:s17] =	ssyncadd.s32 $0xFFFFC000  }
0x7d: {  	[tilespmem:s16], [sflag:$0x1] =	stream.indirect.gather [hbm4b:s5+s19], $0x80, s29, s19, $0xb8;
	[tilespmem:$0x1DC00] =	vst v63  }
0x7e: {  	_ =	swait.ge [sflag:s22], $0x4000  }
.Ltmp4:
0x7f: {  	[sflag:s22] =	ssyncset.done $0x0;
	(pc) =	sbr.rel @!p1 .LBB2_4-.Ltmp4, $4  }
0x80: {  	s28 =	sadd.s32 $0x5080, s28;
	[sflag:s22] =	ssyncadd.s32 $0xFFFFC000  }
0x81: {  	[spmem:s2] =	stream.indirect.scatter.add.f32 [tilespmem:s20], [sflag:$0x3], $0x80, s28, s19, $0xb8;
	[tilespmem:$0x1DC00] =	vst v63  }
0x82: {  	_ =	swait.ge [sflag:s17], $0x4000  }
0x83: {  	s29 =	smov.u32 s0;
	s28 =	sshra.s32 s31, $0x2;
	[sflag:s17] =	ssyncset.done $0x0  }
0x84: {  	s0 =	sadd.s32 $0x80, s28;
	[sflag:s17] =	ssyncadd.s32 $0xFFFFC000  }
0x85: {  	[tilespmem:s20], [sflag:$0x2] =	stream.indirect.gather [hbm4b:s5+s19], $0x80, s0, s19, $0xb8;
	[tilespmem:$0x1DC00] =	vst v63  }
0x86: {  	_ =	swait.ge [sflag:s21], $0x4000  }
0x87: {  	[sflag:s21] =	ssyncset.done $0x0  }
0x88: {  	s30 =	sadd.s32 $0x5000, s28;
	[sflag:s21] =	ssyncadd.s32 $0xFFFFC000  }
0x89: {  	[spmem:s2] =	stream.indirect.scatter.add.f32 [tilespmem:s16], [sflag:$0x3], $0x80, s30, s19, $0xb8;
	[tilespmem:$0x1DC00] =	vst v63  }
0x8a: {  	_ =	swait.ge [sflag:s17], $0x4000  }
0x8b: {  	[sflag:s17] =	ssyncset.done $0x0  }
0x8c: {  	s31 =	sadd.s32 $0x100, s28;
	[sflag:s17] =	ssyncadd.s32 $0xFFFFC000  }
0x8d: {  	[tilespmem:s16], [sflag:$0x1] =	stream.indirect.gather [hbm4b:s5+s19], $0x80, s31, s19, $0xb8;
	[tilespmem:$0x1DC00] =	vst v63  }
0x8e: {  	_ =	swait.ge [sflag:s22], $0x4000  }
0x8f: {  	[sflag:s22] =	ssyncset.done $0x0  }
0x90: {  	s29 =	sadd.s32 $0x5080, s28;
	[sflag:s22] =	ssyncadd.s32 $0xFFFFC000  }
0x91: {  	[spmem:s2] =	stream.indirect.scatter.add.f32 [tilespmem:s20], [sflag:$0x3], $0x80, s29, s19, $0xb8;
	[tilespmem:$0x1DC00] =	vst v63  }
0x92: {  	_ =	swait.ge [sflag:s17], $0x4000  }
0x93: {  	[sflag:s17] =	ssyncset.done $0x0  }
0x94: {  	[sflag:s17] =	ssyncadd.s32 $0xFFFFC000  }
0x95: {  	[tilespmem:s20], [sflag:$0x2] =	stream.indirect.gather [hbm4b:s5+s19], $0x80, s23, s19, $0xb8;
	[tilespmem:$0x1DC00] =	vst v63  }
0x96: {  	_ =	swait.ge [sflag:s21], $0x4000  }
0x97: {  	[sflag:s21] =	ssyncset.done $0x0  }
0x98: {  	[sflag:s21] =	ssyncadd.s32 $0xFFFFC000  }
0x99: {  	[spmem:s2] =	stream.indirect.scatter.add.f32 [tilespmem:s16], [sflag:$0x3], $0x80, s24, s19, $0xb8;
	[tilespmem:$0x1DC00] =	vst v63  }
0x9a: {  	_ =	swait.ge [sflag:s17], $0x4000  }
0x9b: {  	[sflag:s17] =	ssyncset.done $0x0  }
0x9c: {  	[sflag:s17] =	ssyncadd.s32 $0xFFFFC000  }
0x9d: {  	_ =	swait.ge [sflag:s22], $0x4000  }
0x9e: {  	[sflag:s22] =	ssyncset.done $0x0  }
0x9f: {  	[sflag:s22] =	ssyncadd.s32 $0xFFFFC000  }
0xa0: {  	[spmem:s2] =	stream.indirect.scatter.add.f32 [tilespmem:s20], [sflag:$0x3], $0x80, s25, s19, $0xb8;
	[tilespmem:$0x1DC00] =	vst v63  }
0xa1: {  	_ =	swait.ge [sflag:s17], $0x4000  }
0xa2: {  	s30 =	sshll.u32 s1, $0x6;
	[sflag:s17] =	ssyncset.done $0x0  }
0xa3: {  	s0 =	sor.u32 $0x1C03, s30;
	[sflag:s17] =	ssyncadd.s32 $0xFFFFC000  }
.Ltmp5:
0xa4: {  	s31 =	sshrl.u32 s9, $0x3;
	[bflag:$0x0] =	sbarrier.arrive $0xFFFF;
	(pc) =	sbr.rel .LBB2_10-.Ltmp5, $4  }
0xa5: {  	[hbm:s14], [sflag:s0] =	dma.local [spmem:s31], $0x1780  }
0xa6: {  	_ =	swait.ge [sflag:s17], $0x1780  }
0xa7: {  	[sflag:s17] =	ssyncset.done $0x0  }
0xa8: {  	[sflag:s17] =	ssyncadd.s32 $0xFFFFE880  }
.LBB2_6:
0xa9: {  	p1 =	seq.s32 s29, $0xFE00;
	[tilespmem:s28+$0xA070] =	vst v0  }
0xaa: {  	[tilespmem:s28+$0xA000] =	vst v0  }
0xab: {  	[tilespmem:s28+$0xA010] =	vst v0  }
.Ltmp6:
0xac: {  	[tilespmem:s28+$0xA020] =	vst v0;
	(pc) =	sbr.rel @!p1 .LBB2_6-.Ltmp6, $4  }
0xad: {  	[tilespmem:s28+$0xA030] =	vst v0  }
0xae: {  	[tilespmem:s28+$0xA040] =	vst v0  }
0xaf: {  	[tilespmem:s28+$0xA050] =	vst v0  }
0xb0: {  	[tilespmem:s28+$0xA060] =	vst v0;
	s28 =	sshra.s32 s29, $0x2;
	s29 =	sadd.s32 $0x200, s29  }
0xb1: {  	[tilespmem:s28+$0xA070] =	vst v0  }
0xb2: {  	[tilespmem:s28+$0xA000] =	vst v0  }
0xb3: {  	[tilespmem:s28+$0xA010] =	vst v0  }
0xb4: {  	[tilespmem:s28+$0xA020] =	vst v0  }
0xb5: {  	[tilespmem:s28+$0xA030] =	vst v0  }
0xb6: {  	[tilespmem:s28+$0xA040] =	vst v0  }
0xb7: {  	[tilespmem:s28+$0xA050] =	vst v0  }
0xb8: {  	[tilespmem:s28+$0xA060] =	vst v0  }
0xb9: {  	[spmem:s6] =	stream.linear.scatter [tilespmem:s16], [sflag:$0x3], $0x4000, $0x38;
	[tilespmem:$0x1DC00] =	vst v63  }
0xba: {  	_ =	swait.ge [sflag:s17], $0x4000  }
0xbb: {  	[sflag:s17] =	ssyncset.done $0x0  }
0xbc: {  	[sflag:s17] =	ssyncadd.s32 $0xFFFFC000  }
0xbd: {  	[spmem:s7] =	stream.linear.scatter [tilespmem:s16], [sflag:$0x3], $0x4000, $0x38;
	[tilespmem:$0x1DC00] =	vst v63  }
0xbe: {  	_ =	swait.ge [sflag:s17], $0x4000  }
0xbf: {  	[sflag:s17] =	ssyncset.done $0x0  }
0xc0: {  	s0 =	simm.s32 $0x0;
	[sflag:s17] =	ssyncadd.s32 $0xFFFFC000  }
0xc1: {  	[tilespmem:s0], [sflag:$0x3] =	stream.linear.gather [hbm4b:s8+s0], $0x5000, $0x38;
	[tilespmem:$0x1DC00] =	vst v63  }
0xc2: {  	_ =	swait.ge [sflag:s17], $0x5000  }
0xc3: {  	[sflag:s17] =	ssyncset.done $0x0  }
0xc4: {  	[sflag:s17] =	ssyncadd.s32 $0xFFFFB000  }
0xc5: {  	[tilespmem:s18], [sflag:$0x3] =	stream.linear.gather [hbm4b:s10+s0], $0x5000, $0x38;
	[tilespmem:$0x1DC00] =	vst v63  }
0xc6: {  	_ =	swait.ge [sflag:s17], $0x5000  }
0xc7: {  	[sflag:s17] =	ssyncset.done $0x0  }
0xc8: {  	[sflag:s17] =	ssyncadd.s32 $0xFFFFB000  }
0xc9: {  	[bflag:$0x0] =	sbarrier.arrive $0xFFFF  }
0xca: {  	[tilespmem:s16], [sflag:$0x1] =	stream.indirect.gather [hbm4b:s4+s19], $0x80, s0, s19, $0xb8;
	[tilespmem:$0x1DC00] =	vst v63  }
0xcb: {  	s30 =	simm.s32 $0x80  }
0xcc: {  	[tilespmem:s20], [sflag:$0x2] =	stream.indirect.gather [hbm4b:s4+s19], $0x80, s30, s19, $0xb8;
	[tilespmem:$0x1DC00] =	vst v63  }
0xcd: {  	_ =	swait.ge [sflag:s21], $0x4000  }
0xce: {  	[sflag:s21] =	ssyncset.done $0x0  }
0xcf: {  	s31 =	simm.s32 $0x5000;
	[sflag:s21] =	ssyncadd.s32 $0xFFFFC000  }
0xd0: {  	[spmem:s2] =	stream.indirect.scatter.add.f32 [tilespmem:s16], [sflag:$0x3], $0x80, s31, s19, $0xb8;
	[tilespmem:$0x1DC00] =	vst v63  }
0xd1: {  	_ =	swait.ge [sflag:s17], $0x4000  }
0xd2: {  	[sflag:s17] =	ssyncset.done $0x0  }
0xd3: {  	s30 =	simm.s32 $0x100;
	[sflag:s17] =	ssyncadd.s32 $0xFFFFC000  }
0xd4: {  	[tilespmem:s16], [sflag:$0x1] =	stream.indirect.gather [hbm4b:s4+s19], $0x80, s30, s19, $0xb8;
	[tilespmem:$0x1DC00] =	vst v63  }
0xd5: {  	_ =	swait.ge [sflag:s22], $0x4000  }
0xd6: {  	[sflag:s22] =	ssyncset.done $0x0  }
0xd7: {  	s31 =	simm.s32 $0x5080;
	[sflag:s22] =	ssyncadd.s32 $0xFFFFC000  }
0xd8: {  	[spmem:s2] =	stream.indirect.scatter.add.f32 [tilespmem:s20], [sflag:$0x3], $0x80, s31, s19, $0xb8;
	[tilespmem:$0x1DC00] =	vst v63  }
0xd9: {  	_ =	swait.ge [sflag:s17], $0x4000  }
0xda: {  	s29 =	simm.s32 $0x800;
	s28 =	simm.s32 $0x100;
	[sflag:s17] =	ssyncset.done $0x0  }
.LBB2_8:
0xdb: {  	s0 =	sadd.s32 $0x80, s28  }
0xdc: {  	[sflag:s17] =	ssyncadd.s32 $0xFFFFC000;
	s30 =	smov.u32 s29;
	s31 =	sadd.s32 $0x400, s29  }
0xdd: {  	[tilespmem:s20], [sflag:$0x2] =	stream.indirect.gather [hbm4b:s4+s19], $0x80, s0, s19, $0xb8;
	[tilespmem:$0x1DC00] =	vst v63  }
0xde: {  	p1 =	seq.s32 s29, $0x13800;
	_ =	swait.ge [sflag:s21], $0x4000  }
0xdf: {  	[sflag:s21] =	ssyncset.done $0x0  }
0xe0: {  	s0 =	sadd.s32 $0x5000, s28;
	[sflag:s21] =	ssyncadd.s32 $0xFFFFC000  }
0xe1: {  	[spmem:s2] =	stream.indirect.scatter.add.f32 [tilespmem:s16], [sflag:$0x3], $0x80, s0, s19, $0xb8;
	[tilespmem:$0x1DC00] =	vst v63  }
0xe2: {  	_ =	swait.ge [sflag:s17], $0x4000  }
0xe3: {  	[sflag:s17] =	ssyncset.done $0x0  }
0xe4: {  	s0 =	sadd.s32 $0x100, s28;
	[sflag:s17] =	ssyncadd.s32 $0xFFFFC000  }
0xe5: {  	[tilespmem:s16], [sflag:$0x1] =	stream.indirect.gather [hbm4b:s4+s19], $0x80, s0, s19, $0xb8;
	[tilespmem:$0x1DC00] =	vst v63  }
0xe6: {  	_ =	swait.ge [sflag:s22], $0x4000  }
.Ltmp7:
0xe7: {  	[sflag:s22] =	ssyncset.done $0x0;
	(pc) =	sbr.rel @!p1 .LBB2_8-.Ltmp7, $4  }
0xe8: {  	s0 =	sadd.s32 $0x5080, s28;
	[sflag:s22] =	ssyncadd.s32 $0xFFFFC000  }
0xe9: {  	[spmem:s2] =	stream.indirect.scatter.add.f32 [tilespmem:s20], [sflag:$0x3], $0x80, s0, s19, $0xb8;
	[tilespmem:$0x1DC00] =	vst v63  }
0xea: {  	_ =	swait.ge [sflag:s17], $0x4000  }
0xeb: {  	s29 =	smov.u32 s31;
	s28 =	sshra.s32 s30, $0x2;
	[sflag:s17] =	ssyncset.done $0x0  }
.Ltmp8:
0xec: {  	_ = 	snop;
	(pc) =	sbr.rel .LBB2_9-.Ltmp8, $1  }
0xed: {  	_ =	sdelay $0x3  }
.LBB2_11:
0xee: {  	_ =	sfence.sel $0x180000  }
0xef: {  	[bflag:$0x0] =	sbarrier.arrive $0xFFFF  }
0xf0: {  	_ =	strace $0x9000004D  }
0xf1: {  	[bflag:$0x2] =	sbarrier.arrive $0xFFFF  }
0xf2: {  	p0 =	sne.s32 s1, $0x0;
	s0 =	rddreg [dreg:$0x2]  }
0xf3: {  	s0 =	sadd.s32 @!p0 $0x100000, s0  }
0xf4: {  	[sflag:s0] =	ssyncadd.tile.s32 @!p0 $0x1;
	_ =	shalt  }
.Lfunc_end2:
_tile_overlayer_lowered:
.L_overlay_start_2:
0xf5: {  	(tag) =	ssettag $0x2  }
0xf6: {  	s0 =	rddreg [dreg:$0x0];
	s2 =	stileid.u32  }
0xf7: {  	s1 =	rddreg [dreg:$0x1];
	p0 =	sne.s32 s2, $0x0  }
0xf8: {  	s3 =	rddreg [dreg:$0x2];
	[bflag:$0x3] =	sbarrier.arrive $0xFFFF;
	s2 =	simm.s32 @!p0 $0x1C03  }
0xf9: {  	[timem:s3], [sflag:s2] =	dma.local @!p0 [hbm:s0], s1  }
0xfa: {  	s0 =	simm.s32 @!p0 $0x3  }
0xfb: {  	_ =	swait.ge @!p0 [sflag:s0], s1  }
0xfc: {  	s1 =	ssub.s32 @!p0 $0x0, s1;
	[sflag:s0] =	ssyncset.done @!p0 $0x0  }
0xfd: {  	[sflag:s0] =	ssyncadd.s32 @!p0 s1  }
0xfe: {  	[bflag:$0x3] =	sbarrier.arrive $0xFFFF  }
0xff: {  	_ =	shalt  }

// kernel: kernel.8.cloned.1.call-start
scs
__scs_entry_jumppad:
0x0: {  	(pc) =	sbr.rel $0x88, $3  }
0x1: {  	(tag) =	ssettag $0x0;
	lr =	simm.s32 $0x1  }
0x2: {  	[smem:$0x3F80] =	sst lr;
	_ =	strace $0xD0000000  }
0x3: {  	_ = 	snop  }
0x4: {  	_ = 	snop  }
0x5: {  	_ = 	snop  }
0x6: {  	_ = 	snop  }
0x7: {  	_ = 	snop  }
__scs_overlays_trampoline_lowered:
0x8: {  	[smem:$0x3F8F] =	sst s0  }
0x9: {  	[smem:$0x3F90] =	sst s1  }
0xa: {  	[smem:$0x3F91] =	sst s2  }
0xb: {  	[smem:$0x3F92] =	sst s3  }
0xc: {  	[smem:$0x3F93] =	sst s4  }
0xd: {  	[smem:$0x3F94] =	sst s5  }
0xe: {  	[smem:$0x3F95] =	sst s6  }
0xf: {  	[smem:$0x3F96] =	sst s7  }
0x10: {  	[smem:$0x3F97] =	sst s8  }
0x11: {  	[smem:$0x3F98] =	sst s9;
	s0 =	simm.s32 @!p0 $0x0  }
0x12: {  	s1 =	sld [smem:$0x3F7E];
	s0 =	simm.s32 @p0 $0x1  }
0x13: {  	[smem:$0x3F99] =	sst s0;
	s0 =	simm.s32 @!p1 $0x0  }
0x14: {  	s2 =	sld [smem:$0x3F7D];
	s0 =	simm.s32 @p1 $0x1  }
0x15: {  	[smem:$0x3F9A] =	sst s0;
	s0 =	simm.s32 @!p2 $0x0  }
0x16: {  	s3 =	sld [smem:$0x3FDB];
	s0 =	simm.s32 @p2 $0x1  }
0x17: {  	s4 =	simm.s32 $0x1BF5;
	[smem:$0x3F9C] =	sst s0  }
0x18: {  	s0 =	sld [smem:$0x3F7F];
	_ =	swait.ge [sflag:s4], $0x0  }
0x19: {  	s7 =	sld [smem:$0x3F80]  }
0x1a: {  	s8 =	sadd.s32 $0xFFFFE003, lr  }
0x1b: {  	s9 =	sadd.s32 $0xFFFFFEF7, lr;
	s5 =	simm.s32 $0xFFFFFFFF;
	p2 =	slt.u32 s8, $0xFFFFF086  }
0x1c: {  	p1 =	slt.u32 s9, $0xF7A;
	s5 =	simm.s32 @!p2 $0x0  }
0x1d: {  	s5 =	simm.s32 @p1 $0x1;
	p0 =	seq.s32 s7, s2  }
0x1e: {  	s7 =	smul.u32 @!p0 $0xF7A, s2;
	p2 =	seq.s32 @!p0 s5, $0x0  }
0x1f: {  	s9 =	smul.u32 $0xF7A, s1;
	s8 =	simm.s32 @!p0 $0x1BF5;
	p2 =	por !p2, p0  }
0x20: {  	[sflag:s8] =	ssyncset.s32 @!p0 $0xFFFFF086;
	s6 =	sadd.s32 @!p0 s3, s7;
	s7 =	simm.s32 @!p0 $0x108  }
0x21: {  	s3 =	sadd.s32 s3, s9;
	s6 =	sadd.s32 @!p0 $0x88, s6;
	s7 =	simm.s32 @p2 $0x1082  }
0x22: {  	[simem:s7], [sflag:s8] =	dma.local @!p0 [hbm:s6], $0xF7A  }
0x23: {  	s9 =	sor.u32 $0xD0000000, s2;
	s6 =	simm.s32 $0x108;
	_ =	swait.ge @!p0 [sflag:s8], $0x0  }
0x24: {  	s3 =	sadd.s32 $0x88, s3;
	s6 =	simm.s32 @!p1 $0x1082;
	[sflag:s4] =	ssyncset.s32 $0xFFFFF086  }
0x25: {  	[simem:s6], [sflag:s4] =	dma.local [hbm:s3], $0xF7A  }
0x26: {  	[smem:$0x3F80] =	sst s1;
	(tag) =	ssettag s2;
	_ =	strace s9  }
0x27: {  	s1 =	sld [smem:$0x3F90]  }
0x28: {  	s2 =	sld [smem:$0x3F91]  }
0x29: {  	s4 =	sld [smem:$0x3F93]  }
0x2a: {  	p0 =	seq.s32 s5, $0x0;
	s5 =	sld [smem:$0x3F94]  }
0x2b: {  	s6 =	sld [smem:$0x3F95]  }
0x2c: {  	s7 =	sld [smem:$0x3F96]  }
0x2d: {  	s3 =	simm.s32 $0x108;
	s8 =	sld [smem:$0x3F97]  }
0x2e: {  	s3 =	simm.s32 @!p0 $0x1082;
	s9 =	sld [smem:$0x3F98]  }
0x2f: {  	lr =	sadd.s32 s0, s3;
	s0 =	sld [smem:$0x3F8F]  }
0x30: {  	s3 =	sld [smem:$0x3F92]  }
0x31: {  	[smem:$0x3F9B] =	sst s10  }
0x32: {  	s10 =	sld [smem:$0x3F99];
	_ =	sdelay $0x3  }
0x33: {  	p0 =	seq.s32 s10, $0x1;
	s10 =	sld [smem:$0x3F9B];
	_ =	sdelay $0x3  }
0x34: {  	[smem:$0x3F9B] =	sst s10  }
0x35: {  	s10 =	sld [smem:$0x3F9A];
	_ =	sdelay $0x3  }
0x36: {  	p1 =	seq.s32 s10, $0x1;
	s10 =	sld [smem:$0x3F9B];
	_ =	sdelay $0x3  }
0x37: {  	[smem:$0x3F9B] =	sst s10  }
0x38: {  	s10 =	sld [smem:$0x3F9C]  }
0x39: {  	_ = 	snop;
	(pc) =	sbr.ind lr, $3  }
0x3a: {  	_ = 	snop  }
0x3b: {  	_ = 	snop  }
0x3c: {  	p2 =	seq.s32 s10, $0x1;
	s10 =	sld [smem:$0x3F9B]  }
0x3d: {  	_ =	shalt  }
0x3e: {  	_ =	shalt  }
0x3f: {  	_ =	shalt  }
0x40: {  	_ =	shalt  }
0x41: {  	_ =	shalt  }
0x42: {  	_ =	shalt  }
0x43: {  	_ =	shalt  }
0x44: {  	_ =	shalt  }
0x45: {  	_ =	shalt  }
0x46: {  	_ =	shalt  }
0x47: {  	_ =	shalt  }
0x48: {  	_ =	shalt  }
0x49: {  	_ =	shalt  }
0x4a: {  	_ =	shalt  }
0x4b: {  	_ =	shalt  }
0x4c: {  	_ =	shalt  }
0x4d: {  	_ =	shalt  }
0x4e: {  	_ =	shalt  }
0x4f: {  	_ =	shalt  }
0x50: {  	_ =	shalt  }
0x51: {  	_ =	shalt  }
0x52: {  	_ =	shalt  }
0x53: {  	_ =	shalt  }
0x54: {  	_ =	shalt  }
0x55: {  	_ =	shalt  }
0x56: {  	_ =	shalt  }
0x57: {  	_ =	shalt  }
0x58: {  	_ =	shalt  }
0x59: {  	_ =	shalt  }
0x5a: {  	_ =	shalt  }
0x5b: {  	_ =	shalt  }
0x5c: {  	_ =	shalt  }
0x5d: {  	_ =	shalt  }
0x5e: {  	_ =	shalt  }
0x5f: {  	_ =	shalt  }
0x60: {  	_ =	shalt  }
0x61: {  	_ =	shalt  }
0x62: {  	_ =	shalt  }
0x63: {  	_ =	shalt  }
0x64: {  	_ =	shalt  }
0x65: {  	_ =	shalt  }
0x66: {  	_ =	shalt  }
0x67: {  	_ =	shalt  }
0x68: {  	_ =	shalt  }
0x69: {  	_ =	shalt  }
0x6a: {  	_ =	shalt  }
0x6b: {  	_ =	shalt  }
0x6c: {  	_ =	shalt  }
0x6d: {  	_ =	shalt  }
0x6e: {  	_ =	shalt  }
0x6f: {  	_ =	shalt  }
0x70: {  	_ =	shalt  }
0x71: {  	_ =	shalt  }
0x72: {  	_ =	shalt  }
0x73: {  	_ =	shalt  }
0x74: {  	_ =	shalt  }
0x75: {  	_ =	shalt  }
0x76: {  	_ =	shalt  }
0x77: {  	_ =	shalt  }
0x78: {  	_ =	shalt  }
0x79: {  	_ =	shalt  }
0x7a: {  	_ =	shalt  }
0x7b: {  	_ =	shalt  }
0x7c: {  	_ =	shalt  }
0x7d: {  	_ =	shalt  }
0x7e: {  	_ =	shalt  }
0x7f: {  	_ =	shalt  }
0x80: {  	_ =	shalt  }
0x81: {  	_ =	shalt  }
0x82: {  	_ =	shalt  }
0x83: {  	_ =	shalt  }
0x84: {  	_ =	shalt  }
0x85: {  	_ =	shalt  }
0x86: {  	_ =	shalt  }
0x87: {  	_ =	shalt  }
.Lfunc_end0:
.L_simem_size_0:
called_computation_lowered:
.L_overlay_start_0:
0x88: {  	s2 =	sld [smem:$0x3FD9]  }
0x89: {  	s3 =	sld [smem:$0x3FFE];
	_ =	sdelay $0x1  }
0x8a: {  	s1 =	srdreg.scid  }
0x8b: {  	s0 =	sand.u32 $0x1, s1  }
0x8c: {  	s17 =	sshll.u32 s0, $0xA;
	s2 =	sadd.s32 s3, s2  }
0x8d: {  	s2 =	sadd.s32 s2, s17  }
0x8e: {  	[smem:$0x3FA7] =	sst s2  }
0x8f: {  	_ = 	snop  }
0x90: {  	(tm) =	ssettm $0x1  }
0x91: {  	s18 =	sld [smem:$0x3FFB];
	_ =	sdelay $0x3  }
0x92: {  	_ =	strace s18  }
0x93: {  	s2 =	sld [smem:$0x3FFC];
	_ =	sdelay $0x3  }
0x94: {  	_ =	strace s2  }
0x95: {  	s2 =	sld [smem:$0x3FFD];
	_ =	sdelay $0x3  }
0x96: {  	_ =	strace s2  }
0x97: {  	_ =	strace $0x8FFFFFFF  }
0x98: {  	s19 =	sld [smem:$0x3FDB];
	_ =	sdelay $0x1  }
0x99: {  	s20 =	simm.s32 $_scs_section_size  }
0x9a: {  	s4 =	simm.s32 $_size__tile_overlayer_lowered;
	s5 =	simm.s32 $_tile_overlayer_lowered  }
0x9b: {  	s6 =	simm.s32 $0x1BFF;
	s21 =	sshll.u32 s5, $0x1;
	s3 =	sadd.s32 s20, s19  }
0x9c: {  	s22 =	simm.s32 $0x0;
	s4 =	sshll.u32 s4, $0x1;
	s5 =	sadd.s32 s21, s3  }
0x9d: {  	[timem:s22], [sflag:s6] =	dma.local [hbm:s5], s4  }
0x9e: {  	_ =	swait.ge [sflag:s6], s4  }
0x9f: {  	s4 =	ssub.s32 $0x0, s4;
	[sflag:s6] =	ssyncset.done $0x0  }
0xa0: {  	[sflag:s6] =	ssyncadd.s32 s4;
	_ =	sdelay $0x1  }
0xa1: {  	s23 =	simm.s32 $0x1B8B  }
0xa2: {  	_ =	swait.ge [sflag:s23], $0x1  }
0xa3: {  	[sflag:s23] =	ssyncset.done $0x0  }
0xa4: {  	[sflag:s23] =	ssyncadd.s32 $0xFFFFFFFF  }
0xa5: {  	s4 =	sld [smem:$0x0]  }
0xa6: {  	s5 =	sand.u32 $0xFFFFFFFE, s1  }
0xa7: {  	p0 =	sne.s32 s1, s5  }
0xa8: {  	s5 =	sshll.u32 @p0 s5, $0xE  }
0xa9: {  	s5 =	sadd.s32 @p0 $0x11B8D, s5;
	s6 =	sshll.u32 @p0 s4, $0x11  }
0xaa: {  	s5 =	sor.u32 @p0 s6, s5  }
0xab: {  	[sflag:s5] =	ssyncadd.remote.s32 @p0 $0x1;
	_ =	sdelay $0x1  }
0xac: {  	s5 =	simm.s32 @p0 $0x1B8D  }
0xad: {  	_ =	swait.eq @p0 [sflag:s5], $0x1  }
0xae: {  	[sflag:s5] =	ssyncadd.s32 @p0 $0xFFFFFFFF  }
0xaf: {  	s6 =	sshll.u32 @!p0 s1, $0xE  }
0xb0: {  	s6 =	sor.u32 @!p0 $0x4000, s6;
	s5 =	simm.s32 @!p0 $0x1B8D  }
0xb1: {  	s4 =	sshll.u32 @!p0 s4, $0x11;
	s6 =	sadd.s32 @!p0 $0x11B8D, s6;
	_ =	swait.eq @!p0 [sflag:s5], $0x1  }
0xb2: {  	s4 =	sor.u32 @!p0 s4, s6;
	[sflag:s5] =	ssyncadd.s32 @!p0 $0xFFFFFFFF  }
0xb3: {  	s25 =	simm.s32 $0x1B8E;
	s24 =	sld [smem:$0x3FFE];
	[sflag:s4] =	ssyncadd.remote.s32 @!p0 $0x1  }
0xb4: {  	s26 =	simm.s32 $execute0_lowered;
	[smem:$0x3FD2] =	sst s25  }
0xb5: {  	s5 =	sshll.u32 s26, $0x1;
	_ =	strace $0x80000049;
	[dreg:$0x1] =	wrdreg $0xFFFFFFFF  }
0xb6: {  	s28 =	simm.s32 $_size_execute0_lowered;
	s3 =	sadd.s32 s3, s5;
	[dreg:$0x0] =	wrdreg $0x0  }
0xb7: {  	s5 =	sshll.u32 s28, $0x1;
	[dreg:$0x2] =	wrdreg s3  }
0xb8: {  	[dreg:$0x3] =	wrdreg s5  }
0xb9: {  	[dreg:$0x4] =	wrdreg $0xC0  }
0xba: {  	_ =	task [dreg:s22], $0x5FFFF  }
0xbb: {  	[dreg:$0x1] =	wrdreg $0xFFFFFFFF  }
0xbc: {  	[dreg:$0x0] =	wrdreg $0x60  }
0xbd: {  	[dreg:$0x2] =	wrdreg s24  }
0xbe: {  	[dreg:$0x3] =	wrdreg $0xD0000  }
0xbf: {  	[dreg:$0x4] =	wrdreg $0x9  }
0xc0: {  	_ =	task.clear_ibuf [dreg:s22], $0x5FFFF;
	_ =	strace $0x90000049  }
0xc1: {  	s29 =	simm.s32 $0x9;
	_ =	strace $0x8000004B  }
0xc2: {  	_ =	swait.ge [sflag:s29], $0x1  }
0xc3: {  	[sflag:s29] =	ssyncadd.s32 $0xFFFFFFFF  }
0xc4: {  	_ =	strace $0x9000004B  }
0xc5: {  	_ =	sfence  }
0xc6: {  	s30 =	sld [smem:$0x0];
	_ =	sdelay $0x2  }
0xc7: {  	s31 =	sshll.u32 s1, $0xD;
	s1 =	sshrl.u32 s1, $0x2  }
0xc8: {  	s4 =	sand.u32 $0x4000, s31;
	s1 =	sadd.s32 s1, s30  }
0xc9: {  	s0 =	sor.u32 s4, s0;
	s1 =	sshll.u32 s1, $0x11  }
0xca: {  	s0 =	sor.u32 s1, s0  }
0xcb: {  	s0 =	sadd.s32 $0x8F2B, s0  }
0xcc: {  	[sflag:s0] =	ssyncadd.remote.s32 $0x1  }
0xcd: {  	_ =	sfence.sel $0xFFFF  }
0xce: {  	[dreg:$0x0] =	wrdreg $0xFFFFFFFF;
	(pc) =	sbr.abs _section_cstart, $3  }
0xcf: {  	[dreg:$0x1] =	wrdreg $0xFFFFFFFF  }
0xd0: {  	_ =	task.clear_ibuf [dreg:s22], $0x2FFFF;
	_ =	strace $0x9FFFFFFF  }
0xd1: {  	(tm) =	ssettm $0x7FFFFFFF  }
tec
execute0_lowered:
.L_overlay_start_1:
0x0: {  	(tag) =	ssettag $0x1  }
0x1: {  	s6 =	rddreg [dreg:$0x0]  }
0x2: {  	s2 =	rddreg [dreg:$0x1]  }
0x3: {  	s0 =	rddreg [dreg:$0x2]  }
0x4: {  	s3 =	simm.s32 $0x0;
	s1 =	stileid.u32;
	s28 =	srdreg.scid  }
0x5: {  	s16 =	simm.s32 $0x9000;
	s17 =	simm.s32 $0x80;
	s18 =	simm.s32 $0x5000  }
0x6: {  	s21 =	simm.s32 $0x0;
	[smem:$0x7FF] =	sst s3;
	s7 =	smul.u32 $0x1780, s1  }
0x7: {  	s4 =	sadd.s32 $0x2DE00, s6;
	s5 =	sadd.s32 $0x37E00, s6;
	s8 =	sshll.u32 s1, $0xC  }
0x8: {  	s15 =	sand.u32 $0x1, s28;
	s29 =	smul.u32 $0x2F000, s1;
	s31 =	sshll.u32 s1, $0xF  }
0x9: {  	_ =	strace $0x8000004A;
	s12 =	sadd.s32 s8, s6;
	s30 =	ssub.s32 $0x2, s15  }
0xa: {  	p0 =	sne.s32 s15, $0x0;
	s15 =	simm.s32 $0x1;
	s13 =	sadd.s32 s7, s6  }
0xb: {  	s9 =	sshrl.u32 s30, $0x1;
	s6 =	sadd.s32 s31, s2;
	s10 =	sshrl.u32 s29, $0x2  }
0xc: {  	s12 =	sadd.s32 $0x80E00, s12;
	s19 =	sshll.u32 @p0 s1, $0x6;
	s14 =	ssub.s32 s30, s9  }
0xd: {  	s7 =	sadd.s32 $0x4000, s6;
	s8 =	sadd.s32 s10, s2;
	s9 =	smul.u32 $0xA00, s1  }
0xe: {  	s13 =	sadd.s32 $0x69600, s13;
	s19 =	sor.u32 @p0 $0x1C01, s19;
	s20 =	sshrl.u32 @p0 s6, $0x3  }
0xf: {  	v0 =	vimm.f32 $0.0e+00;
	v1 =	vimm.f32 $1.000000000e+00;
	s10 =	sadd.s32 $0x4000, s8;
	s11 =	sadd.s32 $0x8000, s8;
	s14 =	smax.u32 s14, $0x1  }
.LBB2_1:
.Ltmp0:
0x10: {  	(pc) =	sbr.rel @p0 .LBB2_6-.Ltmp0, $2  }
0x11: {  	_ =	sdelay $0x2  }
0x12: {  	s22 =	sshra.s32 s3, $0x2;
	s23 =	sadd.s32 $0x200, s3  }
.LBB2_2:
0x13: {  	p1 =	sne.s32 s23, $0xFE00;
	[tilespmem:s22+$0x9070] =	vst v0  }
0x14: {  	[tilespmem:s22+$0x9000] =	vst v0  }
0x15: {  	[tilespmem:s22+$0x9010] =	vst v0  }
.Ltmp1:
0x16: {  	[tilespmem:s22+$0x9020] =	vst v0;
	(pc) =	sbr.rel @p1 .LBB2_2-.Ltmp1, $4  }
0x17: {  	[tilespmem:s22+$0x9030] =	vst v0  }
0x18: {  	[tilespmem:s22+$0x9040] =	vst v0  }
0x19: {  	[tilespmem:s22+$0x9050] =	vst v0  }
0x1a: {  	[tilespmem:s22+$0x9060] =	vst v0;
	s22 =	sshra.s32 s23, $0x2;
	s23 =	sadd.s32 $0x200, s23  }
0x1b: {  	[tilespmem:s22+$0x9070] =	vst v0  }
0x1c: {  	[tilespmem:s22+$0x9000] =	vst v0  }
0x1d: {  	[tilespmem:s22+$0x9010] =	vst v0  }
0x1e: {  	[tilespmem:s22+$0x9020] =	vst v0  }
0x1f: {  	[tilespmem:s22+$0x9030] =	vst v0  }
0x20: {  	[tilespmem:s22+$0x9040] =	vst v0  }
0x21: {  	[tilespmem:s22+$0x9050] =	vst v0  }
0x22: {  	[tilespmem:s22+$0x9060] =	vst v0;
	s22 =	simm.s32 $0x0;
	s23 =	simm.s32 $0x200  }
.LBB2_4:
0x23: {  	p1 =	sne.s32 s23, $0xFE00;
	[tilespmem:s22+$0x5070] =	vst v1  }
0x24: {  	[tilespmem:s22+$0x5000] =	vst v1  }
0x25: {  	[tilespmem:s22+$0x5010] =	vst v1  }
.Ltmp2:
0x26: {  	[tilespmem:s22+$0x5020] =	vst v1;
	(pc) =	sbr.rel @p1 .LBB2_4-.Ltmp2, $4  }
0x27: {  	[tilespmem:s22+$0x5030] =	vst v1  }
0x28: {  	[tilespmem:s22+$0x5040] =	vst v1  }
0x29: {  	[tilespmem:s22+$0x5050] =	vst v1  }
0x2a: {  	[tilespmem:s22+$0x5060] =	vst v1;
	s22 =	sshra.s32 s23, $0x2;
	s23 =	sadd.s32 $0x200, s23  }
0x2b: {  	[tilespmem:s22+$0x5070] =	vst v1  }
0x2c: {  	[tilespmem:s22+$0x5000] =	vst v1  }
0x2d: {  	[tilespmem:s22+$0x5010] =	vst v1  }
0x2e: {  	[tilespmem:s22+$0x5020] =	vst v1  }
0x2f: {  	[tilespmem:s22+$0x5030] =	vst v1  }
0x30: {  	[tilespmem:s22+$0x5040] =	vst v1  }
0x31: {  	[tilespmem:s22+$0x5050] =	vst v1  }
0x32: {  	[tilespmem:s22+$0x5060] =	vst v1  }
0x33: {  	[spmem:s8] =	stream.linear.scatter [tilespmem:s16], [sflag:$0x1], $0x4000, $0x38;
	[tilespmem:$0x18C00] =	vst v63  }
0x34: {  	_ =	swait.ge [sflag:s15], $0x4000  }
0x35: {  	[sflag:s15] =	ssyncset.done $0x0  }
0x36: {  	[sflag:s15] =	ssyncadd.s32 $0xFFFFC000  }
0x37: {  	[spmem:s10] =	stream.linear.scatter [tilespmem:s16], [sflag:$0x1], $0x4000, $0x38;
	[tilespmem:$0x18C00] =	vst v63  }
0x38: {  	_ =	swait.ge [sflag:s15], $0x4000  }
0x39: {  	[sflag:s15] =	ssyncset.done $0x0  }
.Ltmp3:
0x3a: {  	[sflag:s15] =	ssyncadd.s32 $0xFFFFC000;
	(pc) =	sbr.rel .LBB2_10-.Ltmp3, $4  }
0x3b: {  	[spmem:s11] =	stream.linear.scatter [tilespmem:s16], [sflag:$0x1], $0x3C00, $0x38;
	[tilespmem:$0x18C00] =	vst v63  }
0x3c: {  	_ =	swait.ge [sflag:s15], $0x3C00  }
0x3d: {  	[sflag:s15] =	ssyncset.done $0x0  }
0x3e: {  	s22 =	smov.u32 s4;
	[sflag:s15] =	ssyncadd.s32 $0xFFFFC400  }
.LBB2_6:
0x3f: {  	p1 =	sne.s32 s23, $0xFE00;
	[tilespmem:s22+$0x9070] =	vst v0  }
0x40: {  	[tilespmem:s22+$0x9000] =	vst v0  }
0x41: {  	[tilespmem:s22+$0x9010] =	vst v0  }
.Ltmp4:
0x42: {  	[tilespmem:s22+$0x9020] =	vst v0;
	(pc) =	sbr.rel @p1 .LBB2_6-.Ltmp4, $4  }
0x43: {  	[tilespmem:s22+$0x9030] =	vst v0  }
0x44: {  	[tilespmem:s22+$0x9040] =	vst v0  }
0x45: {  	[tilespmem:s22+$0x9050] =	vst v0  }
0x46: {  	[tilespmem:s22+$0x9060] =	vst v0;
	s22 =	sshra.s32 s23, $0x2;
	s23 =	sadd.s32 $0x200, s23  }
0x47: {  	[tilespmem:s22+$0x9070] =	vst v0  }
0x48: {  	[tilespmem:s22+$0x9000] =	vst v0  }
0x49: {  	[tilespmem:s22+$0x9010] =	vst v0  }
0x4a: {  	[tilespmem:s22+$0x9020] =	vst v0  }
0x4b: {  	[tilespmem:s22+$0x9030] =	vst v0  }
0x4c: {  	[tilespmem:s22+$0x9040] =	vst v0  }
0x4d: {  	[tilespmem:s22+$0x9050] =	vst v0  }
0x4e: {  	[tilespmem:s22+$0x9060] =	vst v0;
	s22 =	simm.s32 $0x0;
	s23 =	simm.s32 $0x200  }
.LBB2_8:
0x4f: {  	p1 =	sne.s32 s23, $0xFE00;
	[tilespmem:s22+$0x5070] =	vst v1  }
0x50: {  	[tilespmem:s22+$0x5000] =	vst v1  }
0x51: {  	[tilespmem:s22+$0x5010] =	vst v1  }
.Ltmp5:
0x52: {  	[tilespmem:s22+$0x5020] =	vst v1;
	(pc) =	sbr.rel @p1 .LBB2_8-.Ltmp5, $4  }
0x53: {  	[tilespmem:s22+$0x5030] =	vst v1  }
0x54: {  	[tilespmem:s22+$0x5040] =	vst v1  }
0x55: {  	[tilespmem:s22+$0x5050] =	vst v1  }
0x56: {  	[tilespmem:s22+$0x5060] =	vst v1;
	s22 =	sshra.s32 s23, $0x2;
	s23 =	sadd.s32 $0x200, s23  }
0x57: {  	[tilespmem:s22+$0x5070] =	vst v1  }
0x58: {  	[tilespmem:s22+$0x5000] =	vst v1  }
0x59: {  	[tilespmem:s22+$0x5010] =	vst v1  }
0x5a: {  	[tilespmem:s22+$0x5020] =	vst v1  }
0x5b: {  	[tilespmem:s22+$0x5030] =	vst v1  }
0x5c: {  	[tilespmem:s22+$0x5040] =	vst v1  }
0x5d: {  	[tilespmem:s22+$0x5050] =	vst v1  }
0x5e: {  	[tilespmem:s22+$0x5060] =	vst v1  }
0x5f: {  	[spmem:s6] =	stream.linear.scatter [tilespmem:s16], [sflag:$0x1], $0x4000, $0x38;
	[tilespmem:$0x18C00] =	vst v63  }
0x60: {  	_ =	swait.ge [sflag:s15], $0x4000  }
0x61: {  	[sflag:s15] =	ssyncset.done $0x0  }
0x62: {  	[sflag:s15] =	ssyncadd.s32 $0xFFFFC000  }
0x63: {  	[spmem:s7] =	stream.linear.scatter [tilespmem:s16], [sflag:$0x1], $0x4000, $0x38;
	[tilespmem:$0x18C00] =	vst v63  }
0x64: {  	_ =	swait.ge [sflag:s15], $0x4000  }
0x65: {  	[sflag:s15] =	ssyncset.done $0x0  }
0x66: {  	s22 =	smov.u32 s5;
	[sflag:s15] =	ssyncadd.s32 $0xFFFFC000  }
.LBB2_10:
0x67: {  	s22 =	sadd.s32 s22, s9;
	s23 =	simm.s32 $0x0  }
0x68: {  	[tilespmem:s23], [sflag:$0x1] =	stream.linear.gather [hbm4b:s22+s23], $0x5000, $0x38;
	[tilespmem:$0x18C00] =	vst v63  }
0x69: {  	_ =	swait.ge [sflag:s15], $0x5000  }
0x6a: {  	[sflag:s15] =	ssyncset.done $0x0  }
0x6b: {  	[sflag:s15] =	ssyncadd.s32 $0xFFFFB000  }
0x6c: {  	s31 =	simm.s32 $0x0;
	[bflag:$0x0] =	sbarrier.arrive $0xFFFF  }
0x6d: {  	[spmem:s2] =	stream.indirect.scatter.add.f32 [tilespmem:s18], [sflag:$0x1], $0x80, s31, s17, $0xb8;
	[tilespmem:$0x18C00] =	vst v63  }
0x6e: {  	_ =	swait.ge [sflag:s15], $0x4000  }
0x6f: {  	s22 =	simm.s32 $0x200;
	[sflag:s15] =	ssyncset.done $0x0  }
.LBB2_11:
0x70: {  	s23 =	sshra.s32 s22, $0x2;
	[sflag:s15] =	ssyncadd.s32 $0xFFFFC000;
	p1 =	sne.s32 s22, $0x13E00  }
0x71: {  	[spmem:s2] =	stream.indirect.scatter.add.f32 [tilespmem:s18], [sflag:$0x1], $0x80, s23, s17, $0xb8;
	[tilespmem:$0x18C00] =	vst v63  }
.Ltmp6:
0x72: {  	_ = 	snop;
	(pc) =	sbr.rel @p1 .LBB2_11-.Ltmp6, $4  }
0x73: {  	_ = 	snop  }
0x74: {  	s22 =	sadd.s32 $0x200, s22  }
0x75: {  	_ =	swait.ge [sflag:s15], $0x4000  }
0x76: {  	[sflag:s15] =	ssyncset.done $0x0  }
0x77: {  	[sflag:s15] =	ssyncadd.s32 $0xFFFFC000  }
0x78: {  	s22 =	simm.s32 @p0 $0x1;
	[bflag:$0x0] =	sbarrier.arrive $0xFFFF  }
0x79: {  	[hbm:s12], [sflag:s19] =	dma.local @p0 [spmem:s20], $0x1000  }
0x7a: {  	s21 =	sadd.s32 $0x1, s21;
	_ =	swait.ge @p0 [sflag:s22], $0x1000  }
0x7b: {  	s23 =	sshll.u32 @!p0 s1, $0x6;
	p1 =	sne.s32 s21, s14;
	[sflag:s22] =	ssyncset.done @p0 $0x0  }
0x7c: {  	[sflag:s22] =	ssyncadd.s32 @p0 $0xFFFFF000;
	s22 =	sor.u32 @!p0 $0x1C01, s23;
	s23 =	sshrl.u32 @!p0 s8, $0x3  }
0x7d: {  	[hbm:s13], [sflag:s22] =	dma.local @!p0 [spmem:s23], $0x1780  }
.Ltmp7:
0x7e: {  	_ = 	snop;
	(pc) =	sbr.rel @p1 .LBB2_1-.Ltmp7, $4  }
0x7f: {  	s22 =	simm.s32 @!p0 $0x1  }
0x80: {  	_ =	swait.ge @!p0 [sflag:s22], $0x1780  }
0x81: {  	[sflag:s22] =	ssyncset.done @!p0 $0x0  }
0x82: {  	[sflag:s22] =	ssyncadd.s32 @!p0 $0xFFFFE880  }
0x83: {  	_ =	sfence.sel $0x180000  }
0x84: {  	[bflag:$0x0] =	sbarrier.arrive $0xFFFF  }
0x85: {  	p0 =	sne.s32 s1, $0x0;
	_ =	strace $0x9000004A  }
0x86: {  	s0 =	sadd.s32 @!p0 $0x100000, s0;
	[bflag:$0x2] =	sbarrier.arrive $0xFFFF  }
0x87: {  	[sflag:s0] =	ssyncadd.tile.s32 @!p0 $0x1;
	_ =	shalt  }
.Lfunc_end2:
_tile_overlayer_lowered:
.L_overlay_start_2:
0x88: {  	(tag) =	ssettag $0x2  }
0x89: {  	s0 =	rddreg [dreg:$0x0];
	s2 =	stileid.u32  }
0x8a: {  	s1 =	rddreg [dreg:$0x1];
	p0 =	sne.s32 s2, $0x0  }
0x8b: {  	s3 =	rddreg [dreg:$0x2];
	[bflag:$0x3] =	sbarrier.arrive $0xFFFF;
	s2 =	simm.s32 @!p0 $0x1C01  }
0x8c: {  	[timem:s3], [sflag:s2] =	dma.local @!p0 [hbm:s0], s1  }
0x8d: {  	s0 =	simm.s32 @!p0 $0x1  }
0x8e: {  	_ =	swait.ge @!p0 [sflag:s0], s1  }
0x8f: {  	s1 =	ssub.s32 @!p0 $0x0, s1;
	[sflag:s0] =	ssyncset.done @!p0 $0x0  }
0x90: {  	[sflag:s0] =	ssyncadd.s32 @!p0 s1  }
0x91: {  	[bflag:$0x3] =	sbarrier.arrive $0xFFFF  }
0x92: {  	_ =	shalt  }

</sc_bundles>
